<compile_context>
chip_gen: v7x
topology: tpu7x:2x2x1
jax: 0.10.2.dev20260603
libtpu: 0.0.44.dev20260713+nightly
codegen_flags: <defaults>
</compile_context>

<pallas_src>
import functools

import jax
import jax.numpy as jnp
from jax import lax
from jax.experimental import pallas as pl
from jax.experimental.pallas import tpu as pltpu
from jax.experimental.pallas import tpu_sc as plsc

N = 10000
E = 320000
D = 128
L = 16
NC = 2
NS = 16
NW = NC * NS
EPW = E // NW
CH = 40
NCH = EPW // CH
NS_SLAB = 5
SLAB = E // NS_SLAB
EPW_S = SLAB // NW
NCH_S = EPW_S // CH
TE = 2000
BSTEP = SLAB // TE
CW = 16
NPAD = 10240
NPT = NPAD // NS

_MESH = dict(core_axis_name="c", subcore_axis_name="s")


@functools.partial(
    pl.kernel,
    mesh=plsc.VectorSubcoreMesh(**_MESH),
    out_type=(jax.ShapeDtypeStruct((E, D), jnp.float32),
              jax.ShapeDtypeStruct((NC, NPAD, D), jnp.float32)),
    scratch_types=[
        pltpu.VMEM((CH,), jnp.int32),
        pltpu.VMEM((CH,), jnp.int32),
        pltpu.VMEM((CH,), jnp.int32),
        pltpu.VMEM((CH,), jnp.int32),
        pltpu.VMEM((CH, D), jnp.float32),
        pltpu.VMEM((CH, D), jnp.float32),
        pltpu.VMEM((CH, D), jnp.float32),
        pltpu.VMEM((CH, D), jnp.float32),
        pltpu.VMEM((CH, D), jnp.float32),
        pltpu.VMEM_SHARED((NPAD, D), jnp.float32),
        pltpu.SemaphoreType.DMA,
        pltpu.SemaphoreType.DMA,
        pltpu.SemaphoreType.DMA,
        pltpu.SemaphoreType.DMA,
        pltpu.SemaphoreType.DMA,
        pltpu.SemaphoreType.DMA,
        pltpu.SemaphoreType.DMA,
        pltpu.SemaphoreType.DMA,
    ],
)
def _sc_gather(xs_hbm, xr_hbm, send_hbm, recv_hbm, g_hbm, cnt_hbm,
               sidx0, sidx1, ridx0, ridx1, bufa0, bufa1, bufb0, bufb1, ones,
               scnt,
               sema0, sema1, semb0, semb1, semo0, semo1, semw0, semw1):
    cid = lax.axis_index("c")
    sid = lax.axis_index("s")
    wid = sid * NC + cid
    base = wid * EPW
    zero16 = jnp.zeros((L,), jnp.float32)
    one16 = jnp.ones((L,), jnp.float32)
    sets = ((sidx0, ridx0, bufa0, bufb0, sema0, semb0, semo0, semw0),
            (sidx1, ridx1, bufa1, bufb1, sema1, semb1, semo1, semw1))

    def fill_body(r, c):
        for j in range(D // L):
            bufa0[r, pl.ds(j * L, L)] = zero16
            ones[r, pl.ds(j * L, L)] = one16
        return c

    lax.fori_loop(0, CH, fill_body, 0)

    nbase = sid * NPT
    for k in range(NPT // CH):
        pltpu.sync_copy(bufa0, scnt.at[pl.ds(nbase + k * CH, CH)])

    def load_and_fire(c, s):
        sidx, ridx, bufa, bufb, sema, semb, _, _ = s
        off = pl.multiple_of(base + c * CH, 8)
        pltpu.sync_copy(send_hbm.at[pl.ds(off, CH)], sidx)
        pltpu.sync_copy(recv_hbm.at[pl.ds(off, CH)], ridx)
        pltpu.async_copy(xs_hbm.at[sidx], bufa, sema)
        pltpu.async_copy(xr_hbm.at[ridx], bufb, semb)

    for k in range(2):
        load_and_fire(k, sets[k])
    plsc.subcore_barrier()

    def pair_body(si, carry):
        for k in range(2):
            sidx, ridx, bufa, bufb, sema, semb, semo, semw = sets[k]
            c = 2 * si + k
            off = pl.multiple_of(base + c * CH, 8)
            pltpu.make_async_copy(xs_hbm.at[sidx], bufa, sema).wait()
            pltpu.make_async_copy(xr_hbm.at[ridx], bufb, semb).wait()
            cpo = pltpu.async_copy(ones, scnt.at[ridx], semo, add=True)

            def row_body(r, c2):
                for j in range(D // L):
                    sl = pl.ds(j * L, L)
                    bufa[r, sl] = bufa[r, sl] + bufb[r, sl]
                return c2

            lax.fori_loop(0, CH, row_body, 0)
            cpw = pltpu.async_copy(bufa, g_hbm.at[pl.ds(off, CH)], semw)
            cpo.wait()
            cpw.wait()
            load_and_fire(jnp.minimum(c + 2, NCH - 1), sets[k])
        return carry

    lax.fori_loop(0, NCH // 2, pair_body, 0)
    for k in range(2):
        sidx, ridx, bufa, bufb, sema, semb, _, _ = sets[k]
        pltpu.make_async_copy(xs_hbm.at[sidx], bufa, sema).wait()
        pltpu.make_async_copy(xr_hbm.at[ridx], bufb, semb).wait()
    plsc.subcore_barrier()

    for k in range(NPT // CH):
        sl = pl.ds(nbase + k * CH, CH)
        pltpu.sync_copy(scnt.at[sl], bufa0)
        pltpu.sync_copy(bufa0, cnt_hbm.at[cid, sl])


@functools.partial(
    pl.kernel,
    mesh=plsc.VectorSubcoreMesh(**_MESH),
    out_type=jax.ShapeDtypeStruct((NC, NPAD, D), jnp.float32),
    scratch_types=[
        pltpu.VMEM((CH,), jnp.int32),
        pltpu.VMEM((CH,), jnp.int32),
        pltpu.VMEM((CH, D), jnp.float32),
        pltpu.VMEM((CH, D), jnp.float32),
        pltpu.VMEM_SHARED((NPAD, D), jnp.float32),
        pltpu.SemaphoreType.DMA,
        pltpu.SemaphoreType.DMA,
        pltpu.SemaphoreType.DMA,
        pltpu.SemaphoreType.DMA,
    ],
)
def _sc_scatter(h_hbm, recv_hbm, sum_hbm,
                ridx0, ridx1, hbuf0, hbuf1, ssum, semh0, semh1, sems0, sems1):
    cid = lax.axis_index("c")
    sid = lax.axis_index("s")
    zero16 = jnp.zeros((L,), jnp.float32)
    sets = ((ridx0, hbuf0, semh0, sems0), (ridx1, hbuf1, semh1, sems1))

    def zrow_body(r, c):
        for j in range(D // L):
            hbuf0[r, pl.ds(j * L, L)] = zero16
        return c

    lax.fori_loop(0, CH, zrow_body, 0)

    nbase = sid * NPT
    for k in range(NPT // CH):
        pltpu.sync_copy(hbuf0, ssum.at[pl.ds(nbase + k * CH, CH)])

    base = (sid * NC + cid) * EPW

    def load_and_fire(c, s):
        ridx, hbuf, semh, _ = s
        off = pl.multiple_of(base + c * CH, 8)
        pltpu.sync_copy(recv_hbm.at[pl.ds(off, CH)], ridx)
        pltpu.async_copy(h_hbm.at[pl.ds(off, CH)], hbuf, semh)

    for k in range(2):
        load_and_fire(k, sets[k])
    plsc.subcore_barrier()

    def pair_body(si, carry):
        for k in range(2):
            ridx, hbuf, semh, sems = sets[k]
            c = 2 * si + k
            pltpu.make_async_copy(h_hbm.at[pl.ds(0, CH)], hbuf, semh).wait()
            cps = pltpu.async_copy(hbuf, ssum.at[ridx], sems, add=True)
            cps.wait()
            load_and_fire(jnp.minimum(c + 2, NCH - 1), sets[k])
        return carry

    lax.fori_loop(0, NCH // 2, pair_body, 0)
    for k in range(2):
        ridx, hbuf, semh, _ = sets[k]
        pltpu.make_async_copy(h_hbm.at[pl.ds(0, CH)], hbuf, semh).wait()
    plsc.subcore_barrier()

    for k in range(NPT // CH):
        sl = pl.ds(nbase + k * CH, CH)
        pltpu.sync_copy(ssum.at[sl], hbuf0)
        pltpu.sync_copy(hbuf0, sum_hbm.at[cid, sl])


def _tc_node_transform(x2, wa, wb):
    TN = 2000

    def body(x_ref, wa_ref, wb_ref, xs_ref, xr_ref):
        xv = x_ref[...]
        xs_ref[...] = jnp.dot(xv, wa_ref[...], preferred_element_type=jnp.float32)
        xr_ref[...] = jnp.dot(xv, wb_ref[...], preferred_element_type=jnp.float32)

    return pl.pallas_call(
        body,
        grid=(N // TN,),
        in_specs=[
            pl.BlockSpec((TN, D), lambda i: (i, 0)),
            pl.BlockSpec((D, D), lambda i: (0, 0)),
            pl.BlockSpec((D, D), lambda i: (0, 0)),
        ],
        out_specs=[
            pl.BlockSpec((TN, D), lambda i: (i, 0)),
            pl.BlockSpec((TN, D), lambda i: (i, 0)),
        ],
        out_shape=[jax.ShapeDtypeStruct((N, D), jnp.float32)] * 2,
    )(x2, wa, wb)


def _tc_message(g, ea2, wc, b1, w2, b2):
    def body(g_ref, ea_ref, wc_ref, b1_ref, w2_ref, b2_ref, h_ref):
        pre = (g_ref[...]
               + jnp.dot(ea_ref[...], wc_ref[...], preferred_element_type=jnp.float32)
               + b1_ref[...])
        h1 = pre * jax.nn.sigmoid(pre)
        pre2 = jnp.dot(h1, w2_ref[...], preferred_element_type=jnp.float32) + b2_ref[...]
        h_ref[...] = pre2 * jax.nn.sigmoid(pre2)

    return pl.pallas_call(
        body,
        grid=(E // TE,),
        in_specs=[
            pl.BlockSpec((TE, D), lambda i: (i, 0)),
            pl.BlockSpec((TE, D), lambda i: (i, 0)),
            pl.BlockSpec((D, D), lambda i: (0, 0)),
            pl.BlockSpec((1, D), lambda i: (0, 0)),
            pl.BlockSpec((D, D), lambda i: (0, 0)),
            pl.BlockSpec((1, D), lambda i: (0, 0)),
        ],
        out_specs=pl.BlockSpec((TE, D), lambda i: (i, 0)),
        out_shape=jax.ShapeDtypeStruct((E, D), jnp.float32),
    )(g, ea2, wc, b1, w2, b2)


def _tc_update(x2, psum, pcnt, wu1, bu1, wu2, bu2):
    TN = 2000

    def body(x_ref, ps_ref, pc_ref, wu1_ref, bu1_ref, wu2_ref, bu2_ref, o_ref):
        s = ps_ref[0] + ps_ref[1]
        c = pc_ref[0, :, 0:1] + pc_ref[1, :, 0:1]
        agg = s / jnp.maximum(c, 1.0)
        xn = x_ref[...] + agg
        t = jnp.dot(xn, wu1_ref[...], preferred_element_type=jnp.float32) + bu1_ref[...]
        t = t * jax.nn.sigmoid(t)
        u = jnp.dot(t, wu2_ref[...], preferred_element_type=jnp.float32) + bu2_ref[...]
        o_ref[...] = xn + u

    return pl.pallas_call(
        body,
        grid=(N // TN,),
        in_specs=[
            pl.BlockSpec((TN, D), lambda i: (i, 0)),
            pl.BlockSpec((NC, TN, D), lambda i: (0, i, 0)),
            pl.BlockSpec((NC, TN, D), lambda i: (0, i, 0)),
            pl.BlockSpec((D, 2 * D), lambda i: (0, 0)),
            pl.BlockSpec((1, 2 * D), lambda i: (0, 0)),
            pl.BlockSpec((2 * D, D), lambda i: (0, 0)),
            pl.BlockSpec((1, D), lambda i: (0, 0)),
        ],
        out_specs=pl.BlockSpec((TN, D), lambda i: (i, 0)),
        out_shape=jax.ShapeDtypeStruct((N, D), jnp.float32),
    )(x2, psum, pcnt, wu1, bu1, wu2, bu2)


def kernel(x, edge_attr, edges, W_m1, b_m1, W_m2, b_m2, W_u1, b_u1, W_u2, b_u2):
    x2 = x[0]
    ea2 = edge_attr[0]
    send = edges[0]
    recv = edges[1]
    wa = W_m1[:D]
    wb = W_m1[D:2 * D]
    wc = W_m1[2 * D:]
    b1 = b_m1.reshape(1, D)
    b2 = b_m2.reshape(1, D)
    bu1 = b_u1.reshape(1, 2 * D)
    bu2 = b_u2.reshape(1, D)

    xs, xr = _tc_node_transform(x2, wa, wb)
    g, pcnt = _sc_gather(xs, xr, send, recv)
    h = _tc_message(g, ea2, wc, b1, W_m2, b2)
    psum = _sc_scatter(h, recv)
    xo = _tc_update(x2, psum, pcnt, W_u1, bu1, W_u2, bu2)
    return (xo[None], h[None])

# --- scband reference (transcript-rebuilt; emitter-appended) ---
"""Pipeline reference for scband-gnnlayer-13657996002096 (READ-ONLY COPY).

The authoritative reference and input builder live on the scoring server;
editing this copy changes nothing except your own understanding.
"""

import jax, jax.numpy as jnp
import numpy as np

B, N, E, D = 1, 10000, 320000, 128


def setup_inputs(seed: int = 0) -> dict:
    key = jax.random.key(seed)
    ks = jax.random.split(key, 12)
    x = jax.random.normal(ks[0], (B, N, D), dtype=jnp.float32)
    edge_attr = jax.random.normal(ks[1], (B, E, D), dtype=jnp.float32)
    edges = jax.random.randint(ks[2], (2, E), 0, N, dtype=jnp.int32)
    # message_fn: Linear(3D, D) -> SiLU -> Linear(D, D) -> SiLU
    W_m1 = 0.05 * jax.random.normal(ks[3], (3 * D, D), dtype=jnp.float32)
    b_m1 = 0.05 * jax.random.normal(ks[4], (D,), dtype=jnp.float32)
    W_m2 = 0.05 * jax.random.normal(ks[5], (D, D), dtype=jnp.float32)
    b_m2 = 0.05 * jax.random.normal(ks[6], (D,), dtype=jnp.float32)
    # res: Identity since input_size == hidden_size
    # update_fn: Linear(D, 2D) -> SiLU -> Linear(2D, D)
    W_u1 = 0.05 * jax.random.normal(ks[7], (D, 2 * D), dtype=jnp.float32)
    b_u1 = 0.05 * jax.random.normal(ks[8], (2 * D,), dtype=jnp.float32)
    W_u2 = 0.05 * jax.random.normal(ks[9], (2 * D, D), dtype=jnp.float32)
    b_u2 = 0.05 * jax.random.normal(ks[10], (D,), dtype=jnp.float32)
    return {"x": x, "edge_attr": edge_attr, "edges": edges,
            "W_m1": W_m1, "b_m1": b_m1, "W_m2": W_m2, "b_m2": b_m2,
            "W_u1": W_u1, "b_u1": b_u1, "W_u2": W_u2, "b_u2": b_u2}


def reference(x, edge_attr, edges, W_m1, b_m1, W_m2, b_m2, W_u1, b_u1, W_u2, b_u2):
    send = edges[0]
    recv = edges[1]
    n = x.shape[1]
    # gather endpoint features and concat with edge_attr (only_edge_attr=False)
    ea = jnp.concatenate([x[:, send, :], x[:, recv, :], edge_attr], axis=-1)
    # message_fn
    h = jax.nn.silu(ea @ W_m1 + b_m1)
    h = jax.nn.silu(h @ W_m2 + b_m2)
    # scatter mean over dim 1 (per batch element)
    seg_sum = jax.vmap(lambda e: jax.ops.segment_sum(e, recv, num_segments=n))(h)
    cnt = jax.ops.segment_sum(jnp.ones((h.shape[1],), dtype=x.dtype), recv, num_segments=n)
    cnt = jnp.maximum(cnt, 1.0)
    agg = seg_sum / cnt[None, :, None]
    # res is Identity (input_size == hidden_size)
    xn = x + agg
    # update_fn with residual
    u = jax.nn.silu(xn @ W_u1 + b_u1) @ W_u2 + b_u2
    xo = xn + u
    return (xo, h)

if __name__ == "__main__":
    import jax
    _d = setup_inputs()
    print(jax.jit(kernel)(*tuple(_d.values())))

</pallas_src>

<mosaic_0001>
#map = affine_map<(d0, d1) -> (0, 0)>
#map1 = affine_map<(d0, d1) -> (0)>
#map2 = affine_map<(d0, d1) -> (0, 0, 0)>
module attributes {stable_mosaic.version = 14 : i64} {
  func.func @_sc_scatter(%arg0: i32, %arg1: i32, %arg2: memref<320000x128xf32, #tpu.memory_space<hbm>>, %arg3: memref<320000xi32, #tpu.memory_space<hbm>>, %arg4: memref<2x10240x128xf32, #tpu.memory_space<hbm>>, %arg5: memref<40xi32, #tpu.memory_space<vmem>>, %arg6: memref<40xi32, #tpu.memory_space<vmem>>, %arg7: memref<40x128xf32, #tpu.memory_space<vmem>>, %arg8: memref<40x128xf32, #tpu.memory_space<vmem>>, %arg9: memref<10240x128xf32, #tpu.memory_space<vmem_shared>>, %arg10: memref<!tpu.dma_semaphore, #tpu.memory_space<semaphore_mem>>, %arg11: memref<!tpu.dma_semaphore, #tpu.memory_space<semaphore_mem>>, %arg12: memref<!tpu.dma_semaphore, #tpu.memory_space<semaphore_mem>>, %arg13: memref<!tpu.dma_semaphore, #tpu.memory_space<semaphore_mem>>) attributes {dimension_semantics = [#tpu.dimension_semantics<core_parallel>, #tpu.dimension_semantics<subcore_parallel>], iteration_bounds = array<i64: 2, 16>, scalar_prefetch = 0 : i64, scratch_operands = 9 : i64, tpu.core_type = #tpu.core_type<sc_vector_subcore>, window_params = [{transform_indices = #map}, {transform_indices = #map1}, {transform_indices = #map2}]} {
    %broadcast_in_dim3A = arith.constant 0.000000e+00 : f32
    %broadcast_in_dim3A_0 = vector.broadcast %broadcast_in_dim3A : f32 to vector<16xf32>
    %scan3A = arith.constant 0 : i32
    %scan3A_1 = arith.constant 0 : i32
    %scan3A_2 = arith.constant 40 : i32
    %scan3A_3 = arith.addi %scan3A_1, %scan3A_2 : i32
    %scan3A_4 = arith.constant 1 : i32
    scf.for %scan3A_105 = %scan3A_1 to %scan3A_3 step %scan3A_4  : i32 {
      %swap3A = arith.index_cast %scan3A_105 : i32 to index
      %swap3A_106 = arith.constant 0 : index
      %swap3A_107 = tpu.vector_load %arg7[%swap3A, %swap3A_106] {strides = array<i32>} : memref<40x128xf32, #tpu.memory_space<vmem>>, vector<1x16xf32>,
      %swap3A_108 = vector.shape_cast %swap3A_107 : vector<1x16xf32> to vector<16xf32>
      %swap3A_109 = vector.shape_cast %broadcast_in_dim3A_0 : vector<16xf32> to vector<1x16xf32>
      tpu.vector_store %arg7[%swap3A, %swap3A_106], %swap3A_109 {strides = array<i32>} : memref<40x128xf32, #tpu.memory_space<vmem>>, vector<1x16xf32>,
      %swap3A_110 = arith.index_cast %scan3A_105 : i32 to index
      %swap3A_111 = arith.constant 16 : index
      %swap3A_112 = tpu.vector_load %arg7[%swap3A_110, %swap3A_111] {strides = array<i32>} : memref<40x128xf32, #tpu.memory_space<vmem>>, vector<1x16xf32>,
      %swap3A_113 = vector.shape_cast %swap3A_112 : vector<1x16xf32> to vector<16xf32>
      %swap3A_114 = vector.shape_cast %broadcast_in_dim3A_0 : vector<16xf32> to vector<1x16xf32>
      tpu.vector_store %arg7[%swap3A_110, %swap3A_111], %swap3A_114 {strides = array<i32>} : memref<40x128xf32, #tpu.memory_space<vmem>>, vector<1x16xf32>,
      %swap3A_115 = arith.index_cast %scan3A_105 : i32 to index
      %swap3A_116 = arith.constant 32 : index
      %swap3A_117 = tpu.vector_load %arg7[%swap3A_115, %swap3A_116] {strides = array<i32>} : memref<40x128xf32, #tpu.memory_space<vmem>>, vector<1x16xf32>,
      %swap3A_118 = vector.shape_cast %swap3A_117 : vector<1x16xf32> to vector<16xf32>
      %swap3A_119 = vector.shape_cast %broadcast_in_dim3A_0 : vector<16xf32> to vector<1x16xf32>
      tpu.vector_store %arg7[%swap3A_115, %swap3A_116], %swap3A_119 {strides = array<i32>} : memref<40x128xf32, #tpu.memory_space<vmem>>, vector<1x16xf32>,
      %swap3A_120 = arith.index_cast %scan3A_105 : i32 to index
      %swap3A_121 = arith.constant 48 : index
      %swap3A_122 = tpu.vector_load %arg7[%swap3A_120, %swap3A_121] {strides = array<i32>} : memref<40x128xf32, #tpu.memory_space<vmem>>, vector<1x16xf32>,
      %swap3A_123 = vector.shape_cast %swap3A_122 : vector<1x16xf32> to vector<16xf32>
      %swap3A_124 = vector.shape_cast %broadcast_in_dim3A_0 : vector<16xf32> to vector<1x16xf32>
      tpu.vector_store %arg7[%swap3A_120, %swap3A_121], %swap3A_124 {strides = array<i32>} : memref<40x128xf32, #tpu.memory_space<vmem>>, vector<1x16xf32>,
      %swap3A_125 = arith.index_cast %scan3A_105 : i32 to index
      %swap3A_126 = arith.constant 64 : index
      %swap3A_127 = tpu.vector_load %arg7[%swap3A_125, %swap3A_126] {strides = array<i32>} : memref<40x128xf32, #tpu.memory_space<vmem>>, vector<1x16xf32>,
      %swap3A_128 = vector.shape_cast %swap3A_127 : vector<1x16xf32> to vector<16xf32>
      %swap3A_129 = vector.shape_cast %broadcast_in_dim3A_0 : vector<16xf32> to vector<1x16xf32>
      tpu.vector_store %arg7[%swap3A_125, %swap3A_126], %swap3A_129 {strides = array<i32>} : memref<40x128xf32, #tpu.memory_space<vmem>>, vector<1x16xf32>,
      %swap3A_130 = arith.index_cast %scan3A_105 : i32 to index
      %swap3A_131 = arith.constant 80 : index
      %swap3A_132 = tpu.vector_load %arg7[%swap3A_130, %swap3A_131] {strides = array<i32>} : memref<40x128xf32, #tpu.memory_space<vmem>>, vector<1x16xf32>,
      %swap3A_133 = vector.shape_cast %swap3A_132 : vector<1x16xf32> to vector<16xf32>
      %swap3A_134 = vector.shape_cast %broadcast_in_dim3A_0 : vector<16xf32> to vector<1x16xf32>
      tpu.vector_store %arg7[%swap3A_130, %swap3A_131], %swap3A_134 {strides = array<i32>} : memref<40x128xf32, #tpu.memory_space<vmem>>, vector<1x16xf32>,
      %swap3A_135 = arith.index_cast %scan3A_105 : i32 to index
      %swap3A_136 = arith.constant 96 : index
      %swap3A_137 = tpu.vector_load %arg7[%swap3A_135, %swap3A_136] {strides = array<i32>} : memref<40x128xf32, #tpu.memory_space<vmem>>, vector<1x16xf32>,
      %swap3A_138 = vector.shape_cast %swap3A_137 : vector<1x16xf32> to vector<16xf32>
      %swap3A_139 = vector.shape_cast %broadcast_in_dim3A_0 : vector<16xf32> to vector<1x16xf32>
      tpu.vector_store %arg7[%swap3A_135, %swap3A_136], %swap3A_139 {strides = array<i32>} : memref<40x128xf32, #tpu.memory_space<vmem>>, vector<1x16xf32>,
      %swap3A_140 = arith.index_cast %scan3A_105 : i32 to index
      %swap3A_141 = arith.constant 112 : index
      %swap3A_142 = tpu.vector_load %arg7[%swap3A_140, %swap3A_141] {strides = array<i32>} : memref<40x128xf32, #tpu.memory_space<vmem>>, vector<1x16xf32>,
      %swap3A_143 = vector.shape_cast %swap3A_142 : vector<1x16xf32> to vector<16xf32>
      %swap3A_144 = vector.shape_cast %broadcast_in_dim3A_0 : vector<16xf32> to vector<1x16xf32>
      tpu.vector_store %arg7[%swap3A_140, %swap3A_141], %swap3A_144 {strides = array<i32>} : memref<40x128xf32, #tpu.memory_space<vmem>>, vector<1x16xf32>,
    }
    %scan3A_5 = arith.constant 40 : i32
    %mul3A = arith.constant 640 : i32
    %mul3A_6 = arith.muli %arg1, %mul3A : i32
    %add3A = arith.constant 0 : i32
    %add3A_7 = arith.addi %mul3A_6, %add3A : i32
    "tpu.region"() ({
      %run_scoped3A = tpu.sem_alloc : memref<!tpu.dma_semaphore, #tpu.memory_space<semaphore_mem>>
      %dma_start3A_105 = arith.constant 0 : i32
      %dma_start3A_106 = tpu.memref_slice %arg9[%add3A_7, %dma_start3A_105] : memref<10240x128xf32, #tpu.memory_space<vmem_shared>> -> memref<40x128xf32, #tpu.memory_space<vmem_shared>>
      %dma_start3A_107 = arith.constant 0 : i32
      %dma_start3A_108 = tpu.memref_slice %arg9[%add3A_7, %dma_start3A_107] : memref<10240x128xf32, #tpu.memory_space<vmem_shared>> -> memref<40x128xf32, #tpu.memory_space<vmem_shared>>
      tpu.enqueue_dma source(%arg7 : memref<40x128xf32, #tpu.memory_space<vmem>>) target(%dma_start3A_108 : memref<40x128xf32, #tpu.memory_space<vmem_shared>>) target_semaphore(%run_scoped3A : memref<!tpu.dma_semaphore, #tpu.memory_space<semaphore_mem>>)
      %dma_wait3A_109 = arith.constant 0 : i32
      %dma_wait3A_110 = tpu.memref_slice %arg9[%add3A_7, %dma_wait3A_109] : memref<10240x128xf32, #tpu.memory_space<vmem_shared>> -> memref<40x128xf32, #tpu.memory_space<vmem_shared>>
      %dma_wait3A_111 = arith.constant 0 : i32
      %dma_wait3A_112 = tpu.memref_slice %arg9[%add3A_7, %dma_wait3A_111] : memref<10240x128xf32, #tpu.memory_space<vmem_shared>> -> memref<40x128xf32, #tpu.memory_space<vmem_shared>>
      tpu.wait_dma2 semaphore(%run_scoped3A : memref<!tpu.dma_semaphore, #tpu.memory_space<semaphore_mem>>) src(%arg7 : memref<40x128xf32, #tpu.memory_space<vmem>>) dst(%dma_wait3A_112 : memref<40x128xf32, #tpu.memory_space<vmem_shared>>)
      tpu.yield
    }) : () -> ()
    %add3A_8 = arith.constant 40 : i32
    %add3A_9 = arith.addi %mul3A_6, %add3A_8 : i32
    "tpu.region"() ({
      %run_scoped3A = tpu.sem_alloc : memref<!tpu.dma_semaphore, #tpu.memory_space<semaphore_mem>>
      %dma_start3A_105 = arith.constant 0 : i32
      %dma_start3A_106 = tpu.memref_slice %arg9[%add3A_9, %dma_start3A_105] : memref<10240x128xf32, #tpu.memory_space<vmem_shared>> -> memref<40x128xf32, #tpu.memory_space<vmem_shared>>
      %dma_start3A_107 = arith.constant 0 : i32
      %dma_start3A_108 = tpu.memref_slice %arg9[%add3A_9, %dma_start3A_107] : memref<10240x128xf32, #tpu.memory_space<vmem_shared>> -> memref<40x128xf32, #tpu.memory_space<vmem_shared>>
      tpu.enqueue_dma source(%arg7 : memref<40x128xf32, #tpu.memory_space<vmem>>) target(%dma_start3A_108 : memref<40x128xf32, #tpu.memory_space<vmem_shared>>) target_semaphore(%run_scoped3A : memref<!tpu.dma_semaphore, #tpu.memory_space<semaphore_mem>>)
      %dma_wait3A_109 = arith.constant 0 : i32
      %dma_wait3A_110 = tpu.memref_slice %arg9[%add3A_9, %dma_wait3A_109] : memref<10240x128xf32, #tpu.memory_space<vmem_shared>> -> memref<40x128xf32, #tpu.memory_space<vmem_shared>>
      %dma_wait3A_111 = arith.constant 0 : i32
      %dma_wait3A_112 = tpu.memref_slice %arg9[%add3A_9, %dma_wait3A_111] : memref<10240x128xf32, #tpu.memory_space<vmem_shared>> -> memref<40x128xf32, #tpu.memory_space<vmem_shared>>
      tpu.wait_dma2 semaphore(%run_scoped3A : memref<!tpu.dma_semaphore, #tpu.memory_space<semaphore_mem>>) src(%arg7 : memref<40x128xf32, #tpu.memory_space<vmem>>) dst(%dma_wait3A_112 : memref<40x128xf32, #tpu.memory_space<vmem_shared>>)
      tpu.yield
    }) : () -> ()
    %add3A_10 = arith.constant 80 : i32
    %add3A_11 = arith.addi %mul3A_6, %add3A_10 : i32
    "tpu.region"() ({
      %run_scoped3A = tpu.sem_alloc : memref<!tpu.dma_semaphore, #tpu.memory_space<semaphore_mem>>
      %dma_start3A_105 = arith.constant 0 : i32
      %dma_start3A_106 = tpu.memref_slice %arg9[%add3A_11, %dma_start3A_105] : memref<10240x128xf32, #tpu.memory_space<vmem_shared>> -> memref<40x128xf32, #tpu.memory_space<vmem_shared>>
      %dma_start3A_107 = arith.constant 0 : i32
      %dma_start3A_108 = tpu.memref_slice %arg9[%add3A_11, %dma_start3A_107] : memref<10240x128xf32, #tpu.memory_space<vmem_shared>> -> memref<40x128xf32, #tpu.memory_space<vmem_shared>>
      tpu.enqueue_dma source(%arg7 : memref<40x128xf32, #tpu.memory_space<vmem>>) target(%dma_start3A_108 : memref<40x128xf32, #tpu.memory_space<vmem_shared>>) target_semaphore(%run_scoped3A : memref<!tpu.dma_semaphore, #tpu.memory_space<semaphore_mem>>)
      %dma_wait3A_109 = arith.constant 0 : i32
      %dma_wait3A_110 = tpu.memref_slice %arg9[%add3A_11, %dma_wait3A_109] : memref<10240x128xf32, #tpu.memory_space<vmem_shared>> -> memref<40x128xf32, #tpu.memory_space<vmem_shared>>
      %dma_wait3A_111 = arith.constant 0 : i32
      %dma_wait3A_112 = tpu.memref_slice %arg9[%add3A_11, %dma_wait3A_111] : memref<10240x128xf32, #tpu.memory_space<vmem_shared>> -> memref<40x128xf32, #tpu.memory_space<vmem_shared>>
      tpu.wait_dma2 semaphore(%run_scoped3A : memref<!tpu.dma_semaphore, #tpu.memory_space<semaphore_mem>>) src(%arg7 : memref<40x128xf32, #tpu.memory_space<vmem>>) dst(%dma_wait3A_112 : memref<40x128xf32, #tpu.memory_space<vmem_shared>>)
      tpu.yield
    }) : () -> ()
    %add3A_12 = arith.constant 120 : i32
    %add3A_13 = arith.addi %mul3A_6, %add3A_12 : i32
    "tpu.region"() ({
      %run_scoped3A = tpu.sem_alloc : memref<!tpu.dma_semaphore, #tpu.memory_space<semaphore_mem>>
      %dma_start3A_105 = arith.constant 0 : i32
      %dma_start3A_106 = tpu.memref_slice %arg9[%add3A_13, %dma_start3A_105] : memref<10240x128xf32, #tpu.memory_space<vmem_shared>> -> memref<40x128xf32, #tpu.memory_space<vmem_shared>>
      %dma_start3A_107 = arith.constant 0 : i32
      %dma_start3A_108 = tpu.memref_slice %arg9[%add3A_13, %dma_start3A_107] : memref<10240x128xf32, #tpu.memory_space<vmem_shared>> -> memref<40x128xf32, #tpu.memory_space<vmem_shared>>
      tpu.enqueue_dma source(%arg7 : memref<40x128xf32, #tpu.memory_space<vmem>>) target(%dma_start3A_108 : memref<40x128xf32, #tpu.memory_space<vmem_shared>>) target_semaphore(%run_scoped3A : memref<!tpu.dma_semaphore, #tpu.memory_space<semaphore_mem>>)
      %dma_wait3A_109 = arith.constant 0 : i32
      %dma_wait3A_110 = tpu.memref_slice %arg9[%add3A_13, %dma_wait3A_109] : memref<10240x128xf32, #tpu.memory_space<vmem_shared>> -> memref<40x128xf32, #tpu.memory_space<vmem_shared>>
      %dma_wait3A_111 = arith.constant 0 : i32
      %dma_wait3A_112 = tpu.memref_slice %arg9[%add3A_13, %dma_wait3A_111] : memref<10240x128xf32, #tpu.memory_space<vmem_shared>> -> memref<40x128xf32, #tpu.memory_space<vmem_shared>>
      tpu.wait_dma2 semaphore(%run_scoped3A : memref<!tpu.dma_semaphore, #tpu.memory_space<semaphore_mem>>) src(%arg7 : memref<40x128xf32, #tpu.memory_space<vmem>>) dst(%dma_wait3A_112 : memref<40x128xf32, #tpu.memory_space<vmem_shared>>)
      tpu.yield
    }) : () -> ()
    %add3A_14 = arith.constant 160 : i32
    %add3A_15 = arith.addi %mul3A_6, %add3A_14 : i32
    "tpu.region"() ({
      %run_scoped3A = tpu.sem_alloc : memref<!tpu.dma_semaphore, #tpu.memory_space<semaphore_mem>>
      %dma_start3A_105 = arith.constant 0 : i32
      %dma_start3A_106 = tpu.memref_slice %arg9[%add3A_15, %dma_start3A_105] : memref<10240x128xf32, #tpu.memory_space<vmem_shared>> -> memref<40x128xf32, #tpu.memory_space<vmem_shared>>
      %dma_start3A_107 = arith.constant 0 : i32
      %dma_start3A_108 = tpu.memref_slice %arg9[%add3A_15, %dma_start3A_107] : memref<10240x128xf32, #tpu.memory_space<vmem_shared>> -> memref<40x128xf32, #tpu.memory_space<vmem_shared>>
      tpu.enqueue_dma source(%arg7 : memref<40x128xf32, #tpu.memory_space<vmem>>) target(%dma_start3A_108 : memref<40x128xf32, #tpu.memory_space<vmem_shared>>) target_semaphore(%run_scoped3A : memref<!tpu.dma_semaphore, #tpu.memory_space<semaphore_mem>>)
      %dma_wait3A_109 = arith.constant 0 : i32
      %dma_wait3A_110 = tpu.memref_slice %arg9[%add3A_15, %dma_wait3A_109] : memref<10240x128xf32, #tpu.memory_space<vmem_shared>> -> memref<40x128xf32, #tpu.memory_space<vmem_shared>>
      %dma_wait3A_111 = arith.constant 0 : i32
      %dma_wait3A_112 = tpu.memref_slice %arg9[%add3A_15, %dma_wait3A_111] : memref<10240x128xf32, #tpu.memory_space<vmem_shared>> -> memref<40x128xf32, #tpu.memory_space<vmem_shared>>
      tpu.wait_dma2 semaphore(%run_scoped3A : memref<!tpu.dma_semaphore, #tpu.memory_space<semaphore_mem>>) src(%arg7 : memref<40x128xf32, #tpu.memory_space<vmem>>) dst(%dma_wait3A_112 : memref<40x128xf32, #tpu.memory_space<vmem_shared>>)
      tpu.yield
    }) : () -> ()
    %add3A_16 = arith.constant 200 : i32
    %add3A_17 = arith.addi %mul3A_6, %add3A_16 : i32
    "tpu.region"() ({
      %run_scoped3A = tpu.sem_alloc : memref<!tpu.dma_semaphore, #tpu.memory_space<semaphore_mem>>
      %dma_start3A_105 = arith.constant 0 : i32
      %dma_start3A_106 = tpu.memref_slice %arg9[%add3A_17, %dma_start3A_105] : memref<10240x128xf32, #tpu.memory_space<vmem_shared>> -> memref<40x128xf32, #tpu.memory_space<vmem_shared>>
      %dma_start3A_107 = arith.constant 0 : i32
      %dma_start3A_108 = tpu.memref_slice %arg9[%add3A_17, %dma_start3A_107] : memref<10240x128xf32, #tpu.memory_space<vmem_shared>> -> memref<40x128xf32, #tpu.memory_space<vmem_shared>>
      tpu.enqueue_dma source(%arg7 : memref<40x128xf32, #tpu.memory_space<vmem>>) target(%dma_start3A_108 : memref<40x128xf32, #tpu.memory_space<vmem_shared>>) target_semaphore(%run_scoped3A : memref<!tpu.dma_semaphore, #tpu.memory_space<semaphore_mem>>)
      %dma_wait3A_109 = arith.constant 0 : i32
      %dma_wait3A_110 = tpu.memref_slice %arg9[%add3A_17, %dma_wait3A_109] : memref<10240x128xf32, #tpu.memory_space<vmem_shared>> -> memref<40x128xf32, #tpu.memory_space<vmem_shared>>
      %dma_wait3A_111 = arith.constant 0 : i32
      %dma_wait3A_112 = tpu.memref_slice %arg9[%add3A_17, %dma_wait3A_111] : memref<10240x128xf32, #tpu.memory_space<vmem_shared>> -> memref<40x128xf32, #tpu.memory_space<vmem_shared>>
      tpu.wait_dma2 semaphore(%run_scoped3A : memref<!tpu.dma_semaphore, #tpu.memory_space<semaphore_mem>>) src(%arg7 : memref<40x128xf32, #tpu.memory_space<vmem>>) dst(%dma_wait3A_112 : memref<40x128xf32, #tpu.memory_space<vmem_shared>>)
      tpu.yield
    }) : () -> ()
    %add3A_18 = arith.constant 240 : i32
    %add3A_19 = arith.addi %mul3A_6, %add3A_18 : i32
    "tpu.region"() ({
      %run_scoped3A = tpu.sem_alloc : memref<!tpu.dma_semaphore, #tpu.memory_space<semaphore_mem>>
      %dma_start3A_105 = arith.constant 0 : i32
      %dma_start3A_106 = tpu.memref_slice %arg9[%add3A_19, %dma_start3A_105] : memref<10240x128xf32, #tpu.memory_space<vmem_shared>> -> memref<40x128xf32, #tpu.memory_space<vmem_shared>>
      %dma_start3A_107 = arith.constant 0 : i32
      %dma_start3A_108 = tpu.memref_slice %arg9[%add3A_19, %dma_start3A_107] : memref<10240x128xf32, #tpu.memory_space<vmem_shared>> -> memref<40x128xf32, #tpu.memory_space<vmem_shared>>
      tpu.enqueue_dma source(%arg7 : memref<40x128xf32, #tpu.memory_space<vmem>>) target(%dma_start3A_108 : memref<40x128xf32, #tpu.memory_space<vmem_shared>>) target_semaphore(%run_scoped3A : memref<!tpu.dma_semaphore, #tpu.memory_space<semaphore_mem>>)
      %dma_wait3A_109 = arith.constant 0 : i32
      %dma_wait3A_110 = tpu.memref_slice %arg9[%add3A_19, %dma_wait3A_109] : memref<10240x128xf32, #tpu.memory_space<vmem_shared>> -> memref<40x128xf32, #tpu.memory_space<vmem_shared>>
      %dma_wait3A_111 = arith.constant 0 : i32
      %dma_wait3A_112 = tpu.memref_slice %arg9[%add3A_19, %dma_wait3A_111] : memref<10240x128xf32, #tpu.memory_space<vmem_shared>> -> memref<40x128xf32, #tpu.memory_space<vmem_shared>>
      tpu.wait_dma2 semaphore(%run_scoped3A : memref<!tpu.dma_semaphore, #tpu.memory_space<semaphore_mem>>) src(%arg7 : memref<40x128xf32, #tpu.memory_space<vmem>>) dst(%dma_wait3A_112 : memref<40x128xf32, #tpu.memory_space<vmem_shared>>)
      tpu.yield
    }) : () -> ()
    %add3A_20 = arith.constant 280 : i32
    %add3A_21 = arith.addi %mul3A_6, %add3A_20 : i32
    "tpu.region"() ({
      %run_scoped3A = tpu.sem_alloc : memref<!tpu.dma_semaphore, #tpu.memory_space<semaphore_mem>>
      %dma_start3A_105 = arith.constant 0 : i32
      %dma_start3A_106 = tpu.memref_slice %arg9[%add3A_21, %dma_start3A_105] : memref<10240x128xf32, #tpu.memory_space<vmem_shared>> -> memref<40x128xf32, #tpu.memory_space<vmem_shared>>
      %dma_start3A_107 = arith.constant 0 : i32
      %dma_start3A_108 = tpu.memref_slice %arg9[%add3A_21, %dma_start3A_107] : memref<10240x128xf32, #tpu.memory_space<vmem_shared>> -> memref<40x128xf32, #tpu.memory_space<vmem_shared>>
      tpu.enqueue_dma source(%arg7 : memref<40x128xf32, #tpu.memory_space<vmem>>) target(%dma_start3A_108 : memref<40x128xf32, #tpu.memory_space<vmem_shared>>) target_semaphore(%run_scoped3A : memref<!tpu.dma_semaphore, #tpu.memory_space<semaphore_mem>>)
      %dma_wait3A_109 = arith.constant 0 : i32
      %dma_wait3A_110 = tpu.memref_slice %arg9[%add3A_21, %dma_wait3A_109] : memref<10240x128xf32, #tpu.memory_space<vmem_shared>> -> memref<40x128xf32, #tpu.memory_space<vmem_shared>>
      %dma_wait3A_111 = arith.constant 0 : i32
      %dma_wait3A_112 = tpu.memref_slice %arg9[%add3A_21, %dma_wait3A_111] : memref<10240x128xf32, #tpu.memory_space<vmem_shared>> -> memref<40x128xf32, #tpu.memory_space<vmem_shared>>
      tpu.wait_dma2 semaphore(%run_scoped3A : memref<!tpu.dma_semaphore, #tpu.memory_space<semaphore_mem>>) src(%arg7 : memref<40x128xf32, #tpu.memory_space<vmem>>) dst(%dma_wait3A_112 : memref<40x128xf32, #tpu.memory_space<vmem_shared>>)
      tpu.yield
    }) : () -> ()
    %add3A_22 = arith.constant 320 : i32
    %add3A_23 = arith.addi %mul3A_6, %add3A_22 : i32
    "tpu.region"() ({
      %run_scoped3A = tpu.sem_alloc : memref<!tpu.dma_semaphore, #tpu.memory_space<semaphore_mem>>
      %dma_start3A_105 = arith.constant 0 : i32
      %dma_start3A_106 = tpu.memref_slice %arg9[%add3A_23, %dma_start3A_105] : memref<10240x128xf32, #tpu.memory_space<vmem_shared>> -> memref<40x128xf32, #tpu.memory_space<vmem_shared>>
      %dma_start3A_107 = arith.constant 0 : i32
      %dma_start3A_108 = tpu.memref_slice %arg9[%add3A_23, %dma_start3A_107] : memref<10240x128xf32, #tpu.memory_space<vmem_shared>> -> memref<40x128xf32, #tpu.memory_space<vmem_shared>>
      tpu.enqueue_dma source(%arg7 : memref<40x128xf32, #tpu.memory_space<vmem>>) target(%dma_start3A_108 : memref<40x128xf32, #tpu.memory_space<vmem_shared>>) target_semaphore(%run_scoped3A : memref<!tpu.dma_semaphore, #tpu.memory_space<semaphore_mem>>)
      %dma_wait3A_109 = arith.constant 0 : i32
      %dma_wait3A_110 = tpu.memref_slice %arg9[%add3A_23, %dma_wait3A_109] : memref<10240x128xf32, #tpu.memory_space<vmem_shared>> -> memref<40x128xf32, #tpu.memory_space<vmem_shared>>
      %dma_wait3A_111 = arith.constant 0 : i32
      %dma_wait3A_112 = tpu.memref_slice %arg9[%add3A_23, %dma_wait3A_111] : memref<10240x128xf32, #tpu.memory_space<vmem_shared>> -> memref<40x128xf32, #tpu.memory_space<vmem_shared>>
      tpu.wait_dma2 semaphore(%run_scoped3A : memref<!tpu.dma_semaphore, #tpu.memory_space<semaphore_mem>>) src(%arg7 : memref<40x128xf32, #tpu.memory_space<vmem>>) dst(%dma_wait3A_112 : memref<40x128xf32, #tpu.memory_space<vmem_shared>>)
      tpu.yield
    }) : () -> ()
    %add3A_24 = arith.constant 360 : i32
    %add3A_25 = arith.addi %mul3A_6, %add3A_24 : i32
    "tpu.region"() ({
      %run_scoped3A = tpu.sem_alloc : memref<!tpu.dma_semaphore, #tpu.memory_space<semaphore_mem>>
      %dma_start3A_105 = arith.constant 0 : i32
      %dma_start3A_106 = tpu.memref_slice %arg9[%add3A_25, %dma_start3A_105] : memref<10240x128xf32, #tpu.memory_space<vmem_shared>> -> memref<40x128xf32, #tpu.memory_space<vmem_shared>>
      %dma_start3A_107 = arith.constant 0 : i32
      %dma_start3A_108 = tpu.memref_slice %arg9[%add3A_25, %dma_start3A_107] : memref<10240x128xf32, #tpu.memory_space<vmem_shared>> -> memref<40x128xf32, #tpu.memory_space<vmem_shared>>
      tpu.enqueue_dma source(%arg7 : memref<40x128xf32, #tpu.memory_space<vmem>>) target(%dma_start3A_108 : memref<40x128xf32, #tpu.memory_space<vmem_shared>>) target_semaphore(%run_scoped3A : memref<!tpu.dma_semaphore, #tpu.memory_space<semaphore_mem>>)
      %dma_wait3A_109 = arith.constant 0 : i32
      %dma_wait3A_110 = tpu.memref_slice %arg9[%add3A_25, %dma_wait3A_109] : memref<10240x128xf32, #tpu.memory_space<vmem_shared>> -> memref<40x128xf32, #tpu.memory_space<vmem_shared>>
      %dma_wait3A_111 = arith.constant 0 : i32
      %dma_wait3A_112 = tpu.memref_slice %arg9[%add3A_25, %dma_wait3A_111] : memref<10240x128xf32, #tpu.memory_space<vmem_shared>> -> memref<40x128xf32, #tpu.memory_space<vmem_shared>>
      tpu.wait_dma2 semaphore(%run_scoped3A : memref<!tpu.dma_semaphore, #tpu.memory_space<semaphore_mem>>) src(%arg7 : memref<40x128xf32, #tpu.memory_space<vmem>>) dst(%dma_wait3A_112 : memref<40x128xf32, #tpu.memory_space<vmem_shared>>)
      tpu.yield
    }) : () -> ()
    %add3A_26 = arith.constant 400 : i32
    %add3A_27 = arith.addi %mul3A_6, %add3A_26 : i32
    "tpu.region"() ({
      %run_scoped3A = tpu.sem_alloc : memref<!tpu.dma_semaphore, #tpu.memory_space<semaphore_mem>>
      %dma_start3A_105 = arith.constant 0 : i32
      %dma_start3A_106 = tpu.memref_slice %arg9[%add3A_27, %dma_start3A_105] : memref<10240x128xf32, #tpu.memory_space<vmem_shared>> -> memref<40x128xf32, #tpu.memory_space<vmem_shared>>
      %dma_start3A_107 = arith.constant 0 : i32
      %dma_start3A_108 = tpu.memref_slice %arg9[%add3A_27, %dma_start3A_107] : memref<10240x128xf32, #tpu.memory_space<vmem_shared>> -> memref<40x128xf32, #tpu.memory_space<vmem_shared>>
      tpu.enqueue_dma source(%arg7 : memref<40x128xf32, #tpu.memory_space<vmem>>) target(%dma_start3A_108 : memref<40x128xf32, #tpu.memory_space<vmem_shared>>) target_semaphore(%run_scoped3A : memref<!tpu.dma_semaphore, #tpu.memory_space<semaphore_mem>>)
      %dma_wait3A_109 = arith.constant 0 : i32
      %dma_wait3A_110 = tpu.memref_slice %arg9[%add3A_27, %dma_wait3A_109] : memref<10240x128xf32, #tpu.memory_space<vmem_shared>> -> memref<40x128xf32, #tpu.memory_space<vmem_shared>>
      %dma_wait3A_111 = arith.constant 0 : i32
      %dma_wait3A_112 = tpu.memref_slice %arg9[%add3A_27, %dma_wait3A_111] : memref<10240x128xf32, #tpu.memory_space<vmem_shared>> -> memref<40x128xf32, #tpu.memory_space<vmem_shared>>
      tpu.wait_dma2 semaphore(%run_scoped3A : memref<!tpu.dma_semaphore, #tpu.memory_space<semaphore_mem>>) src(%arg7 : memref<40x128xf32, #tpu.memory_space<vmem>>) dst(%dma_wait3A_112 : memref<40x128xf32, #tpu.memory_space<vmem_shared>>)
      tpu.yield
    }) : () -> ()
    %add3A_28 = arith.constant 440 : i32
    %add3A_29 = arith.addi %mul3A_6, %add3A_28 : i32
    "tpu.region"() ({
      %run_scoped3A = tpu.sem_alloc : memref<!tpu.dma_semaphore, #tpu.memory_space<semaphore_mem>>
      %dma_start3A_105 = arith.constant 0 : i32
      %dma_start3A_106 = tpu.memref_slice %arg9[%add3A_29, %dma_start3A_105] : memref<10240x128xf32, #tpu.memory_space<vmem_shared>> -> memref<40x128xf32, #tpu.memory_space<vmem_shared>>
      %dma_start3A_107 = arith.constant 0 : i32
      %dma_start3A_108 = tpu.memref_slice %arg9[%add3A_29, %dma_start3A_107] : memref<10240x128xf32, #tpu.memory_space<vmem_shared>> -> memref<40x128xf32, #tpu.memory_space<vmem_shared>>
      tpu.enqueue_dma source(%arg7 : memref<40x128xf32, #tpu.memory_space<vmem>>) target(%dma_start3A_108 : memref<40x128xf32, #tpu.memory_space<vmem_shared>>) target_semaphore(%run_scoped3A : memref<!tpu.dma_semaphore, #tpu.memory_space<semaphore_mem>>)
      %dma_wait3A_109 = arith.constant 0 : i32
      %dma_wait3A_110 = tpu.memref_slice %arg9[%add3A_29, %dma_wait3A_109] : memref<10240x128xf32, #tpu.memory_space<vmem_shared>> -> memref<40x128xf32, #tpu.memory_space<vmem_shared>>
      %dma_wait3A_111 = arith.constant 0 : i32
      %dma_wait3A_112 = tpu.memref_slice %arg9[%add3A_29, %dma_wait3A_111] : memref<10240x128xf32, #tpu.memory_space<vmem_shared>> -> memref<40x128xf32, #tpu.memory_space<vmem_shared>>
      tpu.wait_dma2 semaphore(%run_scoped3A : memref<!tpu.dma_semaphore, #tpu.memory_space<semaphore_mem>>) src(%arg7 : memref<40x128xf32, #tpu.memory_space<vmem>>) dst(%dma_wait3A_112 : memref<40x128xf32, #tpu.memory_space<vmem_shared>>)
      tpu.yield
    }) : () -> ()
    %add3A_30 = arith.constant 480 : i32
    %add3A_31 = arith.addi %mul3A_6, %add3A_30 : i32
    "tpu.region"() ({
      %run_scoped3A = tpu.sem_alloc : memref<!tpu.dma_semaphore, #tpu.memory_space<semaphore_mem>>
      %dma_start3A_105 = arith.constant 0 : i32
      %dma_start3A_106 = tpu.memref_slice %arg9[%add3A_31, %dma_start3A_105] : memref<10240x128xf32, #tpu.memory_space<vmem_shared>> -> memref<40x128xf32, #tpu.memory_space<vmem_shared>>
      %dma_start3A_107 = arith.constant 0 : i32
      %dma_start3A_108 = tpu.memref_slice %arg9[%add3A_31, %dma_start3A_107] : memref<10240x128xf32, #tpu.memory_space<vmem_shared>> -> memref<40x128xf32, #tpu.memory_space<vmem_shared>>
      tpu.enqueue_dma source(%arg7 : memref<40x128xf32, #tpu.memory_space<vmem>>) target(%dma_start3A_108 : memref<40x128xf32, #tpu.memory_space<vmem_shared>>) target_semaphore(%run_scoped3A : memref<!tpu.dma_semaphore, #tpu.memory_space<semaphore_mem>>)
      %dma_wait3A_109 = arith.constant 0 : i32
      %dma_wait3A_110 = tpu.memref_slice %arg9[%add3A_31, %dma_wait3A_109] : memref<10240x128xf32, #tpu.memory_space<vmem_shared>> -> memref<40x128xf32, #tpu.memory_space<vmem_shared>>
      %dma_wait3A_111 = arith.constant 0 : i32
      %dma_wait3A_112 = tpu.memref_slice %arg9[%add3A_31, %dma_wait3A_111] : memref<10240x128xf32, #tpu.memory_space<vmem_shared>> -> memref<40x128xf32, #tpu.memory_space<vmem_shared>>
      tpu.wait_dma2 semaphore(%run_scoped3A : memref<!tpu.dma_semaphore, #tpu.memory_space<semaphore_mem>>) src(%arg7 : memref<40x128xf32, #tpu.memory_space<vmem>>) dst(%dma_wait3A_112 : memref<40x128xf32, #tpu.memory_space<vmem_shared>>)
      tpu.yield
    }) : () -> ()
    %add3A_32 = arith.constant 520 : i32
    %add3A_33 = arith.addi %mul3A_6, %add3A_32 : i32
    "tpu.region"() ({
      %run_scoped3A = tpu.sem_alloc : memref<!tpu.dma_semaphore, #tpu.memory_space<semaphore_mem>>
      %dma_start3A_105 = arith.constant 0 : i32
      %dma_start3A_106 = tpu.memref_slice %arg9[%add3A_33, %dma_start3A_105] : memref<10240x128xf32, #tpu.memory_space<vmem_shared>> -> memref<40x128xf32, #tpu.memory_space<vmem_shared>>
      %dma_start3A_107 = arith.constant 0 : i32
      %dma_start3A_108 = tpu.memref_slice %arg9[%add3A_33, %dma_start3A_107] : memref<10240x128xf32, #tpu.memory_space<vmem_shared>> -> memref<40x128xf32, #tpu.memory_space<vmem_shared>>
      tpu.enqueue_dma source(%arg7 : memref<40x128xf32, #tpu.memory_space<vmem>>) target(%dma_start3A_108 : memref<40x128xf32, #tpu.memory_space<vmem_shared>>) target_semaphore(%run_scoped3A : memref<!tpu.dma_semaphore, #tpu.memory_space<semaphore_mem>>)
      %dma_wait3A_109 = arith.constant 0 : i32
      %dma_wait3A_110 = tpu.memref_slice %arg9[%add3A_33, %dma_wait3A_109] : memref<10240x128xf32, #tpu.memory_space<vmem_shared>> -> memref<40x128xf32, #tpu.memory_space<vmem_shared>>
      %dma_wait3A_111 = arith.constant 0 : i32
      %dma_wait3A_112 = tpu.memref_slice %arg9[%add3A_33, %dma_wait3A_111] : memref<10240x128xf32, #tpu.memory_space<vmem_shared>> -> memref<40x128xf32, #tpu.memory_space<vmem_shared>>
      tpu.wait_dma2 semaphore(%run_scoped3A : memref<!tpu.dma_semaphore, #tpu.memory_space<semaphore_mem>>) src(%arg7 : memref<40x128xf32, #tpu.memory_space<vmem>>) dst(%dma_wait3A_112 : memref<40x128xf32, #tpu.memory_space<vmem_shared>>)
      tpu.yield
    }) : () -> ()
    %add3A_34 = arith.constant 560 : i32
    %add3A_35 = arith.addi %mul3A_6, %add3A_34 : i32
    "tpu.region"() ({
      %run_scoped3A = tpu.sem_alloc : memref<!tpu.dma_semaphore, #tpu.memory_space<semaphore_mem>>
      %dma_start3A_105 = arith.constant 0 : i32
      %dma_start3A_106 = tpu.memref_slice %arg9[%add3A_35, %dma_start3A_105] : memref<10240x128xf32, #tpu.memory_space<vmem_shared>> -> memref<40x128xf32, #tpu.memory_space<vmem_shared>>
      %dma_start3A_107 = arith.constant 0 : i32
      %dma_start3A_108 = tpu.memref_slice %arg9[%add3A_35, %dma_start3A_107] : memref<10240x128xf32, #tpu.memory_space<vmem_shared>> -> memref<40x128xf32, #tpu.memory_space<vmem_shared>>
      tpu.enqueue_dma source(%arg7 : memref<40x128xf32, #tpu.memory_space<vmem>>) target(%dma_start3A_108 : memref<40x128xf32, #tpu.memory_space<vmem_shared>>) target_semaphore(%run_scoped3A : memref<!tpu.dma_semaphore, #tpu.memory_space<semaphore_mem>>)
      %dma_wait3A_109 = arith.constant 0 : i32
      %dma_wait3A_110 = tpu.memref_slice %arg9[%add3A_35, %dma_wait3A_109] : memref<10240x128xf32, #tpu.memory_space<vmem_shared>> -> memref<40x128xf32, #tpu.memory_space<vmem_shared>>
      %dma_wait3A_111 = arith.constant 0 : i32
      %dma_wait3A_112 = tpu.memref_slice %arg9[%add3A_35, %dma_wait3A_111] : memref<10240x128xf32, #tpu.memory_space<vmem_shared>> -> memref<40x128xf32, #tpu.memory_space<vmem_shared>>
      tpu.wait_dma2 semaphore(%run_scoped3A : memref<!tpu.dma_semaphore, #tpu.memory_space<semaphore_mem>>) src(%arg7 : memref<40x128xf32, #tpu.memory_space<vmem>>) dst(%dma_wait3A_112 : memref<40x128xf32, #tpu.memory_space<vmem_shared>>)
      tpu.yield
    }) : () -> ()
    %add3A_36 = arith.constant 600 : i32
    %add3A_37 = arith.addi %mul3A_6, %add3A_36 : i32
    "tpu.region"() ({
      %run_scoped3A = tpu.sem_alloc : memref<!tpu.dma_semaphore, #tpu.memory_space<semaphore_mem>>
      %dma_start3A_105 = arith.constant 0 : i32
      %dma_start3A_106 = tpu.memref_slice %arg9[%add3A_37, %dma_start3A_105] : memref<10240x128xf32, #tpu.memory_space<vmem_shared>> -> memref<40x128xf32, #tpu.memory_space<vmem_shared>>
      %dma_start3A_107 = arith.constant 0 : i32
      %dma_start3A_108 = tpu.memref_slice %arg9[%add3A_37, %dma_start3A_107] : memref<10240x128xf32, #tpu.memory_space<vmem_shared>> -> memref<40x128xf32, #tpu.memory_space<vmem_shared>>
      tpu.enqueue_dma source(%arg7 : memref<40x128xf32, #tpu.memory_space<vmem>>) target(%dma_start3A_108 : memref<40x128xf32, #tpu.memory_space<vmem_shared>>) target_semaphore(%run_scoped3A : memref<!tpu.dma_semaphore, #tpu.memory_space<semaphore_mem>>)
      %dma_wait3A_109 = arith.constant 0 : i32
      %dma_wait3A_110 = tpu.memref_slice %arg9[%add3A_37, %dma_wait3A_109] : memref<10240x128xf32, #tpu.memory_space<vmem_shared>> -> memref<40x128xf32, #tpu.memory_space<vmem_shared>>
      %dma_wait3A_111 = arith.constant 0 : i32
      %dma_wait3A_112 = tpu.memref_slice %arg9[%add3A_37, %dma_wait3A_111] : memref<10240x128xf32, #tpu.memory_space<vmem_shared>> -> memref<40x128xf32, #tpu.memory_space<vmem_shared>>
      tpu.wait_dma2 semaphore(%run_scoped3A : memref<!tpu.dma_semaphore, #tpu.memory_space<semaphore_mem>>) src(%arg7 : memref<40x128xf32, #tpu.memory_space<vmem>>) dst(%dma_wait3A_112 : memref<40x128xf32, #tpu.memory_space<vmem_shared>>)
      tpu.yield
    }) : () -> ()
    %mul3A_38 = arith.constant 2 : i32
    %mul3A_39 = arith.muli %arg1, %mul3A_38 : i32
    %add3A_40 = arith.addi %mul3A_39, %arg0 : i32
    %mul3A_41 = arith.constant 10000 : i32
    %mul3A_42 = arith.muli %add3A_40, %mul3A_41 : i32
    %add3A_43 = arith.constant 0 : i32
    %add3A_44 = arith.addi %mul3A_42, %add3A_43 : i32
    %multiple_of3A = tpu.assume_multiple %add3A_44, 8 : i32
    "tpu.region"() ({
      %run_scoped3A = tpu.sem_alloc : memref<!tpu.dma_semaphore, #tpu.memory_space<semaphore_mem>>
      %dma_start3A_105 = tpu.memref_slice %arg3[%multiple_of3A] : memref<320000xi32, #tpu.memory_space<hbm>> -> memref<40xi32, #tpu.memory_space<hbm>>
      %dma_start3A_106 = tpu.memref_slice %arg3[%multiple_of3A] : memref<320000xi32, #tpu.memory_space<hbm>> -> memref<40xi32, #tpu.memory_space<hbm>>
      tpu.enqueue_dma source(%dma_start3A_106 : memref<40xi32, #tpu.memory_space<hbm>>) target(%arg5 : memref<40xi32, #tpu.memory_space<vmem>>) target_semaphore(%run_scoped3A : memref<!tpu.dma_semaphore, #tpu.memory_space<semaphore_mem>>)
      %dma_wait3A_107 = tpu.memref_slice %arg3[%multiple_of3A] : memref<320000xi32, #tpu.memory_space<hbm>> -> memref<40xi32, #tpu.memory_space<hbm>>
      %dma_wait3A_108 = tpu.memref_slice %arg3[%multiple_of3A] : memref<320000xi32, #tpu.memory_space<hbm>> -> memref<40xi32, #tpu.memory_space<hbm>>
      tpu.wait_dma2 semaphore(%run_scoped3A : memref<!tpu.dma_semaphore, #tpu.memory_space<semaphore_mem>>) src(%dma_wait3A_108 : memref<40xi32, #tpu.memory_space<hbm>>) dst(%arg5 : memref<40xi32, #tpu.memory_space<vmem>>)
      tpu.yield
    }) : () -> ()
    %dma_start3A = arith.constant 0 : i32
    %dma_start3A_45 = tpu.memref_slice %arg2[%multiple_of3A, %dma_start3A] : memref<320000x128xf32, #tpu.memory_space<hbm>> -> memref<40x128xf32, #tpu.memory_space<hbm>>
    %dma_start3A_46 = arith.constant 0 : i32
    %dma_start3A_47 = tpu.memref_slice %arg2[%multiple_of3A, %dma_start3A_46] : memref<320000x128xf32, #tpu.memory_space<hbm>> -> memref<40x128xf32, #tpu.memory_space<hbm>>
    tpu.enqueue_dma source(%dma_start3A_47 : memref<40x128xf32, #tpu.memory_space<hbm>>) target(%arg7 : memref<40x128xf32, #tpu.memory_space<vmem>>) target_semaphore(%arg10 : memref<!tpu.dma_semaphore, #tpu.memory_space<semaphore_mem>>)
    %add3A_48 = arith.constant 40 : i32
    %add3A_49 = arith.addi %mul3A_42, %add3A_48 : i32
    %multiple_of3A_50 = tpu.assume_multiple %add3A_49, 8 : i32
    "tpu.region"() ({
      %run_scoped3A = tpu.sem_alloc : memref<!tpu.dma_semaphore, #tpu.memory_space<semaphore_mem>>
      %dma_start3A_105 = tpu.memref_slice %arg3[%multiple_of3A_50] : memref<320000xi32, #tpu.memory_space<hbm>> -> memref<40xi32, #tpu.memory_space<hbm>>
      %dma_start3A_106 = tpu.memref_slice %arg3[%multiple_of3A_50] : memref<320000xi32, #tpu.memory_space<hbm>> -> memref<40xi32, #tpu.memory_space<hbm>>
      tpu.enqueue_dma source(%dma_start3A_106 : memref<40xi32, #tpu.memory_space<hbm>>) target(%arg6 : memref<40xi32, #tpu.memory_space<vmem>>) target_semaphore(%run_scoped3A : memref<!tpu.dma_semaphore, #tpu.memory_space<semaphore_mem>>)
      %dma_wait3A_107 = tpu.memref_slice %arg3[%multiple_of3A_50] : memref<320000xi32, #tpu.memory_space<hbm>> -> memref<40xi32, #tpu.memory_space<hbm>>
      %dma_wait3A_108 = tpu.memref_slice %arg3[%multiple_of3A_50] : memref<320000xi32, #tpu.memory_space<hbm>> -> memref<40xi32, #tpu.memory_space<hbm>>
      tpu.wait_dma2 semaphore(%run_scoped3A : memref<!tpu.dma_semaphore, #tpu.memory_space<semaphore_mem>>) src(%dma_wait3A_108 : memref<40xi32, #tpu.memory_space<hbm>>) dst(%arg6 : memref<40xi32, #tpu.memory_space<vmem>>)
      tpu.yield
    }) : () -> ()
    %dma_start3A_51 = arith.constant 0 : i32
    %dma_start3A_52 = tpu.memref_slice %arg2[%multiple_of3A_50, %dma_start3A_51] : memref<320000x128xf32, #tpu.memory_space<hbm>> -> memref<40x128xf32, #tpu.memory_space<hbm>>
    %dma_start3A_53 = arith.constant 0 : i32
    %dma_start3A_54 = tpu.memref_slice %arg2[%multiple_of3A_50, %dma_start3A_53] : memref<320000x128xf32, #tpu.memory_space<hbm>> -> memref<40x128xf32, #tpu.memory_space<hbm>>
    tpu.enqueue_dma source(%dma_start3A_54 : memref<40x128xf32, #tpu.memory_space<hbm>>) target(%arg8 : memref<40x128xf32, #tpu.memory_space<vmem>>) target_semaphore(%arg11 : memref<!tpu.dma_semaphore, #tpu.memory_space<semaphore_mem>>)
    %barrier3A = arith.constant 0 : index
    tpu.barrier barrier_id(%barrier3A)
    %scan3A_55 = arith.constant 0 : i32
    %scan3A_56 = arith.constant 0 : i32
    %scan3A_57 = arith.constant 125 : i32
    %scan3A_58 = arith.addi %scan3A_56, %scan3A_57 : i32
    %scan3A_59 = arith.constant 1 : i32
    scf.for %scan3A_105 = %scan3A_56 to %scan3A_58 step %scan3A_59  : i32 {
      %mul3A_106 = arith.constant 2 : i32
      %mul3A_107 = arith.muli %mul3A_106, %scan3A_105 : i32
      %add3A_108 = arith.constant 0 : i32
      %add3A_109 = arith.addi %mul3A_107, %add3A_108 : i32
      %dma_wait3A_110 = arith.constant 0 : i32
      %dma_wait3A_111 = arith.constant 0 : i32
      %dma_wait3A_112 = tpu.memref_slice %arg2[%dma_wait3A_110, %dma_wait3A_111] : memref<320000x128xf32, #tpu.memory_space<hbm>> -> memref<40x128xf32, #tpu.memory_space<hbm>>
      %dma_wait3A_113 = arith.constant 0 : i32
      %dma_wait3A_114 = arith.constant 0 : i32
      %dma_wait3A_115 = tpu.memref_slice %arg2[%dma_wait3A_113, %dma_wait3A_114] : memref<320000x128xf32, #tpu.memory_space<hbm>> -> memref<40x128xf32, #tpu.memory_space<hbm>>
      tpu.wait_dma2 semaphore(%arg10 : memref<!tpu.dma_semaphore, #tpu.memory_space<semaphore_mem>>) src(%dma_wait3A_115 : memref<40x128xf32, #tpu.memory_space<hbm>>) dst(%arg7 : memref<40x128xf32, #tpu.memory_space<vmem>>)
      %dma_start3A_116 = arith.constant 0 : i32
      %dma_start3A_117 = arith.constant 0 : i32
      %dma_start3A_118 = tpu.memref_slice %arg9[%dma_start3A_116, %dma_start3A_117] : memref<10240x128xf32, #tpu.memory_space<vmem_shared>> -> memref<10240x128xf32, #tpu.memory_space<vmem_shared>>
      tpu.enqueue_indirect_dma source(%arg7 : memref<40x128xf32, #tpu.memory_space<vmem>>) target(%dma_start3A_118 : memref<10240x128xf32, #tpu.memory_space<vmem_shared>>) offsets(%arg5 : memref<40xi32, #tpu.memory_space<vmem>>) semaphore(%arg12 : memref<!tpu.dma_semaphore, #tpu.memory_space<semaphore_mem>>) {add = true}
      %dma_wait3A_119 = arith.constant 0 : i32
      %dma_wait3A_120 = arith.constant 0 : i32
      %dma_wait3A_121 = tpu.memref_slice %arg9[%dma_wait3A_119, %dma_wait3A_120] : memref<10240x128xf32, #tpu.memory_space<vmem_shared>> -> memref<10240x128xf32, #tpu.memory_space<vmem_shared>>
      tpu.wait_indirect_dma semaphore(%arg12 : memref<!tpu.dma_semaphore, #tpu.memory_space<semaphore_mem>>) src(%arg7 : memref<40x128xf32, #tpu.memory_space<vmem>>) dst(%dma_wait3A_121 : memref<10240x128xf32, #tpu.memory_space<vmem_shared>>)
      %add3A_122 = arith.constant 2 : i32
      %add3A_123 = arith.addi %add3A_109, %add3A_122 : i32
      %min3A = arith.constant 249 : i32
      %min3A_124 = arith.minsi %add3A_123, %min3A : i32
      %mul3A_125 = arith.constant 40 : i32
      %mul3A_126 = arith.muli %min3A_124, %mul3A_125 : i32
      %add3A_127 = arith.addi %mul3A_42, %mul3A_126 : i32
      %multiple_of3A_128 = tpu.assume_multiple %add3A_127, 8 : i32
      "tpu.region"() ({
        %run_scoped3A = tpu.sem_alloc : memref<!tpu.dma_semaphore, #tpu.memory_space<semaphore_mem>>
        %dma_start3A_161 = tpu.memref_slice %arg3[%multiple_of3A_128] : memref<320000xi32, #tpu.memory_space<hbm>> -> memref<40xi32, #tpu.memory_space<hbm>>
        %dma_start3A_162 = tpu.memref_slice %arg3[%multiple_of3A_128] : memref<320000xi32, #tpu.memory_space<hbm>> -> memref<40xi32, #tpu.memory_space<hbm>>
        tpu.enqueue_dma source(%dma_start3A_162 : memref<40xi32, #tpu.memory_space<hbm>>) target(%arg5 : memref<40xi32, #tpu.memory_space<vmem>>) target_semaphore(%run_scoped3A : memref<!tpu.dma_semaphore, #tpu.memory_space<semaphore_mem>>)
        %dma_wait3A_163 = tpu.memref_slice %arg3[%multiple_of3A_128] : memref<320000xi32, #tpu.memory_space<hbm>> -> memref<40xi32, #tpu.memory_space<hbm>>
        %dma_wait3A_164 = tpu.memref_slice %arg3[%multiple_of3A_128] : memref<320000xi32, #tpu.memory_space<hbm>> -> memref<40xi32, #tpu.memory_space<hbm>>
        tpu.wait_dma2 semaphore(%run_scoped3A : memref<!tpu.dma_semaphore, #tpu.memory_space<semaphore_mem>>) src(%dma_wait3A_164 : memref<40xi32, #tpu.memory_space<hbm>>) dst(%arg5 : memref<40xi32, #tpu.memory_space<vmem>>)
        tpu.yield
      }) : () -> ()
      %dma_start3A_129 = arith.constant 0 : i32
      %dma_start3A_130 = tpu.memref_slice %arg2[%multiple_of3A_128, %dma_start3A_129] : memref<320000x128xf32, #tpu.memory_space<hbm>> -> memref<40x128xf32, #tpu.memory_space<hbm>>
      %dma_start3A_131 = arith.constant 0 : i32
      %dma_start3A_132 = tpu.memref_slice %arg2[%multiple_of3A_128, %dma_start3A_131] : memref<320000x128xf32, #tpu.memory_space<hbm>> -> memref<40x128xf32, #tpu.memory_space<hbm>>
      tpu.enqueue_dma source(%dma_start3A_132 : memref<40x128xf32, #tpu.memory_space<hbm>>) target(%arg7 : memref<40x128xf32, #tpu.memory_space<vmem>>) target_semaphore(%arg10 : memref<!tpu.dma_semaphore, #tpu.memory_space<semaphore_mem>>)
      %mul3A_133 = arith.constant 2 : i32
      %mul3A_134 = arith.muli %mul3A_133, %scan3A_105 : i32
      %add3A_135 = arith.constant 1 : i32
      %add3A_136 = arith.addi %mul3A_134, %add3A_135 : i32
      %dma_wait3A_137 = arith.constant 0 : i32
      %dma_wait3A_138 = arith.constant 0 : i32
      %dma_wait3A_139 = tpu.memref_slice %arg2[%dma_wait3A_137, %dma_wait3A_138] : memref<320000x128xf32, #tpu.memory_space<hbm>> -> memref<40x128xf32, #tpu.memory_space<hbm>>
      %dma_wait3A_140 = arith.constant 0 : i32
      %dma_wait3A_141 = arith.constant 0 : i32
      %dma_wait3A_142 = tpu.memref_slice %arg2[%dma_wait3A_140, %dma_wait3A_141] : memref<320000x128xf32, #tpu.memory_space<hbm>> -> memref<40x128xf32, #tpu.memory_space<hbm>>
      tpu.wait_dma2 semaphore(%arg11 : memref<!tpu.dma_semaphore, #tpu.memory_space<semaphore_mem>>) src(%dma_wait3A_142 : memref<40x128xf32, #tpu.memory_space<hbm>>) dst(%arg8 : memref<40x128xf32, #tpu.memory_space<vmem>>)
      %dma_start3A_143 = arith.constant 0 : i32
      %dma_start3A_144 = arith.constant 0 : i32
      %dma_start3A_145 = tpu.memref_slice %arg9[%dma_start3A_143, %dma_start3A_144] : memref<10240x128xf32, #tpu.memory_space<vmem_shared>> -> memref<10240x128xf32, #tpu.memory_space<vmem_shared>>
      tpu.enqueue_indirect_dma source(%arg8 : memref<40x128xf32, #tpu.memory_space<vmem>>) target(%dma_start3A_145 : memref<10240x128xf32, #tpu.memory_space<vmem_shared>>) offsets(%arg6 : memref<40xi32, #tpu.memory_space<vmem>>) semaphore(%arg13 : memref<!tpu.dma_semaphore, #tpu.memory_space<semaphore_mem>>) {add = true}
      %dma_wait3A_146 = arith.constant 0 : i32
      %dma_wait3A_147 = arith.constant 0 : i32
      %dma_wait3A_148 = tpu.memref_slice %arg9[%dma_wait3A_146, %dma_wait3A_147] : memref<10240x128xf32, #tpu.memory_space<vmem_shared>> -> memref<10240x128xf32, #tpu.memory_space<vmem_shared>>
      tpu.wait_indirect_dma semaphore(%arg13 : memref<!tpu.dma_semaphore, #tpu.memory_space<semaphore_mem>>) src(%arg8 : memref<40x128xf32, #tpu.memory_space<vmem>>) dst(%dma_wait3A_148 : memref<10240x128xf32, #tpu.memory_space<vmem_shared>>)
      %add3A_149 = arith.constant 2 : i32
      %add3A_150 = arith.addi %add3A_136, %add3A_149 : i32
      %min3A_151 = arith.constant 249 : i32
      %min3A_152 = arith.minsi %add3A_150, %min3A_151 : i32
      %mul3A_153 = arith.constant 40 : i32
      %mul3A_154 = arith.muli %min3A_152, %mul3A_153 : i32
      %add3A_155 = arith.addi %mul3A_42, %mul3A_154 : i32
      %multiple_of3A_156 = tpu.assume_multiple %add3A_155, 8 : i32
      "tpu.region"() ({
        %run_scoped3A = tpu.sem_alloc : memref<!tpu.dma_semaphore, #tpu.memory_space<semaphore_mem>>
        %dma_start3A_161 = tpu.memref_slice %arg3[%multiple_of3A_156] : memref<320000xi32, #tpu.memory_space<hbm>> -> memref<40xi32, #tpu.memory_space<hbm>>
        %dma_start3A_162 = tpu.memref_slice %arg3[%multiple_of3A_156] : memref<320000xi32, #tpu.memory_space<hbm>> -> memref<40xi32, #tpu.memory_space<hbm>>
        tpu.enqueue_dma source(%dma_start3A_162 : memref<40xi32, #tpu.memory_space<hbm>>) target(%arg6 : memref<40xi32, #tpu.memory_space<vmem>>) target_semaphore(%run_scoped3A : memref<!tpu.dma_semaphore, #tpu.memory_space<semaphore_mem>>)
        %dma_wait3A_163 = tpu.memref_slice %arg3[%multiple_of3A_156] : memref<320000xi32, #tpu.memory_space<hbm>> -> memref<40xi32, #tpu.memory_space<hbm>>
        %dma_wait3A_164 = tpu.memref_slice %arg3[%multiple_of3A_156] : memref<320000xi32, #tpu.memory_space<hbm>> -> memref<40xi32, #tpu.memory_space<hbm>>
        tpu.wait_dma2 semaphore(%run_scoped3A : memref<!tpu.dma_semaphore, #tpu.memory_space<semaphore_mem>>) src(%dma_wait3A_164 : memref<40xi32, #tpu.memory_space<hbm>>) dst(%arg6 : memref<40xi32, #tpu.memory_space<vmem>>)
        tpu.yield
      }) : () -> ()
      %dma_start3A_157 = arith.constant 0 : i32
      %dma_start3A_158 = tpu.memref_slice %arg2[%multiple_of3A_156, %dma_start3A_157] : memref<320000x128xf32, #tpu.memory_space<hbm>> -> memref<40x128xf32, #tpu.memory_space<hbm>>
      %dma_start3A_159 = arith.constant 0 : i32
      %dma_start3A_160 = tpu.memref_slice %arg2[%multiple_of3A_156, %dma_start3A_159] : memref<320000x128xf32, #tpu.memory_space<hbm>> -> memref<40x128xf32, #tpu.memory_space<hbm>>
      tpu.enqueue_dma source(%dma_start3A_160 : memref<40x128xf32, #tpu.memory_space<hbm>>) target(%arg8 : memref<40x128xf32, #tpu.memory_space<vmem>>) target_semaphore(%arg11 : memref<!tpu.dma_semaphore, #tpu.memory_space<semaphore_mem>>)
    }
    %scan3A_60 = arith.constant 125 : i32
    %dma_wait3A = arith.constant 0 : i32
    %dma_wait3A_61 = arith.constant 0 : i32
    %dma_wait3A_62 = tpu.memref_slice %arg2[%dma_wait3A, %dma_wait3A_61] : memref<320000x128xf32, #tpu.memory_space<hbm>> -> memref<40x128xf32, #tpu.memory_space<hbm>>
    %dma_wait3A_63 = arith.constant 0 : i32
    %dma_wait3A_64 = arith.constant 0 : i32
    %dma_wait3A_65 = tpu.memref_slice %arg2[%dma_wait3A_63, %dma_wait3A_64] : memref<320000x128xf32, #tpu.memory_space<hbm>> -> memref<40x128xf32, #tpu.memory_space<hbm>>
    tpu.wait_dma2 semaphore(%arg10 : memref<!tpu.dma_semaphore, #tpu.memory_space<semaphore_mem>>) src(%dma_wait3A_65 : memref<40x128xf32, #tpu.memory_space<hbm>>) dst(%arg7 : memref<40x128xf32, #tpu.memory_space<vmem>>)
    %dma_wait3A_66 = arith.constant 0 : i32
    %dma_wait3A_67 = arith.constant 0 : i32
    %dma_wait3A_68 = tpu.memref_slice %arg2[%dma_wait3A_66, %dma_wait3A_67] : memref<320000x128xf32, #tpu.memory_space<hbm>> -> memref<40x128xf32, #tpu.memory_space<hbm>>
    %dma_wait3A_69 = arith.constant 0 : i32
    %dma_wait3A_70 = arith.constant 0 : i32
    %dma_wait3A_71 = tpu.memref_slice %arg2[%dma_wait3A_69, %dma_wait3A_70] : memref<320000x128xf32, #tpu.memory_space<hbm>> -> memref<40x128xf32, #tpu.memory_space<hbm>>
    tpu.wait_dma2 semaphore(%arg11 : memref<!tpu.dma_semaphore, #tpu.memory_space<semaphore_mem>>) src(%dma_wait3A_71 : memref<40x128xf32, #tpu.memory_space<hbm>>) dst(%arg8 : memref<40x128xf32, #tpu.memory_space<vmem>>)
    %barrier3A_72 = arith.constant 0 : index
    tpu.barrier barrier_id(%barrier3A_72)
    %add3A_73 = arith.constant 0 : i32
    %add3A_74 = arith.addi %mul3A_6, %add3A_73 : i32
    "tpu.region"() ({
      %run_scoped3A = tpu.sem_alloc : memref<!tpu.dma_semaphore, #tpu.memory_space<semaphore_mem>>
      %dma_start3A_105 = arith.constant 0 : i32
      %dma_start3A_106 = tpu.memref_slice %arg9[%add3A_74, %dma_start3A_105] : memref<10240x128xf32, #tpu.memory_space<vmem_shared>> -> memref<40x128xf32, #tpu.memory_space<vmem_shared>>
      %dma_start3A_107 = arith.constant 0 : i32
      %dma_start3A_108 = tpu.memref_slice %arg9[%add3A_74, %dma_start3A_107] : memref<10240x128xf32, #tpu.memory_space<vmem_shared>> -> memref<40x128xf32, #tpu.memory_space<vmem_shared>>
      tpu.enqueue_dma source(%dma_start3A_108 : memref<40x128xf32, #tpu.memory_space<vmem_shared>>) target(%arg7 : memref<40x128xf32, #tpu.memory_space<vmem>>) target_semaphore(%run_scoped3A : memref<!tpu.dma_semaphore, #tpu.memory_space<semaphore_mem>>)
      %dma_wait3A_109 = arith.constant 0 : i32
      %dma_wait3A_110 = tpu.memref_slice %arg9[%add3A_74, %dma_wait3A_109] : memref<10240x128xf32, #tpu.memory_space<vmem_shared>> -> memref<40x128xf32, #tpu.memory_space<vmem_shared>>
      %dma_wait3A_111 = arith.constant 0 : i32
      %dma_wait3A_112 = tpu.memref_slice %arg9[%add3A_74, %dma_wait3A_111] : memref<10240x128xf32, #tpu.memory_space<vmem_shared>> -> memref<40x128xf32, #tpu.memory_space<vmem_shared>>
      tpu.wait_dma2 semaphore(%run_scoped3A : memref<!tpu.dma_semaphore, #tpu.memory_space<semaphore_mem>>) src(%dma_wait3A_112 : memref<40x128xf32, #tpu.memory_space<vmem_shared>>) dst(%arg7 : memref<40x128xf32, #tpu.memory_space<vmem>>)
      tpu.yield
    }) : () -> ()
    "tpu.region"() ({
      %run_scoped3A = tpu.sem_alloc : memref<!tpu.dma_semaphore, #tpu.memory_space<semaphore_mem>>
      %dma_start3A_105 = arith.constant 0 : i32
      %dma_start3A_106 = tpu.memref_slice %arg4[%arg0, %add3A_74, %dma_start3A_105] : memref<2x10240x128xf32, #tpu.memory_space<hbm>> -> memref<1x40x128xf32, #tpu.memory_space<hbm>>
      %dma_start3A_107 = tpu.memref_squeeze %dma_start3A_106 : memref<1x40x128xf32, #tpu.memory_space<hbm>> -> memref<40x128xf32, #tpu.memory_space<hbm>>
      %dma_start3A_108 = arith.constant 0 : i32
      %dma_start3A_109 = tpu.memref_slice %arg4[%arg0, %add3A_74, %dma_start3A_108] : memref<2x10240x128xf32, #tpu.memory_space<hbm>> -> memref<1x40x128xf32, #tpu.memory_space<hbm>>
      %dma_start3A_110 = tpu.memref_squeeze %dma_start3A_109 : memref<1x40x128xf32, #tpu.memory_space<hbm>> -> memref<40x128xf32, #tpu.memory_space<hbm>>
      tpu.enqueue_dma source(%arg7 : memref<40x128xf32, #tpu.memory_space<vmem>>) target(%dma_start3A_110 : memref<40x128xf32, #tpu.memory_space<hbm>>) target_semaphore(%run_scoped3A : memref<!tpu.dma_semaphore, #tpu.memory_space<semaphore_mem>>)
      %dma_wait3A_111 = arith.constant 0 : i32
      %dma_wait3A_112 = tpu.memref_slice %arg4[%arg0, %add3A_74, %dma_wait3A_111] : memref<2x10240x128xf32, #tpu.memory_space<hbm>> -> memref<1x40x128xf32, #tpu.memory_space<hbm>>
      %dma_wait3A_113 = tpu.memref_squeeze %dma_wait3A_112 : memref<1x40x128xf32, #tpu.memory_space<hbm>> -> memref<40x128xf32, #tpu.memory_space<hbm>>
      %dma_wait3A_114 = arith.constant 0 : i32
      %dma_wait3A_115 = tpu.memref_slice %arg4[%arg0, %add3A_74, %dma_wait3A_114] : memref<2x10240x128xf32, #tpu.memory_space<hbm>> -> memref<1x40x128xf32, #tpu.memory_space<hbm>>
      %dma_wait3A_116 = tpu.memref_squeeze %dma_wait3A_115 : memref<1x40x128xf32, #tpu.memory_space<hbm>> -> memref<40x128xf32, #tpu.memory_space<hbm>>
      tpu.wait_dma2 semaphore(%run_scoped3A : memref<!tpu.dma_semaphore, #tpu.memory_space<semaphore_mem>>) src(%arg7 : memref<40x128xf32, #tpu.memory_space<vmem>>) dst(%dma_wait3A_116 : memref<40x128xf32, #tpu.memory_space<hbm>>)
      tpu.yield
    }) : () -> ()
    %add3A_75 = arith.constant 40 : i32
    %add3A_76 = arith.addi %mul3A_6, %add3A_75 : i32
    "tpu.region"() ({
      %run_scoped3A = tpu.sem_alloc : memref<!tpu.dma_semaphore, #tpu.memory_space<semaphore_mem>>
      %dma_start3A_105 = arith.constant 0 : i32
      %dma_start3A_106 = tpu.memref_slice %arg9[%add3A_76, %dma_start3A_105] : memref<10240x128xf32, #tpu.memory_space<vmem_shared>> -> memref<40x128xf32, #tpu.memory_space<vmem_shared>>
      %dma_start3A_107 = arith.constant 0 : i32
      %dma_start3A_108 = tpu.memref_slice %arg9[%add3A_76, %dma_start3A_107] : memref<10240x128xf32, #tpu.memory_space<vmem_shared>> -> memref<40x128xf32, #tpu.memory_space<vmem_shared>>
      tpu.enqueue_dma source(%dma_start3A_108 : memref<40x128xf32, #tpu.memory_space<vmem_shared>>) target(%arg7 : memref<40x128xf32, #tpu.memory_space<vmem>>) target_semaphore(%run_scoped3A : memref<!tpu.dma_semaphore, #tpu.memory_space<semaphore_mem>>)
      %dma_wait3A_109 = arith.constant 0 : i32
      %dma_wait3A_110 = tpu.memref_slice %arg9[%add3A_76, %dma_wait3A_109] : memref<10240x128xf32, #tpu.memory_space<vmem_shared>> -> memref<40x128xf32, #tpu.memory_space<vmem_shared>>
      %dma_wait3A_111 = arith.constant 0 : i32
      %dma_wait3A_112 = tpu.memref_slice %arg9[%add3A_76, %dma_wait3A_111] : memref<10240x128xf32, #tpu.memory_space<vmem_shared>> -> memref<40x128xf32, #tpu.memory_space<vmem_shared>>
      tpu.wait_dma2 semaphore(%run_scoped3A : memref<!tpu.dma_semaphore, #tpu.memory_space<semaphore_mem>>) src(%dma_wait3A_112 : memref<40x128xf32, #tpu.memory_space<vmem_shared>>) dst(%arg7 : memref<40x128xf32, #tpu.memory_space<vmem>>)
      tpu.yield
    }) : () -> ()
    "tpu.region"() ({
      %run_scoped3A = tpu.sem_alloc : memref<!tpu.dma_semaphore, #tpu.memory_space<semaphore_mem>>
      %dma_start3A_105 = arith.constant 0 : i32
      %dma_start3A_106 = tpu.memref_slice %arg4[%arg0, %add3A_76, %dma_start3A_105] : memref<2x10240x128xf32, #tpu.memory_space<hbm>> -> memref<1x40x128xf32, #tpu.memory_space<hbm>>
      %dma_start3A_107 = tpu.memref_squeeze %dma_start3A_106 : memref<1x40x128xf32, #tpu.memory_space<hbm>> -> memref<40x128xf32, #tpu.memory_space<hbm>>
      %dma_start3A_108 = arith.constant 0 : i32
      %dma_start3A_109 = tpu.memref_slice %arg4[%arg0, %add3A_76, %dma_start3A_108] : memref<2x10240x128xf32, #tpu.memory_space<hbm>> -> memref<1x40x128xf32, #tpu.memory_space<hbm>>
      %dma_start3A_110 = tpu.memref_squeeze %dma_start3A_109 : memref<1x40x128xf32, #tpu.memory_space<hbm>> -> memref<40x128xf32, #tpu.memory_space<hbm>>
      tpu.enqueue_dma source(%arg7 : memref<40x128xf32, #tpu.memory_space<vmem>>) target(%dma_start3A_110 : memref<40x128xf32, #tpu.memory_space<hbm>>) target_semaphore(%run_scoped3A : memref<!tpu.dma_semaphore, #tpu.memory_space<semaphore_mem>>)
      %dma_wait3A_111 = arith.constant 0 : i32
      %dma_wait3A_112 = tpu.memref_slice %arg4[%arg0, %add3A_76, %dma_wait3A_111] : memref<2x10240x128xf32, #tpu.memory_space<hbm>> -> memref<1x40x128xf32, #tpu.memory_space<hbm>>
      %dma_wait3A_113 = tpu.memref_squeeze %dma_wait3A_112 : memref<1x40x128xf32, #tpu.memory_space<hbm>> -> memref<40x128xf32, #tpu.memory_space<hbm>>
      %dma_wait3A_114 = arith.constant 0 : i32
      %dma_wait3A_115 = tpu.memref_slice %arg4[%arg0, %add3A_76, %dma_wait3A_114] : memref<2x10240x128xf32, #tpu.memory_space<hbm>> -> memref<1x40x128xf32, #tpu.memory_space<hbm>>
      %dma_wait3A_116 = tpu.memref_squeeze %dma_wait3A_115 : memref<1x40x128xf32, #tpu.memory_space<hbm>> -> memref<40x128xf32, #tpu.memory_space<hbm>>
      tpu.wait_dma2 semaphore(%run_scoped3A : memref<!tpu.dma_semaphore, #tpu.memory_space<semaphore_mem>>) src(%arg7 : memref<40x128xf32, #tpu.memory_space<vmem>>) dst(%dma_wait3A_116 : memref<40x128xf32, #tpu.memory_space<hbm>>)
      tpu.yield
    }) : () -> ()
    %add3A_77 = arith.constant 80 : i32
    %add3A_78 = arith.addi %mul3A_6, %add3A_77 : i32
    "tpu.region"() ({
      %run_scoped3A = tpu.sem_alloc : memref<!tpu.dma_semaphore, #tpu.memory_space<semaphore_mem>>
      %dma_start3A_105 = arith.constant 0 : i32
      %dma_start3A_106 = tpu.memref_slice %arg9[%add3A_78, %dma_start3A_105] : memref<10240x128xf32, #tpu.memory_space<vmem_shared>> -> memref<40x128xf32, #tpu.memory_space<vmem_shared>>
      %dma_start3A_107 = arith.constant 0 : i32
      %dma_start3A_108 = tpu.memref_slice %arg9[%add3A_78, %dma_start3A_107] : memref<10240x128xf32, #tpu.memory_space<vmem_shared>> -> memref<40x128xf32, #tpu.memory_space<vmem_shared>>
      tpu.enqueue_dma source(%dma_start3A_108 : memref<40x128xf32, #tpu.memory_space<vmem_shared>>) target(%arg7 : memref<40x128xf32, #tpu.memory_space<vmem>>) target_semaphore(%run_scoped3A : memref<!tpu.dma_semaphore, #tpu.memory_space<semaphore_mem>>)
      %dma_wait3A_109 = arith.constant 0 : i32
      %dma_wait3A_110 = tpu.memref_slice %arg9[%add3A_78, %dma_wait3A_109] : memref<10240x128xf32, #tpu.memory_space<vmem_shared>> -> memref<40x128xf32, #tpu.memory_space<vmem_shared>>
      %dma_wait3A_111 = arith.constant 0 : i32
      %dma_wait3A_112 = tpu.memref_slice %arg9[%add3A_78, %dma_wait3A_111] : memref<10240x128xf32, #tpu.memory_space<vmem_shared>> -> memref<40x128xf32, #tpu.memory_space<vmem_shared>>
      tpu.wait_dma2 semaphore(%run_scoped3A : memref<!tpu.dma_semaphore, #tpu.memory_space<semaphore_mem>>) src(%dma_wait3A_112 : memref<40x128xf32, #tpu.memory_space<vmem_shared>>) dst(%arg7 : memref<40x128xf32, #tpu.memory_space<vmem>>)
      tpu.yield
    }) : () -> ()
    "tpu.region"() ({
      %run_scoped3A = tpu.sem_alloc : memref<!tpu.dma_semaphore, #tpu.memory_space<semaphore_mem>>
      %dma_start3A_105 = arith.constant 0 : i32
      %dma_start3A_106 = tpu.memref_slice %arg4[%arg0, %add3A_78, %dma_start3A_105] : memref<2x10240x128xf32, #tpu.memory_space<hbm>> -> memref<1x40x128xf32, #tpu.memory_space<hbm>>
      %dma_start3A_107 = tpu.memref_squeeze %dma_start3A_106 : memref<1x40x128xf32, #tpu.memory_space<hbm>> -> memref<40x128xf32, #tpu.memory_space<hbm>>
      %dma_start3A_108 = arith.constant 0 : i32
      %dma_start3A_109 = tpu.memref_slice %arg4[%arg0, %add3A_78, %dma_start3A_108] : memref<2x10240x128xf32, #tpu.memory_space<hbm>> -> memref<1x40x128xf32, #tpu.memory_space<hbm>>
      %dma_start3A_110 = tpu.memref_squeeze %dma_start3A_109 : memref<1x40x128xf32, #tpu.memory_space<hbm>> -> memref<40x128xf32, #tpu.memory_space<hbm>>
      tpu.enqueue_dma source(%arg7 : memref<40x128xf32, #tpu.memory_space<vmem>>) target(%dma_start3A_110 : memref<40x128xf32, #tpu.memory_space<hbm>>) target_semaphore(%run_scoped3A : memref<!tpu.dma_semaphore, #tpu.memory_space<semaphore_mem>>)
      %dma_wait3A_111 = arith.constant 0 : i32
      %dma_wait3A_112 = tpu.memref_slice %arg4[%arg0, %add3A_78, %dma_wait3A_111] : memref<2x10240x128xf32, #tpu.memory_space<hbm>> -> memref<1x40x128xf32, #tpu.memory_space<hbm>>
      %dma_wait3A_113 = tpu.memref_squeeze %dma_wait3A_112 : memref<1x40x128xf32, #tpu.memory_space<hbm>> -> memref<40x128xf32, #tpu.memory_space<hbm>>
      %dma_wait3A_114 = arith.constant 0 : i32
      %dma_wait3A_115 = tpu.memref_slice %arg4[%arg0, %add3A_78, %dma_wait3A_114] : memref<2x10240x128xf32, #tpu.memory_space<hbm>> -> memref<1x40x128xf32, #tpu.memory_space<hbm>>
      %dma_wait3A_116 = tpu.memref_squeeze %dma_wait3A_115 : memref<1x40x128xf32, #tpu.memory_space<hbm>> -> memref<40x128xf32, #tpu.memory_space<hbm>>
      tpu.wait_dma2 semaphore(%run_scoped3A : memref<!tpu.dma_semaphore, #tpu.memory_space<semaphore_mem>>) src(%arg7 : memref<40x128xf32, #tpu.memory_space<vmem>>) dst(%dma_wait3A_116 : memref<40x128xf32, #tpu.memory_space<hbm>>)
      tpu.yield
    }) : () -> ()
    %add3A_79 = arith.constant 120 : i32
    %add3A_80 = arith.addi %mul3A_6, %add3A_79 : i32
    "tpu.region"() ({
      %run_scoped3A = tpu.sem_alloc : memref<!tpu.dma_semaphore, #tpu.memory_space<semaphore_mem>>
      %dma_start3A_105 = arith.constant 0 : i32
      %dma_start3A_106 = tpu.memref_slice %arg9[%add3A_80, %dma_start3A_105] : memref<10240x128xf32, #tpu.memory_space<vmem_shared>> -> memref<40x128xf32, #tpu.memory_space<vmem_shared>>
      %dma_start3A_107 = arith.constant 0 : i32
      %dma_start3A_108 = tpu.memref_slice %arg9[%add3A_80, %dma_start3A_107] : memref<10240x128xf32, #tpu.memory_space<vmem_shared>> -> memref<40x128xf32, #tpu.memory_space<vmem_shared>>
      tpu.enqueue_dma source(%dma_start3A_108 : memref<40x128xf32, #tpu.memory_space<vmem_shared>>) target(%arg7 : memref<40x128xf32, #tpu.memory_space<vmem>>) target_semaphore(%run_scoped3A : memref<!tpu.dma_semaphore, #tpu.memory_space<semaphore_mem>>)
      %dma_wait3A_109 = arith.constant 0 : i32
      %dma_wait3A_110 = tpu.memref_slice %arg9[%add3A_80, %dma_wait3A_109] : memref<10240x128xf32, #tpu.memory_space<vmem_shared>> -> memref<40x128xf32, #tpu.memory_space<vmem_shared>>
      %dma_wait3A_111 = arith.constant 0 : i32
      %dma_wait3A_112 = tpu.memref_slice %arg9[%add3A_80, %dma_wait3A_111] : memref<10240x128xf32, #tpu.memory_space<vmem_shared>> -> memref<40x128xf32, #tpu.memory_space<vmem_shared>>
      tpu.wait_dma2 semaphore(%run_scoped3A : memref<!tpu.dma_semaphore, #tpu.memory_space<semaphore_mem>>) src(%dma_wait3A_112 : memref<40x128xf32, #tpu.memory_space<vmem_shared>>) dst(%arg7 : memref<40x128xf32, #tpu.memory_space<vmem>>)
      tpu.yield
    }) : () -> ()
    "tpu.region"() ({
      %run_scoped3A = tpu.sem_alloc : memref<!tpu.dma_semaphore, #tpu.memory_space<semaphore_mem>>
      %dma_start3A_105 = arith.constant 0 : i32
      %dma_start3A_106 = tpu.memref_slice %arg4[%arg0, %add3A_80, %dma_start3A_105] : memref<2x10240x128xf32, #tpu.memory_space<hbm>> -> memref<1x40x128xf32, #tpu.memory_space<hbm>>
      %dma_start3A_107 = tpu.memref_squeeze %dma_start3A_106 : memref<1x40x128xf32, #tpu.memory_space<hbm>> -> memref<40x128xf32, #tpu.memory_space<hbm>>
      %dma_start3A_108 = arith.constant 0 : i32
      %dma_start3A_109 = tpu.memref_slice %arg4[%arg0, %add3A_80, %dma_start3A_108] : memref<2x10240x128xf32, #tpu.memory_space<hbm>> -> memref<1x40x128xf32, #tpu.memory_space<hbm>>
      %dma_start3A_110 = tpu.memref_squeeze %dma_start3A_109 : memref<1x40x128xf32, #tpu.memory_space<hbm>> -> memref<40x128xf32, #tpu.memory_space<hbm>>
      tpu.enqueue_dma source(%arg7 : memref<40x128xf32, #tpu.memory_space<vmem>>) target(%dma_start3A_110 : memref<40x128xf32, #tpu.memory_space<hbm>>) target_semaphore(%run_scoped3A : memref<!tpu.dma_semaphore, #tpu.memory_space<semaphore_mem>>)
      %dma_wait3A_111 = arith.constant 0 : i32
      %dma_wait3A_112 = tpu.memref_slice %arg4[%arg0, %add3A_80, %dma_wait3A_111] : memref<2x10240x128xf32, #tpu.memory_space<hbm>> -> memref<1x40x128xf32, #tpu.memory_space<hbm>>
      %dma_wait3A_113 = tpu.memref_squeeze %dma_wait3A_112 : memref<1x40x128xf32, #tpu.memory_space<hbm>> -> memref<40x128xf32, #tpu.memory_space<hbm>>
      %dma_wait3A_114 = arith.constant 0 : i32
      %dma_wait3A_115 = tpu.memref_slice %arg4[%arg0, %add3A_80, %dma_wait3A_114] : memref<2x10240x128xf32, #tpu.memory_space<hbm>> -> memref<1x40x128xf32, #tpu.memory_space<hbm>>
      %dma_wait3A_116 = tpu.memref_squeeze %dma_wait3A_115 : memref<1x40x128xf32, #tpu.memory_space<hbm>> -> memref<40x128xf32, #tpu.memory_space<hbm>>
      tpu.wait_dma2 semaphore(%run_scoped3A : memref<!tpu.dma_semaphore, #tpu.memory_space<semaphore_mem>>) src(%arg7 : memref<40x128xf32, #tpu.memory_space<vmem>>) dst(%dma_wait3A_116 : memref<40x128xf32, #tpu.memory_space<hbm>>)
      tpu.yield
    }) : () -> ()
    %add3A_81 = arith.constant 160 : i32
    %add3A_82 = arith.addi %mul3A_6, %add3A_81 : i32
    "tpu.region"() ({
      %run_scoped3A = tpu.sem_alloc : memref<!tpu.dma_semaphore, #tpu.memory_space<semaphore_mem>>
      %dma_start3A_105 = arith.constant 0 : i32
      %dma_start3A_106 = tpu.memref_slice %arg9[%add3A_82, %dma_start3A_105] : memref<10240x128xf32, #tpu.memory_space<vmem_shared>> -> memref<40x128xf32, #tpu.memory_space<vmem_shared>>
      %dma_start3A_107 = arith.constant 0 : i32
      %dma_start3A_108 = tpu.memref_slice %arg9[%add3A_82, %dma_start3A_107] : memref<10240x128xf32, #tpu.memory_space<vmem_shared>> -> memref<40x128xf32, #tpu.memory_space<vmem_shared>>
      tpu.enqueue_dma source(%dma_start3A_108 : memref<40x128xf32, #tpu.memory_space<vmem_shared>>) target(%arg7 : memref<40x128xf32, #tpu.memory_space<vmem>>) target_semaphore(%run_scoped3A : memref<!tpu.dma_semaphore, #tpu.memory_space<semaphore_mem>>)
      %dma_wait3A_109 = arith.constant 0 : i32
      %dma_wait3A_110 = tpu.memref_slice %arg9[%add3A_82, %dma_wait3A_109] : memref<10240x128xf32, #tpu.memory_space<vmem_shared>> -> memref<40x128xf32, #tpu.memory_space<vmem_shared>>
      %dma_wait3A_111 = arith.constant 0 : i32
      %dma_wait3A_112 = tpu.memref_slice %arg9[%add3A_82, %dma_wait3A_111] : memref<10240x128xf32, #tpu.memory_space<vmem_shared>> -> memref<40x128xf32, #tpu.memory_space<vmem_shared>>
      tpu.wait_dma2 semaphore(%run_scoped3A : memref<!tpu.dma_semaphore, #tpu.memory_space<semaphore_mem>>) src(%dma_wait3A_112 : memref<40x128xf32, #tpu.memory_space<vmem_shared>>) dst(%arg7 : memref<40x128xf32, #tpu.memory_space<vmem>>)
      tpu.yield
    }) : () -> ()
    "tpu.region"() ({
      %run_scoped3A = tpu.sem_alloc : memref<!tpu.dma_semaphore, #tpu.memory_space<semaphore_mem>>
      %dma_start3A_105 = arith.constant 0 : i32
      %dma_start3A_106 = tpu.memref_slice %arg4[%arg0, %add3A_82, %dma_start3A_105] : memref<2x10240x128xf32, #tpu.memory_space<hbm>> -> memref<1x40x128xf32, #tpu.memory_space<hbm>>
      %dma_start3A_107 = tpu.memref_squeeze %dma_start3A_106 : memref<1x40x128xf32, #tpu.memory_space<hbm>> -> memref<40x128xf32, #tpu.memory_space<hbm>>
      %dma_start3A_108 = arith.constant 0 : i32
      %dma_start3A_109 = tpu.memref_slice %arg4[%arg0, %add3A_82, %dma_start3A_108] : memref<2x10240x128xf32, #tpu.memory_space<hbm>> -> memref<1x40x128xf32, #tpu.memory_space<hbm>>
      %dma_start3A_110 = tpu.memref_squeeze %dma_start3A_109 : memref<1x40x128xf32, #tpu.memory_space<hbm>> -> memref<40x128xf32, #tpu.memory_space<hbm>>
      tpu.enqueue_dma source(%arg7 : memref<40x128xf32, #tpu.memory_space<vmem>>) target(%dma_start3A_110 : memref<40x128xf32, #tpu.memory_space<hbm>>) target_semaphore(%run_scoped3A : memref<!tpu.dma_semaphore, #tpu.memory_space<semaphore_mem>>)
      %dma_wait3A_111 = arith.constant 0 : i32
      %dma_wait3A_112 = tpu.memref_slice %arg4[%arg0, %add3A_82, %dma_wait3A_111] : memref<2x10240x128xf32, #tpu.memory_space<hbm>> -> memref<1x40x128xf32, #tpu.memory_space<hbm>>
      %dma_wait3A_113 = tpu.memref_squeeze %dma_wait3A_112 : memref<1x40x128xf32, #tpu.memory_space<hbm>> -> memref<40x128xf32, #tpu.memory_space<hbm>>
      %dma_wait3A_114 = arith.constant 0 : i32
      %dma_wait3A_115 = tpu.memref_slice %arg4[%arg0, %add3A_82, %dma_wait3A_114] : memref<2x10240x128xf32, #tpu.memory_space<hbm>> -> memref<1x40x128xf32, #tpu.memory_space<hbm>>
      %dma_wait3A_116 = tpu.memref_squeeze %dma_wait3A_115 : memref<1x40x128xf32, #tpu.memory_space<hbm>> -> memref<40x128xf32, #tpu.memory_space<hbm>>
      tpu.wait_dma2 semaphore(%run_scoped3A : memref<!tpu.dma_semaphore, #tpu.memory_space<semaphore_mem>>) src(%arg7 : memref<40x128xf32, #tpu.memory_space<vmem>>) dst(%dma_wait3A_116 : memref<40x128xf32, #tpu.memory_space<hbm>>)
      tpu.yield
    }) : () -> ()
    %add3A_83 = arith.constant 200 : i32
    %add3A_84 = arith.addi %mul3A_6, %add3A_83 : i32
    "tpu.region"() ({
      %run_scoped3A = tpu.sem_alloc : memref<!tpu.dma_semaphore, #tpu.memory_space<semaphore_mem>>
      %dma_start3A_105 = arith.constant 0 : i32
      %dma_start3A_106 = tpu.memref_slice %arg9[%add3A_84, %dma_start3A_105] : memref<10240x128xf32, #tpu.memory_space<vmem_shared>> -> memref<40x128xf32, #tpu.memory_space<vmem_shared>>
      %dma_start3A_107 = arith.constant 0 : i32
      %dma_start3A_108 = tpu.memref_slice %arg9[%add3A_84, %dma_start3A_107] : memref<10240x128xf32, #tpu.memory_space<vmem_shared>> -> memref<40x128xf32, #tpu.memory_space<vmem_shared>>
      tpu.enqueue_dma source(%dma_start3A_108 : memref<40x128xf32, #tpu.memory_space<vmem_shared>>) target(%arg7 : memref<40x128xf32, #tpu.memory_space<vmem>>) target_semaphore(%run_scoped3A : memref<!tpu.dma_semaphore, #tpu.memory_space<semaphore_mem>>)
      %dma_wait3A_109 = arith.constant 0 : i32
      %dma_wait3A_110 = tpu.memref_slice %arg9[%add3A_84, %dma_wait3A_109] : memref<10240x128xf32, #tpu.memory_space<vmem_shared>> -> memref<40x128xf32, #tpu.memory_space<vmem_shared>>
      %dma_wait3A_111 = arith.constant 0 : i32
      %dma_wait3A_112 = tpu.memref_slice %arg9[%add3A_84, %dma_wait3A_111] : memref<10240x128xf32, #tpu.memory_space<vmem_shared>> -> memref<40x128xf32, #tpu.memory_space<vmem_shared>>
      tpu.wait_dma2 semaphore(%run_scoped3A : memref<!tpu.dma_semaphore, #tpu.memory_space<semaphore_mem>>) src(%dma_wait3A_112 : memref<40x128xf32, #tpu.memory_space<vmem_shared>>) dst(%arg7 : memref<40x128xf32, #tpu.memory_space<vmem>>)
      tpu.yield
    }) : () -> ()
    "tpu.region"() ({
      %run_scoped3A = tpu.sem_alloc : memref<!tpu.dma_semaphore, #tpu.memory_space<semaphore_mem>>
      %dma_start3A_105 = arith.constant 0 : i32
      %dma_start3A_106 = tpu.memref_slice %arg4[%arg0, %add3A_84, %dma_start3A_105] : memref<2x10240x128xf32, #tpu.memory_space<hbm>> -> memref<1x40x128xf32, #tpu.memory_space<hbm>>
      %dma_start3A_107 = tpu.memref_squeeze %dma_start3A_106 : memref<1x40x128xf32, #tpu.memory_space<hbm>> -> memref<40x128xf32, #tpu.memory_space<hbm>>
      %dma_start3A_108 = arith.constant 0 : i32
      %dma_start3A_109 = tpu.memref_slice %arg4[%arg0, %add3A_84, %dma_start3A_108] : memref<2x10240x128xf32, #tpu.memory_space<hbm>> -> memref<1x40x128xf32, #tpu.memory_space<hbm>>
      %dma_start3A_110 = tpu.memref_squeeze %dma_start3A_109 : memref<1x40x128xf32, #tpu.memory_space<hbm>> -> memref<40x128xf32, #tpu.memory_space<hbm>>
      tpu.enqueue_dma source(%arg7 : memref<40x128xf32, #tpu.memory_space<vmem>>) target(%dma_start3A_110 : memref<40x128xf32, #tpu.memory_space<hbm>>) target_semaphore(%run_scoped3A : memref<!tpu.dma_semaphore, #tpu.memory_space<semaphore_mem>>)
      %dma_wait3A_111 = arith.constant 0 : i32
      %dma_wait3A_112 = tpu.memref_slice %arg4[%arg0, %add3A_84, %dma_wait3A_111] : memref<2x10240x128xf32, #tpu.memory_space<hbm>> -> memref<1x40x128xf32, #tpu.memory_space<hbm>>
      %dma_wait3A_113 = tpu.memref_squeeze %dma_wait3A_112 : memref<1x40x128xf32, #tpu.memory_space<hbm>> -> memref<40x128xf32, #tpu.memory_space<hbm>>
      %dma_wait3A_114 = arith.constant 0 : i32
      %dma_wait3A_115 = tpu.memref_slice %arg4[%arg0, %add3A_84, %dma_wait3A_114] : memref<2x10240x128xf32, #tpu.memory_space<hbm>> -> memref<1x40x128xf32, #tpu.memory_space<hbm>>
      %dma_wait3A_116 = tpu.memref_squeeze %dma_wait3A_115 : memref<1x40x128xf32, #tpu.memory_space<hbm>> -> memref<40x128xf32, #tpu.memory_space<hbm>>
      tpu.wait_dma2 semaphore(%run_scoped3A : memref<!tpu.dma_semaphore, #tpu.memory_space<semaphore_mem>>) src(%arg7 : memref<40x128xf32, #tpu.memory_space<vmem>>) dst(%dma_wait3A_116 : memref<40x128xf32, #tpu.memory_space<hbm>>)
      tpu.yield
    }) : () -> ()
    %add3A_85 = arith.constant 240 : i32
    %add3A_86 = arith.addi %mul3A_6, %add3A_85 : i32
    "tpu.region"() ({
      %run_scoped3A = tpu.sem_alloc : memref<!tpu.dma_semaphore, #tpu.memory_space<semaphore_mem>>
      %dma_start3A_105 = arith.constant 0 : i32
      %dma_start3A_106 = tpu.memref_slice %arg9[%add3A_86, %dma_start3A_105] : memref<10240x128xf32, #tpu.memory_space<vmem_shared>> -> memref<40x128xf32, #tpu.memory_space<vmem_shared>>
      %dma_start3A_107 = arith.constant 0 : i32
      %dma_start3A_108 = tpu.memref_slice %arg9[%add3A_86, %dma_start3A_107] : memref<10240x128xf32, #tpu.memory_space<vmem_shared>> -> memref<40x128xf32, #tpu.memory_space<vmem_shared>>
      tpu.enqueue_dma source(%dma_start3A_108 : memref<40x128xf32, #tpu.memory_space<vmem_shared>>) target(%arg7 : memref<40x128xf32, #tpu.memory_space<vmem>>) target_semaphore(%run_scoped3A : memref<!tpu.dma_semaphore, #tpu.memory_space<semaphore_mem>>)
      %dma_wait3A_109 = arith.constant 0 : i32
      %dma_wait3A_110 = tpu.memref_slice %arg9[%add3A_86, %dma_wait3A_109] : memref<10240x128xf32, #tpu.memory_space<vmem_shared>> -> memref<40x128xf32, #tpu.memory_space<vmem_shared>>
      %dma_wait3A_111 = arith.constant 0 : i32
      %dma_wait3A_112 = tpu.memref_slice %arg9[%add3A_86, %dma_wait3A_111] : memref<10240x128xf32, #tpu.memory_space<vmem_shared>> -> memref<40x128xf32, #tpu.memory_space<vmem_shared>>
      tpu.wait_dma2 semaphore(%run_scoped3A : memref<!tpu.dma_semaphore, #tpu.memory_space<semaphore_mem>>) src(%dma_wait3A_112 : memref<40x128xf32, #tpu.memory_space<vmem_shared>>) dst(%arg7 : memref<40x128xf32, #tpu.memory_space<vmem>>)
      tpu.yield
    }) : () -> ()
    "tpu.region"() ({
      %run_scoped3A = tpu.sem_alloc : memref<!tpu.dma_semaphore, #tpu.memory_space<semaphore_mem>>
      %dma_start3A_105 = arith.constant 0 : i32
      %dma_start3A_106 = tpu.memref_slice %arg4[%arg0, %add3A_86, %dma_start3A_105] : memref<2x10240x128xf32, #tpu.memory_space<hbm>> -> memref<1x40x128xf32, #tpu.memory_space<hbm>>
      %dma_start3A_107 = tpu.memref_squeeze %dma_start3A_106 : memref<1x40x128xf32, #tpu.memory_space<hbm>> -> memref<40x128xf32, #tpu.memory_space<hbm>>
      %dma_start3A_108 = arith.constant 0 : i32
      %dma_start3A_109 = tpu.memref_slice %arg4[%arg0, %add3A_86, %dma_start3A_108] : memref<2x10240x128xf32, #tpu.memory_space<hbm>> -> memref<1x40x128xf32, #tpu.memory_space<hbm>>
      %dma_start3A_110 = tpu.memref_squeeze %dma_start3A_109 : memref<1x40x128xf32, #tpu.memory_space<hbm>> -> memref<40x128xf32, #tpu.memory_space<hbm>>
      tpu.enqueue_dma source(%arg7 : memref<40x128xf32, #tpu.memory_space<vmem>>) target(%dma_start3A_110 : memref<40x128xf32, #tpu.memory_space<hbm>>) target_semaphore(%run_scoped3A : memref<!tpu.dma_semaphore, #tpu.memory_space<semaphore_mem>>)
      %dma_wait3A_111 = arith.constant 0 : i32
      %dma_wait3A_112 = tpu.memref_slice %arg4[%arg0, %add3A_86, %dma_wait3A_111] : memref<2x10240x128xf32, #tpu.memory_space<hbm>> -> memref<1x40x128xf32, #tpu.memory_space<hbm>>
      %dma_wait3A_113 = tpu.memref_squeeze %dma_wait3A_112 : memref<1x40x128xf32, #tpu.memory_space<hbm>> -> memref<40x128xf32, #tpu.memory_space<hbm>>
      %dma_wait3A_114 = arith.constant 0 : i32
      %dma_wait3A_115 = tpu.memref_slice %arg4[%arg0, %add3A_86, %dma_wait3A_114] : memref<2x10240x128xf32, #tpu.memory_space<hbm>> -> memref<1x40x128xf32, #tpu.memory_space<hbm>>
      %dma_wait3A_116 = tpu.memref_squeeze %dma_wait3A_115 : memref<1x40x128xf32, #tpu.memory_space<hbm>> -> memref<40x128xf32, #tpu.memory_space<hbm>>
      tpu.wait_dma2 semaphore(%run_scoped3A : memref<!tpu.dma_semaphore, #tpu.memory_space<semaphore_mem>>) src(%arg7 : memref<40x128xf32, #tpu.memory_space<vmem>>) dst(%dma_wait3A_116 : memref<40x128xf32, #tpu.memory_space<hbm>>)
      tpu.yield
    }) : () -> ()
    %add3A_87 = arith.constant 280 : i32
    %add3A_88 = arith.addi %mul3A_6, %add3A_87 : i32
    "tpu.region"() ({
      %run_scoped3A = tpu.sem_alloc : memref<!tpu.dma_semaphore, #tpu.memory_space<semaphore_mem>>
      %dma_start3A_105 = arith.constant 0 : i32
      %dma_start3A_106 = tpu.memref_slice %arg9[%add3A_88, %dma_start3A_105] : memref<10240x128xf32, #tpu.memory_space<vmem_shared>> -> memref<40x128xf32, #tpu.memory_space<vmem_shared>>
      %dma_start3A_107 = arith.constant 0 : i32
      %dma_start3A_108 = tpu.memref_slice %arg9[%add3A_88, %dma_start3A_107] : memref<10240x128xf32, #tpu.memory_space<vmem_shared>> -> memref<40x128xf32, #tpu.memory_space<vmem_shared>>
      tpu.enqueue_dma source(%dma_start3A_108 : memref<40x128xf32, #tpu.memory_space<vmem_shared>>) target(%arg7 : memref<40x128xf32, #tpu.memory_space<vmem>>) target_semaphore(%run_scoped3A : memref<!tpu.dma_semaphore, #tpu.memory_space<semaphore_mem>>)
      %dma_wait3A_109 = arith.constant 0 : i32
      %dma_wait3A_110 = tpu.memref_slice %arg9[%add3A_88, %dma_wait3A_109] : memref<10240x128xf32, #tpu.memory_space<vmem_shared>> -> memref<40x128xf32, #tpu.memory_space<vmem_shared>>
      %dma_wait3A_111 = arith.constant 0 : i32
      %dma_wait3A_112 = tpu.memref_slice %arg9[%add3A_88, %dma_wait3A_111] : memref<10240x128xf32, #tpu.memory_space<vmem_shared>> -> memref<40x128xf32, #tpu.memory_space<vmem_shared>>
      tpu.wait_dma2 semaphore(%run_scoped3A : memref<!tpu.dma_semaphore, #tpu.memory_space<semaphore_mem>>) src(%dma_wait3A_112 : memref<40x128xf32, #tpu.memory_space<vmem_shared>>) dst(%arg7 : memref<40x128xf32, #tpu.memory_space<vmem>>)
      tpu.yield
    }) : () -> ()
    "tpu.region"() ({
      %run_scoped3A = tpu.sem_alloc : memref<!tpu.dma_semaphore, #tpu.memory_space<semaphore_mem>>
      %dma_start3A_105 = arith.constant 0 : i32
      %dma_start3A_106 = tpu.memref_slice %arg4[%arg0, %add3A_88, %dma_start3A_105] : memref<2x10240x128xf32, #tpu.memory_space<hbm>> -> memref<1x40x128xf32, #tpu.memory_space<hbm>>
      %dma_start3A_107 = tpu.memref_squeeze %dma_start3A_106 : memref<1x40x128xf32, #tpu.memory_space<hbm>> -> memref<40x128xf32, #tpu.memory_space<hbm>>
      %dma_start3A_108 = arith.constant 0 : i32
      %dma_start3A_109 = tpu.memref_slice %arg4[%arg0, %add3A_88, %dma_start3A_108] : memref<2x10240x128xf32, #tpu.memory_space<hbm>> -> memref<1x40x128xf32, #tpu.memory_space<hbm>>
      %dma_start3A_110 = tpu.memref_squeeze %dma_start3A_109 : memref<1x40x128xf32, #tpu.memory_space<hbm>> -> memref<40x128xf32, #tpu.memory_space<hbm>>
      tpu.enqueue_dma source(%arg7 : memref<40x128xf32, #tpu.memory_space<vmem>>) target(%dma_start3A_110 : memref<40x128xf32, #tpu.memory_space<hbm>>) target_semaphore(%run_scoped3A : memref<!tpu.dma_semaphore, #tpu.memory_space<semaphore_mem>>)
      %dma_wait3A_111 = arith.constant 0 : i32
      %dma_wait3A_112 = tpu.memref_slice %arg4[%arg0, %add3A_88, %dma_wait3A_111] : memref<2x10240x128xf32, #tpu.memory_space<hbm>> -> memref<1x40x128xf32, #tpu.memory_space<hbm>>
      %dma_wait3A_113 = tpu.memref_squeeze %dma_wait3A_112 : memref<1x40x128xf32, #tpu.memory_space<hbm>> -> memref<40x128xf32, #tpu.memory_space<hbm>>
      %dma_wait3A_114 = arith.constant 0 : i32
      %dma_wait3A_115 = tpu.memref_slice %arg4[%arg0, %add3A_88, %dma_wait3A_114] : memref<2x10240x128xf32, #tpu.memory_space<hbm>> -> memref<1x40x128xf32, #tpu.memory_space<hbm>>
      %dma_wait3A_116 = tpu.memref_squeeze %dma_wait3A_115 : memref<1x40x128xf32, #tpu.memory_space<hbm>> -> memref<40x128xf32, #tpu.memory_space<hbm>>
      tpu.wait_dma2 semaphore(%run_scoped3A : memref<!tpu.dma_semaphore, #tpu.memory_space<semaphore_mem>>) src(%arg7 : memref<40x128xf32, #tpu.memory_space<vmem>>) dst(%dma_wait3A_116 : memref<40x128xf32, #tpu.memory_space<hbm>>)
      tpu.yield
    }) : () -> ()
    %add3A_89 = arith.constant 320 : i32
    %add3A_90 = arith.addi %mul3A_6, %add3A_89 : i32
    "tpu.region"() ({
      %run_scoped3A = tpu.sem_alloc : memref<!tpu.dma_semaphore, #tpu.memory_space<semaphore_mem>>
      %dma_start3A_105 = arith.constant 0 : i32
      %dma_start3A_106 = tpu.memref_slice %arg9[%add3A_90, %dma_start3A_105] : memref<10240x128xf32, #tpu.memory_space<vmem_shared>> -> memref<40x128xf32, #tpu.memory_space<vmem_shared>>
      %dma_start3A_107 = arith.constant 0 : i32
      %dma_start3A_108 = tpu.memref_slice %arg9[%add3A_90, %dma_start3A_107] : memref<10240x128xf32, #tpu.memory_space<vmem_shared>> -> memref<40x128xf32, #tpu.memory_space<vmem_shared>>
      tpu.enqueue_dma source(%dma_start3A_108 : memref<40x128xf32, #tpu.memory_space<vmem_shared>>) target(%arg7 : memref<40x128xf32, #tpu.memory_space<vmem>>) target_semaphore(%run_scoped3A : memref<!tpu.dma_semaphore, #tpu.memory_space<semaphore_mem>>)
      %dma_wait3A_109 = arith.constant 0 : i32
      %dma_wait3A_110 = tpu.memref_slice %arg9[%add3A_90, %dma_wait3A_109] : memref<10240x128xf32, #tpu.memory_space<vmem_shared>> -> memref<40x128xf32, #tpu.memory_space<vmem_shared>>
      %dma_wait3A_111 = arith.constant 0 : i32
      %dma_wait3A_112 = tpu.memref_slice %arg9[%add3A_90, %dma_wait3A_111] : memref<10240x128xf32, #tpu.memory_space<vmem_shared>> -> memref<40x128xf32, #tpu.memory_space<vmem_shared>>
      tpu.wait_dma2 semaphore(%run_scoped3A : memref<!tpu.dma_semaphore, #tpu.memory_space<semaphore_mem>>) src(%dma_wait3A_112 : memref<40x128xf32, #tpu.memory_space<vmem_shared>>) dst(%arg7 : memref<40x128xf32, #tpu.memory_space<vmem>>)
      tpu.yield
    }) : () -> ()
    "tpu.region"() ({
      %run_scoped3A = tpu.sem_alloc : memref<!tpu.dma_semaphore, #tpu.memory_space<semaphore_mem>>
      %dma_start3A_105 = arith.constant 0 : i32
      %dma_start3A_106 = tpu.memref_slice %arg4[%arg0, %add3A_90, %dma_start3A_105] : memref<2x10240x128xf32, #tpu.memory_space<hbm>> -> memref<1x40x128xf32, #tpu.memory_space<hbm>>
      %dma_start3A_107 = tpu.memref_squeeze %dma_start3A_106 : memref<1x40x128xf32, #tpu.memory_space<hbm>> -> memref<40x128xf32, #tpu.memory_space<hbm>>
      %dma_start3A_108 = arith.constant 0 : i32
      %dma_start3A_109 = tpu.memref_slice %arg4[%arg0, %add3A_90, %dma_start3A_108] : memref<2x10240x128xf32, #tpu.memory_space<hbm>> -> memref<1x40x128xf32, #tpu.memory_space<hbm>>
      %dma_start3A_110 = tpu.memref_squeeze %dma_start3A_109 : memref<1x40x128xf32, #tpu.memory_space<hbm>> -> memref<40x128xf32, #tpu.memory_space<hbm>>
      tpu.enqueue_dma source(%arg7 : memref<40x128xf32, #tpu.memory_space<vmem>>) target(%dma_start3A_110 : memref<40x128xf32, #tpu.memory_space<hbm>>) target_semaphore(%run_scoped3A : memref<!tpu.dma_semaphore, #tpu.memory_space<semaphore_mem>>)
      %dma_wait3A_111 = arith.constant 0 : i32
      %dma_wait3A_112 = tpu.memref_slice %arg4[%arg0, %add3A_90, %dma_wait3A_111] : memref<2x10240x128xf32, #tpu.memory_space<hbm>> -> memref<1x40x128xf32, #tpu.memory_space<hbm>>
      %dma_wait3A_113 = tpu.memref_squeeze %dma_wait3A_112 : memref<1x40x128xf32, #tpu.memory_space<hbm>> -> memref<40x128xf32, #tpu.memory_space<hbm>>
      %dma_wait3A_114 = arith.constant 0 : i32
      %dma_wait3A_115 = tpu.memref_slice %arg4[%arg0, %add3A_90, %dma_wait3A_114] : memref<2x10240x128xf32, #tpu.memory_space<hbm>> -> memref<1x40x128xf32, #tpu.memory_space<hbm>>
      %dma_wait3A_116 = tpu.memref_squeeze %dma_wait3A_115 : memref<1x40x128xf32, #tpu.memory_space<hbm>> -> memref<40x128xf32, #tpu.memory_space<hbm>>
      tpu.wait_dma2 semaphore(%run_scoped3A : memref<!tpu.dma_semaphore, #tpu.memory_space<semaphore_mem>>) src(%arg7 : memref<40x128xf32, #tpu.memory_space<vmem>>) dst(%dma_wait3A_116 : memref<40x128xf32, #tpu.memory_space<hbm>>)
      tpu.yield
    }) : () -> ()
    %add3A_91 = arith.constant 360 : i32
    %add3A_92 = arith.addi %mul3A_6, %add3A_91 : i32
    "tpu.region"() ({
      %run_scoped3A = tpu.sem_alloc : memref<!tpu.dma_semaphore, #tpu.memory_space<semaphore_mem>>
      %dma_start3A_105 = arith.constant 0 : i32
      %dma_start3A_106 = tpu.memref_slice %arg9[%add3A_92, %dma_start3A_105] : memref<10240x128xf32, #tpu.memory_space<vmem_shared>> -> memref<40x128xf32, #tpu.memory_space<vmem_shared>>
      %dma_start3A_107 = arith.constant 0 : i32
      %dma_start3A_108 = tpu.memref_slice %arg9[%add3A_92, %dma_start3A_107] : memref<10240x128xf32, #tpu.memory_space<vmem_shared>> -> memref<40x128xf32, #tpu.memory_space<vmem_shared>>
      tpu.enqueue_dma source(%dma_start3A_108 : memref<40x128xf32, #tpu.memory_space<vmem_shared>>) target(%arg7 : memref<40x128xf32, #tpu.memory_space<vmem>>) target_semaphore(%run_scoped3A : memref<!tpu.dma_semaphore, #tpu.memory_space<semaphore_mem>>)
      %dma_wait3A_109 = arith.constant 0 : i32
      %dma_wait3A_110 = tpu.memref_slice %arg9[%add3A_92, %dma_wait3A_109] : memref<10240x128xf32, #tpu.memory_space<vmem_shared>> -> memref<40x128xf32, #tpu.memory_space<vmem_shared>>
      %dma_wait3A_111 = arith.constant 0 : i32
      %dma_wait3A_112 = tpu.memref_slice %arg9[%add3A_92, %dma_wait3A_111] : memref<10240x128xf32, #tpu.memory_space<vmem_shared>> -> memref<40x128xf32, #tpu.memory_space<vmem_shared>>
      tpu.wait_dma2 semaphore(%run_scoped3A : memref<!tpu.dma_semaphore, #tpu.memory_space<semaphore_mem>>) src(%dma_wait3A_112 : memref<40x128xf32, #tpu.memory_space<vmem_shared>>) dst(%arg7 : memref<40x128xf32, #tpu.memory_space<vmem>>)
      tpu.yield
    }) : () -> ()
    "tpu.region"() ({
      %run_scoped3A = tpu.sem_alloc : memref<!tpu.dma_semaphore, #tpu.memory_space<semaphore_mem>>
      %dma_start3A_105 = arith.constant 0 : i32
      %dma_start3A_106 = tpu.memref_slice %arg4[%arg0, %add3A_92, %dma_start3A_105] : memref<2x10240x128xf32, #tpu.memory_space<hbm>> -> memref<1x40x128xf32, #tpu.memory_space<hbm>>
      %dma_start3A_107 = tpu.memref_squeeze %dma_start3A_106 : memref<1x40x128xf32, #tpu.memory_space<hbm>> -> memref<40x128xf32, #tpu.memory_space<hbm>>
      %dma_start3A_108 = arith.constant 0 : i32
      %dma_start3A_109 = tpu.memref_slice %arg4[%arg0, %add3A_92, %dma_start3A_108] : memref<2x10240x128xf32, #tpu.memory_space<hbm>> -> memref<1x40x128xf32, #tpu.memory_space<hbm>>
      %dma_start3A_110 = tpu.memref_squeeze %dma_start3A_109 : memref<1x40x128xf32, #tpu.memory_space<hbm>> -> memref<40x128xf32, #tpu.memory_space<hbm>>
      tpu.enqueue_dma source(%arg7 : memref<40x128xf32, #tpu.memory_space<vmem>>) target(%dma_start3A_110 : memref<40x128xf32, #tpu.memory_space<hbm>>) target_semaphore(%run_scoped3A : memref<!tpu.dma_semaphore, #tpu.memory_space<semaphore_mem>>)
      %dma_wait3A_111 = arith.constant 0 : i32
      %dma_wait3A_112 = tpu.memref_slice %arg4[%arg0, %add3A_92, %dma_wait3A_111] : memref<2x10240x128xf32, #tpu.memory_space<hbm>> -> memref<1x40x128xf32, #tpu.memory_space<hbm>>
      %dma_wait3A_113 = tpu.memref_squeeze %dma_wait3A_112 : memref<1x40x128xf32, #tpu.memory_space<hbm>> -> memref<40x128xf32, #tpu.memory_space<hbm>>
      %dma_wait3A_114 = arith.constant 0 : i32
      %dma_wait3A_115 = tpu.memref_slice %arg4[%arg0, %add3A_92, %dma_wait3A_114] : memref<2x10240x128xf32, #tpu.memory_space<hbm>> -> memref<1x40x128xf32, #tpu.memory_space<hbm>>
      %dma_wait3A_116 = tpu.memref_squeeze %dma_wait3A_115 : memref<1x40x128xf32, #tpu.memory_space<hbm>> -> memref<40x128xf32, #tpu.memory_space<hbm>>
      tpu.wait_dma2 semaphore(%run_scoped3A : memref<!tpu.dma_semaphore, #tpu.memory_space<semaphore_mem>>) src(%arg7 : memref<40x128xf32, #tpu.memory_space<vmem>>) dst(%dma_wait3A_116 : memref<40x128xf32, #tpu.memory_space<hbm>>)
      tpu.yield
    }) : () -> ()
    %add3A_93 = arith.constant 400 : i32
    %add3A_94 = arith.addi %mul3A_6, %add3A_93 : i32
    "tpu.region"() ({
      %run_scoped3A = tpu.sem_alloc : memref<!tpu.dma_semaphore, #tpu.memory_space<semaphore_mem>>
      %dma_start3A_105 = arith.constant 0 : i32
      %dma_start3A_106 = tpu.memref_slice %arg9[%add3A_94, %dma_start3A_105] : memref<10240x128xf32, #tpu.memory_space<vmem_shared>> -> memref<40x128xf32, #tpu.memory_space<vmem_shared>>
      %dma_start3A_107 = arith.constant 0 : i32
      %dma_start3A_108 = tpu.memref_slice %arg9[%add3A_94, %dma_start3A_107] : memref<10240x128xf32, #tpu.memory_space<vmem_shared>> -> memref<40x128xf32, #tpu.memory_space<vmem_shared>>
      tpu.enqueue_dma source(%dma_start3A_108 : memref<40x128xf32, #tpu.memory_space<vmem_shared>>) target(%arg7 : memref<40x128xf32, #tpu.memory_space<vmem>>) target_semaphore(%run_scoped3A : memref<!tpu.dma_semaphore, #tpu.memory_space<semaphore_mem>>)
      %dma_wait3A_109 = arith.constant 0 : i32
      %dma_wait3A_110 = tpu.memref_slice %arg9[%add3A_94, %dma_wait3A_109] : memref<10240x128xf32, #tpu.memory_space<vmem_shared>> -> memref<40x128xf32, #tpu.memory_space<vmem_shared>>
      %dma_wait3A_111 = arith.constant 0 : i32
      %dma_wait3A_112 = tpu.memref_slice %arg9[%add3A_94, %dma_wait3A_111] : memref<10240x128xf32, #tpu.memory_space<vmem_shared>> -> memref<40x128xf32, #tpu.memory_space<vmem_shared>>
      tpu.wait_dma2 semaphore(%run_scoped3A : memref<!tpu.dma_semaphore, #tpu.memory_space<semaphore_mem>>) src(%dma_wait3A_112 : memref<40x128xf32, #tpu.memory_space<vmem_shared>>) dst(%arg7 : memref<40x128xf32, #tpu.memory_space<vmem>>)
      tpu.yield
    }) : () -> ()
    "tpu.region"() ({
      %run_scoped3A = tpu.sem_alloc : memref<!tpu.dma_semaphore, #tpu.memory_space<semaphore_mem>>
      %dma_start3A_105 = arith.constant 0 : i32
      %dma_start3A_106 = tpu.memref_slice %arg4[%arg0, %add3A_94, %dma_start3A_105] : memref<2x10240x128xf32, #tpu.memory_space<hbm>> -> memref<1x40x128xf32, #tpu.memory_space<hbm>>
      %dma_start3A_107 = tpu.memref_squeeze %dma_start3A_106 : memref<1x40x128xf32, #tpu.memory_space<hbm>> -> memref<40x128xf32, #tpu.memory_space<hbm>>
      %dma_start3A_108 = arith.constant 0 : i32
      %dma_start3A_109 = tpu.memref_slice %arg4[%arg0, %add3A_94, %dma_start3A_108] : memref<2x10240x128xf32, #tpu.memory_space<hbm>> -> memref<1x40x128xf32, #tpu.memory_space<hbm>>
      %dma_start3A_110 = tpu.memref_squeeze %dma_start3A_109 : memref<1x40x128xf32, #tpu.memory_space<hbm>> -> memref<40x128xf32, #tpu.memory_space<hbm>>
      tpu.enqueue_dma source(%arg7 : memref<40x128xf32, #tpu.memory_space<vmem>>) target(%dma_start3A_110 : memref<40x128xf32, #tpu.memory_space<hbm>>) target_semaphore(%run_scoped3A : memref<!tpu.dma_semaphore, #tpu.memory_space<semaphore_mem>>)
      %dma_wait3A_111 = arith.constant 0 : i32
      %dma_wait3A_112 = tpu.memref_slice %arg4[%arg0, %add3A_94, %dma_wait3A_111] : memref<2x10240x128xf32, #tpu.memory_space<hbm>> -> memref<1x40x128xf32, #tpu.memory_space<hbm>>
      %dma_wait3A_113 = tpu.memref_squeeze %dma_wait3A_112 : memref<1x40x128xf32, #tpu.memory_space<hbm>> -> memref<40x128xf32, #tpu.memory_space<hbm>>
      %dma_wait3A_114 = arith.constant 0 : i32
      %dma_wait3A_115 = tpu.memref_slice %arg4[%arg0, %add3A_94, %dma_wait3A_114] : memref<2x10240x128xf32, #tpu.memory_space<hbm>> -> memref<1x40x128xf32, #tpu.memory_space<hbm>>
      %dma_wait3A_116 = tpu.memref_squeeze %dma_wait3A_115 : memref<1x40x128xf32, #tpu.memory_space<hbm>> -> memref<40x128xf32, #tpu.memory_space<hbm>>
      tpu.wait_dma2 semaphore(%run_scoped3A : memref<!tpu.dma_semaphore, #tpu.memory_space<semaphore_mem>>) src(%arg7 : memref<40x128xf32, #tpu.memory_space<vmem>>) dst(%dma_wait3A_116 : memref<40x128xf32, #tpu.memory_space<hbm>>)
      tpu.yield
    }) : () -> ()
    %add3A_95 = arith.constant 440 : i32
    %add3A_96 = arith.addi %mul3A_6, %add3A_95 : i32
    "tpu.region"() ({
      %run_scoped3A = tpu.sem_alloc : memref<!tpu.dma_semaphore, #tpu.memory_space<semaphore_mem>>
      %dma_start3A_105 = arith.constant 0 : i32
      %dma_start3A_106 = tpu.memref_slice %arg9[%add3A_96, %dma_start3A_105] : memref<10240x128xf32, #tpu.memory_space<vmem_shared>> -> memref<40x128xf32, #tpu.memory_space<vmem_shared>>
      %dma_start3A_107 = arith.constant 0 : i32
      %dma_start3A_108 = tpu.memref_slice %arg9[%add3A_96, %dma_start3A_107] : memref<10240x128xf32, #tpu.memory_space<vmem_shared>> -> memref<40x128xf32, #tpu.memory_space<vmem_shared>>
      tpu.enqueue_dma source(%dma_start3A_108 : memref<40x128xf32, #tpu.memory_space<vmem_shared>>) target(%arg7 : memref<40x128xf32, #tpu.memory_space<vmem>>) target_semaphore(%run_scoped3A : memref<!tpu.dma_semaphore, #tpu.memory_space<semaphore_mem>>)
      %dma_wait3A_109 = arith.constant 0 : i32
      %dma_wait3A_110 = tpu.memref_slice %arg9[%add3A_96, %dma_wait3A_109] : memref<10240x128xf32, #tpu.memory_space<vmem_shared>> -> memref<40x128xf32, #tpu.memory_space<vmem_shared>>
      %dma_wait3A_111 = arith.constant 0 : i32
      %dma_wait3A_112 = tpu.memref_slice %arg9[%add3A_96, %dma_wait3A_111] : memref<10240x128xf32, #tpu.memory_space<vmem_shared>> -> memref<40x128xf32, #tpu.memory_space<vmem_shared>>
      tpu.wait_dma2 semaphore(%run_scoped3A : memref<!tpu.dma_semaphore, #tpu.memory_space<semaphore_mem>>) src(%dma_wait3A_112 : memref<40x128xf32, #tpu.memory_space<vmem_shared>>) dst(%arg7 : memref<40x128xf32, #tpu.memory_space<vmem>>)
      tpu.yield
    }) : () -> ()
    "tpu.region"() ({
      %run_scoped3A = tpu.sem_alloc : memref<!tpu.dma_semaphore, #tpu.memory_space<semaphore_mem>>
      %dma_start3A_105 = arith.constant 0 : i32
      %dma_start3A_106 = tpu.memref_slice %arg4[%arg0, %add3A_96, %dma_start3A_105] : memref<2x10240x128xf32, #tpu.memory_space<hbm>> -> memref<1x40x128xf32, #tpu.memory_space<hbm>>
      %dma_start3A_107 = tpu.memref_squeeze %dma_start3A_106 : memref<1x40x128xf32, #tpu.memory_space<hbm>> -> memref<40x128xf32, #tpu.memory_space<hbm>>
      %dma_start3A_108 = arith.constant 0 : i32
      %dma_start3A_109 = tpu.memref_slice %arg4[%arg0, %add3A_96, %dma_start3A_108] : memref<2x10240x128xf32, #tpu.memory_space<hbm>> -> memref<1x40x128xf32, #tpu.memory_space<hbm>>
      %dma_start3A_110 = tpu.memref_squeeze %dma_start3A_109 : memref<1x40x128xf32, #tpu.memory_space<hbm>> -> memref<40x128xf32, #tpu.memory_space<hbm>>
      tpu.enqueue_dma source(%arg7 : memref<40x128xf32, #tpu.memory_space<vmem>>) target(%dma_start3A_110 : memref<40x128xf32, #tpu.memory_space<hbm>>) target_semaphore(%run_scoped3A : memref<!tpu.dma_semaphore, #tpu.memory_space<semaphore_mem>>)
      %dma_wait3A_111 = arith.constant 0 : i32
      %dma_wait3A_112 = tpu.memref_slice %arg4[%arg0, %add3A_96, %dma_wait3A_111] : memref<2x10240x128xf32, #tpu.memory_space<hbm>> -> memref<1x40x128xf32, #tpu.memory_space<hbm>>
      %dma_wait3A_113 = tpu.memref_squeeze %dma_wait3A_112 : memref<1x40x128xf32, #tpu.memory_space<hbm>> -> memref<40x128xf32, #tpu.memory_space<hbm>>
      %dma_wait3A_114 = arith.constant 0 : i32
      %dma_wait3A_115 = tpu.memref_slice %arg4[%arg0, %add3A_96, %dma_wait3A_114] : memref<2x10240x128xf32, #tpu.memory_space<hbm>> -> memref<1x40x128xf32, #tpu.memory_space<hbm>>
      %dma_wait3A_116 = tpu.memref_squeeze %dma_wait3A_115 : memref<1x40x128xf32, #tpu.memory_space<hbm>> -> memref<40x128xf32, #tpu.memory_space<hbm>>
      tpu.wait_dma2 semaphore(%run_scoped3A : memref<!tpu.dma_semaphore, #tpu.memory_space<semaphore_mem>>) src(%arg7 : memref<40x128xf32, #tpu.memory_space<vmem>>) dst(%dma_wait3A_116 : memref<40x128xf32, #tpu.memory_space<hbm>>)
      tpu.yield
    }) : () -> ()
    %add3A_97 = arith.constant 480 : i32
    %add3A_98 = arith.addi %mul3A_6, %add3A_97 : i32
    "tpu.region"() ({
      %run_scoped3A = tpu.sem_alloc : memref<!tpu.dma_semaphore, #tpu.memory_space<semaphore_mem>>
      %dma_start3A_105 = arith.constant 0 : i32
      %dma_start3A_106 = tpu.memref_slice %arg9[%add3A_98, %dma_start3A_105] : memref<10240x128xf32, #tpu.memory_space<vmem_shared>> -> memref<40x128xf32, #tpu.memory_space<vmem_shared>>
      %dma_start3A_107 = arith.constant 0 : i32
      %dma_start3A_108 = tpu.memref_slice %arg9[%add3A_98, %dma_start3A_107] : memref<10240x128xf32, #tpu.memory_space<vmem_shared>> -> memref<40x128xf32, #tpu.memory_space<vmem_shared>>
      tpu.enqueue_dma source(%dma_start3A_108 : memref<40x128xf32, #tpu.memory_space<vmem_shared>>) target(%arg7 : memref<40x128xf32, #tpu.memory_space<vmem>>) target_semaphore(%run_scoped3A : memref<!tpu.dma_semaphore, #tpu.memory_space<semaphore_mem>>)
      %dma_wait3A_109 = arith.constant 0 : i32
      %dma_wait3A_110 = tpu.memref_slice %arg9[%add3A_98, %dma_wait3A_109] : memref<10240x128xf32, #tpu.memory_space<vmem_shared>> -> memref<40x128xf32, #tpu.memory_space<vmem_shared>>
      %dma_wait3A_111 = arith.constant 0 : i32
      %dma_wait3A_112 = tpu.memref_slice %arg9[%add3A_98, %dma_wait3A_111] : memref<10240x128xf32, #tpu.memory_space<vmem_shared>> -> memref<40x128xf32, #tpu.memory_space<vmem_shared>>
      tpu.wait_dma2 semaphore(%run_scoped3A : memref<!tpu.dma_semaphore, #tpu.memory_space<semaphore_mem>>) src(%dma_wait3A_112 : memref<40x128xf32, #tpu.memory_space<vmem_shared>>) dst(%arg7 : memref<40x128xf32, #tpu.memory_space<vmem>>)
      tpu.yield
    }) : () -> ()
    "tpu.region"() ({
      %run_scoped3A = tpu.sem_alloc : memref<!tpu.dma_semaphore, #tpu.memory_space<semaphore_mem>>
      %dma_start3A_105 = arith.constant 0 : i32
      %dma_start3A_106 = tpu.memref_slice %arg4[%arg0, %add3A_98, %dma_start3A_105] : memref<2x10240x128xf32, #tpu.memory_space<hbm>> -> memref<1x40x128xf32, #tpu.memory_space<hbm>>
      %dma_start3A_107 = tpu.memref_squeeze %dma_start3A_106 : memref<1x40x128xf32, #tpu.memory_space<hbm>> -> memref<40x128xf32, #tpu.memory_space<hbm>>
      %dma_start3A_108 = arith.constant 0 : i32
      %dma_start3A_109 = tpu.memref_slice %arg4[%arg0, %add3A_98, %dma_start3A_108] : memref<2x10240x128xf32, #tpu.memory_space<hbm>> -> memref<1x40x128xf32, #tpu.memory_space<hbm>>
      %dma_start3A_110 = tpu.memref_squeeze %dma_start3A_109 : memref<1x40x128xf32, #tpu.memory_space<hbm>> -> memref<40x128xf32, #tpu.memory_space<hbm>>
      tpu.enqueue_dma source(%arg7 : memref<40x128xf32, #tpu.memory_space<vmem>>) target(%dma_start3A_110 : memref<40x128xf32, #tpu.memory_space<hbm>>) target_semaphore(%run_scoped3A : memref<!tpu.dma_semaphore, #tpu.memory_space<semaphore_mem>>)
      %dma_wait3A_111 = arith.constant 0 : i32
      %dma_wait3A_112 = tpu.memref_slice %arg4[%arg0, %add3A_98, %dma_wait3A_111] : memref<2x10240x128xf32, #tpu.memory_space<hbm>> -> memref<1x40x128xf32, #tpu.memory_space<hbm>>
      %dma_wait3A_113 = tpu.memref_squeeze %dma_wait3A_112 : memref<1x40x128xf32, #tpu.memory_space<hbm>> -> memref<40x128xf32, #tpu.memory_space<hbm>>
      %dma_wait3A_114 = arith.constant 0 : i32
      %dma_wait3A_115 = tpu.memref_slice %arg4[%arg0, %add3A_98, %dma_wait3A_114] : memref<2x10240x128xf32, #tpu.memory_space<hbm>> -> memref<1x40x128xf32, #tpu.memory_space<hbm>>
      %dma_wait3A_116 = tpu.memref_squeeze %dma_wait3A_115 : memref<1x40x128xf32, #tpu.memory_space<hbm>> -> memref<40x128xf32, #tpu.memory_space<hbm>>
      tpu.wait_dma2 semaphore(%run_scoped3A : memref<!tpu.dma_semaphore, #tpu.memory_space<semaphore_mem>>) src(%arg7 : memref<40x128xf32, #tpu.memory_space<vmem>>) dst(%dma_wait3A_116 : memref<40x128xf32, #tpu.memory_space<hbm>>)
      tpu.yield
    }) : () -> ()
    %add3A_99 = arith.constant 520 : i32
    %add3A_100 = arith.addi %mul3A_6, %add3A_99 : i32
    "tpu.region"() ({
      %run_scoped3A = tpu.sem_alloc : memref<!tpu.dma_semaphore, #tpu.memory_space<semaphore_mem>>
      %dma_start3A_105 = arith.constant 0 : i32
      %dma_start3A_106 = tpu.memref_slice %arg9[%add3A_100, %dma_start3A_105] : memref<10240x128xf32, #tpu.memory_space<vmem_shared>> -> memref<40x128xf32, #tpu.memory_space<vmem_shared>>
      %dma_start3A_107 = arith.constant 0 : i32
      %dma_start3A_108 = tpu.memref_slice %arg9[%add3A_100, %dma_start3A_107] : memref<10240x128xf32, #tpu.memory_space<vmem_shared>> -> memref<40x128xf32, #tpu.memory_space<vmem_shared>>
      tpu.enqueue_dma source(%dma_start3A_108 : memref<40x128xf32, #tpu.memory_space<vmem_shared>>) target(%arg7 : memref<40x128xf32, #tpu.memory_space<vmem>>) target_semaphore(%run_scoped3A : memref<!tpu.dma_semaphore, #tpu.memory_space<semaphore_mem>>)
      %dma_wait3A_109 = arith.constant 0 : i32
      %dma_wait3A_110 = tpu.memref_slice %arg9[%add3A_100, %dma_wait3A_109] : memref<10240x128xf32, #tpu.memory_space<vmem_shared>> -> memref<40x128xf32, #tpu.memory_space<vmem_shared>>
      %dma_wait3A_111 = arith.constant 0 : i32
      %dma_wait3A_112 = tpu.memref_slice %arg9[%add3A_100, %dma_wait3A_111] : memref<10240x128xf32, #tpu.memory_space<vmem_shared>> -> memref<40x128xf32, #tpu.memory_space<vmem_shared>>
      tpu.wait_dma2 semaphore(%run_scoped3A : memref<!tpu.dma_semaphore, #tpu.memory_space<semaphore_mem>>) src(%dma_wait3A_112 : memref<40x128xf32, #tpu.memory_space<vmem_shared>>) dst(%arg7 : memref<40x128xf32, #tpu.memory_space<vmem>>)
      tpu.yield
    }) : () -> ()
    "tpu.region"() ({
      %run_scoped3A = tpu.sem_alloc : memref<!tpu.dma_semaphore, #tpu.memory_space<semaphore_mem>>
      %dma_start3A_105 = arith.constant 0 : i32
      %dma_start3A_106 = tpu.memref_slice %arg4[%arg0, %add3A_100, %dma_start3A_105] : memref<2x10240x128xf32, #tpu.memory_space<hbm>> -> memref<1x40x128xf32, #tpu.memory_space<hbm>>
      %dma_start3A_107 = tpu.memref_squeeze %dma_start3A_106 : memref<1x40x128xf32, #tpu.memory_space<hbm>> -> memref<40x128xf32, #tpu.memory_space<hbm>>
      %dma_start3A_108 = arith.constant 0 : i32
      %dma_start3A_109 = tpu.memref_slice %arg4[%arg0, %add3A_100, %dma_start3A_108] : memref<2x10240x128xf32, #tpu.memory_space<hbm>> -> memref<1x40x128xf32, #tpu.memory_space<hbm>>
      %dma_start3A_110 = tpu.memref_squeeze %dma_start3A_109 : memref<1x40x128xf32, #tpu.memory_space<hbm>> -> memref<40x128xf32, #tpu.memory_space<hbm>>
      tpu.enqueue_dma source(%arg7 : memref<40x128xf32, #tpu.memory_space<vmem>>) target(%dma_start3A_110 : memref<40x128xf32, #tpu.memory_space<hbm>>) target_semaphore(%run_scoped3A : memref<!tpu.dma_semaphore, #tpu.memory_space<semaphore_mem>>)
      %dma_wait3A_111 = arith.constant 0 : i32
      %dma_wait3A_112 = tpu.memref_slice %arg4[%arg0, %add3A_100, %dma_wait3A_111] : memref<2x10240x128xf32, #tpu.memory_space<hbm>> -> memref<1x40x128xf32, #tpu.memory_space<hbm>>
      %dma_wait3A_113 = tpu.memref_squeeze %dma_wait3A_112 : memref<1x40x128xf32, #tpu.memory_space<hbm>> -> memref<40x128xf32, #tpu.memory_space<hbm>>
      %dma_wait3A_114 = arith.constant 0 : i32
      %dma_wait3A_115 = tpu.memref_slice %arg4[%arg0, %add3A_100, %dma_wait3A_114] : memref<2x10240x128xf32, #tpu.memory_space<hbm>> -> memref<1x40x128xf32, #tpu.memory_space<hbm>>
      %dma_wait3A_116 = tpu.memref_squeeze %dma_wait3A_115 : memref<1x40x128xf32, #tpu.memory_space<hbm>> -> memref<40x128xf32, #tpu.memory_space<hbm>>
      tpu.wait_dma2 semaphore(%run_scoped3A : memref<!tpu.dma_semaphore, #tpu.memory_space<semaphore_mem>>) src(%arg7 : memref<40x128xf32, #tpu.memory_space<vmem>>) dst(%dma_wait3A_116 : memref<40x128xf32, #tpu.memory_space<hbm>>)
      tpu.yield
    }) : () -> ()
    %add3A_101 = arith.constant 560 : i32
    %add3A_102 = arith.addi %mul3A_6, %add3A_101 : i32
    "tpu.region"() ({
      %run_scoped3A = tpu.sem_alloc : memref<!tpu.dma_semaphore, #tpu.memory_space<semaphore_mem>>
      %dma_start3A_105 = arith.constant 0 : i32
      %dma_start3A_106 = tpu.memref_slice %arg9[%add3A_102, %dma_start3A_105] : memref<10240x128xf32, #tpu.memory_space<vmem_shared>> -> memref<40x128xf32, #tpu.memory_space<vmem_shared>>
      %dma_start3A_107 = arith.constant 0 : i32
      %dma_start3A_108 = tpu.memref_slice %arg9[%add3A_102, %dma_start3A_107] : memref<10240x128xf32, #tpu.memory_space<vmem_shared>> -> memref<40x128xf32, #tpu.memory_space<vmem_shared>>
      tpu.enqueue_dma source(%dma_start3A_108 : memref<40x128xf32, #tpu.memory_space<vmem_shared>>) target(%arg7 : memref<40x128xf32, #tpu.memory_space<vmem>>) target_semaphore(%run_scoped3A : memref<!tpu.dma_semaphore, #tpu.memory_space<semaphore_mem>>)
      %dma_wait3A_109 = arith.constant 0 : i32
      %dma_wait3A_110 = tpu.memref_slice %arg9[%add3A_102, %dma_wait3A_109] : memref<10240x128xf32, #tpu.memory_space<vmem_shared>> -> memref<40x128xf32, #tpu.memory_space<vmem_shared>>
      %dma_wait3A_111 = arith.constant 0 : i32
      %dma_wait3A_112 = tpu.memref_slice %arg9[%add3A_102, %dma_wait3A_111] : memref<10240x128xf32, #tpu.memory_space<vmem_shared>> -> memref<40x128xf32, #tpu.memory_space<vmem_shared>>
      tpu.wait_dma2 semaphore(%run_scoped3A : memref<!tpu.dma_semaphore, #tpu.memory_space<semaphore_mem>>) src(%dma_wait3A_112 : memref<40x128xf32, #tpu.memory_space<vmem_shared>>) dst(%arg7 : memref<40x128xf32, #tpu.memory_space<vmem>>)
      tpu.yield
    }) : () -> ()
    "tpu.region"() ({
      %run_scoped3A = tpu.sem_alloc : memref<!tpu.dma_semaphore, #tpu.memory_space<semaphore_mem>>
      %dma_start3A_105 = arith.constant 0 : i32
      %dma_start3A_106 = tpu.memref_slice %arg4[%arg0, %add3A_102, %dma_start3A_105] : memref<2x10240x128xf32, #tpu.memory_space<hbm>> -> memref<1x40x128xf32, #tpu.memory_space<hbm>>
      %dma_start3A_107 = tpu.memref_squeeze %dma_start3A_106 : memref<1x40x128xf32, #tpu.memory_space<hbm>> -> memref<40x128xf32, #tpu.memory_space<hbm>>
      %dma_start3A_108 = arith.constant 0 : i32
      %dma_start3A_109 = tpu.memref_slice %arg4[%arg0, %add3A_102, %dma_start3A_108] : memref<2x10240x128xf32, #tpu.memory_space<hbm>> -> memref<1x40x128xf32, #tpu.memory_space<hbm>>
      %dma_start3A_110 = tpu.memref_squeeze %dma_start3A_109 : memref<1x40x128xf32, #tpu.memory_space<hbm>> -> memref<40x128xf32, #tpu.memory_space<hbm>>
      tpu.enqueue_dma source(%arg7 : memref<40x128xf32, #tpu.memory_space<vmem>>) target(%dma_start3A_110 : memref<40x128xf32, #tpu.memory_space<hbm>>) target_semaphore(%run_scoped3A : memref<!tpu.dma_semaphore, #tpu.memory_space<semaphore_mem>>)
      %dma_wait3A_111 = arith.constant 0 : i32
      %dma_wait3A_112 = tpu.memref_slice %arg4[%arg0, %add3A_102, %dma_wait3A_111] : memref<2x10240x128xf32, #tpu.memory_space<hbm>> -> memref<1x40x128xf32, #tpu.memory_space<hbm>>
      %dma_wait3A_113 = tpu.memref_squeeze %dma_wait3A_112 : memref<1x40x128xf32, #tpu.memory_space<hbm>> -> memref<40x128xf32, #tpu.memory_space<hbm>>
      %dma_wait3A_114 = arith.constant 0 : i32
      %dma_wait3A_115 = tpu.memref_slice %arg4[%arg0, %add3A_102, %dma_wait3A_114] : memref<2x10240x128xf32, #tpu.memory_space<hbm>> -> memref<1x40x128xf32, #tpu.memory_space<hbm>>
      %dma_wait3A_116 = tpu.memref_squeeze %dma_wait3A_115 : memref<1x40x128xf32, #tpu.memory_space<hbm>> -> memref<40x128xf32, #tpu.memory_space<hbm>>
      tpu.wait_dma2 semaphore(%run_scoped3A : memref<!tpu.dma_semaphore, #tpu.memory_space<semaphore_mem>>) src(%arg7 : memref<40x128xf32, #tpu.memory_space<vmem>>) dst(%dma_wait3A_116 : memref<40x128xf32, #tpu.memory_space<hbm>>)
      tpu.yield
    }) : () -> ()
    %add3A_103 = arith.constant 600 : i32
    %add3A_104 = arith.addi %mul3A_6, %add3A_103 : i32
    "tpu.region"() ({
      %run_scoped3A = tpu.sem_alloc : memref<!tpu.dma_semaphore, #tpu.memory_space<semaphore_mem>>
      %dma_start3A_105 = arith.constant 0 : i32
      %dma_start3A_106 = tpu.memref_slice %arg9[%add3A_104, %dma_start3A_105] : memref<10240x128xf32, #tpu.memory_space<vmem_shared>> -> memref<40x128xf32, #tpu.memory_space<vmem_shared>>
      %dma_start3A_107 = arith.constant 0 : i32
      %dma_start3A_108 = tpu.memref_slice %arg9[%add3A_104, %dma_start3A_107] : memref<10240x128xf32, #tpu.memory_space<vmem_shared>> -> memref<40x128xf32, #tpu.memory_space<vmem_shared>>
      tpu.enqueue_dma source(%dma_start3A_108 : memref<40x128xf32, #tpu.memory_space<vmem_shared>>) target(%arg7 : memref<40x128xf32, #tpu.memory_space<vmem>>) target_semaphore(%run_scoped3A : memref<!tpu.dma_semaphore, #tpu.memory_space<semaphore_mem>>)
      %dma_wait3A_109 = arith.constant 0 : i32
      %dma_wait3A_110 = tpu.memref_slice %arg9[%add3A_104, %dma_wait3A_109] : memref<10240x128xf32, #tpu.memory_space<vmem_shared>> -> memref<40x128xf32, #tpu.memory_space<vmem_shared>>
      %dma_wait3A_111 = arith.constant 0 : i32
      %dma_wait3A_112 = tpu.memref_slice %arg9[%add3A_104, %dma_wait3A_111] : memref<10240x128xf32, #tpu.memory_space<vmem_shared>> -> memref<40x128xf32, #tpu.memory_space<vmem_shared>>
      tpu.wait_dma2 semaphore(%run_scoped3A : memref<!tpu.dma_semaphore, #tpu.memory_space<semaphore_mem>>) src(%dma_wait3A_112 : memref<40x128xf32, #tpu.memory_space<vmem_shared>>) dst(%arg7 : memref<40x128xf32, #tpu.memory_space<vmem>>)
      tpu.yield
    }) : () -> ()
    "tpu.region"() ({
      %run_scoped3A = tpu.sem_alloc : memref<!tpu.dma_semaphore, #tpu.memory_space<semaphore_mem>>
      %dma_start3A_105 = arith.constant 0 : i32
      %dma_start3A_106 = tpu.memref_slice %arg4[%arg0, %add3A_104, %dma_start3A_105] : memref<2x10240x128xf32, #tpu.memory_space<hbm>> -> memref<1x40x128xf32, #tpu.memory_space<hbm>>
      %dma_start3A_107 = tpu.memref_squeeze %dma_start3A_106 : memref<1x40x128xf32, #tpu.memory_space<hbm>> -> memref<40x128xf32, #tpu.memory_space<hbm>>
      %dma_start3A_108 = arith.constant 0 : i32
      %dma_start3A_109 = tpu.memref_slice %arg4[%arg0, %add3A_104, %dma_start3A_108] : memref<2x10240x128xf32, #tpu.memory_space<hbm>> -> memref<1x40x128xf32, #tpu.memory_space<hbm>>
      %dma_start3A_110 = tpu.memref_squeeze %dma_start3A_109 : memref<1x40x128xf32, #tpu.memory_space<hbm>> -> memref<40x128xf32, #tpu.memory_space<hbm>>
      tpu.enqueue_dma source(%arg7 : memref<40x128xf32, #tpu.memory_space<vmem>>) target(%dma_start3A_110 : memref<40x128xf32, #tpu.memory_space<hbm>>) target_semaphore(%run_scoped3A : memref<!tpu.dma_semaphore, #tpu.memory_space<semaphore_mem>>)
      %dma_wait3A_111 = arith.constant 0 : i32
      %dma_wait3A_112 = tpu.memref_slice %arg4[%arg0, %add3A_104, %dma_wait3A_111] : memref<2x10240x128xf32, #tpu.memory_space<hbm>> -> memref<1x40x128xf32, #tpu.memory_space<hbm>>
      %dma_wait3A_113 = tpu.memref_squeeze %dma_wait3A_112 : memref<1x40x128xf32, #tpu.memory_space<hbm>> -> memref<40x128xf32, #tpu.memory_space<hbm>>
      %dma_wait3A_114 = arith.constant 0 : i32
      %dma_wait3A_115 = tpu.memref_slice %arg4[%arg0, %add3A_104, %dma_wait3A_114] : memref<2x10240x128xf32, #tpu.memory_space<hbm>> -> memref<1x40x128xf32, #tpu.memory_space<hbm>>
      %dma_wait3A_116 = tpu.memref_squeeze %dma_wait3A_115 : memref<1x40x128xf32, #tpu.memory_space<hbm>> -> memref<40x128xf32, #tpu.memory_space<hbm>>
      tpu.wait_dma2 semaphore(%run_scoped3A : memref<!tpu.dma_semaphore, #tpu.memory_space<semaphore_mem>>) src(%arg7 : memref<40x128xf32, #tpu.memory_space<vmem>>) dst(%dma_wait3A_116 : memref<40x128xf32, #tpu.memory_space<hbm>>)
      tpu.yield
    }) : () -> ()
    return
  }
}

#map = affine_map<(d0, d1) -> (0, 0)>
#map1 = affine_map<(d0, d1) -> (0)>
#map2 = affine_map<(d0, d1) -> (0, 0, 0)>
module attributes {stable_mosaic.version = 14 : i64} {
  func.func @_sc_gather(%arg0: i32, %arg1: i32, %arg2: memref<10000x128xf32, #tpu.memory_space<hbm>>, %arg3: memref<10000x128xf32, #tpu.memory_space<hbm>>, %arg4: memref<320000xi32, #tpu.memory_space<hbm>>, %arg5: memref<320000xi32, #tpu.memory_space<hbm>>, %arg6: memref<320000x128xf32, #tpu.memory_space<hbm>>, %arg7: memref<2x10240x128xf32, #tpu.memory_space<hbm>>, %arg8: memref<40xi32, #tpu.memory_space<vmem>>, %arg9: memref<40xi32, #tpu.memory_space<vmem>>, %arg10: memref<40xi32, #tpu.memory_space<vmem>>, %arg11: memref<40xi32, #tpu.memory_space<vmem>>, %arg12: memref<40x128xf32, #tpu.memory_space<vmem>>, %arg13: memref<40x128xf32, #tpu.memory_space<vmem>>, %arg14: memref<40x128xf32, #tpu.memory_space<vmem>>, %arg15: memref<40x128xf32, #tpu.memory_space<vmem>>, %arg16: memref<40x128xf32, #tpu.memory_space<vmem>>, %arg17: memref<10240x128xf32, #tpu.memory_space<vmem_shared>>, %arg18: memref<!tpu.dma_semaphore, #tpu.memory_space<semaphore_mem>>, %arg19: memref<!tpu.dma_semaphore, #tpu.memory_space<semaphore_mem>>, %arg20: memref<!tpu.dma_semaphore, #tpu.memory_space<semaphore_mem>>, %arg21: memref<!tpu.dma_semaphore, #tpu.memory_space<semaphore_mem>>, %arg22: memref<!tpu.dma_semaphore, #tpu.memory_space<semaphore_mem>>, %arg23: memref<!tpu.dma_semaphore, #tpu.memory_space<semaphore_mem>>, %arg24: memref<!tpu.dma_semaphore, #tpu.memory_space<semaphore_mem>>, %arg25: memref<!tpu.dma_semaphore, #tpu.memory_space<semaphore_mem>>) attributes {dimension_semantics = [#tpu.dimension_semantics<core_parallel>, #tpu.dimension_semantics<subcore_parallel>], iteration_bounds = array<i64: 2, 16>, scalar_prefetch = 0 : i64, scratch_operands = 18 : i64, tpu.core_type = #tpu.core_type<sc_vector_subcore>, window_params = [{transform_indices = #map}, {transform_indices = #map}, {transform_indices = #map1}, {transform_indices = #map1}, {transform_indices = #map}, {transform_indices = #map2}]} {
    %mul3A = arith.constant 2 : i32
    %mul3A_0 = arith.muli %arg1, %mul3A : i32
    %add3A = arith.addi %mul3A_0, %arg0 : i32
    %mul3A_1 = arith.constant 10000 : i32
    %mul3A_2 = arith.muli %add3A, %mul3A_1 : i32
    %broadcast_in_dim3A = arith.constant 0.000000e+00 : f32
    %broadcast_in_dim3A_3 = vector.broadcast %broadcast_in_dim3A : f32 to vector<16xf32>
    %broadcast_in_dim3A_4 = arith.constant 1.000000e+00 : f32
    %broadcast_in_dim3A_5 = vector.broadcast %broadcast_in_dim3A_4 : f32 to vector<16xf32>
    %scan3A = arith.constant 0 : i32
    %scan3A_6 = arith.constant 0 : i32
    %scan3A_7 = arith.constant 40 : i32
    %scan3A_8 = arith.addi %scan3A_6, %scan3A_7 : i32
    %scan3A_9 = arith.constant 1 : i32
    scf.for %scan3A_111 = %scan3A_6 to %scan3A_8 step %scan3A_9  : i32 {
      %swap3A = arith.index_cast %scan3A_111 : i32 to index
      %swap3A_112 = arith.constant 0 : index
      %swap3A_113 = tpu.vector_load %arg12[%swap3A, %swap3A_112] {strides = array<i32>} : memref<40x128xf32, #tpu.memory_space<vmem>>, vector<1x16xf32>,
      %swap3A_114 = vector.shape_cast %swap3A_113 : vector<1x16xf32> to vector<16xf32>
      %swap3A_115 = vector.shape_cast %broadcast_in_dim3A_3 : vector<16xf32> to vector<1x16xf32>
      tpu.vector_store %arg12[%swap3A, %swap3A_112], %swap3A_115 {strides = array<i32>} : memref<40x128xf32, #tpu.memory_space<vmem>>, vector<1x16xf32>,
      %swap3A_116 = arith.index_cast %scan3A_111 : i32 to index
      %swap3A_117 = arith.constant 0 : index
      %swap3A_118 = tpu.vector_load %arg16[%swap3A_116, %swap3A_117] {strides = array<i32>} : memref<40x128xf32, #tpu.memory_space<vmem>>, vector<1x16xf32>,
      %swap3A_119 = vector.shape_cast %swap3A_118 : vector<1x16xf32> to vector<16xf32>
      %swap3A_120 = vector.shape_cast %broadcast_in_dim3A_5 : vector<16xf32> to vector<1x16xf32>
      tpu.vector_store %arg16[%swap3A_116, %swap3A_117], %swap3A_120 {strides = array<i32>} : memref<40x128xf32, #tpu.memory_space<vmem>>, vector<1x16xf32>,
      %swap3A_121 = arith.index_cast %scan3A_111 : i32 to index
      %swap3A_122 = arith.constant 16 : index
      %swap3A_123 = tpu.vector_load %arg12[%swap3A_121, %swap3A_122] {strides = array<i32>} : memref<40x128xf32, #tpu.memory_space<vmem>>, vector<1x16xf32>,
      %swap3A_124 = vector.shape_cast %swap3A_123 : vector<1x16xf32> to vector<16xf32>
      %swap3A_125 = vector.shape_cast %broadcast_in_dim3A_3 : vector<16xf32> to vector<1x16xf32>
      tpu.vector_store %arg12[%swap3A_121, %swap3A_122], %swap3A_125 {strides = array<i32>} : memref<40x128xf32, #tpu.memory_space<vmem>>, vector<1x16xf32>,
      %swap3A_126 = arith.index_cast %scan3A_111 : i32 to index
      %swap3A_127 = arith.constant 16 : index
      %swap3A_128 = tpu.vector_load %arg16[%swap3A_126, %swap3A_127] {strides = array<i32>} : memref<40x128xf32, #tpu.memory_space<vmem>>, vector<1x16xf32>,
      %swap3A_129 = vector.shape_cast %swap3A_128 : vector<1x16xf32> to vector<16xf32>
      %swap3A_130 = vector.shape_cast %broadcast_in_dim3A_5 : vector<16xf32> to vector<1x16xf32>
      tpu.vector_store %arg16[%swap3A_126, %swap3A_127], %swap3A_130 {strides = array<i32>} : memref<40x128xf32, #tpu.memory_space<vmem>>, vector<1x16xf32>,
      %swap3A_131 = arith.index_cast %scan3A_111 : i32 to index
      %swap3A_132 = arith.constant 32 : index
      %swap3A_133 = tpu.vector_load %arg12[%swap3A_131, %swap3A_132] {strides = array<i32>} : memref<40x128xf32, #tpu.memory_space<vmem>>, vector<1x16xf32>,
      %swap3A_134 = vector.shape_cast %swap3A_133 : vector<1x16xf32> to vector<16xf32>
      %swap3A_135 = vector.shape_cast %broadcast_in_dim3A_3 : vector<16xf32> to vector<1x16xf32>
      tpu.vector_store %arg12[%swap3A_131, %swap3A_132], %swap3A_135 {strides = array<i32>} : memref<40x128xf32, #tpu.memory_space<vmem>>, vector<1x16xf32>,
      %swap3A_136 = arith.index_cast %scan3A_111 : i32 to index
      %swap3A_137 = arith.constant 32 : index
      %swap3A_138 = tpu.vector_load %arg16[%swap3A_136, %swap3A_137] {strides = array<i32>} : memref<40x128xf32, #tpu.memory_space<vmem>>, vector<1x16xf32>,
      %swap3A_139 = vector.shape_cast %swap3A_138 : vector<1x16xf32> to vector<16xf32>
      %swap3A_140 = vector.shape_cast %broadcast_in_dim3A_5 : vector<16xf32> to vector<1x16xf32>
      tpu.vector_store %arg16[%swap3A_136, %swap3A_137], %swap3A_140 {strides = array<i32>} : memref<40x128xf32, #tpu.memory_space<vmem>>, vector<1x16xf32>,
      %swap3A_141 = arith.index_cast %scan3A_111 : i32 to index
      %swap3A_142 = arith.constant 48 : index
      %swap3A_143 = tpu.vector_load %arg12[%swap3A_141, %swap3A_142] {strides = array<i32>} : memref<40x128xf32, #tpu.memory_space<vmem>>, vector<1x16xf32>,
      %swap3A_144 = vector.shape_cast %swap3A_143 : vector<1x16xf32> to vector<16xf32>
      %swap3A_145 = vector.shape_cast %broadcast_in_dim3A_3 : vector<16xf32> to vector<1x16xf32>
      tpu.vector_store %arg12[%swap3A_141, %swap3A_142], %swap3A_145 {strides = array<i32>} : memref<40x128xf32, #tpu.memory_space<vmem>>, vector<1x16xf32>,
      %swap3A_146 = arith.index_cast %scan3A_111 : i32 to index
      %swap3A_147 = arith.constant 48 : index
      %swap3A_148 = tpu.vector_load %arg16[%swap3A_146, %swap3A_147] {strides = array<i32>} : memref<40x128xf32, #tpu.memory_space<vmem>>, vector<1x16xf32>,
      %swap3A_149 = vector.shape_cast %swap3A_148 : vector<1x16xf32> to vector<16xf32>
      %swap3A_150 = vector.shape_cast %broadcast_in_dim3A_5 : vector<16xf32> to vector<1x16xf32>
      tpu.vector_store %arg16[%swap3A_146, %swap3A_147], %swap3A_150 {strides = array<i32>} : memref<40x128xf32, #tpu.memory_space<vmem>>, vector<1x16xf32>,
      %swap3A_151 = arith.index_cast %scan3A_111 : i32 to index
      %swap3A_152 = arith.constant 64 : index
      %swap3A_153 = tpu.vector_load %arg12[%swap3A_151, %swap3A_152] {strides = array<i32>} : memref<40x128xf32, #tpu.memory_space<vmem>>, vector<1x16xf32>,
      %swap3A_154 = vector.shape_cast %swap3A_153 : vector<1x16xf32> to vector<16xf32>
      %swap3A_155 = vector.shape_cast %broadcast_in_dim3A_3 : vector<16xf32> to vector<1x16xf32>
      tpu.vector_store %arg12[%swap3A_151, %swap3A_152], %swap3A_155 {strides = array<i32>} : memref<40x128xf32, #tpu.memory_space<vmem>>, vector<1x16xf32>,
      %swap3A_156 = arith.index_cast %scan3A_111 : i32 to index
      %swap3A_157 = arith.constant 64 : index
      %swap3A_158 = tpu.vector_load %arg16[%swap3A_156, %swap3A_157] {strides = array<i32>} : memref<40x128xf32, #tpu.memory_space<vmem>>, vector<1x16xf32>,
      %swap3A_159 = vector.shape_cast %swap3A_158 : vector<1x16xf32> to vector<16xf32>
      %swap3A_160 = vector.shape_cast %broadcast_in_dim3A_5 : vector<16xf32> to vector<1x16xf32>
      tpu.vector_store %arg16[%swap3A_156, %swap3A_157], %swap3A_160 {strides = array<i32>} : memref<40x128xf32, #tpu.memory_space<vmem>>, vector<1x16xf32>,
      %swap3A_161 = arith.index_cast %scan3A_111 : i32 to index
      %swap3A_162 = arith.constant 80 : index
      %swap3A_163 = tpu.vector_load %arg12[%swap3A_161, %swap3A_162] {strides = array<i32>} : memref<40x128xf32, #tpu.memory_space<vmem>>, vector<1x16xf32>,
      %swap3A_164 = vector.shape_cast %swap3A_163 : vector<1x16xf32> to vector<16xf32>
      %swap3A_165 = vector.shape_cast %broadcast_in_dim3A_3 : vector<16xf32> to vector<1x16xf32>
      tpu.vector_store %arg12[%swap3A_161, %swap3A_162], %swap3A_165 {strides = array<i32>} : memref<40x128xf32, #tpu.memory_space<vmem>>, vector<1x16xf32>,
      %swap3A_166 = arith.index_cast %scan3A_111 : i32 to index
      %swap3A_167 = arith.constant 80 : index
      %swap3A_168 = tpu.vector_load %arg16[%swap3A_166, %swap3A_167] {strides = array<i32>} : memref<40x128xf32, #tpu.memory_space<vmem>>, vector<1x16xf32>,
      %swap3A_169 = vector.shape_cast %swap3A_168 : vector<1x16xf32> to vector<16xf32>
      %swap3A_170 = vector.shape_cast %broadcast_in_dim3A_5 : vector<16xf32> to vector<1x16xf32>
      tpu.vector_store %arg16[%swap3A_166, %swap3A_167], %swap3A_170 {strides = array<i32>} : memref<40x128xf32, #tpu.memory_space<vmem>>, vector<1x16xf32>,
      %swap3A_171 = arith.index_cast %scan3A_111 : i32 to index
      %swap3A_172 = arith.constant 96 : index
      %swap3A_173 = tpu.vector_load %arg12[%swap3A_171, %swap3A_172] {strides = array<i32>} : memref<40x128xf32, #tpu.memory_space<vmem>>, vector<1x16xf32>,
      %swap3A_174 = vector.shape_cast %swap3A_173 : vector<1x16xf32> to vector<16xf32>
      %swap3A_175 = vector.shape_cast %broadcast_in_dim3A_3 : vector<16xf32> to vector<1x16xf32>
      tpu.vector_store %arg12[%swap3A_171, %swap3A_172], %swap3A_175 {strides = array<i32>} : memref<40x128xf32, #tpu.memory_space<vmem>>, vector<1x16xf32>,
      %swap3A_176 = arith.index_cast %scan3A_111 : i32 to index
      %swap3A_177 = arith.constant 96 : index
      %swap3A_178 = tpu.vector_load %arg16[%swap3A_176, %swap3A_177] {strides = array<i32>} : memref<40x128xf32, #tpu.memory_space<vmem>>, vector<1x16xf32>,
      %swap3A_179 = vector.shape_cast %swap3A_178 : vector<1x16xf32> to vector<16xf32>
      %swap3A_180 = vector.shape_cast %broadcast_in_dim3A_5 : vector<16xf32> to vector<1x16xf32>
      tpu.vector_store %arg16[%swap3A_176, %swap3A_177], %swap3A_180 {strides = array<i32>} : memref<40x128xf32, #tpu.memory_space<vmem>>, vector<1x16xf32>,
      %swap3A_181 = arith.index_cast %scan3A_111 : i32 to index
      %swap3A_182 = arith.constant 112 : index
      %swap3A_183 = tpu.vector_load %arg12[%swap3A_181, %swap3A_182] {strides = array<i32>} : memref<40x128xf32, #tpu.memory_space<vmem>>, vector<1x16xf32>,
      %swap3A_184 = vector.shape_cast %swap3A_183 : vector<1x16xf32> to vector<16xf32>
      %swap3A_185 = vector.shape_cast %broadcast_in_dim3A_3 : vector<16xf32> to vector<1x16xf32>
      tpu.vector_store %arg12[%swap3A_181, %swap3A_182], %swap3A_185 {strides = array<i32>} : memref<40x128xf32, #tpu.memory_space<vmem>>, vector<1x16xf32>,
      %swap3A_186 = arith.index_cast %scan3A_111 : i32 to index
      %swap3A_187 = arith.constant 112 : index
      %swap3A_188 = tpu.vector_load %arg16[%swap3A_186, %swap3A_187] {strides = array<i32>} : memref<40x128xf32, #tpu.memory_space<vmem>>, vector<1x16xf32>,
      %swap3A_189 = vector.shape_cast %swap3A_188 : vector<1x16xf32> to vector<16xf32>
      %swap3A_190 = vector.shape_cast %broadcast_in_dim3A_5 : vector<16xf32> to vector<1x16xf32>
      tpu.vector_store %arg16[%swap3A_186, %swap3A_187], %swap3A_190 {strides = array<i32>} : memref<40x128xf32, #tpu.memory_space<vmem>>, vector<1x16xf32>,
    }
    %scan3A_10 = arith.constant 40 : i32
    %mul3A_11 = arith.constant 640 : i32
    %mul3A_12 = arith.muli %arg1, %mul3A_11 : i32
    %add3A_13 = arith.constant 0 : i32
    %add3A_14 = arith.addi %mul3A_12, %add3A_13 : i32
    "tpu.region"() ({
      %run_scoped3A = tpu.sem_alloc : memref<!tpu.dma_semaphore, #tpu.memory_space<semaphore_mem>>
      %dma_start3A_111 = arith.constant 0 : i32
      %dma_start3A_112 = tpu.memref_slice %arg17[%add3A_14, %dma_start3A_111] : memref<10240x128xf32, #tpu.memory_space<vmem_shared>> -> memref<40x128xf32, #tpu.memory_space<vmem_shared>>
      %dma_start3A_113 = arith.constant 0 : i32
      %dma_start3A_114 = tpu.memref_slice %arg17[%add3A_14, %dma_start3A_113] : memref<10240x128xf32, #tpu.memory_space<vmem_shared>> -> memref<40x128xf32, #tpu.memory_space<vmem_shared>>
      tpu.enqueue_dma source(%arg12 : memref<40x128xf32, #tpu.memory_space<vmem>>) target(%dma_start3A_114 : memref<40x128xf32, #tpu.memory_space<vmem_shared>>) target_semaphore(%run_scoped3A : memref<!tpu.dma_semaphore, #tpu.memory_space<semaphore_mem>>)
      %dma_wait3A_115 = arith.constant 0 : i32
      %dma_wait3A_116 = tpu.memref_slice %arg17[%add3A_14, %dma_wait3A_115] : memref<10240x128xf32, #tpu.memory_space<vmem_shared>> -> memref<40x128xf32, #tpu.memory_space<vmem_shared>>
      %dma_wait3A_117 = arith.constant 0 : i32
      %dma_wait3A_118 = tpu.memref_slice %arg17[%add3A_14, %dma_wait3A_117] : memref<10240x128xf32, #tpu.memory_space<vmem_shared>> -> memref<40x128xf32, #tpu.memory_space<vmem_shared>>
      tpu.wait_dma2 semaphore(%run_scoped3A : memref<!tpu.dma_semaphore, #tpu.memory_space<semaphore_mem>>) src(%arg12 : memref<40x128xf32, #tpu.memory_space<vmem>>) dst(%dma_wait3A_118 : memref<40x128xf32, #tpu.memory_space<vmem_shared>>)
      tpu.yield
    }) : () -> ()
    %add3A_15 = arith.constant 40 : i32
    %add3A_16 = arith.addi %mul3A_12, %add3A_15 : i32
    "tpu.region"() ({
      %run_scoped3A = tpu.sem_alloc : memref<!tpu.dma_semaphore, #tpu.memory_space<semaphore_mem>>
      %dma_start3A_111 = arith.constant 0 : i32
      %dma_start3A_112 = tpu.memref_slice %arg17[%add3A_16, %dma_start3A_111] : memref<10240x128xf32, #tpu.memory_space<vmem_shared>> -> memref<40x128xf32, #tpu.memory_space<vmem_shared>>
      %dma_start3A_113 = arith.constant 0 : i32
      %dma_start3A_114 = tpu.memref_slice %arg17[%add3A_16, %dma_start3A_113] : memref<10240x128xf32, #tpu.memory_space<vmem_shared>> -> memref<40x128xf32, #tpu.memory_space<vmem_shared>>
      tpu.enqueue_dma source(%arg12 : memref<40x128xf32, #tpu.memory_space<vmem>>) target(%dma_start3A_114 : memref<40x128xf32, #tpu.memory_space<vmem_shared>>) target_semaphore(%run_scoped3A : memref<!tpu.dma_semaphore, #tpu.memory_space<semaphore_mem>>)
      %dma_wait3A_115 = arith.constant 0 : i32
      %dma_wait3A_116 = tpu.memref_slice %arg17[%add3A_16, %dma_wait3A_115] : memref<10240x128xf32, #tpu.memory_space<vmem_shared>> -> memref<40x128xf32, #tpu.memory_space<vmem_shared>>
      %dma_wait3A_117 = arith.constant 0 : i32
      %dma_wait3A_118 = tpu.memref_slice %arg17[%add3A_16, %dma_wait3A_117] : memref<10240x128xf32, #tpu.memory_space<vmem_shared>> -> memref<40x128xf32, #tpu.memory_space<vmem_shared>>
      tpu.wait_dma2 semaphore(%run_scoped3A : memref<!tpu.dma_semaphore, #tpu.memory_space<semaphore_mem>>) src(%arg12 : memref<40x128xf32, #tpu.memory_space<vmem>>) dst(%dma_wait3A_118 : memref<40x128xf32, #tpu.memory_space<vmem_shared>>)
      tpu.yield
    }) : () -> ()
    %add3A_17 = arith.constant 80 : i32
    %add3A_18 = arith.addi %mul3A_12, %add3A_17 : i32
    "tpu.region"() ({
      %run_scoped3A = tpu.sem_alloc : memref<!tpu.dma_semaphore, #tpu.memory_space<semaphore_mem>>
      %dma_start3A_111 = arith.constant 0 : i32
      %dma_start3A_112 = tpu.memref_slice %arg17[%add3A_18, %dma_start3A_111] : memref<10240x128xf32, #tpu.memory_space<vmem_shared>> -> memref<40x128xf32, #tpu.memory_space<vmem_shared>>
      %dma_start3A_113 = arith.constant 0 : i32
      %dma_start3A_114 = tpu.memref_slice %arg17[%add3A_18, %dma_start3A_113] : memref<10240x128xf32, #tpu.memory_space<vmem_shared>> -> memref<40x128xf32, #tpu.memory_space<vmem_shared>>
      tpu.enqueue_dma source(%arg12 : memref<40x128xf32, #tpu.memory_space<vmem>>) target(%dma_start3A_114 : memref<40x128xf32, #tpu.memory_space<vmem_shared>>) target_semaphore(%run_scoped3A : memref<!tpu.dma_semaphore, #tpu.memory_space<semaphore_mem>>)
      %dma_wait3A_115 = arith.constant 0 : i32
      %dma_wait3A_116 = tpu.memref_slice %arg17[%add3A_18, %dma_wait3A_115] : memref<10240x128xf32, #tpu.memory_space<vmem_shared>> -> memref<40x128xf32, #tpu.memory_space<vmem_shared>>
      %dma_wait3A_117 = arith.constant 0 : i32
      %dma_wait3A_118 = tpu.memref_slice %arg17[%add3A_18, %dma_wait3A_117] : memref<10240x128xf32, #tpu.memory_space<vmem_shared>> -> memref<40x128xf32, #tpu.memory_space<vmem_shared>>
      tpu.wait_dma2 semaphore(%run_scoped3A : memref<!tpu.dma_semaphore, #tpu.memory_space<semaphore_mem>>) src(%arg12 : memref<40x128xf32, #tpu.memory_space<vmem>>) dst(%dma_wait3A_118 : memref<40x128xf32, #tpu.memory_space<vmem_shared>>)
      tpu.yield
    }) : () -> ()
    %add3A_19 = arith.constant 120 : i32
    %add3A_20 = arith.addi %mul3A_12, %add3A_19 : i32
    "tpu.region"() ({
      %run_scoped3A = tpu.sem_alloc : memref<!tpu.dma_semaphore, #tpu.memory_space<semaphore_mem>>
      %dma_start3A_111 = arith.constant 0 : i32
      %dma_start3A_112 = tpu.memref_slice %arg17[%add3A_20, %dma_start3A_111] : memref<10240x128xf32, #tpu.memory_space<vmem_shared>> -> memref<40x128xf32, #tpu.memory_space<vmem_shared>>
      %dma_start3A_113 = arith.constant 0 : i32
      %dma_start3A_114 = tpu.memref_slice %arg17[%add3A_20, %dma_start3A_113] : memref<10240x128xf32, #tpu.memory_space<vmem_shared>> -> memref<40x128xf32, #tpu.memory_space<vmem_shared>>
      tpu.enqueue_dma source(%arg12 : memref<40x128xf32, #tpu.memory_space<vmem>>) target(%dma_start3A_114 : memref<40x128xf32, #tpu.memory_space<vmem_shared>>) target_semaphore(%run_scoped3A : memref<!tpu.dma_semaphore, #tpu.memory_space<semaphore_mem>>)
      %dma_wait3A_115 = arith.constant 0 : i32
      %dma_wait3A_116 = tpu.memref_slice %arg17[%add3A_20, %dma_wait3A_115] : memref<10240x128xf32, #tpu.memory_space<vmem_shared>> -> memref<40x128xf32, #tpu.memory_space<vmem_shared>>
      %dma_wait3A_117 = arith.constant 0 : i32
      %dma_wait3A_118 = tpu.memref_slice %arg17[%add3A_20, %dma_wait3A_117] : memref<10240x128xf32, #tpu.memory_space<vmem_shared>> -> memref<40x128xf32, #tpu.memory_space<vmem_shared>>
      tpu.wait_dma2 semaphore(%run_scoped3A : memref<!tpu.dma_semaphore, #tpu.memory_space<semaphore_mem>>) src(%arg12 : memref<40x128xf32, #tpu.memory_space<vmem>>) dst(%dma_wait3A_118 : memref<40x128xf32, #tpu.memory_space<vmem_shared>>)
      tpu.yield
    }) : () -> ()
    %add3A_21 = arith.constant 160 : i32
    %add3A_22 = arith.addi %mul3A_12, %add3A_21 : i32
    "tpu.region"() ({
      %run_scoped3A = tpu.sem_alloc : memref<!tpu.dma_semaphore, #tpu.memory_space<semaphore_mem>>
      %dma_start3A_111 = arith.constant 0 : i32
      %dma_start3A_112 = tpu.memref_slice %arg17[%add3A_22, %dma_start3A_111] : memref<10240x128xf32, #tpu.memory_space<vmem_shared>> -> memref<40x128xf32, #tpu.memory_space<vmem_shared>>
      %dma_start3A_113 = arith.constant 0 : i32
      %dma_start3A_114 = tpu.memref_slice %arg17[%add3A_22, %dma_start3A_113] : memref<10240x128xf32, #tpu.memory_space<vmem_shared>> -> memref<40x128xf32, #tpu.memory_space<vmem_shared>>
      tpu.enqueue_dma source(%arg12 : memref<40x128xf32, #tpu.memory_space<vmem>>) target(%dma_start3A_114 : memref<40x128xf32, #tpu.memory_space<vmem_shared>>) target_semaphore(%run_scoped3A : memref<!tpu.dma_semaphore, #tpu.memory_space<semaphore_mem>>)
      %dma_wait3A_115 = arith.constant 0 : i32
      %dma_wait3A_116 = tpu.memref_slice %arg17[%add3A_22, %dma_wait3A_115] : memref<10240x128xf32, #tpu.memory_space<vmem_shared>> -> memref<40x128xf32, #tpu.memory_space<vmem_shared>>
      %dma_wait3A_117 = arith.constant 0 : i32
      %dma_wait3A_118 = tpu.memref_slice %arg17[%add3A_22, %dma_wait3A_117] : memref<10240x128xf32, #tpu.memory_space<vmem_shared>> -> memref<40x128xf32, #tpu.memory_space<vmem_shared>>
      tpu.wait_dma2 semaphore(%run_scoped3A : memref<!tpu.dma_semaphore, #tpu.memory_space<semaphore_mem>>) src(%arg12 : memref<40x128xf32, #tpu.memory_space<vmem>>) dst(%dma_wait3A_118 : memref<40x128xf32, #tpu.memory_space<vmem_shared>>)
      tpu.yield
    }) : () -> ()
    %add3A_23 = arith.constant 200 : i32
    %add3A_24 = arith.addi %mul3A_12, %add3A_23 : i32
    "tpu.region"() ({
      %run_scoped3A = tpu.sem_alloc : memref<!tpu.dma_semaphore, #tpu.memory_space<semaphore_mem>>
      %dma_start3A_111 = arith.constant 0 : i32
      %dma_start3A_112 = tpu.memref_slice %arg17[%add3A_24, %dma_start3A_111] : memref<10240x128xf32, #tpu.memory_space<vmem_shared>> -> memref<40x128xf32, #tpu.memory_space<vmem_shared>>
      %dma_start3A_113 = arith.constant 0 : i32
      %dma_start3A_114 = tpu.memref_slice %arg17[%add3A_24, %dma_start3A_113] : memref<10240x128xf32, #tpu.memory_space<vmem_shared>> -> memref<40x128xf32, #tpu.memory_space<vmem_shared>>
      tpu.enqueue_dma source(%arg12 : memref<40x128xf32, #tpu.memory_space<vmem>>) target(%dma_start3A_114 : memref<40x128xf32, #tpu.memory_space<vmem_shared>>) target_semaphore(%run_scoped3A : memref<!tpu.dma_semaphore, #tpu.memory_space<semaphore_mem>>)
      %dma_wait3A_115 = arith.constant 0 : i32
      %dma_wait3A_116 = tpu.memref_slice %arg17[%add3A_24, %dma_wait3A_115] : memref<10240x128xf32, #tpu.memory_space<vmem_shared>> -> memref<40x128xf32, #tpu.memory_space<vmem_shared>>
      %dma_wait3A_117 = arith.constant 0 : i32
      %dma_wait3A_118 = tpu.memref_slice %arg17[%add3A_24, %dma_wait3A_117] : memref<10240x128xf32, #tpu.memory_space<vmem_shared>> -> memref<40x128xf32, #tpu.memory_space<vmem_shared>>
      tpu.wait_dma2 semaphore(%run_scoped3A : memref<!tpu.dma_semaphore, #tpu.memory_space<semaphore_mem>>) src(%arg12 : memref<40x128xf32, #tpu.memory_space<vmem>>) dst(%dma_wait3A_118 : memref<40x128xf32, #tpu.memory_space<vmem_shared>>)
      tpu.yield
    }) : () -> ()
    %add3A_25 = arith.constant 240 : i32
    %add3A_26 = arith.addi %mul3A_12, %add3A_25 : i32
    "tpu.region"() ({
      %run_scoped3A = tpu.sem_alloc : memref<!tpu.dma_semaphore, #tpu.memory_space<semaphore_mem>>
      %dma_start3A_111 = arith.constant 0 : i32
      %dma_start3A_112 = tpu.memref_slice %arg17[%add3A_26, %dma_start3A_111] : memref<10240x128xf32, #tpu.memory_space<vmem_shared>> -> memref<40x128xf32, #tpu.memory_space<vmem_shared>>
      %dma_start3A_113 = arith.constant 0 : i32
      %dma_start3A_114 = tpu.memref_slice %arg17[%add3A_26, %dma_start3A_113] : memref<10240x128xf32, #tpu.memory_space<vmem_shared>> -> memref<40x128xf32, #tpu.memory_space<vmem_shared>>
      tpu.enqueue_dma source(%arg12 : memref<40x128xf32, #tpu.memory_space<vmem>>) target(%dma_start3A_114 : memref<40x128xf32, #tpu.memory_space<vmem_shared>>) target_semaphore(%run_scoped3A : memref<!tpu.dma_semaphore, #tpu.memory_space<semaphore_mem>>)
      %dma_wait3A_115 = arith.constant 0 : i32
      %dma_wait3A_116 = tpu.memref_slice %arg17[%add3A_26, %dma_wait3A_115] : memref<10240x128xf32, #tpu.memory_space<vmem_shared>> -> memref<40x128xf32, #tpu.memory_space<vmem_shared>>
      %dma_wait3A_117 = arith.constant 0 : i32
      %dma_wait3A_118 = tpu.memref_slice %arg17[%add3A_26, %dma_wait3A_117] : memref<10240x128xf32, #tpu.memory_space<vmem_shared>> -> memref<40x128xf32, #tpu.memory_space<vmem_shared>>
      tpu.wait_dma2 semaphore(%run_scoped3A : memref<!tpu.dma_semaphore, #tpu.memory_space<semaphore_mem>>) src(%arg12 : memref<40x128xf32, #tpu.memory_space<vmem>>) dst(%dma_wait3A_118 : memref<40x128xf32, #tpu.memory_space<vmem_shared>>)
      tpu.yield
    }) : () -> ()
    %add3A_27 = arith.constant 280 : i32
    %add3A_28 = arith.addi %mul3A_12, %add3A_27 : i32
    "tpu.region"() ({
      %run_scoped3A = tpu.sem_alloc : memref<!tpu.dma_semaphore, #tpu.memory_space<semaphore_mem>>
      %dma_start3A_111 = arith.constant 0 : i32
      %dma_start3A_112 = tpu.memref_slice %arg17[%add3A_28, %dma_start3A_111] : memref<10240x128xf32, #tpu.memory_space<vmem_shared>> -> memref<40x128xf32, #tpu.memory_space<vmem_shared>>
      %dma_start3A_113 = arith.constant 0 : i32
      %dma_start3A_114 = tpu.memref_slice %arg17[%add3A_28, %dma_start3A_113] : memref<10240x128xf32, #tpu.memory_space<vmem_shared>> -> memref<40x128xf32, #tpu.memory_space<vmem_shared>>
      tpu.enqueue_dma source(%arg12 : memref<40x128xf32, #tpu.memory_space<vmem>>) target(%dma_start3A_114 : memref<40x128xf32, #tpu.memory_space<vmem_shared>>) target_semaphore(%run_scoped3A : memref<!tpu.dma_semaphore, #tpu.memory_space<semaphore_mem>>)
      %dma_wait3A_115 = arith.constant 0 : i32
      %dma_wait3A_116 = tpu.memref_slice %arg17[%add3A_28, %dma_wait3A_115] : memref<10240x128xf32, #tpu.memory_space<vmem_shared>> -> memref<40x128xf32, #tpu.memory_space<vmem_shared>>
      %dma_wait3A_117 = arith.constant 0 : i32
      %dma_wait3A_118 = tpu.memref_slice %arg17[%add3A_28, %dma_wait3A_117] : memref<10240x128xf32, #tpu.memory_space<vmem_shared>> -> memref<40x128xf32, #tpu.memory_space<vmem_shared>>
      tpu.wait_dma2 semaphore(%run_scoped3A : memref<!tpu.dma_semaphore, #tpu.memory_space<semaphore_mem>>) src(%arg12 : memref<40x128xf32, #tpu.memory_space<vmem>>) dst(%dma_wait3A_118 : memref<40x128xf32, #tpu.memory_space<vmem_shared>>)
      tpu.yield
    }) : () -> ()
    %add3A_29 = arith.constant 320 : i32
    %add3A_30 = arith.addi %mul3A_12, %add3A_29 : i32
    "tpu.region"() ({
      %run_scoped3A = tpu.sem_alloc : memref<!tpu.dma_semaphore, #tpu.memory_space<semaphore_mem>>
      %dma_start3A_111 = arith.constant 0 : i32
      %dma_start3A_112 = tpu.memref_slice %arg17[%add3A_30, %dma_start3A_111] : memref<10240x128xf32, #tpu.memory_space<vmem_shared>> -> memref<40x128xf32, #tpu.memory_space<vmem_shared>>
      %dma_start3A_113 = arith.constant 0 : i32
      %dma_start3A_114 = tpu.memref_slice %arg17[%add3A_30, %dma_start3A_113] : memref<10240x128xf32, #tpu.memory_space<vmem_shared>> -> memref<40x128xf32, #tpu.memory_space<vmem_shared>>
      tpu.enqueue_dma source(%arg12 : memref<40x128xf32, #tpu.memory_space<vmem>>) target(%dma_start3A_114 : memref<40x128xf32, #tpu.memory_space<vmem_shared>>) target_semaphore(%run_scoped3A : memref<!tpu.dma_semaphore, #tpu.memory_space<semaphore_mem>>)
      %dma_wait3A_115 = arith.constant 0 : i32
      %dma_wait3A_116 = tpu.memref_slice %arg17[%add3A_30, %dma_wait3A_115] : memref<10240x128xf32, #tpu.memory_space<vmem_shared>> -> memref<40x128xf32, #tpu.memory_space<vmem_shared>>
      %dma_wait3A_117 = arith.constant 0 : i32
      %dma_wait3A_118 = tpu.memref_slice %arg17[%add3A_30, %dma_wait3A_117] : memref<10240x128xf32, #tpu.memory_space<vmem_shared>> -> memref<40x128xf32, #tpu.memory_space<vmem_shared>>
      tpu.wait_dma2 semaphore(%run_scoped3A : memref<!tpu.dma_semaphore, #tpu.memory_space<semaphore_mem>>) src(%arg12 : memref<40x128xf32, #tpu.memory_space<vmem>>) dst(%dma_wait3A_118 : memref<40x128xf32, #tpu.memory_space<vmem_shared>>)
      tpu.yield
    }) : () -> ()
    %add3A_31 = arith.constant 360 : i32
    %add3A_32 = arith.addi %mul3A_12, %add3A_31 : i32
    "tpu.region"() ({
      %run_scoped3A = tpu.sem_alloc : memref<!tpu.dma_semaphore, #tpu.memory_space<semaphore_mem>>
      %dma_start3A_111 = arith.constant 0 : i32
      %dma_start3A_112 = tpu.memref_slice %arg17[%add3A_32, %dma_start3A_111] : memref<10240x128xf32, #tpu.memory_space<vmem_shared>> -> memref<40x128xf32, #tpu.memory_space<vmem_shared>>
      %dma_start3A_113 = arith.constant 0 : i32
      %dma_start3A_114 = tpu.memref_slice %arg17[%add3A_32, %dma_start3A_113] : memref<10240x128xf32, #tpu.memory_space<vmem_shared>> -> memref<40x128xf32, #tpu.memory_space<vmem_shared>>
      tpu.enqueue_dma source(%arg12 : memref<40x128xf32, #tpu.memory_space<vmem>>) target(%dma_start3A_114 : memref<40x128xf32, #tpu.memory_space<vmem_shared>>) target_semaphore(%run_scoped3A : memref<!tpu.dma_semaphore, #tpu.memory_space<semaphore_mem>>)
      %dma_wait3A_115 = arith.constant 0 : i32
      %dma_wait3A_116 = tpu.memref_slice %arg17[%add3A_32, %dma_wait3A_115] : memref<10240x128xf32, #tpu.memory_space<vmem_shared>> -> memref<40x128xf32, #tpu.memory_space<vmem_shared>>
      %dma_wait3A_117 = arith.constant 0 : i32
      %dma_wait3A_118 = tpu.memref_slice %arg17[%add3A_32, %dma_wait3A_117] : memref<10240x128xf32, #tpu.memory_space<vmem_shared>> -> memref<40x128xf32, #tpu.memory_space<vmem_shared>>
      tpu.wait_dma2 semaphore(%run_scoped3A : memref<!tpu.dma_semaphore, #tpu.memory_space<semaphore_mem>>) src(%arg12 : memref<40x128xf32, #tpu.memory_space<vmem>>) dst(%dma_wait3A_118 : memref<40x128xf32, #tpu.memory_space<vmem_shared>>)
      tpu.yield
    }) : () -> ()
    %add3A_33 = arith.constant 400 : i32
    %add3A_34 = arith.addi %mul3A_12, %add3A_33 : i32
    "tpu.region"() ({
      %run_scoped3A = tpu.sem_alloc : memref<!tpu.dma_semaphore, #tpu.memory_space<semaphore_mem>>
      %dma_start3A_111 = arith.constant 0 : i32
      %dma_start3A_112 = tpu.memref_slice %arg17[%add3A_34, %dma_start3A_111] : memref<10240x128xf32, #tpu.memory_space<vmem_shared>> -> memref<40x128xf32, #tpu.memory_space<vmem_shared>>
      %dma_start3A_113 = arith.constant 0 : i32
      %dma_start3A_114 = tpu.memref_slice %arg17[%add3A_34, %dma_start3A_113] : memref<10240x128xf32, #tpu.memory_space<vmem_shared>> -> memref<40x128xf32, #tpu.memory_space<vmem_shared>>
      tpu.enqueue_dma source(%arg12 : memref<40x128xf32, #tpu.memory_space<vmem>>) target(%dma_start3A_114 : memref<40x128xf32, #tpu.memory_space<vmem_shared>>) target_semaphore(%run_scoped3A : memref<!tpu.dma_semaphore, #tpu.memory_space<semaphore_mem>>)
      %dma_wait3A_115 = arith.constant 0 : i32
      %dma_wait3A_116 = tpu.memref_slice %arg17[%add3A_34, %dma_wait3A_115] : memref<10240x128xf32, #tpu.memory_space<vmem_shared>> -> memref<40x128xf32, #tpu.memory_space<vmem_shared>>
      %dma_wait3A_117 = arith.constant 0 : i32
      %dma_wait3A_118 = tpu.memref_slice %arg17[%add3A_34, %dma_wait3A_117] : memref<10240x128xf32, #tpu.memory_space<vmem_shared>> -> memref<40x128xf32, #tpu.memory_space<vmem_shared>>
      tpu.wait_dma2 semaphore(%run_scoped3A : memref<!tpu.dma_semaphore, #tpu.memory_space<semaphore_mem>>) src(%arg12 : memref<40x128xf32, #tpu.memory_space<vmem>>) dst(%dma_wait3A_118 : memref<40x128xf32, #tpu.memory_space<vmem_shared>>)
      tpu.yield
    }) : () -> ()
    %add3A_35 = arith.constant 440 : i32
    %add3A_36 = arith.addi %mul3A_12, %add3A_35 : i32
    "tpu.region"() ({
      %run_scoped3A = tpu.sem_alloc : memref<!tpu.dma_semaphore, #tpu.memory_space<semaphore_mem>>
      %dma_start3A_111 = arith.constant 0 : i32
      %dma_start3A_112 = tpu.memref_slice %arg17[%add3A_36, %dma_start3A_111] : memref<10240x128xf32, #tpu.memory_space<vmem_shared>> -> memref<40x128xf32, #tpu.memory_space<vmem_shared>>
      %dma_start3A_113 = arith.constant 0 : i32
      %dma_start3A_114 = tpu.memref_slice %arg17[%add3A_36, %dma_start3A_113] : memref<10240x128xf32, #tpu.memory_space<vmem_shared>> -> memref<40x128xf32, #tpu.memory_space<vmem_shared>>
      tpu.enqueue_dma source(%arg12 : memref<40x128xf32, #tpu.memory_space<vmem>>) target(%dma_start3A_114 : memref<40x128xf32, #tpu.memory_space<vmem_shared>>) target_semaphore(%run_scoped3A : memref<!tpu.dma_semaphore, #tpu.memory_space<semaphore_mem>>)
      %dma_wait3A_115 = arith.constant 0 : i32
      %dma_wait3A_116 = tpu.memref_slice %arg17[%add3A_36, %dma_wait3A_115] : memref<10240x128xf32, #tpu.memory_space<vmem_shared>> -> memref<40x128xf32, #tpu.memory_space<vmem_shared>>
      %dma_wait3A_117 = arith.constant 0 : i32
      %dma_wait3A_118 = tpu.memref_slice %arg17[%add3A_36, %dma_wait3A_117] : memref<10240x128xf32, #tpu.memory_space<vmem_shared>> -> memref<40x128xf32, #tpu.memory_space<vmem_shared>>
      tpu.wait_dma2 semaphore(%run_scoped3A : memref<!tpu.dma_semaphore, #tpu.memory_space<semaphore_mem>>) src(%arg12 : memref<40x128xf32, #tpu.memory_space<vmem>>) dst(%dma_wait3A_118 : memref<40x128xf32, #tpu.memory_space<vmem_shared>>)
      tpu.yield
    }) : () -> ()
    %add3A_37 = arith.constant 480 : i32
    %add3A_38 = arith.addi %mul3A_12, %add3A_37 : i32
    "tpu.region"() ({
      %run_scoped3A = tpu.sem_alloc : memref<!tpu.dma_semaphore, #tpu.memory_space<semaphore_mem>>
      %dma_start3A_111 = arith.constant 0 : i32
      %dma_start3A_112 = tpu.memref_slice %arg17[%add3A_38, %dma_start3A_111] : memref<10240x128xf32, #tpu.memory_space<vmem_shared>> -> memref<40x128xf32, #tpu.memory_space<vmem_shared>>
      %dma_start3A_113 = arith.constant 0 : i32
      %dma_start3A_114 = tpu.memref_slice %arg17[%add3A_38, %dma_start3A_113] : memref<10240x128xf32, #tpu.memory_space<vmem_shared>> -> memref<40x128xf32, #tpu.memory_space<vmem_shared>>
      tpu.enqueue_dma source(%arg12 : memref<40x128xf32, #tpu.memory_space<vmem>>) target(%dma_start3A_114 : memref<40x128xf32, #tpu.memory_space<vmem_shared>>) target_semaphore(%run_scoped3A : memref<!tpu.dma_semaphore, #tpu.memory_space<semaphore_mem>>)
      %dma_wait3A_115 = arith.constant 0 : i32
      %dma_wait3A_116 = tpu.memref_slice %arg17[%add3A_38, %dma_wait3A_115] : memref<10240x128xf32, #tpu.memory_space<vmem_shared>> -> memref<40x128xf32, #tpu.memory_space<vmem_shared>>
      %dma_wait3A_117 = arith.constant 0 : i32
      %dma_wait3A_118 = tpu.memref_slice %arg17[%add3A_38, %dma_wait3A_117] : memref<10240x128xf32, #tpu.memory_space<vmem_shared>> -> memref<40x128xf32, #tpu.memory_space<vmem_shared>>
      tpu.wait_dma2 semaphore(%run_scoped3A : memref<!tpu.dma_semaphore, #tpu.memory_space<semaphore_mem>>) src(%arg12 : memref<40x128xf32, #tpu.memory_space<vmem>>) dst(%dma_wait3A_118 : memref<40x128xf32, #tpu.memory_space<vmem_shared>>)
      tpu.yield
    }) : () -> ()
    %add3A_39 = arith.constant 520 : i32
    %add3A_40 = arith.addi %mul3A_12, %add3A_39 : i32
    "tpu.region"() ({
      %run_scoped3A = tpu.sem_alloc : memref<!tpu.dma_semaphore, #tpu.memory_space<semaphore_mem>>
      %dma_start3A_111 = arith.constant 0 : i32
      %dma_start3A_112 = tpu.memref_slice %arg17[%add3A_40, %dma_start3A_111] : memref<10240x128xf32, #tpu.memory_space<vmem_shared>> -> memref<40x128xf32, #tpu.memory_space<vmem_shared>>
      %dma_start3A_113 = arith.constant 0 : i32
      %dma_start3A_114 = tpu.memref_slice %arg17[%add3A_40, %dma_start3A_113] : memref<10240x128xf32, #tpu.memory_space<vmem_shared>> -> memref<40x128xf32, #tpu.memory_space<vmem_shared>>
      tpu.enqueue_dma source(%arg12 : memref<40x128xf32, #tpu.memory_space<vmem>>) target(%dma_start3A_114 : memref<40x128xf32, #tpu.memory_space<vmem_shared>>) target_semaphore(%run_scoped3A : memref<!tpu.dma_semaphore, #tpu.memory_space<semaphore_mem>>)
      %dma_wait3A_115 = arith.constant 0 : i32
      %dma_wait3A_116 = tpu.memref_slice %arg17[%add3A_40, %dma_wait3A_115] : memref<10240x128xf32, #tpu.memory_space<vmem_shared>> -> memref<40x128xf32, #tpu.memory_space<vmem_shared>>
      %dma_wait3A_117 = arith.constant 0 : i32
      %dma_wait3A_118 = tpu.memref_slice %arg17[%add3A_40, %dma_wait3A_117] : memref<10240x128xf32, #tpu.memory_space<vmem_shared>> -> memref<40x128xf32, #tpu.memory_space<vmem_shared>>
      tpu.wait_dma2 semaphore(%run_scoped3A : memref<!tpu.dma_semaphore, #tpu.memory_space<semaphore_mem>>) src(%arg12 : memref<40x128xf32, #tpu.memory_space<vmem>>) dst(%dma_wait3A_118 : memref<40x128xf32, #tpu.memory_space<vmem_shared>>)
      tpu.yield
    }) : () -> ()
    %add3A_41 = arith.constant 560 : i32
    %add3A_42 = arith.addi %mul3A_12, %add3A_41 : i32
    "tpu.region"() ({
      %run_scoped3A = tpu.sem_alloc : memref<!tpu.dma_semaphore, #tpu.memory_space<semaphore_mem>>
      %dma_start3A_111 = arith.constant 0 : i32
      %dma_start3A_112 = tpu.memref_slice %arg17[%add3A_42, %dma_start3A_111] : memref<10240x128xf32, #tpu.memory_space<vmem_shared>> -> memref<40x128xf32, #tpu.memory_space<vmem_shared>>
      %dma_start3A_113 = arith.constant 0 : i32
      %dma_start3A_114 = tpu.memref_slice %arg17[%add3A_42, %dma_start3A_113] : memref<10240x128xf32, #tpu.memory_space<vmem_shared>> -> memref<40x128xf32, #tpu.memory_space<vmem_shared>>
      tpu.enqueue_dma source(%arg12 : memref<40x128xf32, #tpu.memory_space<vmem>>) target(%dma_start3A_114 : memref<40x128xf32, #tpu.memory_space<vmem_shared>>) target_semaphore(%run_scoped3A : memref<!tpu.dma_semaphore, #tpu.memory_space<semaphore_mem>>)
      %dma_wait3A_115 = arith.constant 0 : i32
      %dma_wait3A_116 = tpu.memref_slice %arg17[%add3A_42, %dma_wait3A_115] : memref<10240x128xf32, #tpu.memory_space<vmem_shared>> -> memref<40x128xf32, #tpu.memory_space<vmem_shared>>
      %dma_wait3A_117 = arith.constant 0 : i32
      %dma_wait3A_118 = tpu.memref_slice %arg17[%add3A_42, %dma_wait3A_117] : memref<10240x128xf32, #tpu.memory_space<vmem_shared>> -> memref<40x128xf32, #tpu.memory_space<vmem_shared>>
      tpu.wait_dma2 semaphore(%run_scoped3A : memref<!tpu.dma_semaphore, #tpu.memory_space<semaphore_mem>>) src(%arg12 : memref<40x128xf32, #tpu.memory_space<vmem>>) dst(%dma_wait3A_118 : memref<40x128xf32, #tpu.memory_space<vmem_shared>>)
      tpu.yield
    }) : () -> ()
    %add3A_43 = arith.constant 600 : i32
    %add3A_44 = arith.addi %mul3A_12, %add3A_43 : i32
    "tpu.region"() ({
      %run_scoped3A = tpu.sem_alloc : memref<!tpu.dma_semaphore, #tpu.memory_space<semaphore_mem>>
      %dma_start3A_111 = arith.constant 0 : i32
      %dma_start3A_112 = tpu.memref_slice %arg17[%add3A_44, %dma_start3A_111] : memref<10240x128xf32, #tpu.memory_space<vmem_shared>> -> memref<40x128xf32, #tpu.memory_space<vmem_shared>>
      %dma_start3A_113 = arith.constant 0 : i32
      %dma_start3A_114 = tpu.memref_slice %arg17[%add3A_44, %dma_start3A_113] : memref<10240x128xf32, #tpu.memory_space<vmem_shared>> -> memref<40x128xf32, #tpu.memory_space<vmem_shared>>
      tpu.enqueue_dma source(%arg12 : memref<40x128xf32, #tpu.memory_space<vmem>>) target(%dma_start3A_114 : memref<40x128xf32, #tpu.memory_space<vmem_shared>>) target_semaphore(%run_scoped3A : memref<!tpu.dma_semaphore, #tpu.memory_space<semaphore_mem>>)
      %dma_wait3A_115 = arith.constant 0 : i32
      %dma_wait3A_116 = tpu.memref_slice %arg17[%add3A_44, %dma_wait3A_115] : memref<10240x128xf32, #tpu.memory_space<vmem_shared>> -> memref<40x128xf32, #tpu.memory_space<vmem_shared>>
      %dma_wait3A_117 = arith.constant 0 : i32
      %dma_wait3A_118 = tpu.memref_slice %arg17[%add3A_44, %dma_wait3A_117] : memref<10240x128xf32, #tpu.memory_space<vmem_shared>> -> memref<40x128xf32, #tpu.memory_space<vmem_shared>>
      tpu.wait_dma2 semaphore(%run_scoped3A : memref<!tpu.dma_semaphore, #tpu.memory_space<semaphore_mem>>) src(%arg12 : memref<40x128xf32, #tpu.memory_space<vmem>>) dst(%dma_wait3A_118 : memref<40x128xf32, #tpu.memory_space<vmem_shared>>)
      tpu.yield
    }) : () -> ()
    %add3A_45 = arith.constant 0 : i32
    %add3A_46 = arith.addi %mul3A_2, %add3A_45 : i32
    %multiple_of3A = tpu.assume_multiple %add3A_46, 8 : i32
    "tpu.region"() ({
      %run_scoped3A = tpu.sem_alloc : memref<!tpu.dma_semaphore, #tpu.memory_space<semaphore_mem>>
      %dma_start3A_111 = tpu.memref_slice %arg4[%multiple_of3A] : memref<320000xi32, #tpu.memory_space<hbm>> -> memref<40xi32, #tpu.memory_space<hbm>>
      %dma_start3A_112 = tpu.memref_slice %arg4[%multiple_of3A] : memref<320000xi32, #tpu.memory_space<hbm>> -> memref<40xi32, #tpu.memory_space<hbm>>
      tpu.enqueue_dma source(%dma_start3A_112 : memref<40xi32, #tpu.memory_space<hbm>>) target(%arg8 : memref<40xi32, #tpu.memory_space<vmem>>) target_semaphore(%run_scoped3A : memref<!tpu.dma_semaphore, #tpu.memory_space<semaphore_mem>>)
      %dma_wait3A_113 = tpu.memref_slice %arg4[%multiple_of3A] : memref<320000xi32, #tpu.memory_space<hbm>> -> memref<40xi32, #tpu.memory_space<hbm>>
      %dma_wait3A_114 = tpu.memref_slice %arg4[%multiple_of3A] : memref<320000xi32, #tpu.memory_space<hbm>> -> memref<40xi32, #tpu.memory_space<hbm>>
      tpu.wait_dma2 semaphore(%run_scoped3A : memref<!tpu.dma_semaphore, #tpu.memory_space<semaphore_mem>>) src(%dma_wait3A_114 : memref<40xi32, #tpu.memory_space<hbm>>) dst(%arg8 : memref<40xi32, #tpu.memory_space<vmem>>)
      tpu.yield
    }) : () -> ()
    "tpu.region"() ({
      %run_scoped3A = tpu.sem_alloc : memref<!tpu.dma_semaphore, #tpu.memory_space<semaphore_mem>>
      %dma_start3A_111 = tpu.memref_slice %arg5[%multiple_of3A] : memref<320000xi32, #tpu.memory_space<hbm>> -> memref<40xi32, #tpu.memory_space<hbm>>
      %dma_start3A_112 = tpu.memref_slice %arg5[%multiple_of3A] : memref<320000xi32, #tpu.memory_space<hbm>> -> memref<40xi32, #tpu.memory_space<hbm>>
      tpu.enqueue_dma source(%dma_start3A_112 : memref<40xi32, #tpu.memory_space<hbm>>) target(%arg10 : memref<40xi32, #tpu.memory_space<vmem>>) target_semaphore(%run_scoped3A : memref<!tpu.dma_semaphore, #tpu.memory_space<semaphore_mem>>)
      %dma_wait3A_113 = tpu.memref_slice %arg5[%multiple_of3A] : memref<320000xi32, #tpu.memory_space<hbm>> -> memref<40xi32, #tpu.memory_space<hbm>>
      %dma_wait3A_114 = tpu.memref_slice %arg5[%multiple_of3A] : memref<320000xi32, #tpu.memory_space<hbm>> -> memref<40xi32, #tpu.memory_space<hbm>>
      tpu.wait_dma2 semaphore(%run_scoped3A : memref<!tpu.dma_semaphore, #tpu.memory_space<semaphore_mem>>) src(%dma_wait3A_114 : memref<40xi32, #tpu.memory_space<hbm>>) dst(%arg10 : memref<40xi32, #tpu.memory_space<vmem>>)
      tpu.yield
    }) : () -> ()
    %dma_start3A = arith.constant 0 : i32
    %dma_start3A_47 = arith.constant 0 : i32
    %dma_start3A_48 = tpu.memref_slice %arg2[%dma_start3A, %dma_start3A_47] : memref<10000x128xf32, #tpu.memory_space<hbm>> -> memref<10000x128xf32, #tpu.memory_space<hbm>>
    tpu.enqueue_indirect_dma source(%dma_start3A_48 : memref<10000x128xf32, #tpu.memory_space<hbm>>) target(%arg12 : memref<40x128xf32, #tpu.memory_space<vmem>>) offsets(%arg8 : memref<40xi32, #tpu.memory_space<vmem>>) semaphore(%arg18 : memref<!tpu.dma_semaphore, #tpu.memory_space<semaphore_mem>>)
    %dma_start3A_49 = arith.constant 0 : i32
    %dma_start3A_50 = arith.constant 0 : i32
    %dma_start3A_51 = tpu.memref_slice %arg3[%dma_start3A_49, %dma_start3A_50] : memref<10000x128xf32, #tpu.memory_space<hbm>> -> memref<10000x128xf32, #tpu.memory_space<hbm>>
    tpu.enqueue_indirect_dma source(%dma_start3A_51 : memref<10000x128xf32, #tpu.memory_space<hbm>>) target(%arg14 : memref<40x128xf32, #tpu.memory_space<vmem>>) offsets(%arg10 : memref<40xi32, #tpu.memory_space<vmem>>) semaphore(%arg20 : memref<!tpu.dma_semaphore, #tpu.memory_space<semaphore_mem>>)
    %add3A_52 = arith.constant 40 : i32
    %add3A_53 = arith.addi %mul3A_2, %add3A_52 : i32
    %multiple_of3A_54 = tpu.assume_multiple %add3A_53, 8 : i32
    "tpu.region"() ({
      %run_scoped3A = tpu.sem_alloc : memref<!tpu.dma_semaphore, #tpu.memory_space<semaphore_mem>>
      %dma_start3A_111 = tpu.memref_slice %arg4[%multiple_of3A_54] : memref<320000xi32, #tpu.memory_space<hbm>> -> memref<40xi32, #tpu.memory_space<hbm>>
      %dma_start3A_112 = tpu.memref_slice %arg4[%multiple_of3A_54] : memref<320000xi32, #tpu.memory_space<hbm>> -> memref<40xi32, #tpu.memory_space<hbm>>
      tpu.enqueue_dma source(%dma_start3A_112 : memref<40xi32, #tpu.memory_space<hbm>>) target(%arg9 : memref<40xi32, #tpu.memory_space<vmem>>) target_semaphore(%run_scoped3A : memref<!tpu.dma_semaphore, #tpu.memory_space<semaphore_mem>>)
      %dma_wait3A_113 = tpu.memref_slice %arg4[%multiple_of3A_54] : memref<320000xi32, #tpu.memory_space<hbm>> -> memref<40xi32, #tpu.memory_space<hbm>>
      %dma_wait3A_114 = tpu.memref_slice %arg4[%multiple_of3A_54] : memref<320000xi32, #tpu.memory_space<hbm>> -> memref<40xi32, #tpu.memory_space<hbm>>
      tpu.wait_dma2 semaphore(%run_scoped3A : memref<!tpu.dma_semaphore, #tpu.memory_space<semaphore_mem>>) src(%dma_wait3A_114 : memref<40xi32, #tpu.memory_space<hbm>>) dst(%arg9 : memref<40xi32, #tpu.memory_space<vmem>>)
      tpu.yield
    }) : () -> ()
    "tpu.region"() ({
      %run_scoped3A = tpu.sem_alloc : memref<!tpu.dma_semaphore, #tpu.memory_space<semaphore_mem>>
      %dma_start3A_111 = tpu.memref_slice %arg5[%multiple_of3A_54] : memref<320000xi32, #tpu.memory_space<hbm>> -> memref<40xi32, #tpu.memory_space<hbm>>
      %dma_start3A_112 = tpu.memref_slice %arg5[%multiple_of3A_54] : memref<320000xi32, #tpu.memory_space<hbm>> -> memref<40xi32, #tpu.memory_space<hbm>>
      tpu.enqueue_dma source(%dma_start3A_112 : memref<40xi32, #tpu.memory_space<hbm>>) target(%arg11 : memref<40xi32, #tpu.memory_space<vmem>>) target_semaphore(%run_scoped3A : memref<!tpu.dma_semaphore, #tpu.memory_space<semaphore_mem>>)
      %dma_wait3A_113 = tpu.memref_slice %arg5[%multiple_of3A_54] : memref<320000xi32, #tpu.memory_space<hbm>> -> memref<40xi32, #tpu.memory_space<hbm>>
      %dma_wait3A_114 = tpu.memref_slice %arg5[%multiple_of3A_54] : memref<320000xi32, #tpu.memory_space<hbm>> -> memref<40xi32, #tpu.memory_space<hbm>>
      tpu.wait_dma2 semaphore(%run_scoped3A : memref<!tpu.dma_semaphore, #tpu.memory_space<semaphore_mem>>) src(%dma_wait3A_114 : memref<40xi32, #tpu.memory_space<hbm>>) dst(%arg11 : memref<40xi32, #tpu.memory_space<vmem>>)
      tpu.yield
    }) : () -> ()
    %dma_start3A_55 = arith.constant 0 : i32
    %dma_start3A_56 = arith.constant 0 : i32
    %dma_start3A_57 = tpu.memref_slice %arg2[%dma_start3A_55, %dma_start3A_56] : memref<10000x128xf32, #tpu.memory_space<hbm>> -> memref<10000x128xf32, #tpu.memory_space<hbm>>
    tpu.enqueue_indirect_dma source(%dma_start3A_57 : memref<10000x128xf32, #tpu.memory_space<hbm>>) target(%arg13 : memref<40x128xf32, #tpu.memory_space<vmem>>) offsets(%arg9 : memref<40xi32, #tpu.memory_space<vmem>>) semaphore(%arg19 : memref<!tpu.dma_semaphore, #tpu.memory_space<semaphore_mem>>)
    %dma_start3A_58 = arith.constant 0 : i32
    %dma_start3A_59 = arith.constant 0 : i32
    %dma_start3A_60 = tpu.memref_slice %arg3[%dma_start3A_58, %dma_start3A_59] : memref<10000x128xf32, #tpu.memory_space<hbm>> -> memref<10000x128xf32, #tpu.memory_space<hbm>>
    tpu.enqueue_indirect_dma source(%dma_start3A_60 : memref<10000x128xf32, #tpu.memory_space<hbm>>) target(%arg15 : memref<40x128xf32, #tpu.memory_space<vmem>>) offsets(%arg11 : memref<40xi32, #tpu.memory_space<vmem>>) semaphore(%arg21 : memref<!tpu.dma_semaphore, #tpu.memory_space<semaphore_mem>>)
    %barrier3A = arith.constant 0 : index
    tpu.barrier barrier_id(%barrier3A)
    %scan3A_61 = arith.constant 0 : i32
    %scan3A_62 = arith.constant 0 : i32
    %scan3A_63 = arith.constant 125 : i32
    %scan3A_64 = arith.addi %scan3A_62, %scan3A_63 : i32
    %scan3A_65 = arith.constant 1 : i32
    scf.for %scan3A_111 = %scan3A_62 to %scan3A_64 step %scan3A_65  : i32 {
      %mul3A_112 = arith.constant 2 : i32
      %mul3A_113 = arith.muli %mul3A_112, %scan3A_111 : i32
      %add3A_114 = arith.constant 0 : i32
      %add3A_115 = arith.addi %mul3A_113, %add3A_114 : i32
      %mul3A_116 = arith.constant 40 : i32
      %mul3A_117 = arith.muli %add3A_115, %mul3A_116 : i32
      %add3A_118 = arith.addi %mul3A_2, %mul3A_117 : i32
      %multiple_of3A_119 = tpu.assume_multiple %add3A_118, 8 : i32
      %dma_wait3A_120 = arith.constant 0 : i32
      %dma_wait3A_121 = arith.constant 0 : i32
      %dma_wait3A_122 = tpu.memref_slice %arg2[%dma_wait3A_120, %dma_wait3A_121] : memref<10000x128xf32, #tpu.memory_space<hbm>> -> memref<10000x128xf32, #tpu.memory_space<hbm>>
      tpu.wait_indirect_dma semaphore(%arg18 : memref<!tpu.dma_semaphore, #tpu.memory_space<semaphore_mem>>) src(%dma_wait3A_122 : memref<10000x128xf32, #tpu.memory_space<hbm>>) dst(%arg12 : memref<40x128xf32, #tpu.memory_space<vmem>>)
      %dma_wait3A_123 = arith.constant 0 : i32
      %dma_wait3A_124 = arith.constant 0 : i32
      %dma_wait3A_125 = tpu.memref_slice %arg3[%dma_wait3A_123, %dma_wait3A_124] : memref<10000x128xf32, #tpu.memory_space<hbm>> -> memref<10000x128xf32, #tpu.memory_space<hbm>>
      tpu.wait_indirect_dma semaphore(%arg20 : memref<!tpu.dma_semaphore, #tpu.memory_space<semaphore_mem>>) src(%dma_wait3A_125 : memref<10000x128xf32, #tpu.memory_space<hbm>>) dst(%arg14 : memref<40x128xf32, #tpu.memory_space<vmem>>)
      %dma_start3A_126 = arith.constant 0 : i32
      %dma_start3A_127 = arith.constant 0 : i32
      %dma_start3A_128 = tpu.memref_slice %arg17[%dma_start3A_126, %dma_start3A_127] : memref<10240x128xf32, #tpu.memory_space<vmem_shared>> -> memref<10240x128xf32, #tpu.memory_space<vmem_shared>>
      tpu.enqueue_indirect_dma source(%arg16 : memref<40x128xf32, #tpu.memory_space<vmem>>) target(%dma_start3A_128 : memref<10240x128xf32, #tpu.memory_space<vmem_shared>>) offsets(%arg10 : memref<40xi32, #tpu.memory_space<vmem>>) semaphore(%arg22 : memref<!tpu.dma_semaphore, #tpu.memory_space<semaphore_mem>>) {add = true}
      %scan3A_129 = arith.constant 0 : i32
      %scan3A_130 = arith.constant 0 : i32
      %scan3A_131 = arith.constant 40 : i32
      %scan3A_132 = arith.addi %scan3A_130, %scan3A_131 : i32
      %scan3A_133 = arith.constant 1 : i32
      scf.for %scan3A_207 = %scan3A_130 to %scan3A_132 step %scan3A_133  : i32 {
        %get3A = arith.index_cast %scan3A_207 : i32 to index
        %get3A_208 = arith.constant 0 : index
        %get3A_209 = tpu.vector_load %arg12[%get3A, %get3A_208] {strides = array<i32>} : memref<40x128xf32, #tpu.memory_space<vmem>>, vector<1x16xf32>,
        %get3A_210 = vector.shape_cast %get3A_209 : vector<1x16xf32> to vector<16xf32>
        %get3A_211 = arith.index_cast %scan3A_207 : i32 to index
        %get3A_212 = arith.constant 0 : index
        %get3A_213 = tpu.vector_load %arg14[%get3A_211, %get3A_212] {strides = array<i32>} : memref<40x128xf32, #tpu.memory_space<vmem>>, vector<1x16xf32>,
        %get3A_214 = vector.shape_cast %get3A_213 : vector<1x16xf32> to vector<16xf32>
        %add3A_215 = arith.addf %get3A_210, %get3A_214 : vector<16xf32>
        %swap3A = arith.index_cast %scan3A_207 : i32 to index
        %swap3A_216 = arith.constant 0 : index
        %swap3A_217 = tpu.vector_load %arg12[%swap3A, %swap3A_216] {strides = array<i32>} : memref<40x128xf32, #tpu.memory_space<vmem>>, vector<1x16xf32>,
        %swap3A_218 = vector.shape_cast %swap3A_217 : vector<1x16xf32> to vector<16xf32>
        %swap3A_219 = vector.shape_cast %add3A_215 : vector<16xf32> to vector<1x16xf32>
        tpu.vector_store %arg12[%swap3A, %swap3A_216], %swap3A_219 {strides = array<i32>} : memref<40x128xf32, #tpu.memory_space<vmem>>, vector<1x16xf32>,
        %get3A_220 = arith.index_cast %scan3A_207 : i32 to index
        %get3A_221 = arith.constant 16 : index
        %get3A_222 = tpu.vector_load %arg12[%get3A_220, %get3A_221] {strides = array<i32>} : memref<40x128xf32, #tpu.memory_space<vmem>>, vector<1x16xf32>,
        %get3A_223 = vector.shape_cast %get3A_222 : vector<1x16xf32> to vector<16xf32>
        %get3A_224 = arith.index_cast %scan3A_207 : i32 to index
        %get3A_225 = arith.constant 16 : index
        %get3A_226 = tpu.vector_load %arg14[%get3A_224, %get3A_225] {strides = array<i32>} : memref<40x128xf32, #tpu.memory_space<vmem>>, vector<1x16xf32>,
        %get3A_227 = vector.shape_cast %get3A_226 : vector<1x16xf32> to vector<16xf32>
        %add3A_228 = arith.addf %get3A_223, %get3A_227 : vector<16xf32>
        %swap3A_229 = arith.index_cast %scan3A_207 : i32 to index
        %swap3A_230 = arith.constant 16 : index
        %swap3A_231 = tpu.vector_load %arg12[%swap3A_229, %swap3A_230] {strides = array<i32>} : memref<40x128xf32, #tpu.memory_space<vmem>>, vector<1x16xf32>,
        %swap3A_232 = vector.shape_cast %swap3A_231 : vector<1x16xf32> to vector<16xf32>
        %swap3A_233 = vector.shape_cast %add3A_228 : vector<16xf32> to vector<1x16xf32>
        tpu.vector_store %arg12[%swap3A_229, %swap3A_230], %swap3A_233 {strides = array<i32>} : memref<40x128xf32, #tpu.memory_space<vmem>>, vector<1x16xf32>,
        %get3A_234 = arith.index_cast %scan3A_207 : i32 to index
        %get3A_235 = arith.constant 32 : index
        %get3A_236 = tpu.vector_load %arg12[%get3A_234, %get3A_235] {strides = array<i32>} : memref<40x128xf32, #tpu.memory_space<vmem>>, vector<1x16xf32>,
        %get3A_237 = vector.shape_cast %get3A_236 : vector<1x16xf32> to vector<16xf32>
        %get3A_238 = arith.index_cast %scan3A_207 : i32 to index
        %get3A_239 = arith.constant 32 : index
        %get3A_240 = tpu.vector_load %arg14[%get3A_238, %get3A_239] {strides = array<i32>} : memref<40x128xf32, #tpu.memory_space<vmem>>, vector<1x16xf32>,
        %get3A_241 = vector.shape_cast %get3A_240 : vector<1x16xf32> to vector<16xf32>
        %add3A_242 = arith.addf %get3A_237, %get3A_241 : vector<16xf32>
        %swap3A_243 = arith.index_cast %scan3A_207 : i32 to index
        %swap3A_244 = arith.constant 32 : index
        %swap3A_245 = tpu.vector_load %arg12[%swap3A_243, %swap3A_244] {strides = array<i32>} : memref<40x128xf32, #tpu.memory_space<vmem>>, vector<1x16xf32>,
        %swap3A_246 = vector.shape_cast %swap3A_245 : vector<1x16xf32> to vector<16xf32>
        %swap3A_247 = vector.shape_cast %add3A_242 : vector<16xf32> to vector<1x16xf32>
        tpu.vector_store %arg12[%swap3A_243, %swap3A_244], %swap3A_247 {strides = array<i32>} : memref<40x128xf32, #tpu.memory_space<vmem>>, vector<1x16xf32>,
        %get3A_248 = arith.index_cast %scan3A_207 : i32 to index
        %get3A_249 = arith.constant 48 : index
        %get3A_250 = tpu.vector_load %arg12[%get3A_248, %get3A_249] {strides = array<i32>} : memref<40x128xf32, #tpu.memory_space<vmem>>, vector<1x16xf32>,
        %get3A_251 = vector.shape_cast %get3A_250 : vector<1x16xf32> to vector<16xf32>
        %get3A_252 = arith.index_cast %scan3A_207 : i32 to index
        %get3A_253 = arith.constant 48 : index
        %get3A_254 = tpu.vector_load %arg14[%get3A_252, %get3A_253] {strides = array<i32>} : memref<40x128xf32, #tpu.memory_space<vmem>>, vector<1x16xf32>,
        %get3A_255 = vector.shape_cast %get3A_254 : vector<1x16xf32> to vector<16xf32>
        %add3A_256 = arith.addf %get3A_251, %get3A_255 : vector<16xf32>
        %swap3A_257 = arith.index_cast %scan3A_207 : i32 to index
        %swap3A_258 = arith.constant 48 : index
        %swap3A_259 = tpu.vector_load %arg12[%swap3A_257, %swap3A_258] {strides = array<i32>} : memref<40x128xf32, #tpu.memory_space<vmem>>, vector<1x16xf32>,
        %swap3A_260 = vector.shape_cast %swap3A_259 : vector<1x16xf32> to vector<16xf32>
        %swap3A_261 = vector.shape_cast %add3A_256 : vector<16xf32> to vector<1x16xf32>
        tpu.vector_store %arg12[%swap3A_257, %swap3A_258], %swap3A_261 {strides = array<i32>} : memref<40x128xf32, #tpu.memory_space<vmem>>, vector<1x16xf32>,
        %get3A_262 = arith.index_cast %scan3A_207 : i32 to index
        %get3A_263 = arith.constant 64 : index
        %get3A_264 = tpu.vector_load %arg12[%get3A_262, %get3A_263] {strides = array<i32>} : memref<40x128xf32, #tpu.memory_space<vmem>>, vector<1x16xf32>,
        %get3A_265 = vector.shape_cast %get3A_264 : vector<1x16xf32> to vector<16xf32>
        %get3A_266 = arith.index_cast %scan3A_207 : i32 to index
        %get3A_267 = arith.constant 64 : index
        %get3A_268 = tpu.vector_load %arg14[%get3A_266, %get3A_267] {strides = array<i32>} : memref<40x128xf32, #tpu.memory_space<vmem>>, vector<1x16xf32>,
        %get3A_269 = vector.shape_cast %get3A_268 : vector<1x16xf32> to vector<16xf32>
        %add3A_270 = arith.addf %get3A_265, %get3A_269 : vector<16xf32>
        %swap3A_271 = arith.index_cast %scan3A_207 : i32 to index
        %swap3A_272 = arith.constant 64 : index
        %swap3A_273 = tpu.vector_load %arg12[%swap3A_271, %swap3A_272] {strides = array<i32>} : memref<40x128xf32, #tpu.memory_space<vmem>>, vector<1x16xf32>,
        %swap3A_274 = vector.shape_cast %swap3A_273 : vector<1x16xf32> to vector<16xf32>
        %swap3A_275 = vector.shape_cast %add3A_270 : vector<16xf32> to vector<1x16xf32>
        tpu.vector_store %arg12[%swap3A_271, %swap3A_272], %swap3A_275 {strides = array<i32>} : memref<40x128xf32, #tpu.memory_space<vmem>>, vector<1x16xf32>,
        %get3A_276 = arith.index_cast %scan3A_207 : i32 to index
        %get3A_277 = arith.constant 80 : index
        %get3A_278 = tpu.vector_load %arg12[%get3A_276, %get3A_277] {strides = array<i32>} : memref<40x128xf32, #tpu.memory_space<vmem>>, vector<1x16xf32>,
        %get3A_279 = vector.shape_cast %get3A_278 : vector<1x16xf32> to vector<16xf32>
        %get3A_280 = arith.index_cast %scan3A_207 : i32 to index
        %get3A_281 = arith.constant 80 : index
        %get3A_282 = tpu.vector_load %arg14[%get3A_280, %get3A_281] {strides = array<i32>} : memref<40x128xf32, #tpu.memory_space<vmem>>, vector<1x16xf32>,
        %get3A_283 = vector.shape_cast %get3A_282 : vector<1x16xf32> to vector<16xf32>
        %add3A_284 = arith.addf %get3A_279, %get3A_283 : vector<16xf32>
        %swap3A_285 = arith.index_cast %scan3A_207 : i32 to index
        %swap3A_286 = arith.constant 80 : index
        %swap3A_287 = tpu.vector_load %arg12[%swap3A_285, %swap3A_286] {strides = array<i32>} : memref<40x128xf32, #tpu.memory_space<vmem>>, vector<1x16xf32>,
        %swap3A_288 = vector.shape_cast %swap3A_287 : vector<1x16xf32> to vector<16xf32>
        %swap3A_289 = vector.shape_cast %add3A_284 : vector<16xf32> to vector<1x16xf32>
        tpu.vector_store %arg12[%swap3A_285, %swap3A_286], %swap3A_289 {strides = array<i32>} : memref<40x128xf32, #tpu.memory_space<vmem>>, vector<1x16xf32>,
        %get3A_290 = arith.index_cast %scan3A_207 : i32 to index
        %get3A_291 = arith.constant 96 : index
        %get3A_292 = tpu.vector_load %arg12[%get3A_290, %get3A_291] {strides = array<i32>} : memref<40x128xf32, #tpu.memory_space<vmem>>, vector<1x16xf32>,
        %get3A_293 = vector.shape_cast %get3A_292 : vector<1x16xf32> to vector<16xf32>
        %get3A_294 = arith.index_cast %scan3A_207 : i32 to index
        %get3A_295 = arith.constant 96 : index
        %get3A_296 = tpu.vector_load %arg14[%get3A_294, %get3A_295] {strides = array<i32>} : memref<40x128xf32, #tpu.memory_space<vmem>>, vector<1x16xf32>,
        %get3A_297 = vector.shape_cast %get3A_296 : vector<1x16xf32> to vector<16xf32>
        %add3A_298 = arith.addf %get3A_293, %get3A_297 : vector<16xf32>
        %swap3A_299 = arith.index_cast %scan3A_207 : i32 to index
        %swap3A_300 = arith.constant 96 : index
        %swap3A_301 = tpu.vector_load %arg12[%swap3A_299, %swap3A_300] {strides = array<i32>} : memref<40x128xf32, #tpu.memory_space<vmem>>, vector<1x16xf32>,
        %swap3A_302 = vector.shape_cast %swap3A_301 : vector<1x16xf32> to vector<16xf32>
        %swap3A_303 = vector.shape_cast %add3A_298 : vector<16xf32> to vector<1x16xf32>
        tpu.vector_store %arg12[%swap3A_299, %swap3A_300], %swap3A_303 {strides = array<i32>} : memref<40x128xf32, #tpu.memory_space<vmem>>, vector<1x16xf32>,
        %get3A_304 = arith.index_cast %scan3A_207 : i32 to index
        %get3A_305 = arith.constant 112 : index
        %get3A_306 = tpu.vector_load %arg12[%get3A_304, %get3A_305] {strides = array<i32>} : memref<40x128xf32, #tpu.memory_space<vmem>>, vector<1x16xf32>,
        %get3A_307 = vector.shape_cast %get3A_306 : vector<1x16xf32> to vector<16xf32>
        %get3A_308 = arith.index_cast %scan3A_207 : i32 to index
        %get3A_309 = arith.constant 112 : index
        %get3A_310 = tpu.vector_load %arg14[%get3A_308, %get3A_309] {strides = array<i32>} : memref<40x128xf32, #tpu.memory_space<vmem>>, vector<1x16xf32>,
        %get3A_311 = vector.shape_cast %get3A_310 : vector<1x16xf32> to vector<16xf32>
        %add3A_312 = arith.addf %get3A_307, %get3A_311 : vector<16xf32>
        %swap3A_313 = arith.index_cast %scan3A_207 : i32 to index
        %swap3A_314 = arith.constant 112 : index
        %swap3A_315 = tpu.vector_load %arg12[%swap3A_313, %swap3A_314] {strides = array<i32>} : memref<40x128xf32, #tpu.memory_space<vmem>>, vector<1x16xf32>,
        %swap3A_316 = vector.shape_cast %swap3A_315 : vector<1x16xf32> to vector<16xf32>
        %swap3A_317 = vector.shape_cast %add3A_312 : vector<16xf32> to vector<1x16xf32>
        tpu.vector_store %arg12[%swap3A_313, %swap3A_314], %swap3A_317 {strides = array<i32>} : memref<40x128xf32, #tpu.memory_space<vmem>>, vector<1x16xf32>,
      }
      %scan3A_134 = arith.constant 40 : i32
      %dma_start3A_135 = arith.constant 0 : i32
      %dma_start3A_136 = tpu.memref_slice %arg6[%multiple_of3A_119, %dma_start3A_135] : memref<320000x128xf32, #tpu.memory_space<hbm>> -> memref<40x128xf32, #tpu.memory_space<hbm>>
      %dma_start3A_137 = arith.constant 0 : i32
      %dma_start3A_138 = tpu.memref_slice %arg6[%multiple_of3A_119, %dma_start3A_137] : memref<320000x128xf32, #tpu.memory_space<hbm>> -> memref<40x128xf32, #tpu.memory_space<hbm>>
      tpu.enqueue_dma source(%arg12 : memref<40x128xf32, #tpu.memory_space<vmem>>) target(%dma_start3A_138 : memref<40x128xf32, #tpu.memory_space<hbm>>) target_semaphore(%arg24 : memref<!tpu.dma_semaphore, #tpu.memory_space<semaphore_mem>>)
      %dma_wait3A_139 = arith.constant 0 : i32
      %dma_wait3A_140 = arith.constant 0 : i32
      %dma_wait3A_141 = tpu.memref_slice %arg17[%dma_wait3A_139, %dma_wait3A_140] : memref<10240x128xf32, #tpu.memory_space<vmem_shared>> -> memref<10240x128xf32, #tpu.memory_space<vmem_shared>>
      tpu.wait_indirect_dma semaphore(%arg22 : memref<!tpu.dma_semaphore, #tpu.memory_space<semaphore_mem>>) src(%arg16 : memref<40x128xf32, #tpu.memory_space<vmem>>) dst(%dma_wait3A_141 : memref<10240x128xf32, #tpu.memory_space<vmem_shared>>)
      %dma_wait3A_142 = arith.constant 0 : i32
      %dma_wait3A_143 = tpu.memref_slice %arg6[%multiple_of3A_119, %dma_wait3A_142] : memref<320000x128xf32, #tpu.memory_space<hbm>> -> memref<40x128xf32, #tpu.memory_space<hbm>>
      %dma_wait3A_144 = arith.constant 0 : i32
      %dma_wait3A_145 = tpu.memref_slice %arg6[%multiple_of3A_119, %dma_wait3A_144] : memref<320000x128xf32, #tpu.memory_space<hbm>> -> memref<40x128xf32, #tpu.memory_space<hbm>>
      tpu.wait_dma2 semaphore(%arg24 : memref<!tpu.dma_semaphore, #tpu.memory_space<semaphore_mem>>) src(%arg12 : memref<40x128xf32, #tpu.memory_space<vmem>>) dst(%dma_wait3A_145 : memref<40x128xf32, #tpu.memory_space<hbm>>)
      %add3A_146 = arith.constant 2 : i32
      %add3A_147 = arith.addi %add3A_115, %add3A_146 : i32
      %min3A = arith.constant 249 : i32
      %min3A_148 = arith.minsi %add3A_147, %min3A : i32
      %mul3A_149 = arith.constant 40 : i32
      %mul3A_150 = arith.muli %min3A_148, %mul3A_149 : i32
      %add3A_151 = arith.addi %mul3A_2, %mul3A_150 : i32
      %multiple_of3A_152 = tpu.assume_multiple %add3A_151, 8 : i32
      "tpu.region"() ({
        %run_scoped3A = tpu.sem_alloc : memref<!tpu.dma_semaphore, #tpu.memory_space<semaphore_mem>>
        %dma_start3A_207 = tpu.memref_slice %arg4[%multiple_of3A_152] : memref<320000xi32, #tpu.memory_space<hbm>> -> memref<40xi32, #tpu.memory_space<hbm>>
        %dma_start3A_208 = tpu.memref_slice %arg4[%multiple_of3A_152] : memref<320000xi32, #tpu.memory_space<hbm>> -> memref<40xi32, #tpu.memory_space<hbm>>
        tpu.enqueue_dma source(%dma_start3A_208 : memref<40xi32, #tpu.memory_space<hbm>>) target(%arg8 : memref<40xi32, #tpu.memory_space<vmem>>) target_semaphore(%run_scoped3A : memref<!tpu.dma_semaphore, #tpu.memory_space<semaphore_mem>>)
        %dma_wait3A_209 = tpu.memref_slice %arg4[%multiple_of3A_152] : memref<320000xi32, #tpu.memory_space<hbm>> -> memref<40xi32, #tpu.memory_space<hbm>>
        %dma_wait3A_210 = tpu.memref_slice %arg4[%multiple_of3A_152] : memref<320000xi32, #tpu.memory_space<hbm>> -> memref<40xi32, #tpu.memory_space<hbm>>
        tpu.wait_dma2 semaphore(%run_scoped3A : memref<!tpu.dma_semaphore, #tpu.memory_space<semaphore_mem>>) src(%dma_wait3A_210 : memref<40xi32, #tpu.memory_space<hbm>>) dst(%arg8 : memref<40xi32, #tpu.memory_space<vmem>>)
        tpu.yield
      }) : () -> ()
      "tpu.region"() ({
        %run_scoped3A = tpu.sem_alloc : memref<!tpu.dma_semaphore, #tpu.memory_space<semaphore_mem>>
        %dma_start3A_207 = tpu.memref_slice %arg5[%multiple_of3A_152] : memref<320000xi32, #tpu.memory_space<hbm>> -> memref<40xi32, #tpu.memory_space<hbm>>
        %dma_start3A_208 = tpu.memref_slice %arg5[%multiple_of3A_152] : memref<320000xi32, #tpu.memory_space<hbm>> -> memref<40xi32, #tpu.memory_space<hbm>>
        tpu.enqueue_dma source(%dma_start3A_208 : memref<40xi32, #tpu.memory_space<hbm>>) target(%arg10 : memref<40xi32, #tpu.memory_space<vmem>>) target_semaphore(%run_scoped3A : memref<!tpu.dma_semaphore, #tpu.memory_space<semaphore_mem>>)
        %dma_wait3A_209 = tpu.memref_slice %arg5[%multiple_of3A_152] : memref<320000xi32, #tpu.memory_space<hbm>> -> memref<40xi32, #tpu.memory_space<hbm>>
        %dma_wait3A_210 = tpu.memref_slice %arg5[%multiple_of3A_152] : memref<320000xi32, #tpu.memory_space<hbm>> -> memref<40xi32, #tpu.memory_space<hbm>>
        tpu.wait_dma2 semaphore(%run_scoped3A : memref<!tpu.dma_semaphore, #tpu.memory_space<semaphore_mem>>) src(%dma_wait3A_210 : memref<40xi32, #tpu.memory_space<hbm>>) dst(%arg10 : memref<40xi32, #tpu.memory_space<vmem>>)
        tpu.yield
      }) : () -> ()
      %dma_start3A_153 = arith.constant 0 : i32
      %dma_start3A_154 = arith.constant 0 : i32
      %dma_start3A_155 = tpu.memref_slice %arg2[%dma_start3A_153, %dma_start3A_154] : memref<10000x128xf32, #tpu.memory_space<hbm>> -> memref<10000x128xf32, #tpu.memory_space<hbm>>
      tpu.enqueue_indirect_dma source(%dma_start3A_155 : memref<10000x128xf32, #tpu.memory_space<hbm>>) target(%arg12 : memref<40x128xf32, #tpu.memory_space<vmem>>) offsets(%arg8 : memref<40xi32, #tpu.memory_space<vmem>>) semaphore(%arg18 : memref<!tpu.dma_semaphore, #tpu.memory_space<semaphore_mem>>)
      %dma_start3A_156 = arith.constant 0 : i32
      %dma_start3A_157 = arith.constant 0 : i32
      %dma_start3A_158 = tpu.memref_slice %arg3[%dma_start3A_156, %dma_start3A_157] : memref<10000x128xf32, #tpu.memory_space<hbm>> -> memref<10000x128xf32, #tpu.memory_space<hbm>>
      tpu.enqueue_indirect_dma source(%dma_start3A_158 : memref<10000x128xf32, #tpu.memory_space<hbm>>) target(%arg14 : memref<40x128xf32, #tpu.memory_space<vmem>>) offsets(%arg10 : memref<40xi32, #tpu.memory_space<vmem>>) semaphore(%arg20 : memref<!tpu.dma_semaphore, #tpu.memory_space<semaphore_mem>>)
      %mul3A_159 = arith.constant 2 : i32
      %mul3A_160 = arith.muli %mul3A_159, %scan3A_111 : i32
      %add3A_161 = arith.constant 1 : i32
      %add3A_162 = arith.addi %mul3A_160, %add3A_161 : i32
      %mul3A_163 = arith.constant 40 : i32
      %mul3A_164 = arith.muli %add3A_162, %mul3A_163 : i32
      %add3A_165 = arith.addi %mul3A_2, %mul3A_164 : i32
      %multiple_of3A_166 = tpu.assume_multiple %add3A_165, 8 : i32
      %dma_wait3A_167 = arith.constant 0 : i32
      %dma_wait3A_168 = arith.constant 0 : i32
      %dma_wait3A_169 = tpu.memref_slice %arg2[%dma_wait3A_167, %dma_wait3A_168] : memref<10000x128xf32, #tpu.memory_space<hbm>> -> memref<10000x128xf32, #tpu.memory_space<hbm>>
      tpu.wait_indirect_dma semaphore(%arg19 : memref<!tpu.dma_semaphore, #tpu.memory_space<semaphore_mem>>) src(%dma_wait3A_169 : memref<10000x128xf32, #tpu.memory_space<hbm>>) dst(%arg13 : memref<40x128xf32, #tpu.memory_space<vmem>>)
      %dma_wait3A_170 = arith.constant 0 : i32
      %dma_wait3A_171 = arith.constant 0 : i32
      %dma_wait3A_172 = tpu.memref_slice %arg3[%dma_wait3A_170, %dma_wait3A_171] : memref<10000x128xf32, #tpu.memory_space<hbm>> -> memref<10000x128xf32, #tpu.memory_space<hbm>>
      tpu.wait_indirect_dma semaphore(%arg21 : memref<!tpu.dma_semaphore, #tpu.memory_space<semaphore_mem>>) src(%dma_wait3A_172 : memref<10000x128xf32, #tpu.memory_space<hbm>>) dst(%arg15 : memref<40x128xf32, #tpu.memory_space<vmem>>)
      %dma_start3A_173 = arith.constant 0 : i32
      %dma_start3A_174 = arith.constant 0 : i32
      %dma_start3A_175 = tpu.memref_slice %arg17[%dma_start3A_173, %dma_start3A_174] : memref<10240x128xf32, #tpu.memory_space<vmem_shared>> -> memref<10240x128xf32, #tpu.memory_space<vmem_shared>>
      tpu.enqueue_indirect_dma source(%arg16 : memref<40x128xf32, #tpu.memory_space<vmem>>) target(%dma_start3A_175 : memref<10240x128xf32, #tpu.memory_space<vmem_shared>>) offsets(%arg11 : memref<40xi32, #tpu.memory_space<vmem>>) semaphore(%arg23 : memref<!tpu.dma_semaphore, #tpu.memory_space<semaphore_mem>>) {add = true}
      %scan3A_176 = arith.constant 0 : i32
      %scan3A_177 = arith.constant 0 : i32
      %scan3A_178 = arith.constant 40 : i32
      %scan3A_179 = arith.addi %scan3A_177, %scan3A_178 : i32
      %scan3A_180 = arith.constant 1 : i32
      scf.for %scan3A_207 = %scan3A_177 to %scan3A_179 step %scan3A_180  : i32 {
        %get3A = arith.index_cast %scan3A_207 : i32 to index
        %get3A_208 = arith.constant 0 : index
        %get3A_209 = tpu.vector_load %arg13[%get3A, %get3A_208] {strides = array<i32>} : memref<40x128xf32, #tpu.memory_space<vmem>>, vector<1x16xf32>,
        %get3A_210 = vector.shape_cast %get3A_209 : vector<1x16xf32> to vector<16xf32>
        %get3A_211 = arith.index_cast %scan3A_207 : i32 to index
        %get3A_212 = arith.constant 0 : index
        %get3A_213 = tpu.vector_load %arg15[%get3A_211, %get3A_212] {strides = array<i32>} : memref<40x128xf32, #tpu.memory_space<vmem>>, vector<1x16xf32>,
        %get3A_214 = vector.shape_cast %get3A_213 : vector<1x16xf32> to vector<16xf32>
        %add3A_215 = arith.addf %get3A_210, %get3A_214 : vector<16xf32>
        %swap3A = arith.index_cast %scan3A_207 : i32 to index
        %swap3A_216 = arith.constant 0 : index
        %swap3A_217 = tpu.vector_load %arg13[%swap3A, %swap3A_216] {strides = array<i32>} : memref<40x128xf32, #tpu.memory_space<vmem>>, vector<1x16xf32>,
        %swap3A_218 = vector.shape_cast %swap3A_217 : vector<1x16xf32> to vector<16xf32>
        %swap3A_219 = vector.shape_cast %add3A_215 : vector<16xf32> to vector<1x16xf32>
        tpu.vector_store %arg13[%swap3A, %swap3A_216], %swap3A_219 {strides = array<i32>} : memref<40x128xf32, #tpu.memory_space<vmem>>, vector<1x16xf32>,
        %get3A_220 = arith.index_cast %scan3A_207 : i32 to index
        %get3A_221 = arith.constant 16 : index
        %get3A_222 = tpu.vector_load %arg13[%get3A_220, %get3A_221] {strides = array<i32>} : memref<40x128xf32, #tpu.memory_space<vmem>>, vector<1x16xf32>,
        %get3A_223 = vector.shape_cast %get3A_222 : vector<1x16xf32> to vector<16xf32>
        %get3A_224 = arith.index_cast %scan3A_207 : i32 to index
        %get3A_225 = arith.constant 16 : index
        %get3A_226 = tpu.vector_load %arg15[%get3A_224, %get3A_225] {strides = array<i32>} : memref<40x128xf32, #tpu.memory_space<vmem>>, vector<1x16xf32>,
        %get3A_227 = vector.shape_cast %get3A_226 : vector<1x16xf32> to vector<16xf32>
        %add3A_228 = arith.addf %get3A_223, %get3A_227 : vector<16xf32>
        %swap3A_229 = arith.index_cast %scan3A_207 : i32 to index
        %swap3A_230 = arith.constant 16 : index
        %swap3A_231 = tpu.vector_load %arg13[%swap3A_229, %swap3A_230] {strides = array<i32>} : memref<40x128xf32, #tpu.memory_space<vmem>>, vector<1x16xf32>,
        %swap3A_232 = vector.shape_cast %swap3A_231 : vector<1x16xf32> to vector<16xf32>
        %swap3A_233 = vector.shape_cast %add3A_228 : vector<16xf32> to vector<1x16xf32>
        tpu.vector_store %arg13[%swap3A_229, %swap3A_230], %swap3A_233 {strides = array<i32>} : memref<40x128xf32, #tpu.memory_space<vmem>>, vector<1x16xf32>,
        %get3A_234 = arith.index_cast %scan3A_207 : i32 to index
        %get3A_235 = arith.constant 32 : index
        %get3A_236 = tpu.vector_load %arg13[%get3A_234, %get3A_235] {strides = array<i32>} : memref<40x128xf32, #tpu.memory_space<vmem>>, vector<1x16xf32>,
        %get3A_237 = vector.shape_cast %get3A_236 : vector<1x16xf32> to vector<16xf32>
        %get3A_238 = arith.index_cast %scan3A_207 : i32 to index
        %get3A_239 = arith.constant 32 : index
        %get3A_240 = tpu.vector_load %arg15[%get3A_238, %get3A_239] {strides = array<i32>} : memref<40x128xf32, #tpu.memory_space<vmem>>, vector<1x16xf32>,
        %get3A_241 = vector.shape_cast %get3A_240 : vector<1x16xf32> to vector<16xf32>
        %add3A_242 = arith.addf %get3A_237, %get3A_241 : vector<16xf32>
        %swap3A_243 = arith.index_cast %scan3A_207 : i32 to index
        %swap3A_244 = arith.constant 32 : index
        %swap3A_245 = tpu.vector_load %arg13[%swap3A_243, %swap3A_244] {strides = array<i32>} : memref<40x128xf32, #tpu.memory_space<vmem>>, vector<1x16xf32>,
        %swap3A_246 = vector.shape_cast %swap3A_245 : vector<1x16xf32> to vector<16xf32>
        %swap3A_247 = vector.shape_cast %add3A_242 : vector<16xf32> to vector<1x16xf32>
        tpu.vector_store %arg13[%swap3A_243, %swap3A_244], %swap3A_247 {strides = array<i32>} : memref<40x128xf32, #tpu.memory_space<vmem>>, vector<1x16xf32>,
        %get3A_248 = arith.index_cast %scan3A_207 : i32 to index
        %get3A_249 = arith.constant 48 : index
        %get3A_250 = tpu.vector_load %arg13[%get3A_248, %get3A_249] {strides = array<i32>} : memref<40x128xf32, #tpu.memory_space<vmem>>, vector<1x16xf32>,
        %get3A_251 = vector.shape_cast %get3A_250 : vector<1x16xf32> to vector<16xf32>
        %get3A_252 = arith.index_cast %scan3A_207 : i32 to index
        %get3A_253 = arith.constant 48 : index
        %get3A_254 = tpu.vector_load %arg15[%get3A_252, %get3A_253] {strides = array<i32>} : memref<40x128xf32, #tpu.memory_space<vmem>>, vector<1x16xf32>,
        %get3A_255 = vector.shape_cast %get3A_254 : vector<1x16xf32> to vector<16xf32>
        %add3A_256 = arith.addf %get3A_251, %get3A_255 : vector<16xf32>
        %swap3A_257 = arith.index_cast %scan3A_207 : i32 to index
        %swap3A_258 = arith.constant 48 : index
        %swap3A_259 = tpu.vector_load %arg13[%swap3A_257, %swap3A_258] {strides = array<i32>} : memref<40x128xf32, #tpu.memory_space<vmem>>, vector<1x16xf32>,
        %swap3A_260 = vector.shape_cast %swap3A_259 : vector<1x16xf32> to vector<16xf32>
        %swap3A_261 = vector.shape_cast %add3A_256 : vector<16xf32> to vector<1x16xf32>
        tpu.vector_store %arg13[%swap3A_257, %swap3A_258], %swap3A_261 {strides = array<i32>} : memref<40x128xf32, #tpu.memory_space<vmem>>, vector<1x16xf32>,
        %get3A_262 = arith.index_cast %scan3A_207 : i32 to index
        %get3A_263 = arith.constant 64 : index
        %get3A_264 = tpu.vector_load %arg13[%get3A_262, %get3A_263] {strides = array<i32>} : memref<40x128xf32, #tpu.memory_space<vmem>>, vector<1x16xf32>,
        %get3A_265 = vector.shape_cast %get3A_264 : vector<1x16xf32> to vector<16xf32>
        %get3A_266 = arith.index_cast %scan3A_207 : i32 to index
        %get3A_267 = arith.constant 64 : index
        %get3A_268 = tpu.vector_load %arg15[%get3A_266, %get3A_267] {strides = array<i32>} : memref<40x128xf32, #tpu.memory_space<vmem>>, vector<1x16xf32>,
        %get3A_269 = vector.shape_cast %get3A_268 : vector<1x16xf32> to vector<16xf32>
        %add3A_270 = arith.addf %get3A_265, %get3A_269 : vector<16xf32>
        %swap3A_271 = arith.index_cast %scan3A_207 : i32 to index
        %swap3A_272 = arith.constant 64 : index
        %swap3A_273 = tpu.vector_load %arg13[%swap3A_271, %swap3A_272] {strides = array<i32>} : memref<40x128xf32, #tpu.memory_space<vmem>>, vector<1x16xf32>,
        %swap3A_274 = vector.shape_cast %swap3A_273 : vector<1x16xf32> to vector<16xf32>
        %swap3A_275 = vector.shape_cast %add3A_270 : vector<16xf32> to vector<1x16xf32>
        tpu.vector_store %arg13[%swap3A_271, %swap3A_272], %swap3A_275 {strides = array<i32>} : memref<40x128xf32, #tpu.memory_space<vmem>>, vector<1x16xf32>,
        %get3A_276 = arith.index_cast %scan3A_207 : i32 to index
        %get3A_277 = arith.constant 80 : index
        %get3A_278 = tpu.vector_load %arg13[%get3A_276, %get3A_277] {strides = array<i32>} : memref<40x128xf32, #tpu.memory_space<vmem>>, vector<1x16xf32>,
        %get3A_279 = vector.shape_cast %get3A_278 : vector<1x16xf32> to vector<16xf32>
        %get3A_280 = arith.index_cast %scan3A_207 : i32 to index
        %get3A_281 = arith.constant 80 : index
        %get3A_282 = tpu.vector_load %arg15[%get3A_280, %get3A_281] {strides = array<i32>} : memref<40x128xf32, #tpu.memory_space<vmem>>, vector<1x16xf32>,
        %get3A_283 = vector.shape_cast %get3A_282 : vector<1x16xf32> to vector<16xf32>
        %add3A_284 = arith.addf %get3A_279, %get3A_283 : vector<16xf32>
        %swap3A_285 = arith.index_cast %scan3A_207 : i32 to index
        %swap3A_286 = arith.constant 80 : index
        %swap3A_287 = tpu.vector_load %arg13[%swap3A_285, %swap3A_286] {strides = array<i32>} : memref<40x128xf32, #tpu.memory_space<vmem>>, vector<1x16xf32>,
        %swap3A_288 = vector.shape_cast %swap3A_287 : vector<1x16xf32> to vector<16xf32>
        %swap3A_289 = vector.shape_cast %add3A_284 : vector<16xf32> to vector<1x16xf32>
        tpu.vector_store %arg13[%swap3A_285, %swap3A_286], %swap3A_289 {strides = array<i32>} : memref<40x128xf32, #tpu.memory_space<vmem>>, vector<1x16xf32>,
        %get3A_290 = arith.index_cast %scan3A_207 : i32 to index
        %get3A_291 = arith.constant 96 : index
        %get3A_292 = tpu.vector_load %arg13[%get3A_290, %get3A_291] {strides = array<i32>} : memref<40x128xf32, #tpu.memory_space<vmem>>, vector<1x16xf32>,
        %get3A_293 = vector.shape_cast %get3A_292 : vector<1x16xf32> to vector<16xf32>
        %get3A_294 = arith.index_cast %scan3A_207 : i32 to index
        %get3A_295 = arith.constant 96 : index
        %get3A_296 = tpu.vector_load %arg15[%get3A_294, %get3A_295] {strides = array<i32>} : memref<40x128xf32, #tpu.memory_space<vmem>>, vector<1x16xf32>,
        %get3A_297 = vector.shape_cast %get3A_296 : vector<1x16xf32> to vector<16xf32>
        %add3A_298 = arith.addf %get3A_293, %get3A_297 : vector<16xf32>
        %swap3A_299 = arith.index_cast %scan3A_207 : i32 to index
        %swap3A_300 = arith.constant 96 : index
        %swap3A_301 = tpu.vector_load %arg13[%swap3A_299, %swap3A_300] {strides = array<i32>} : memref<40x128xf32, #tpu.memory_space<vmem>>, vector<1x16xf32>,
        %swap3A_302 = vector.shape_cast %swap3A_301 : vector<1x16xf32> to vector<16xf32>
        %swap3A_303 = vector.shape_cast %add3A_298 : vector<16xf32> to vector<1x16xf32>
        tpu.vector_store %arg13[%swap3A_299, %swap3A_300], %swap3A_303 {strides = array<i32>} : memref<40x128xf32, #tpu.memory_space<vmem>>, vector<1x16xf32>,
        %get3A_304 = arith.index_cast %scan3A_207 : i32 to index
        %get3A_305 = arith.constant 112 : index
        %get3A_306 = tpu.vector_load %arg13[%get3A_304, %get3A_305] {strides = array<i32>} : memref<40x128xf32, #tpu.memory_space<vmem>>, vector<1x16xf32>,
        %get3A_307 = vector.shape_cast %get3A_306 : vector<1x16xf32> to vector<16xf32>
        %get3A_308 = arith.index_cast %scan3A_207 : i32 to index
        %get3A_309 = arith.constant 112 : index
        %get3A_310 = tpu.vector_load %arg15[%get3A_308, %get3A_309] {strides = array<i32>} : memref<40x128xf32, #tpu.memory_space<vmem>>, vector<1x16xf32>,
        %get3A_311 = vector.shape_cast %get3A_310 : vector<1x16xf32> to vector<16xf32>
        %add3A_312 = arith.addf %get3A_307, %get3A_311 : vector<16xf32>
        %swap3A_313 = arith.index_cast %scan3A_207 : i32 to index
        %swap3A_314 = arith.constant 112 : index
        %swap3A_315 = tpu.vector_load %arg13[%swap3A_313, %swap3A_314] {strides = array<i32>} : memref<40x128xf32, #tpu.memory_space<vmem>>, vector<1x16xf32>,
        %swap3A_316 = vector.shape_cast %swap3A_315 : vector<1x16xf32> to vector<16xf32>
        %swap3A_317 = vector.shape_cast %add3A_312 : vector<16xf32> to vector<1x16xf32>
        tpu.vector_store %arg13[%swap3A_313, %swap3A_314], %swap3A_317 {strides = array<i32>} : memref<40x128xf32, #tpu.memory_space<vmem>>, vector<1x16xf32>,
      }
      %scan3A_181 = arith.constant 40 : i32
      %dma_start3A_182 = arith.constant 0 : i32
      %dma_start3A_183 = tpu.memref_slice %arg6[%multiple_of3A_166, %dma_start3A_182] : memref<320000x128xf32, #tpu.memory_space<hbm>> -> memref<40x128xf32, #tpu.memory_space<hbm>>
      %dma_start3A_184 = arith.constant 0 : i32
      %dma_start3A_185 = tpu.memref_slice %arg6[%multiple_of3A_166, %dma_start3A_184] : memref<320000x128xf32, #tpu.memory_space<hbm>> -> memref<40x128xf32, #tpu.memory_space<hbm>>
      tpu.enqueue_dma source(%arg13 : memref<40x128xf32, #tpu.memory_space<vmem>>) target(%dma_start3A_185 : memref<40x128xf32, #tpu.memory_space<hbm>>) target_semaphore(%arg25 : memref<!tpu.dma_semaphore, #tpu.memory_space<semaphore_mem>>)
      %dma_wait3A_186 = arith.constant 0 : i32
      %dma_wait3A_187 = arith.constant 0 : i32
      %dma_wait3A_188 = tpu.memref_slice %arg17[%dma_wait3A_186, %dma_wait3A_187] : memref<10240x128xf32, #tpu.memory_space<vmem_shared>> -> memref<10240x128xf32, #tpu.memory_space<vmem_shared>>
      tpu.wait_indirect_dma semaphore(%arg23 : memref<!tpu.dma_semaphore, #tpu.memory_space<semaphore_mem>>) src(%arg16 : memref<40x128xf32, #tpu.memory_space<vmem>>) dst(%dma_wait3A_188 : memref<10240x128xf32, #tpu.memory_space<vmem_shared>>)
      %dma_wait3A_189 = arith.constant 0 : i32
      %dma_wait3A_190 = tpu.memref_slice %arg6[%multiple_of3A_166, %dma_wait3A_189] : memref<320000x128xf32, #tpu.memory_space<hbm>> -> memref<40x128xf32, #tpu.memory_space<hbm>>
      %dma_wait3A_191 = arith.constant 0 : i32
      %dma_wait3A_192 = tpu.memref_slice %arg6[%multiple_of3A_166, %dma_wait3A_191] : memref<320000x128xf32, #tpu.memory_space<hbm>> -> memref<40x128xf32, #tpu.memory_space<hbm>>
      tpu.wait_dma2 semaphore(%arg25 : memref<!tpu.dma_semaphore, #tpu.memory_space<semaphore_mem>>) src(%arg13 : memref<40x128xf32, #tpu.memory_space<vmem>>) dst(%dma_wait3A_192 : memref<40x128xf32, #tpu.memory_space<hbm>>)
      %add3A_193 = arith.constant 2 : i32
      %add3A_194 = arith.addi %add3A_162, %add3A_193 : i32
      %min3A_195 = arith.constant 249 : i32
      %min3A_196 = arith.minsi %add3A_194, %min3A_195 : i32
      %mul3A_197 = arith.constant 40 : i32
      %mul3A_198 = arith.muli %min3A_196, %mul3A_197 : i32
      %add3A_199 = arith.addi %mul3A_2, %mul3A_198 : i32
      %multiple_of3A_200 = tpu.assume_multiple %add3A_199, 8 : i32
      "tpu.region"() ({
        %run_scoped3A = tpu.sem_alloc : memref<!tpu.dma_semaphore, #tpu.memory_space<semaphore_mem>>
        %dma_start3A_207 = tpu.memref_slice %arg4[%multiple_of3A_200] : memref<320000xi32, #tpu.memory_space<hbm>> -> memref<40xi32, #tpu.memory_space<hbm>>
        %dma_start3A_208 = tpu.memref_slice %arg4[%multiple_of3A_200] : memref<320000xi32, #tpu.memory_space<hbm>> -> memref<40xi32, #tpu.memory_space<hbm>>
        tpu.enqueue_dma source(%dma_start3A_208 : memref<40xi32, #tpu.memory_space<hbm>>) target(%arg9 : memref<40xi32, #tpu.memory_space<vmem>>) target_semaphore(%run_scoped3A : memref<!tpu.dma_semaphore, #tpu.memory_space<semaphore_mem>>)
        %dma_wait3A_209 = tpu.memref_slice %arg4[%multiple_of3A_200] : memref<320000xi32, #tpu.memory_space<hbm>> -> memref<40xi32, #tpu.memory_space<hbm>>
        %dma_wait3A_210 = tpu.memref_slice %arg4[%multiple_of3A_200] : memref<320000xi32, #tpu.memory_space<hbm>> -> memref<40xi32, #tpu.memory_space<hbm>>
        tpu.wait_dma2 semaphore(%run_scoped3A : memref<!tpu.dma_semaphore, #tpu.memory_space<semaphore_mem>>) src(%dma_wait3A_210 : memref<40xi32, #tpu.memory_space<hbm>>) dst(%arg9 : memref<40xi32, #tpu.memory_space<vmem>>)
        tpu.yield
      }) : () -> ()
      "tpu.region"() ({
        %run_scoped3A = tpu.sem_alloc : memref<!tpu.dma_semaphore, #tpu.memory_space<semaphore_mem>>
        %dma_start3A_207 = tpu.memref_slice %arg5[%multiple_of3A_200] : memref<320000xi32, #tpu.memory_space<hbm>> -> memref<40xi32, #tpu.memory_space<hbm>>
        %dma_start3A_208 = tpu.memref_slice %arg5[%multiple_of3A_200] : memref<320000xi32, #tpu.memory_space<hbm>> -> memref<40xi32, #tpu.memory_space<hbm>>
        tpu.enqueue_dma source(%dma_start3A_208 : memref<40xi32, #tpu.memory_space<hbm>>) target(%arg11 : memref<40xi32, #tpu.memory_space<vmem>>) target_semaphore(%run_scoped3A : memref<!tpu.dma_semaphore, #tpu.memory_space<semaphore_mem>>)
        %dma_wait3A_209 = tpu.memref_slice %arg5[%multiple_of3A_200] : memref<320000xi32, #tpu.memory_space<hbm>> -> memref<40xi32, #tpu.memory_space<hbm>>
        %dma_wait3A_210 = tpu.memref_slice %arg5[%multiple_of3A_200] : memref<320000xi32, #tpu.memory_space<hbm>> -> memref<40xi32, #tpu.memory_space<hbm>>
        tpu.wait_dma2 semaphore(%run_scoped3A : memref<!tpu.dma_semaphore, #tpu.memory_space<semaphore_mem>>) src(%dma_wait3A_210 : memref<40xi32, #tpu.memory_space<hbm>>) dst(%arg11 : memref<40xi32, #tpu.memory_space<vmem>>)
        tpu.yield
      }) : () -> ()
      %dma_start3A_201 = arith.constant 0 : i32
      %dma_start3A_202 = arith.constant 0 : i32
      %dma_start3A_203 = tpu.memref_slice %arg2[%dma_start3A_201, %dma_start3A_202] : memref<10000x128xf32, #tpu.memory_space<hbm>> -> memref<10000x128xf32, #tpu.memory_space<hbm>>
      tpu.enqueue_indirect_dma source(%dma_start3A_203 : memref<10000x128xf32, #tpu.memory_space<hbm>>) target(%arg13 : memref<40x128xf32, #tpu.memory_space<vmem>>) offsets(%arg9 : memref<40xi32, #tpu.memory_space<vmem>>) semaphore(%arg19 : memref<!tpu.dma_semaphore, #tpu.memory_space<semaphore_mem>>)
      %dma_start3A_204 = arith.constant 0 : i32
      %dma_start3A_205 = arith.constant 0 : i32
      %dma_start3A_206 = tpu.memref_slice %arg3[%dma_start3A_204, %dma_start3A_205] : memref<10000x128xf32, #tpu.memory_space<hbm>> -> memref<10000x128xf32, #tpu.memory_space<hbm>>
      tpu.enqueue_indirect_dma source(%dma_start3A_206 : memref<10000x128xf32, #tpu.memory_space<hbm>>) target(%arg15 : memref<40x128xf32, #tpu.memory_space<vmem>>) offsets(%arg11 : memref<40xi32, #tpu.memory_space<vmem>>) semaphore(%arg21 : memref<!tpu.dma_semaphore, #tpu.memory_space<semaphore_mem>>)
    }
    %scan3A_66 = arith.constant 125 : i32
    %dma_wait3A = arith.constant 0 : i32
    %dma_wait3A_67 = arith.constant 0 : i32
    %dma_wait3A_68 = tpu.memref_slice %arg2[%dma_wait3A, %dma_wait3A_67] : memref<10000x128xf32, #tpu.memory_space<hbm>> -> memref<10000x128xf32, #tpu.memory_space<hbm>>
    tpu.wait_indirect_dma semaphore(%arg18 : memref<!tpu.dma_semaphore, #tpu.memory_space<semaphore_mem>>) src(%dma_wait3A_68 : memref<10000x128xf32, #tpu.memory_space<hbm>>) dst(%arg12 : memref<40x128xf32, #tpu.memory_space<vmem>>)
    %dma_wait3A_69 = arith.constant 0 : i32
    %dma_wait3A_70 = arith.constant 0 : i32
    %dma_wait3A_71 = tpu.memref_slice %arg3[%dma_wait3A_69, %dma_wait3A_70] : memref<10000x128xf32, #tpu.memory_space<hbm>> -> memref<10000x128xf32, #tpu.memory_space<hbm>>
    tpu.wait_indirect_dma semaphore(%arg20 : memref<!tpu.dma_semaphore, #tpu.memory_space<semaphore_mem>>) src(%dma_wait3A_71 : memref<10000x128xf32, #tpu.memory_space<hbm>>) dst(%arg14 : memref<40x128xf32, #tpu.memory_space<vmem>>)
    %dma_wait3A_72 = arith.constant 0 : i32
    %dma_wait3A_73 = arith.constant 0 : i32
    %dma_wait3A_74 = tpu.memref_slice %arg2[%dma_wait3A_72, %dma_wait3A_73] : memref<10000x128xf32, #tpu.memory_space<hbm>> -> memref<10000x128xf32, #tpu.memory_space<hbm>>
    tpu.wait_indirect_dma semaphore(%arg19 : memref<!tpu.dma_semaphore, #tpu.memory_space<semaphore_mem>>) src(%dma_wait3A_74 : memref<10000x128xf32, #tpu.memory_space<hbm>>) dst(%arg13 : memref<40x128xf32, #tpu.memory_space<vmem>>)
    %dma_wait3A_75 = arith.constant 0 : i32
    %dma_wait3A_76 = arith.constant 0 : i32
    %dma_wait3A_77 = tpu.memref_slice %arg3[%dma_wait3A_75, %dma_wait3A_76] : memref<10000x128xf32, #tpu.memory_space<hbm>> -> memref<10000x128xf32, #tpu.memory_space<hbm>>
    tpu.wait_indirect_dma semaphore(%arg21 : memref<!tpu.dma_semaphore, #tpu.memory_space<semaphore_mem>>) src(%dma_wait3A_77 : memref<10000x128xf32, #tpu.memory_space<hbm>>) dst(%arg15 : memref<40x128xf32, #tpu.memory_space<vmem>>)
    %barrier3A_78 = arith.constant 0 : index
    tpu.barrier barrier_id(%barrier3A_78)
    %add3A_79 = arith.constant 0 : i32
    %add3A_80 = arith.addi %mul3A_12, %add3A_79 : i32
    "tpu.region"() ({
      %run_scoped3A = tpu.sem_alloc : memref<!tpu.dma_semaphore, #tpu.memory_space<semaphore_mem>>
      %dma_start3A_111 = arith.constant 0 : i32
      %dma_start3A_112 = tpu.memref_slice %arg17[%add3A_80, %dma_start3A_111] : memref<10240x128xf32, #tpu.memory_space<vmem_shared>> -> memref<40x128xf32, #tpu.memory_space<vmem_shared>>
      %dma_start3A_113 = arith.constant 0 : i32
      %dma_start3A_114 = tpu.memref_slice %arg17[%add3A_80, %dma_start3A_113] : memref<10240x128xf32, #tpu.memory_space<vmem_shared>> -> memref<40x128xf32, #tpu.memory_space<vmem_shared>>
      tpu.enqueue_dma source(%dma_start3A_114 : memref<40x128xf32, #tpu.memory_space<vmem_shared>>) target(%arg12 : memref<40x128xf32, #tpu.memory_space<vmem>>) target_semaphore(%run_scoped3A : memref<!tpu.dma_semaphore, #tpu.memory_space<semaphore_mem>>)
      %dma_wait3A_115 = arith.constant 0 : i32
      %dma_wait3A_116 = tpu.memref_slice %arg17[%add3A_80, %dma_wait3A_115] : memref<10240x128xf32, #tpu.memory_space<vmem_shared>> -> memref<40x128xf32, #tpu.memory_space<vmem_shared>>
      %dma_wait3A_117 = arith.constant 0 : i32
      %dma_wait3A_118 = tpu.memref_slice %arg17[%add3A_80, %dma_wait3A_117] : memref<10240x128xf32, #tpu.memory_space<vmem_shared>> -> memref<40x128xf32, #tpu.memory_space<vmem_shared>>
      tpu.wait_dma2 semaphore(%run_scoped3A : memref<!tpu.dma_semaphore, #tpu.memory_space<semaphore_mem>>) src(%dma_wait3A_118 : memref<40x128xf32, #tpu.memory_space<vmem_shared>>) dst(%arg12 : memref<40x128xf32, #tpu.memory_space<vmem>>)
      tpu.yield
    }) : () -> ()
    "tpu.region"() ({
      %run_scoped3A = tpu.sem_alloc : memref<!tpu.dma_semaphore, #tpu.memory_space<semaphore_mem>>
      %dma_start3A_111 = arith.constant 0 : i32
      %dma_start3A_112 = tpu.memref_slice %arg7[%arg0, %add3A_80, %dma_start3A_111] : memref<2x10240x128xf32, #tpu.memory_space<hbm>> -> memref<1x40x128xf32, #tpu.memory_space<hbm>>
      %dma_start3A_113 = tpu.memref_squeeze %dma_start3A_112 : memref<1x40x128xf32, #tpu.memory_space<hbm>> -> memref<40x128xf32, #tpu.memory_space<hbm>>
      %dma_start3A_114 = arith.constant 0 : i32
      %dma_start3A_115 = tpu.memref_slice %arg7[%arg0, %add3A_80, %dma_start3A_114] : memref<2x10240x128xf32, #tpu.memory_space<hbm>> -> memref<1x40x128xf32, #tpu.memory_space<hbm>>
      %dma_start3A_116 = tpu.memref_squeeze %dma_start3A_115 : memref<1x40x128xf32, #tpu.memory_space<hbm>> -> memref<40x128xf32, #tpu.memory_space<hbm>>
      tpu.enqueue_dma source(%arg12 : memref<40x128xf32, #tpu.memory_space<vmem>>) target(%dma_start3A_116 : memref<40x128xf32, #tpu.memory_space<hbm>>) target_semaphore(%run_scoped3A : memref<!tpu.dma_semaphore, #tpu.memory_space<semaphore_mem>>)
      %dma_wait3A_117 = arith.constant 0 : i32
      %dma_wait3A_118 = tpu.memref_slice %arg7[%arg0, %add3A_80, %dma_wait3A_117] : memref<2x10240x128xf32, #tpu.memory_space<hbm>> -> memref<1x40x128xf32, #tpu.memory_space<hbm>>
      %dma_wait3A_119 = tpu.memref_squeeze %dma_wait3A_118 : memref<1x40x128xf32, #tpu.memory_space<hbm>> -> memref<40x128xf32, #tpu.memory_space<hbm>>
      %dma_wait3A_120 = arith.constant 0 : i32
      %dma_wait3A_121 = tpu.memref_slice %arg7[%arg0, %add3A_80, %dma_wait3A_120] : memref<2x10240x128xf32, #tpu.memory_space<hbm>> -> memref<1x40x128xf32, #tpu.memory_space<hbm>>
      %dma_wait3A_122 = tpu.memref_squeeze %dma_wait3A_121 : memref<1x40x128xf32, #tpu.memory_space<hbm>> -> memref<40x128xf32, #tpu.memory_space<hbm>>
      tpu.wait_dma2 semaphore(%run_scoped3A : memref<!tpu.dma_semaphore, #tpu.memory_space<semaphore_mem>>) src(%arg12 : memref<40x128xf32, #tpu.memory_space<vmem>>) dst(%dma_wait3A_122 : memref<40x128xf32, #tpu.memory_space<hbm>>)
      tpu.yield
    }) : () -> ()
    %add3A_81 = arith.constant 40 : i32
    %add3A_82 = arith.addi %mul3A_12, %add3A_81 : i32
    "tpu.region"() ({
      %run_scoped3A = tpu.sem_alloc : memref<!tpu.dma_semaphore, #tpu.memory_space<semaphore_mem>>
      %dma_start3A_111 = arith.constant 0 : i32
      %dma_start3A_112 = tpu.memref_slice %arg17[%add3A_82, %dma_start3A_111] : memref<10240x128xf32, #tpu.memory_space<vmem_shared>> -> memref<40x128xf32, #tpu.memory_space<vmem_shared>>
      %dma_start3A_113 = arith.constant 0 : i32
      %dma_start3A_114 = tpu.memref_slice %arg17[%add3A_82, %dma_start3A_113] : memref<10240x128xf32, #tpu.memory_space<vmem_shared>> -> memref<40x128xf32, #tpu.memory_space<vmem_shared>>
      tpu.enqueue_dma source(%dma_start3A_114 : memref<40x128xf32, #tpu.memory_space<vmem_shared>>) target(%arg12 : memref<40x128xf32, #tpu.memory_space<vmem>>) target_semaphore(%run_scoped3A : memref<!tpu.dma_semaphore, #tpu.memory_space<semaphore_mem>>)
      %dma_wait3A_115 = arith.constant 0 : i32
      %dma_wait3A_116 = tpu.memref_slice %arg17[%add3A_82, %dma_wait3A_115] : memref<10240x128xf32, #tpu.memory_space<vmem_shared>> -> memref<40x128xf32, #tpu.memory_space<vmem_shared>>
      %dma_wait3A_117 = arith.constant 0 : i32
      %dma_wait3A_118 = tpu.memref_slice %arg17[%add3A_82, %dma_wait3A_117] : memref<10240x128xf32, #tpu.memory_space<vmem_shared>> -> memref<40x128xf32, #tpu.memory_space<vmem_shared>>
      tpu.wait_dma2 semaphore(%run_scoped3A : memref<!tpu.dma_semaphore, #tpu.memory_space<semaphore_mem>>) src(%dma_wait3A_118 : memref<40x128xf32, #tpu.memory_space<vmem_shared>>) dst(%arg12 : memref<40x128xf32, #tpu.memory_space<vmem>>)
      tpu.yield
    }) : () -> ()
    "tpu.region"() ({
      %run_scoped3A = tpu.sem_alloc : memref<!tpu.dma_semaphore, #tpu.memory_space<semaphore_mem>>
      %dma_start3A_111 = arith.constant 0 : i32
      %dma_start3A_112 = tpu.memref_slice %arg7[%arg0, %add3A_82, %dma_start3A_111] : memref<2x10240x128xf32, #tpu.memory_space<hbm>> -> memref<1x40x128xf32, #tpu.memory_space<hbm>>
      %dma_start3A_113 = tpu.memref_squeeze %dma_start3A_112 : memref<1x40x128xf32, #tpu.memory_space<hbm>> -> memref<40x128xf32, #tpu.memory_space<hbm>>
      %dma_start3A_114 = arith.constant 0 : i32
      %dma_start3A_115 = tpu.memref_slice %arg7[%arg0, %add3A_82, %dma_start3A_114] : memref<2x10240x128xf32, #tpu.memory_space<hbm>> -> memref<1x40x128xf32, #tpu.memory_space<hbm>>
      %dma_start3A_116 = tpu.memref_squeeze %dma_start3A_115 : memref<1x40x128xf32, #tpu.memory_space<hbm>> -> memref<40x128xf32, #tpu.memory_space<hbm>>
      tpu.enqueue_dma source(%arg12 : memref<40x128xf32, #tpu.memory_space<vmem>>) target(%dma_start3A_116 : memref<40x128xf32, #tpu.memory_space<hbm>>) target_semaphore(%run_scoped3A : memref<!tpu.dma_semaphore, #tpu.memory_space<semaphore_mem>>)
      %dma_wait3A_117 = arith.constant 0 : i32
      %dma_wait3A_118 = tpu.memref_slice %arg7[%arg0, %add3A_82, %dma_wait3A_117] : memref<2x10240x128xf32, #tpu.memory_space<hbm>> -> memref<1x40x128xf32, #tpu.memory_space<hbm>>
      %dma_wait3A_119 = tpu.memref_squeeze %dma_wait3A_118 : memref<1x40x128xf32, #tpu.memory_space<hbm>> -> memref<40x128xf32, #tpu.memory_space<hbm>>
      %dma_wait3A_120 = arith.constant 0 : i32
      %dma_wait3A_121 = tpu.memref_slice %arg7[%arg0, %add3A_82, %dma_wait3A_120] : memref<2x10240x128xf32, #tpu.memory_space<hbm>> -> memref<1x40x128xf32, #tpu.memory_space<hbm>>
      %dma_wait3A_122 = tpu.memref_squeeze %dma_wait3A_121 : memref<1x40x128xf32, #tpu.memory_space<hbm>> -> memref<40x128xf32, #tpu.memory_space<hbm>>
      tpu.wait_dma2 semaphore(%run_scoped3A : memref<!tpu.dma_semaphore, #tpu.memory_space<semaphore_mem>>) src(%arg12 : memref<40x128xf32, #tpu.memory_space<vmem>>) dst(%dma_wait3A_122 : memref<40x128xf32, #tpu.memory_space<hbm>>)
      tpu.yield
    }) : () -> ()
    %add3A_83 = arith.constant 80 : i32
    %add3A_84 = arith.addi %mul3A_12, %add3A_83 : i32
    "tpu.region"() ({
      %run_scoped3A = tpu.sem_alloc : memref<!tpu.dma_semaphore, #tpu.memory_space<semaphore_mem>>
      %dma_start3A_111 = arith.constant 0 : i32
      %dma_start3A_112 = tpu.memref_slice %arg17[%add3A_84, %dma_start3A_111] : memref<10240x128xf32, #tpu.memory_space<vmem_shared>> -> memref<40x128xf32, #tpu.memory_space<vmem_shared>>
      %dma_start3A_113 = arith.constant 0 : i32
      %dma_start3A_114 = tpu.memref_slice %arg17[%add3A_84, %dma_start3A_113] : memref<10240x128xf32, #tpu.memory_space<vmem_shared>> -> memref<40x128xf32, #tpu.memory_space<vmem_shared>>
      tpu.enqueue_dma source(%dma_start3A_114 : memref<40x128xf32, #tpu.memory_space<vmem_shared>>) target(%arg12 : memref<40x128xf32, #tpu.memory_space<vmem>>) target_semaphore(%run_scoped3A : memref<!tpu.dma_semaphore, #tpu.memory_space<semaphore_mem>>)
      %dma_wait3A_115 = arith.constant 0 : i32
      %dma_wait3A_116 = tpu.memref_slice %arg17[%add3A_84, %dma_wait3A_115] : memref<10240x128xf32, #tpu.memory_space<vmem_shared>> -> memref<40x128xf32, #tpu.memory_space<vmem_shared>>
      %dma_wait3A_117 = arith.constant 0 : i32
      %dma_wait3A_118 = tpu.memref_slice %arg17[%add3A_84, %dma_wait3A_117] : memref<10240x128xf32, #tpu.memory_space<vmem_shared>> -> memref<40x128xf32, #tpu.memory_space<vmem_shared>>
      tpu.wait_dma2 semaphore(%run_scoped3A : memref<!tpu.dma_semaphore, #tpu.memory_space<semaphore_mem>>) src(%dma_wait3A_118 : memref<40x128xf32, #tpu.memory_space<vmem_shared>>) dst(%arg12 : memref<40x128xf32, #tpu.memory_space<vmem>>)
      tpu.yield
    }) : () -> ()
    "tpu.region"() ({
      %run_scoped3A = tpu.sem_alloc : memref<!tpu.dma_semaphore, #tpu.memory_space<semaphore_mem>>
      %dma_start3A_111 = arith.constant 0 : i32
      %dma_start3A_112 = tpu.memref_slice %arg7[%arg0, %add3A_84, %dma_start3A_111] : memref<2x10240x128xf32, #tpu.memory_space<hbm>> -> memref<1x40x128xf32, #tpu.memory_space<hbm>>
      %dma_start3A_113 = tpu.memref_squeeze %dma_start3A_112 : memref<1x40x128xf32, #tpu.memory_space<hbm>> -> memref<40x128xf32, #tpu.memory_space<hbm>>
      %dma_start3A_114 = arith.constant 0 : i32
      %dma_start3A_115 = tpu.memref_slice %arg7[%arg0, %add3A_84, %dma_start3A_114] : memref<2x10240x128xf32, #tpu.memory_space<hbm>> -> memref<1x40x128xf32, #tpu.memory_space<hbm>>
      %dma_start3A_116 = tpu.memref_squeeze %dma_start3A_115 : memref<1x40x128xf32, #tpu.memory_space<hbm>> -> memref<40x128xf32, #tpu.memory_space<hbm>>
      tpu.enqueue_dma source(%arg12 : memref<40x128xf32, #tpu.memory_space<vmem>>) target(%dma_start3A_116 : memref<40x128xf32, #tpu.memory_space<hbm>>) target_semaphore(%run_scoped3A : memref<!tpu.dma_semaphore, #tpu.memory_space<semaphore_mem>>)
      %dma_wait3A_117 = arith.constant 0 : i32
      %dma_wait3A_118 = tpu.memref_slice %arg7[%arg0, %add3A_84, %dma_wait3A_117] : memref<2x10240x128xf32, #tpu.memory_space<hbm>> -> memref<1x40x128xf32, #tpu.memory_space<hbm>>
      %dma_wait3A_119 = tpu.memref_squeeze %dma_wait3A_118 : memref<1x40x128xf32, #tpu.memory_space<hbm>> -> memref<40x128xf32, #tpu.memory_space<hbm>>
      %dma_wait3A_120 = arith.constant 0 : i32
      %dma_wait3A_121 = tpu.memref_slice %arg7[%arg0, %add3A_84, %dma_wait3A_120] : memref<2x10240x128xf32, #tpu.memory_space<hbm>> -> memref<1x40x128xf32, #tpu.memory_space<hbm>>
      %dma_wait3A_122 = tpu.memref_squeeze %dma_wait3A_121 : memref<1x40x128xf32, #tpu.memory_space<hbm>> -> memref<40x128xf32, #tpu.memory_space<hbm>>
      tpu.wait_dma2 semaphore(%run_scoped3A : memref<!tpu.dma_semaphore, #tpu.memory_space<semaphore_mem>>) src(%arg12 : memref<40x128xf32, #tpu.memory_space<vmem>>) dst(%dma_wait3A_122 : memref<40x128xf32, #tpu.memory_space<hbm>>)
      tpu.yield
    }) : () -> ()
    %add3A_85 = arith.constant 120 : i32
    %add3A_86 = arith.addi %mul3A_12, %add3A_85 : i32
    "tpu.region"() ({
      %run_scoped3A = tpu.sem_alloc : memref<!tpu.dma_semaphore, #tpu.memory_space<semaphore_mem>>
      %dma_start3A_111 = arith.constant 0 : i32
      %dma_start3A_112 = tpu.memref_slice %arg17[%add3A_86, %dma_start3A_111] : memref<10240x128xf32, #tpu.memory_space<vmem_shared>> -> memref<40x128xf32, #tpu.memory_space<vmem_shared>>
      %dma_start3A_113 = arith.constant 0 : i32
      %dma_start3A_114 = tpu.memref_slice %arg17[%add3A_86, %dma_start3A_113] : memref<10240x128xf32, #tpu.memory_space<vmem_shared>> -> memref<40x128xf32, #tpu.memory_space<vmem_shared>>
      tpu.enqueue_dma source(%dma_start3A_114 : memref<40x128xf32, #tpu.memory_space<vmem_shared>>) target(%arg12 : memref<40x128xf32, #tpu.memory_space<vmem>>) target_semaphore(%run_scoped3A : memref<!tpu.dma_semaphore, #tpu.memory_space<semaphore_mem>>)
      %dma_wait3A_115 = arith.constant 0 : i32
      %dma_wait3A_116 = tpu.memref_slice %arg17[%add3A_86, %dma_wait3A_115] : memref<10240x128xf32, #tpu.memory_space<vmem_shared>> -> memref<40x128xf32, #tpu.memory_space<vmem_shared>>
      %dma_wait3A_117 = arith.constant 0 : i32
      %dma_wait3A_118 = tpu.memref_slice %arg17[%add3A_86, %dma_wait3A_117] : memref<10240x128xf32, #tpu.memory_space<vmem_shared>> -> memref<40x128xf32, #tpu.memory_space<vmem_shared>>
      tpu.wait_dma2 semaphore(%run_scoped3A : memref<!tpu.dma_semaphore, #tpu.memory_space<semaphore_mem>>) src(%dma_wait3A_118 : memref<40x128xf32, #tpu.memory_space<vmem_shared>>) dst(%arg12 : memref<40x128xf32, #tpu.memory_space<vmem>>)
      tpu.yield
    }) : () -> ()
    "tpu.region"() ({
      %run_scoped3A = tpu.sem_alloc : memref<!tpu.dma_semaphore, #tpu.memory_space<semaphore_mem>>
      %dma_start3A_111 = arith.constant 0 : i32
      %dma_start3A_112 = tpu.memref_slice %arg7[%arg0, %add3A_86, %dma_start3A_111] : memref<2x10240x128xf32, #tpu.memory_space<hbm>> -> memref<1x40x128xf32, #tpu.memory_space<hbm>>
      %dma_start3A_113 = tpu.memref_squeeze %dma_start3A_112 : memref<1x40x128xf32, #tpu.memory_space<hbm>> -> memref<40x128xf32, #tpu.memory_space<hbm>>
      %dma_start3A_114 = arith.constant 0 : i32
      %dma_start3A_115 = tpu.memref_slice %arg7[%arg0, %add3A_86, %dma_start3A_114] : memref<2x10240x128xf32, #tpu.memory_space<hbm>> -> memref<1x40x128xf32, #tpu.memory_space<hbm>>
      %dma_start3A_116 = tpu.memref_squeeze %dma_start3A_115 : memref<1x40x128xf32, #tpu.memory_space<hbm>> -> memref<40x128xf32, #tpu.memory_space<hbm>>
      tpu.enqueue_dma source(%arg12 : memref<40x128xf32, #tpu.memory_space<vmem>>) target(%dma_start3A_116 : memref<40x128xf32, #tpu.memory_space<hbm>>) target_semaphore(%run_scoped3A : memref<!tpu.dma_semaphore, #tpu.memory_space<semaphore_mem>>)
      %dma_wait3A_117 = arith.constant 0 : i32
      %dma_wait3A_118 = tpu.memref_slice %arg7[%arg0, %add3A_86, %dma_wait3A_117] : memref<2x10240x128xf32, #tpu.memory_space<hbm>> -> memref<1x40x128xf32, #tpu.memory_space<hbm>>
      %dma_wait3A_119 = tpu.memref_squeeze %dma_wait3A_118 : memref<1x40x128xf32, #tpu.memory_space<hbm>> -> memref<40x128xf32, #tpu.memory_space<hbm>>
      %dma_wait3A_120 = arith.constant 0 : i32
      %dma_wait3A_121 = tpu.memref_slice %arg7[%arg0, %add3A_86, %dma_wait3A_120] : memref<2x10240x128xf32, #tpu.memory_space<hbm>> -> memref<1x40x128xf32, #tpu.memory_space<hbm>>
      %dma_wait3A_122 = tpu.memref_squeeze %dma_wait3A_121 : memref<1x40x128xf32, #tpu.memory_space<hbm>> -> memref<40x128xf32, #tpu.memory_space<hbm>>
      tpu.wait_dma2 semaphore(%run_scoped3A : memref<!tpu.dma_semaphore, #tpu.memory_space<semaphore_mem>>) src(%arg12 : memref<40x128xf32, #tpu.memory_space<vmem>>) dst(%dma_wait3A_122 : memref<40x128xf32, #tpu.memory_space<hbm>>)
      tpu.yield
    }) : () -> ()
    %add3A_87 = arith.constant 160 : i32
    %add3A_88 = arith.addi %mul3A_12, %add3A_87 : i32
    "tpu.region"() ({
      %run_scoped3A = tpu.sem_alloc : memref<!tpu.dma_semaphore, #tpu.memory_space<semaphore_mem>>
      %dma_start3A_111 = arith.constant 0 : i32
      %dma_start3A_112 = tpu.memref_slice %arg17[%add3A_88, %dma_start3A_111] : memref<10240x128xf32, #tpu.memory_space<vmem_shared>> -> memref<40x128xf32, #tpu.memory_space<vmem_shared>>
      %dma_start3A_113 = arith.constant 0 : i32
      %dma_start3A_114 = tpu.memref_slice %arg17[%add3A_88, %dma_start3A_113] : memref<10240x128xf32, #tpu.memory_space<vmem_shared>> -> memref<40x128xf32, #tpu.memory_space<vmem_shared>>
      tpu.enqueue_dma source(%dma_start3A_114 : memref<40x128xf32, #tpu.memory_space<vmem_shared>>) target(%arg12 : memref<40x128xf32, #tpu.memory_space<vmem>>) target_semaphore(%run_scoped3A : memref<!tpu.dma_semaphore, #tpu.memory_space<semaphore_mem>>)
      %dma_wait3A_115 = arith.constant 0 : i32
      %dma_wait3A_116 = tpu.memref_slice %arg17[%add3A_88, %dma_wait3A_115] : memref<10240x128xf32, #tpu.memory_space<vmem_shared>> -> memref<40x128xf32, #tpu.memory_space<vmem_shared>>
      %dma_wait3A_117 = arith.constant 0 : i32
      %dma_wait3A_118 = tpu.memref_slice %arg17[%add3A_88, %dma_wait3A_117] : memref<10240x128xf32, #tpu.memory_space<vmem_shared>> -> memref<40x128xf32, #tpu.memory_space<vmem_shared>>
      tpu.wait_dma2 semaphore(%run_scoped3A : memref<!tpu.dma_semaphore, #tpu.memory_space<semaphore_mem>>) src(%dma_wait3A_118 : memref<40x128xf32, #tpu.memory_space<vmem_shared>>) dst(%arg12 : memref<40x128xf32, #tpu.memory_space<vmem>>)
      tpu.yield
    }) : () -> ()
    "tpu.region"() ({
      %run_scoped3A = tpu.sem_alloc : memref<!tpu.dma_semaphore, #tpu.memory_space<semaphore_mem>>
      %dma_start3A_111 = arith.constant 0 : i32
      %dma_start3A_112 = tpu.memref_slice %arg7[%arg0, %add3A_88, %dma_start3A_111] : memref<2x10240x128xf32, #tpu.memory_space<hbm>> -> memref<1x40x128xf32, #tpu.memory_space<hbm>>
      %dma_start3A_113 = tpu.memref_squeeze %dma_start3A_112 : memref<1x40x128xf32, #tpu.memory_space<hbm>> -> memref<40x128xf32, #tpu.memory_space<hbm>>
      %dma_start3A_114 = arith.constant 0 : i32
      %dma_start3A_115 = tpu.memref_slice %arg7[%arg0, %add3A_88, %dma_start3A_114] : memref<2x10240x128xf32, #tpu.memory_space<hbm>> -> memref<1x40x128xf32, #tpu.memory_space<hbm>>
      %dma_start3A_116 = tpu.memref_squeeze %dma_start3A_115 : memref<1x40x128xf32, #tpu.memory_space<hbm>> -> memref<40x128xf32, #tpu.memory_space<hbm>>
      tpu.enqueue_dma source(%arg12 : memref<40x128xf32, #tpu.memory_space<vmem>>) target(%dma_start3A_116 : memref<40x128xf32, #tpu.memory_space<hbm>>) target_semaphore(%run_scoped3A : memref<!tpu.dma_semaphore, #tpu.memory_space<semaphore_mem>>)
      %dma_wait3A_117 = arith.constant 0 : i32
      %dma_wait3A_118 = tpu.memref_slice %arg7[%arg0, %add3A_88, %dma_wait3A_117] : memref<2x10240x128xf32, #tpu.memory_space<hbm>> -> memref<1x40x128xf32, #tpu.memory_space<hbm>>
      %dma_wait3A_119 = tpu.memref_squeeze %dma_wait3A_118 : memref<1x40x128xf32, #tpu.memory_space<hbm>> -> memref<40x128xf32, #tpu.memory_space<hbm>>
      %dma_wait3A_120 = arith.constant 0 : i32
      %dma_wait3A_121 = tpu.memref_slice %arg7[%arg0, %add3A_88, %dma_wait3A_120] : memref<2x10240x128xf32, #tpu.memory_space<hbm>> -> memref<1x40x128xf32, #tpu.memory_space<hbm>>
      %dma_wait3A_122 = tpu.memref_squeeze %dma_wait3A_121 : memref<1x40x128xf32, #tpu.memory_space<hbm>> -> memref<40x128xf32, #tpu.memory_space<hbm>>
      tpu.wait_dma2 semaphore(%run_scoped3A : memref<!tpu.dma_semaphore, #tpu.memory_space<semaphore_mem>>) src(%arg12 : memref<40x128xf32, #tpu.memory_space<vmem>>) dst(%dma_wait3A_122 : memref<40x128xf32, #tpu.memory_space<hbm>>)
      tpu.yield
    }) : () -> ()
    %add3A_89 = arith.constant 200 : i32
    %add3A_90 = arith.addi %mul3A_12, %add3A_89 : i32
    "tpu.region"() ({
      %run_scoped3A = tpu.sem_alloc : memref<!tpu.dma_semaphore, #tpu.memory_space<semaphore_mem>>
      %dma_start3A_111 = arith.constant 0 : i32
      %dma_start3A_112 = tpu.memref_slice %arg17[%add3A_90, %dma_start3A_111] : memref<10240x128xf32, #tpu.memory_space<vmem_shared>> -> memref<40x128xf32, #tpu.memory_space<vmem_shared>>
      %dma_start3A_113 = arith.constant 0 : i32
      %dma_start3A_114 = tpu.memref_slice %arg17[%add3A_90, %dma_start3A_113] : memref<10240x128xf32, #tpu.memory_space<vmem_shared>> -> memref<40x128xf32, #tpu.memory_space<vmem_shared>>
      tpu.enqueue_dma source(%dma_start3A_114 : memref<40x128xf32, #tpu.memory_space<vmem_shared>>) target(%arg12 : memref<40x128xf32, #tpu.memory_space<vmem>>) target_semaphore(%run_scoped3A : memref<!tpu.dma_semaphore, #tpu.memory_space<semaphore_mem>>)
      %dma_wait3A_115 = arith.constant 0 : i32
      %dma_wait3A_116 = tpu.memref_slice %arg17[%add3A_90, %dma_wait3A_115] : memref<10240x128xf32, #tpu.memory_space<vmem_shared>> -> memref<40x128xf32, #tpu.memory_space<vmem_shared>>
      %dma_wait3A_117 = arith.constant 0 : i32
      %dma_wait3A_118 = tpu.memref_slice %arg17[%add3A_90, %dma_wait3A_117] : memref<10240x128xf32, #tpu.memory_space<vmem_shared>> -> memref<40x128xf32, #tpu.memory_space<vmem_shared>>
      tpu.wait_dma2 semaphore(%run_scoped3A : memref<!tpu.dma_semaphore, #tpu.memory_space<semaphore_mem>>) src(%dma_wait3A_118 : memref<40x128xf32, #tpu.memory_space<vmem_shared>>) dst(%arg12 : memref<40x128xf32, #tpu.memory_space<vmem>>)
      tpu.yield
    }) : () -> ()
    "tpu.region"() ({
      %run_scoped3A = tpu.sem_alloc : memref<!tpu.dma_semaphore, #tpu.memory_space<semaphore_mem>>
      %dma_start3A_111 = arith.constant 0 : i32
      %dma_start3A_112 = tpu.memref_slice %arg7[%arg0, %add3A_90, %dma_start3A_111] : memref<2x10240x128xf32, #tpu.memory_space<hbm>> -> memref<1x40x128xf32, #tpu.memory_space<hbm>>
      %dma_start3A_113 = tpu.memref_squeeze %dma_start3A_112 : memref<1x40x128xf32, #tpu.memory_space<hbm>> -> memref<40x128xf32, #tpu.memory_space<hbm>>
      %dma_start3A_114 = arith.constant 0 : i32
      %dma_start3A_115 = tpu.memref_slice %arg7[%arg0, %add3A_90, %dma_start3A_114] : memref<2x10240x128xf32, #tpu.memory_space<hbm>> -> memref<1x40x128xf32, #tpu.memory_space<hbm>>
      %dma_start3A_116 = tpu.memref_squeeze %dma_start3A_115 : memref<1x40x128xf32, #tpu.memory_space<hbm>> -> memref<40x128xf32, #tpu.memory_space<hbm>>
      tpu.enqueue_dma source(%arg12 : memref<40x128xf32, #tpu.memory_space<vmem>>) target(%dma_start3A_116 : memref<40x128xf32, #tpu.memory_space<hbm>>) target_semaphore(%run_scoped3A : memref<!tpu.dma_semaphore, #tpu.memory_space<semaphore_mem>>)
      %dma_wait3A_117 = arith.constant 0 : i32
      %dma_wait3A_118 = tpu.memref_slice %arg7[%arg0, %add3A_90, %dma_wait3A_117] : memref<2x10240x128xf32, #tpu.memory_space<hbm>> -> memref<1x40x128xf32, #tpu.memory_space<hbm>>
      %dma_wait3A_119 = tpu.memref_squeeze %dma_wait3A_118 : memref<1x40x128xf32, #tpu.memory_space<hbm>> -> memref<40x128xf32, #tpu.memory_space<hbm>>
      %dma_wait3A_120 = arith.constant 0 : i32
      %dma_wait3A_121 = tpu.memref_slice %arg7[%arg0, %add3A_90, %dma_wait3A_120] : memref<2x10240x128xf32, #tpu.memory_space<hbm>> -> memref<1x40x128xf32, #tpu.memory_space<hbm>>
      %dma_wait3A_122 = tpu.memref_squeeze %dma_wait3A_121 : memref<1x40x128xf32, #tpu.memory_space<hbm>> -> memref<40x128xf32, #tpu.memory_space<hbm>>
      tpu.wait_dma2 semaphore(%run_scoped3A : memref<!tpu.dma_semaphore, #tpu.memory_space<semaphore_mem>>) src(%arg12 : memref<40x128xf32, #tpu.memory_space<vmem>>) dst(%dma_wait3A_122 : memref<40x128xf32, #tpu.memory_space<hbm>>)
      tpu.yield
    }) : () -> ()
    %add3A_91 = arith.constant 240 : i32
    %add3A_92 = arith.addi %mul3A_12, %add3A_91 : i32
    "tpu.region"() ({
      %run_scoped3A = tpu.sem_alloc : memref<!tpu.dma_semaphore, #tpu.memory_space<semaphore_mem>>
      %dma_start3A_111 = arith.constant 0 : i32
      %dma_start3A_112 = tpu.memref_slice %arg17[%add3A_92, %dma_start3A_111] : memref<10240x128xf32, #tpu.memory_space<vmem_shared>> -> memref<40x128xf32, #tpu.memory_space<vmem_shared>>
      %dma_start3A_113 = arith.constant 0 : i32
      %dma_start3A_114 = tpu.memref_slice %arg17[%add3A_92, %dma_start3A_113] : memref<10240x128xf32, #tpu.memory_space<vmem_shared>> -> memref<40x128xf32, #tpu.memory_space<vmem_shared>>
      tpu.enqueue_dma source(%dma_start3A_114 : memref<40x128xf32, #tpu.memory_space<vmem_shared>>) target(%arg12 : memref<40x128xf32, #tpu.memory_space<vmem>>) target_semaphore(%run_scoped3A : memref<!tpu.dma_semaphore, #tpu.memory_space<semaphore_mem>>)
      %dma_wait3A_115 = arith.constant 0 : i32
      %dma_wait3A_116 = tpu.memref_slice %arg17[%add3A_92, %dma_wait3A_115] : memref<10240x128xf32, #tpu.memory_space<vmem_shared>> -> memref<40x128xf32, #tpu.memory_space<vmem_shared>>
      %dma_wait3A_117 = arith.constant 0 : i32
      %dma_wait3A_118 = tpu.memref_slice %arg17[%add3A_92, %dma_wait3A_117] : memref<10240x128xf32, #tpu.memory_space<vmem_shared>> -> memref<40x128xf32, #tpu.memory_space<vmem_shared>>
      tpu.wait_dma2 semaphore(%run_scoped3A : memref<!tpu.dma_semaphore, #tpu.memory_space<semaphore_mem>>) src(%dma_wait3A_118 : memref<40x128xf32, #tpu.memory_space<vmem_shared>>) dst(%arg12 : memref<40x128xf32, #tpu.memory_space<vmem>>)
      tpu.yield
    }) : () -> ()
    "tpu.region"() ({
      %run_scoped3A = tpu.sem_alloc : memref<!tpu.dma_semaphore, #tpu.memory_space<semaphore_mem>>
      %dma_start3A_111 = arith.constant 0 : i32
      %dma_start3A_112 = tpu.memref_slice %arg7[%arg0, %add3A_92, %dma_start3A_111] : memref<2x10240x128xf32, #tpu.memory_space<hbm>> -> memref<1x40x128xf32, #tpu.memory_space<hbm>>
      %dma_start3A_113 = tpu.memref_squeeze %dma_start3A_112 : memref<1x40x128xf32, #tpu.memory_space<hbm>> -> memref<40x128xf32, #tpu.memory_space<hbm>>
      %dma_start3A_114 = arith.constant 0 : i32
      %dma_start3A_115 = tpu.memref_slice %arg7[%arg0, %add3A_92, %dma_start3A_114] : memref<2x10240x128xf32, #tpu.memory_space<hbm>> -> memref<1x40x128xf32, #tpu.memory_space<hbm>>
      %dma_start3A_116 = tpu.memref_squeeze %dma_start3A_115 : memref<1x40x128xf32, #tpu.memory_space<hbm>> -> memref<40x128xf32, #tpu.memory_space<hbm>>
      tpu.enqueue_dma source(%arg12 : memref<40x128xf32, #tpu.memory_space<vmem>>) target(%dma_start3A_116 : memref<40x128xf32, #tpu.memory_space<hbm>>) target_semaphore(%run_scoped3A : memref<!tpu.dma_semaphore, #tpu.memory_space<semaphore_mem>>)
      %dma_wait3A_117 = arith.constant 0 : i32
      %dma_wait3A_118 = tpu.memref_slice %arg7[%arg0, %add3A_92, %dma_wait3A_117] : memref<2x10240x128xf32, #tpu.memory_space<hbm>> -> memref<1x40x128xf32, #tpu.memory_space<hbm>>
      %dma_wait3A_119 = tpu.memref_squeeze %dma_wait3A_118 : memref<1x40x128xf32, #tpu.memory_space<hbm>> -> memref<40x128xf32, #tpu.memory_space<hbm>>
      %dma_wait3A_120 = arith.constant 0 : i32
      %dma_wait3A_121 = tpu.memref_slice %arg7[%arg0, %add3A_92, %dma_wait3A_120] : memref<2x10240x128xf32, #tpu.memory_space<hbm>> -> memref<1x40x128xf32, #tpu.memory_space<hbm>>
      %dma_wait3A_122 = tpu.memref_squeeze %dma_wait3A_121 : memref<1x40x128xf32, #tpu.memory_space<hbm>> -> memref<40x128xf32, #tpu.memory_space<hbm>>
      tpu.wait_dma2 semaphore(%run_scoped3A : memref<!tpu.dma_semaphore, #tpu.memory_space<semaphore_mem>>) src(%arg12 : memref<40x128xf32, #tpu.memory_space<vmem>>) dst(%dma_wait3A_122 : memref<40x128xf32, #tpu.memory_space<hbm>>)
      tpu.yield
    }) : () -> ()
    %add3A_93 = arith.constant 280 : i32
    %add3A_94 = arith.addi %mul3A_12, %add3A_93 : i32
    "tpu.region"() ({
      %run_scoped3A = tpu.sem_alloc : memref<!tpu.dma_semaphore, #tpu.memory_space<semaphore_mem>>
      %dma_start3A_111 = arith.constant 0 : i32
      %dma_start3A_112 = tpu.memref_slice %arg17[%add3A_94, %dma_start3A_111] : memref<10240x128xf32, #tpu.memory_space<vmem_shared>> -> memref<40x128xf32, #tpu.memory_space<vmem_shared>>
      %dma_start3A_113 = arith.constant 0 : i32
      %dma_start3A_114 = tpu.memref_slice %arg17[%add3A_94, %dma_start3A_113] : memref<10240x128xf32, #tpu.memory_space<vmem_shared>> -> memref<40x128xf32, #tpu.memory_space<vmem_shared>>
      tpu.enqueue_dma source(%dma_start3A_114 : memref<40x128xf32, #tpu.memory_space<vmem_shared>>) target(%arg12 : memref<40x128xf32, #tpu.memory_space<vmem>>) target_semaphore(%run_scoped3A : memref<!tpu.dma_semaphore, #tpu.memory_space<semaphore_mem>>)
      %dma_wait3A_115 = arith.constant 0 : i32
      %dma_wait3A_116 = tpu.memref_slice %arg17[%add3A_94, %dma_wait3A_115] : memref<10240x128xf32, #tpu.memory_space<vmem_shared>> -> memref<40x128xf32, #tpu.memory_space<vmem_shared>>
      %dma_wait3A_117 = arith.constant 0 : i32
      %dma_wait3A_118 = tpu.memref_slice %arg17[%add3A_94, %dma_wait3A_117] : memref<10240x128xf32, #tpu.memory_space<vmem_shared>> -> memref<40x128xf32, #tpu.memory_space<vmem_shared>>
      tpu.wait_dma2 semaphore(%run_scoped3A : memref<!tpu.dma_semaphore, #tpu.memory_space<semaphore_mem>>) src(%dma_wait3A_118 : memref<40x128xf32, #tpu.memory_space<vmem_shared>>) dst(%arg12 : memref<40x128xf32, #tpu.memory_space<vmem>>)
      tpu.yield
    }) : () -> ()
    "tpu.region"() ({
      %run_scoped3A = tpu.sem_alloc : memref<!tpu.dma_semaphore, #tpu.memory_space<semaphore_mem>>
      %dma_start3A_111 = arith.constant 0 : i32
      %dma_start3A_112 = tpu.memref_slice %arg7[%arg0, %add3A_94, %dma_start3A_111] : memref<2x10240x128xf32, #tpu.memory_space<hbm>> -> memref<1x40x128xf32, #tpu.memory_space<hbm>>
      %dma_start3A_113 = tpu.memref_squeeze %dma_start3A_112 : memref<1x40x128xf32, #tpu.memory_space<hbm>> -> memref<40x128xf32, #tpu.memory_space<hbm>>
      %dma_start3A_114 = arith.constant 0 : i32
      %dma_start3A_115 = tpu.memref_slice %arg7[%arg0, %add3A_94, %dma_start3A_114] : memref<2x10240x128xf32, #tpu.memory_space<hbm>> -> memref<1x40x128xf32, #tpu.memory_space<hbm>>
      %dma_start3A_116 = tpu.memref_squeeze %dma_start3A_115 : memref<1x40x128xf32, #tpu.memory_space<hbm>> -> memref<40x128xf32, #tpu.memory_space<hbm>>
      tpu.enqueue_dma source(%arg12 : memref<40x128xf32, #tpu.memory_space<vmem>>) target(%dma_start3A_116 : memref<40x128xf32, #tpu.memory_space<hbm>>) target_semaphore(%run_scoped3A : memref<!tpu.dma_semaphore, #tpu.memory_space<semaphore_mem>>)
      %dma_wait3A_117 = arith.constant 0 : i32
      %dma_wait3A_118 = tpu.memref_slice %arg7[%arg0, %add3A_94, %dma_wait3A_117] : memref<2x10240x128xf32, #tpu.memory_space<hbm>> -> memref<1x40x128xf32, #tpu.memory_space<hbm>>
      %dma_wait3A_119 = tpu.memref_squeeze %dma_wait3A_118 : memref<1x40x128xf32, #tpu.memory_space<hbm>> -> memref<40x128xf32, #tpu.memory_space<hbm>>
      %dma_wait3A_120 = arith.constant 0 : i32
      %dma_wait3A_121 = tpu.memref_slice %arg7[%arg0, %add3A_94, %dma_wait3A_120] : memref<2x10240x128xf32, #tpu.memory_space<hbm>> -> memref<1x40x128xf32, #tpu.memory_space<hbm>>
      %dma_wait3A_122 = tpu.memref_squeeze %dma_wait3A_121 : memref<1x40x128xf32, #tpu.memory_space<hbm>> -> memref<40x128xf32, #tpu.memory_space<hbm>>
      tpu.wait_dma2 semaphore(%run_scoped3A : memref<!tpu.dma_semaphore, #tpu.memory_space<semaphore_mem>>) src(%arg12 : memref<40x128xf32, #tpu.memory_space<vmem>>) dst(%dma_wait3A_122 : memref<40x128xf32, #tpu.memory_space<hbm>>)
      tpu.yield
    }) : () -> ()
    %add3A_95 = arith.constant 320 : i32
    %add3A_96 = arith.addi %mul3A_12, %add3A_95 : i32
    "tpu.region"() ({
      %run_scoped3A = tpu.sem_alloc : memref<!tpu.dma_semaphore, #tpu.memory_space<semaphore_mem>>
      %dma_start3A_111 = arith.constant 0 : i32
      %dma_start3A_112 = tpu.memref_slice %arg17[%add3A_96, %dma_start3A_111] : memref<10240x128xf32, #tpu.memory_space<vmem_shared>> -> memref<40x128xf32, #tpu.memory_space<vmem_shared>>
      %dma_start3A_113 = arith.constant 0 : i32
      %dma_start3A_114 = tpu.memref_slice %arg17[%add3A_96, %dma_start3A_113] : memref<10240x128xf32, #tpu.memory_space<vmem_shared>> -> memref<40x128xf32, #tpu.memory_space<vmem_shared>>
      tpu.enqueue_dma source(%dma_start3A_114 : memref<40x128xf32, #tpu.memory_space<vmem_shared>>) target(%arg12 : memref<40x128xf32, #tpu.memory_space<vmem>>) target_semaphore(%run_scoped3A : memref<!tpu.dma_semaphore, #tpu.memory_space<semaphore_mem>>)
      %dma_wait3A_115 = arith.constant 0 : i32
      %dma_wait3A_116 = tpu.memref_slice %arg17[%add3A_96, %dma_wait3A_115] : memref<10240x128xf32, #tpu.memory_space<vmem_shared>> -> memref<40x128xf32, #tpu.memory_space<vmem_shared>>
      %dma_wait3A_117 = arith.constant 0 : i32
      %dma_wait3A_118 = tpu.memref_slice %arg17[%add3A_96, %dma_wait3A_117] : memref<10240x128xf32, #tpu.memory_space<vmem_shared>> -> memref<40x128xf32, #tpu.memory_space<vmem_shared>>
      tpu.wait_dma2 semaphore(%run_scoped3A : memref<!tpu.dma_semaphore, #tpu.memory_space<semaphore_mem>>) src(%dma_wait3A_118 : memref<40x128xf32, #tpu.memory_space<vmem_shared>>) dst(%arg12 : memref<40x128xf32, #tpu.memory_space<vmem>>)
      tpu.yield
    }) : () -> ()
    "tpu.region"() ({
      %run_scoped3A = tpu.sem_alloc : memref<!tpu.dma_semaphore, #tpu.memory_space<semaphore_mem>>
      %dma_start3A_111 = arith.constant 0 : i32
      %dma_start3A_112 = tpu.memref_slice %arg7[%arg0, %add3A_96, %dma_start3A_111] : memref<2x10240x128xf32, #tpu.memory_space<hbm>> -> memref<1x40x128xf32, #tpu.memory_space<hbm>>
      %dma_start3A_113 = tpu.memref_squeeze %dma_start3A_112 : memref<1x40x128xf32, #tpu.memory_space<hbm>> -> memref<40x128xf32, #tpu.memory_space<hbm>>
      %dma_start3A_114 = arith.constant 0 : i32
      %dma_start3A_115 = tpu.memref_slice %arg7[%arg0, %add3A_96, %dma_start3A_114] : memref<2x10240x128xf32, #tpu.memory_space<hbm>> -> memref<1x40x128xf32, #tpu.memory_space<hbm>>
      %dma_start3A_116 = tpu.memref_squeeze %dma_start3A_115 : memref<1x40x128xf32, #tpu.memory_space<hbm>> -> memref<40x128xf32, #tpu.memory_space<hbm>>
      tpu.enqueue_dma source(%arg12 : memref<40x128xf32, #tpu.memory_space<vmem>>) target(%dma_start3A_116 : memref<40x128xf32, #tpu.memory_space<hbm>>) target_semaphore(%run_scoped3A : memref<!tpu.dma_semaphore, #tpu.memory_space<semaphore_mem>>)
      %dma_wait3A_117 = arith.constant 0 : i32
      %dma_wait3A_118 = tpu.memref_slice %arg7[%arg0, %add3A_96, %dma_wait3A_117] : memref<2x10240x128xf32, #tpu.memory_space<hbm>> -> memref<1x40x128xf32, #tpu.memory_space<hbm>>
      %dma_wait3A_119 = tpu.memref_squeeze %dma_wait3A_118 : memref<1x40x128xf32, #tpu.memory_space<hbm>> -> memref<40x128xf32, #tpu.memory_space<hbm>>
      %dma_wait3A_120 = arith.constant 0 : i32
      %dma_wait3A_121 = tpu.memref_slice %arg7[%arg0, %add3A_96, %dma_wait3A_120] : memref<2x10240x128xf32, #tpu.memory_space<hbm>> -> memref<1x40x128xf32, #tpu.memory_space<hbm>>
      %dma_wait3A_122 = tpu.memref_squeeze %dma_wait3A_121 : memref<1x40x128xf32, #tpu.memory_space<hbm>> -> memref<40x128xf32, #tpu.memory_space<hbm>>
      tpu.wait_dma2 semaphore(%run_scoped3A : memref<!tpu.dma_semaphore, #tpu.memory_space<semaphore_mem>>) src(%arg12 : memref<40x128xf32, #tpu.memory_space<vmem>>) dst(%dma_wait3A_122 : memref<40x128xf32, #tpu.memory_space<hbm>>)
      tpu.yield
    }) : () -> ()
    %add3A_97 = arith.constant 360 : i32
    %add3A_98 = arith.addi %mul3A_12, %add3A_97 : i32
    "tpu.region"() ({
      %run_scoped3A = tpu.sem_alloc : memref<!tpu.dma_semaphore, #tpu.memory_space<semaphore_mem>>
      %dma_start3A_111 = arith.constant 0 : i32
      %dma_start3A_112 = tpu.memref_slice %arg17[%add3A_98, %dma_start3A_111] : memref<10240x128xf32, #tpu.memory_space<vmem_shared>> -> memref<40x128xf32, #tpu.memory_space<vmem_shared>>
      %dma_start3A_113 = arith.constant 0 : i32
      %dma_start3A_114 = tpu.memref_slice %arg17[%add3A_98, %dma_start3A_113] : memref<10240x128xf32, #tpu.memory_space<vmem_shared>> -> memref<40x128xf32, #tpu.memory_space<vmem_shared>>
      tpu.enqueue_dma source(%dma_start3A_114 : memref<40x128xf32, #tpu.memory_space<vmem_shared>>) target(%arg12 : memref<40x128xf32, #tpu.memory_space<vmem>>) target_semaphore(%run_scoped3A : memref<!tpu.dma_semaphore, #tpu.memory_space<semaphore_mem>>)
      %dma_wait3A_115 = arith.constant 0 : i32
      %dma_wait3A_116 = tpu.memref_slice %arg17[%add3A_98, %dma_wait3A_115] : memref<10240x128xf32, #tpu.memory_space<vmem_shared>> -> memref<40x128xf32, #tpu.memory_space<vmem_shared>>
      %dma_wait3A_117 = arith.constant 0 : i32
      %dma_wait3A_118 = tpu.memref_slice %arg17[%add3A_98, %dma_wait3A_117] : memref<10240x128xf32, #tpu.memory_space<vmem_shared>> -> memref<40x128xf32, #tpu.memory_space<vmem_shared>>
      tpu.wait_dma2 semaphore(%run_scoped3A : memref<!tpu.dma_semaphore, #tpu.memory_space<semaphore_mem>>) src(%dma_wait3A_118 : memref<40x128xf32, #tpu.memory_space<vmem_shared>>) dst(%arg12 : memref<40x128xf32, #tpu.memory_space<vmem>>)
      tpu.yield
    }) : () -> ()
    "tpu.region"() ({
      %run_scoped3A = tpu.sem_alloc : memref<!tpu.dma_semaphore, #tpu.memory_space<semaphore_mem>>
      %dma_start3A_111 = arith.constant 0 : i32
      %dma_start3A_112 = tpu.memref_slice %arg7[%arg0, %add3A_98, %dma_start3A_111] : memref<2x10240x128xf32, #tpu.memory_space<hbm>> -> memref<1x40x128xf32, #tpu.memory_space<hbm>>
      %dma_start3A_113 = tpu.memref_squeeze %dma_start3A_112 : memref<1x40x128xf32, #tpu.memory_space<hbm>> -> memref<40x128xf32, #tpu.memory_space<hbm>>
      %dma_start3A_114 = arith.constant 0 : i32
      %dma_start3A_115 = tpu.memref_slice %arg7[%arg0, %add3A_98, %dma_start3A_114] : memref<2x10240x128xf32, #tpu.memory_space<hbm>> -> memref<1x40x128xf32, #tpu.memory_space<hbm>>
      %dma_start3A_116 = tpu.memref_squeeze %dma_start3A_115 : memref<1x40x128xf32, #tpu.memory_space<hbm>> -> memref<40x128xf32, #tpu.memory_space<hbm>>
      tpu.enqueue_dma source(%arg12 : memref<40x128xf32, #tpu.memory_space<vmem>>) target(%dma_start3A_116 : memref<40x128xf32, #tpu.memory_space<hbm>>) target_semaphore(%run_scoped3A : memref<!tpu.dma_semaphore, #tpu.memory_space<semaphore_mem>>)
      %dma_wait3A_117 = arith.constant 0 : i32
      %dma_wait3A_118 = tpu.memref_slice %arg7[%arg0, %add3A_98, %dma_wait3A_117] : memref<2x10240x128xf32, #tpu.memory_space<hbm>> -> memref<1x40x128xf32, #tpu.memory_space<hbm>>
      %dma_wait3A_119 = tpu.memref_squeeze %dma_wait3A_118 : memref<1x40x128xf32, #tpu.memory_space<hbm>> -> memref<40x128xf32, #tpu.memory_space<hbm>>
      %dma_wait3A_120 = arith.constant 0 : i32
      %dma_wait3A_121 = tpu.memref_slice %arg7[%arg0, %add3A_98, %dma_wait3A_120] : memref<2x10240x128xf32, #tpu.memory_space<hbm>> -> memref<1x40x128xf32, #tpu.memory_space<hbm>>
      %dma_wait3A_122 = tpu.memref_squeeze %dma_wait3A_121 : memref<1x40x128xf32, #tpu.memory_space<hbm>> -> memref<40x128xf32, #tpu.memory_space<hbm>>
      tpu.wait_dma2 semaphore(%run_scoped3A : memref<!tpu.dma_semaphore, #tpu.memory_space<semaphore_mem>>) src(%arg12 : memref<40x128xf32, #tpu.memory_space<vmem>>) dst(%dma_wait3A_122 : memref<40x128xf32, #tpu.memory_space<hbm>>)
      tpu.yield
    }) : () -> ()
    %add3A_99 = arith.constant 400 : i32
    %add3A_100 = arith.addi %mul3A_12, %add3A_99 : i32
    "tpu.region"() ({
      %run_scoped3A = tpu.sem_alloc : memref<!tpu.dma_semaphore, #tpu.memory_space<semaphore_mem>>
      %dma_start3A_111 = arith.constant 0 : i32
      %dma_start3A_112 = tpu.memref_slice %arg17[%add3A_100, %dma_start3A_111] : memref<10240x128xf32, #tpu.memory_space<vmem_shared>> -> memref<40x128xf32, #tpu.memory_space<vmem_shared>>
      %dma_start3A_113 = arith.constant 0 : i32
      %dma_start3A_114 = tpu.memref_slice %arg17[%add3A_100, %dma_start3A_113] : memref<10240x128xf32, #tpu.memory_space<vmem_shared>> -> memref<40x128xf32, #tpu.memory_space<vmem_shared>>
      tpu.enqueue_dma source(%dma_start3A_114 : memref<40x128xf32, #tpu.memory_space<vmem_shared>>) target(%arg12 : memref<40x128xf32, #tpu.memory_space<vmem>>) target_semaphore(%run_scoped3A : memref<!tpu.dma_semaphore, #tpu.memory_space<semaphore_mem>>)
      %dma_wait3A_115 = arith.constant 0 : i32
      %dma_wait3A_116 = tpu.memref_slice %arg17[%add3A_100, %dma_wait3A_115] : memref<10240x128xf32, #tpu.memory_space<vmem_shared>> -> memref<40x128xf32, #tpu.memory_space<vmem_shared>>
      %dma_wait3A_117 = arith.constant 0 : i32
      %dma_wait3A_118 = tpu.memref_slice %arg17[%add3A_100, %dma_wait3A_117] : memref<10240x128xf32, #tpu.memory_space<vmem_shared>> -> memref<40x128xf32, #tpu.memory_space<vmem_shared>>
      tpu.wait_dma2 semaphore(%run_scoped3A : memref<!tpu.dma_semaphore, #tpu.memory_space<semaphore_mem>>) src(%dma_wait3A_118 : memref<40x128xf32, #tpu.memory_space<vmem_shared>>) dst(%arg12 : memref<40x128xf32, #tpu.memory_space<vmem>>)
      tpu.yield
    }) : () -> ()
    "tpu.region"() ({
      %run_scoped3A = tpu.sem_alloc : memref<!tpu.dma_semaphore, #tpu.memory_space<semaphore_mem>>
      %dma_start3A_111 = arith.constant 0 : i32
      %dma_start3A_112 = tpu.memref_slice %arg7[%arg0, %add3A_100, %dma_start3A_111] : memref<2x10240x128xf32, #tpu.memory_space<hbm>> -> memref<1x40x128xf32, #tpu.memory_space<hbm>>
      %dma_start3A_113 = tpu.memref_squeeze %dma_start3A_112 : memref<1x40x128xf32, #tpu.memory_space<hbm>> -> memref<40x128xf32, #tpu.memory_space<hbm>>
      %dma_start3A_114 = arith.constant 0 : i32
      %dma_start3A_115 = tpu.memref_slice %arg7[%arg0, %add3A_100, %dma_start3A_114] : memref<2x10240x128xf32, #tpu.memory_space<hbm>> -> memref<1x40x128xf32, #tpu.memory_space<hbm>>
      %dma_start3A_116 = tpu.memref_squeeze %dma_start3A_115 : memref<1x40x128xf32, #tpu.memory_space<hbm>> -> memref<40x128xf32, #tpu.memory_space<hbm>>
      tpu.enqueue_dma source(%arg12 : memref<40x128xf32, #tpu.memory_space<vmem>>) target(%dma_start3A_116 : memref<40x128xf32, #tpu.memory_space<hbm>>) target_semaphore(%run_scoped3A : memref<!tpu.dma_semaphore, #tpu.memory_space<semaphore_mem>>)
      %dma_wait3A_117 = arith.constant 0 : i32
      %dma_wait3A_118 = tpu.memref_slice %arg7[%arg0, %add3A_100, %dma_wait3A_117] : memref<2x10240x128xf32, #tpu.memory_space<hbm>> -> memref<1x40x128xf32, #tpu.memory_space<hbm>>
      %dma_wait3A_119 = tpu.memref_squeeze %dma_wait3A_118 : memref<1x40x128xf32, #tpu.memory_space<hbm>> -> memref<40x128xf32, #tpu.memory_space<hbm>>
      %dma_wait3A_120 = arith.constant 0 : i32
      %dma_wait3A_121 = tpu.memref_slice %arg7[%arg0, %add3A_100, %dma_wait3A_120] : memref<2x10240x128xf32, #tpu.memory_space<hbm>> -> memref<1x40x128xf32, #tpu.memory_space<hbm>>
      %dma_wait3A_122 = tpu.memref_squeeze %dma_wait3A_121 : memref<1x40x128xf32, #tpu.memory_space<hbm>> -> memref<40x128xf32, #tpu.memory_space<hbm>>
      tpu.wait_dma2 semaphore(%run_scoped3A : memref<!tpu.dma_semaphore, #tpu.memory_space<semaphore_mem>>) src(%arg12 : memref<40x128xf32, #tpu.memory_space<vmem>>) dst(%dma_wait3A_122 : memref<40x128xf32, #tpu.memory_space<hbm>>)
      tpu.yield
    }) : () -> ()
    %add3A_101 = arith.constant 440 : i32
    %add3A_102 = arith.addi %mul3A_12, %add3A_101 : i32
    "tpu.region"() ({
      %run_scoped3A = tpu.sem_alloc : memref<!tpu.dma_semaphore, #tpu.memory_space<semaphore_mem>>
      %dma_start3A_111 = arith.constant 0 : i32
      %dma_start3A_112 = tpu.memref_slice %arg17[%add3A_102, %dma_start3A_111] : memref<10240x128xf32, #tpu.memory_space<vmem_shared>> -> memref<40x128xf32, #tpu.memory_space<vmem_shared>>
      %dma_start3A_113 = arith.constant 0 : i32
      %dma_start3A_114 = tpu.memref_slice %arg17[%add3A_102, %dma_start3A_113] : memref<10240x128xf32, #tpu.memory_space<vmem_shared>> -> memref<40x128xf32, #tpu.memory_space<vmem_shared>>
      tpu.enqueue_dma source(%dma_start3A_114 : memref<40x128xf32, #tpu.memory_space<vmem_shared>>) target(%arg12 : memref<40x128xf32, #tpu.memory_space<vmem>>) target_semaphore(%run_scoped3A : memref<!tpu.dma_semaphore, #tpu.memory_space<semaphore_mem>>)
      %dma_wait3A_115 = arith.constant 0 : i32
      %dma_wait3A_116 = tpu.memref_slice %arg17[%add3A_102, %dma_wait3A_115] : memref<10240x128xf32, #tpu.memory_space<vmem_shared>> -> memref<40x128xf32, #tpu.memory_space<vmem_shared>>
      %dma_wait3A_117 = arith.constant 0 : i32
      %dma_wait3A_118 = tpu.memref_slice %arg17[%add3A_102, %dma_wait3A_117] : memref<10240x128xf32, #tpu.memory_space<vmem_shared>> -> memref<40x128xf32, #tpu.memory_space<vmem_shared>>
      tpu.wait_dma2 semaphore(%run_scoped3A : memref<!tpu.dma_semaphore, #tpu.memory_space<semaphore_mem>>) src(%dma_wait3A_118 : memref<40x128xf32, #tpu.memory_space<vmem_shared>>) dst(%arg12 : memref<40x128xf32, #tpu.memory_space<vmem>>)
      tpu.yield
    }) : () -> ()
    "tpu.region"() ({
      %run_scoped3A = tpu.sem_alloc : memref<!tpu.dma_semaphore, #tpu.memory_space<semaphore_mem>>
      %dma_start3A_111 = arith.constant 0 : i32
      %dma_start3A_112 = tpu.memref_slice %arg7[%arg0, %add3A_102, %dma_start3A_111] : memref<2x10240x128xf32, #tpu.memory_space<hbm>> -> memref<1x40x128xf32, #tpu.memory_space<hbm>>
      %dma_start3A_113 = tpu.memref_squeeze %dma_start3A_112 : memref<1x40x128xf32, #tpu.memory_space<hbm>> -> memref<40x128xf32, #tpu.memory_space<hbm>>
      %dma_start3A_114 = arith.constant 0 : i32
      %dma_start3A_115 = tpu.memref_slice %arg7[%arg0, %add3A_102, %dma_start3A_114] : memref<2x10240x128xf32, #tpu.memory_space<hbm>> -> memref<1x40x128xf32, #tpu.memory_space<hbm>>
      %dma_start3A_116 = tpu.memref_squeeze %dma_start3A_115 : memref<1x40x128xf32, #tpu.memory_space<hbm>> -> memref<40x128xf32, #tpu.memory_space<hbm>>
      tpu.enqueue_dma source(%arg12 : memref<40x128xf32, #tpu.memory_space<vmem>>) target(%dma_start3A_116 : memref<40x128xf32, #tpu.memory_space<hbm>>) target_semaphore(%run_scoped3A : memref<!tpu.dma_semaphore, #tpu.memory_space<semaphore_mem>>)
      %dma_wait3A_117 = arith.constant 0 : i32
      %dma_wait3A_118 = tpu.memref_slice %arg7[%arg0, %add3A_102, %dma_wait3A_117] : memref<2x10240x128xf32, #tpu.memory_space<hbm>> -> memref<1x40x128xf32, #tpu.memory_space<hbm>>
      %dma_wait3A_119 = tpu.memref_squeeze %dma_wait3A_118 : memref<1x40x128xf32, #tpu.memory_space<hbm>> -> memref<40x128xf32, #tpu.memory_space<hbm>>
      %dma_wait3A_120 = arith.constant 0 : i32
      %dma_wait3A_121 = tpu.memref_slice %arg7[%arg0, %add3A_102, %dma_wait3A_120] : memref<2x10240x128xf32, #tpu.memory_space<hbm>> -> memref<1x40x128xf32, #tpu.memory_space<hbm>>
      %dma_wait3A_122 = tpu.memref_squeeze %dma_wait3A_121 : memref<1x40x128xf32, #tpu.memory_space<hbm>> -> memref<40x128xf32, #tpu.memory_space<hbm>>
      tpu.wait_dma2 semaphore(%run_scoped3A : memref<!tpu.dma_semaphore, #tpu.memory_space<semaphore_mem>>) src(%arg12 : memref<40x128xf32, #tpu.memory_space<vmem>>) dst(%dma_wait3A_122 : memref<40x128xf32, #tpu.memory_space<hbm>>)
      tpu.yield
    }) : () -> ()
    %add3A_103 = arith.constant 480 : i32
    %add3A_104 = arith.addi %mul3A_12, %add3A_103 : i32
    "tpu.region"() ({
      %run_scoped3A = tpu.sem_alloc : memref<!tpu.dma_semaphore, #tpu.memory_space<semaphore_mem>>
      %dma_start3A_111 = arith.constant 0 : i32
      %dma_start3A_112 = tpu.memref_slice %arg17[%add3A_104, %dma_start3A_111] : memref<10240x128xf32, #tpu.memory_space<vmem_shared>> -> memref<40x128xf32, #tpu.memory_space<vmem_shared>>
      %dma_start3A_113 = arith.constant 0 : i32
      %dma_start3A_114 = tpu.memref_slice %arg17[%add3A_104, %dma_start3A_113] : memref<10240x128xf32, #tpu.memory_space<vmem_shared>> -> memref<40x128xf32, #tpu.memory_space<vmem_shared>>
      tpu.enqueue_dma source(%dma_start3A_114 : memref<40x128xf32, #tpu.memory_space<vmem_shared>>) target(%arg12 : memref<40x128xf32, #tpu.memory_space<vmem>>) target_semaphore(%run_scoped3A : memref<!tpu.dma_semaphore, #tpu.memory_space<semaphore_mem>>)
      %dma_wait3A_115 = arith.constant 0 : i32
      %dma_wait3A_116 = tpu.memref_slice %arg17[%add3A_104, %dma_wait3A_115] : memref<10240x128xf32, #tpu.memory_space<vmem_shared>> -> memref<40x128xf32, #tpu.memory_space<vmem_shared>>
      %dma_wait3A_117 = arith.constant 0 : i32
      %dma_wait3A_118 = tpu.memref_slice %arg17[%add3A_104, %dma_wait3A_117] : memref<10240x128xf32, #tpu.memory_space<vmem_shared>> -> memref<40x128xf32, #tpu.memory_space<vmem_shared>>
      tpu.wait_dma2 semaphore(%run_scoped3A : memref<!tpu.dma_semaphore, #tpu.memory_space<semaphore_mem>>) src(%dma_wait3A_118 : memref<40x128xf32, #tpu.memory_space<vmem_shared>>) dst(%arg12 : memref<40x128xf32, #tpu.memory_space<vmem>>)
      tpu.yield
    }) : () -> ()
    "tpu.region"() ({
      %run_scoped3A = tpu.sem_alloc : memref<!tpu.dma_semaphore, #tpu.memory_space<semaphore_mem>>
      %dma_start3A_111 = arith.constant 0 : i32
      %dma_start3A_112 = tpu.memref_slice %arg7[%arg0, %add3A_104, %dma_start3A_111] : memref<2x10240x128xf32, #tpu.memory_space<hbm>> -> memref<1x40x128xf32, #tpu.memory_space<hbm>>
      %dma_start3A_113 = tpu.memref_squeeze %dma_start3A_112 : memref<1x40x128xf32, #tpu.memory_space<hbm>> -> memref<40x128xf32, #tpu.memory_space<hbm>>
      %dma_start3A_114 = arith.constant 0 : i32
      %dma_start3A_115 = tpu.memref_slice %arg7[%arg0, %add3A_104, %dma_start3A_114] : memref<2x10240x128xf32, #tpu.memory_space<hbm>> -> memref<1x40x128xf32, #tpu.memory_space<hbm>>
      %dma_start3A_116 = tpu.memref_squeeze %dma_start3A_115 : memref<1x40x128xf32, #tpu.memory_space<hbm>> -> memref<40x128xf32, #tpu.memory_space<hbm>>
      tpu.enqueue_dma source(%arg12 : memref<40x128xf32, #tpu.memory_space<vmem>>) target(%dma_start3A_116 : memref<40x128xf32, #tpu.memory_space<hbm>>) target_semaphore(%run_scoped3A : memref<!tpu.dma_semaphore, #tpu.memory_space<semaphore_mem>>)
      %dma_wait3A_117 = arith.constant 0 : i32
      %dma_wait3A_118 = tpu.memref_slice %arg7[%arg0, %add3A_104, %dma_wait3A_117] : memref<2x10240x128xf32, #tpu.memory_space<hbm>> -> memref<1x40x128xf32, #tpu.memory_space<hbm>>
      %dma_wait3A_119 = tpu.memref_squeeze %dma_wait3A_118 : memref<1x40x128xf32, #tpu.memory_space<hbm>> -> memref<40x128xf32, #tpu.memory_space<hbm>>
      %dma_wait3A_120 = arith.constant 0 : i32
      %dma_wait3A_121 = tpu.memref_slice %arg7[%arg0, %add3A_104, %dma_wait3A_120] : memref<2x10240x128xf32, #tpu.memory_space<hbm>> -> memref<1x40x128xf32, #tpu.memory_space<hbm>>
      %dma_wait3A_122 = tpu.memref_squeeze %dma_wait3A_121 : memref<1x40x128xf32, #tpu.memory_space<hbm>> -> memref<40x128xf32, #tpu.memory_space<hbm>>
      tpu.wait_dma2 semaphore(%run_scoped3A : memref<!tpu.dma_semaphore, #tpu.memory_space<semaphore_mem>>) src(%arg12 : memref<40x128xf32, #tpu.memory_space<vmem>>) dst(%dma_wait3A_122 : memref<40x128xf32, #tpu.memory_space<hbm>>)
      tpu.yield
    }) : () -> ()
    %add3A_105 = arith.constant 520 : i32
    %add3A_106 = arith.addi %mul3A_12, %add3A_105 : i32
    "tpu.region"() ({
      %run_scoped3A = tpu.sem_alloc : memref<!tpu.dma_semaphore, #tpu.memory_space<semaphore_mem>>
      %dma_start3A_111 = arith.constant 0 : i32
      %dma_start3A_112 = tpu.memref_slice %arg17[%add3A_106, %dma_start3A_111] : memref<10240x128xf32, #tpu.memory_space<vmem_shared>> -> memref<40x128xf32, #tpu.memory_space<vmem_shared>>
      %dma_start3A_113 = arith.constant 0 : i32
      %dma_start3A_114 = tpu.memref_slice %arg17[%add3A_106, %dma_start3A_113] : memref<10240x128xf32, #tpu.memory_space<vmem_shared>> -> memref<40x128xf32, #tpu.memory_space<vmem_shared>>
      tpu.enqueue_dma source(%dma_start3A_114 : memref<40x128xf32, #tpu.memory_space<vmem_shared>>) target(%arg12 : memref<40x128xf32, #tpu.memory_space<vmem>>) target_semaphore(%run_scoped3A : memref<!tpu.dma_semaphore, #tpu.memory_space<semaphore_mem>>)
      %dma_wait3A_115 = arith.constant 0 : i32
      %dma_wait3A_116 = tpu.memref_slice %arg17[%add3A_106, %dma_wait3A_115] : memref<10240x128xf32, #tpu.memory_space<vmem_shared>> -> memref<40x128xf32, #tpu.memory_space<vmem_shared>>
      %dma_wait3A_117 = arith.constant 0 : i32
      %dma_wait3A_118 = tpu.memref_slice %arg17[%add3A_106, %dma_wait3A_117] : memref<10240x128xf32, #tpu.memory_space<vmem_shared>> -> memref<40x128xf32, #tpu.memory_space<vmem_shared>>
      tpu.wait_dma2 semaphore(%run_scoped3A : memref<!tpu.dma_semaphore, #tpu.memory_space<semaphore_mem>>) src(%dma_wait3A_118 : memref<40x128xf32, #tpu.memory_space<vmem_shared>>) dst(%arg12 : memref<40x128xf32, #tpu.memory_space<vmem>>)
      tpu.yield
    }) : () -> ()
    "tpu.region"() ({
      %run_scoped3A = tpu.sem_alloc : memref<!tpu.dma_semaphore, #tpu.memory_space<semaphore_mem>>
      %dma_start3A_111 = arith.constant 0 : i32
      %dma_start3A_112 = tpu.memref_slice %arg7[%arg0, %add3A_106, %dma_start3A_111] : memref<2x10240x128xf32, #tpu.memory_space<hbm>> -> memref<1x40x128xf32, #tpu.memory_space<hbm>>
      %dma_start3A_113 = tpu.memref_squeeze %dma_start3A_112 : memref<1x40x128xf32, #tpu.memory_space<hbm>> -> memref<40x128xf32, #tpu.memory_space<hbm>>
      %dma_start3A_114 = arith.constant 0 : i32
      %dma_start3A_115 = tpu.memref_slice %arg7[%arg0, %add3A_106, %dma_start3A_114] : memref<2x10240x128xf32, #tpu.memory_space<hbm>> -> memref<1x40x128xf32, #tpu.memory_space<hbm>>
      %dma_start3A_116 = tpu.memref_squeeze %dma_start3A_115 : memref<1x40x128xf32, #tpu.memory_space<hbm>> -> memref<40x128xf32, #tpu.memory_space<hbm>>
      tpu.enqueue_dma source(%arg12 : memref<40x128xf32, #tpu.memory_space<vmem>>) target(%dma_start3A_116 : memref<40x128xf32, #tpu.memory_space<hbm>>) target_semaphore(%run_scoped3A : memref<!tpu.dma_semaphore, #tpu.memory_space<semaphore_mem>>)
      %dma_wait3A_117 = arith.constant 0 : i32
      %dma_wait3A_118 = tpu.memref_slice %arg7[%arg0, %add3A_106, %dma_wait3A_117] : memref<2x10240x128xf32, #tpu.memory_space<hbm>> -> memref<1x40x128xf32, #tpu.memory_space<hbm>>
      %dma_wait3A_119 = tpu.memref_squeeze %dma_wait3A_118 : memref<1x40x128xf32, #tpu.memory_space<hbm>> -> memref<40x128xf32, #tpu.memory_space<hbm>>
      %dma_wait3A_120 = arith.constant 0 : i32
      %dma_wait3A_121 = tpu.memref_slice %arg7[%arg0, %add3A_106, %dma_wait3A_120] : memref<2x10240x128xf32, #tpu.memory_space<hbm>> -> memref<1x40x128xf32, #tpu.memory_space<hbm>>
      %dma_wait3A_122 = tpu.memref_squeeze %dma_wait3A_121 : memref<1x40x128xf32, #tpu.memory_space<hbm>> -> memref<40x128xf32, #tpu.memory_space<hbm>>
      tpu.wait_dma2 semaphore(%run_scoped3A : memref<!tpu.dma_semaphore, #tpu.memory_space<semaphore_mem>>) src(%arg12 : memref<40x128xf32, #tpu.memory_space<vmem>>) dst(%dma_wait3A_122 : memref<40x128xf32, #tpu.memory_space<hbm>>)
      tpu.yield
    }) : () -> ()
    %add3A_107 = arith.constant 560 : i32
    %add3A_108 = arith.addi %mul3A_12, %add3A_107 : i32
    "tpu.region"() ({
      %run_scoped3A = tpu.sem_alloc : memref<!tpu.dma_semaphore, #tpu.memory_space<semaphore_mem>>
      %dma_start3A_111 = arith.constant 0 : i32
      %dma_start3A_112 = tpu.memref_slice %arg17[%add3A_108, %dma_start3A_111] : memref<10240x128xf32, #tpu.memory_space<vmem_shared>> -> memref<40x128xf32, #tpu.memory_space<vmem_shared>>
      %dma_start3A_113 = arith.constant 0 : i32
      %dma_start3A_114 = tpu.memref_slice %arg17[%add3A_108, %dma_start3A_113] : memref<10240x128xf32, #tpu.memory_space<vmem_shared>> -> memref<40x128xf32, #tpu.memory_space<vmem_shared>>
      tpu.enqueue_dma source(%dma_start3A_114 : memref<40x128xf32, #tpu.memory_space<vmem_shared>>) target(%arg12 : memref<40x128xf32, #tpu.memory_space<vmem>>) target_semaphore(%run_scoped3A : memref<!tpu.dma_semaphore, #tpu.memory_space<semaphore_mem>>)
      %dma_wait3A_115 = arith.constant 0 : i32
      %dma_wait3A_116 = tpu.memref_slice %arg17[%add3A_108, %dma_wait3A_115] : memref<10240x128xf32, #tpu.memory_space<vmem_shared>> -> memref<40x128xf32, #tpu.memory_space<vmem_shared>>
      %dma_wait3A_117 = arith.constant 0 : i32
      %dma_wait3A_118 = tpu.memref_slice %arg17[%add3A_108, %dma_wait3A_117] : memref<10240x128xf32, #tpu.memory_space<vmem_shared>> -> memref<40x128xf32, #tpu.memory_space<vmem_shared>>
      tpu.wait_dma2 semaphore(%run_scoped3A : memref<!tpu.dma_semaphore, #tpu.memory_space<semaphore_mem>>) src(%dma_wait3A_118 : memref<40x128xf32, #tpu.memory_space<vmem_shared>>) dst(%arg12 : memref<40x128xf32, #tpu.memory_space<vmem>>)
      tpu.yield
    }) : () -> ()
    "tpu.region"() ({
      %run_scoped3A = tpu.sem_alloc : memref<!tpu.dma_semaphore, #tpu.memory_space<semaphore_mem>>
      %dma_start3A_111 = arith.constant 0 : i32
      %dma_start3A_112 = tpu.memref_slice %arg7[%arg0, %add3A_108, %dma_start3A_111] : memref<2x10240x128xf32, #tpu.memory_space<hbm>> -> memref<1x40x128xf32, #tpu.memory_space<hbm>>
      %dma_start3A_113 = tpu.memref_squeeze %dma_start3A_112 : memref<1x40x128xf32, #tpu.memory_space<hbm>> -> memref<40x128xf32, #tpu.memory_space<hbm>>
      %dma_start3A_114 = arith.constant 0 : i32
      %dma_start3A_115 = tpu.memref_slice %arg7[%arg0, %add3A_108, %dma_start3A_114] : memref<2x10240x128xf32, #tpu.memory_space<hbm>> -> memref<1x40x128xf32, #tpu.memory_space<hbm>>
      %dma_start3A_116 = tpu.memref_squeeze %dma_start3A_115 : memref<1x40x128xf32, #tpu.memory_space<hbm>> -> memref<40x128xf32, #tpu.memory_space<hbm>>
      tpu.enqueue_dma source(%arg12 : memref<40x128xf32, #tpu.memory_space<vmem>>) target(%dma_start3A_116 : memref<40x128xf32, #tpu.memory_space<hbm>>) target_semaphore(%run_scoped3A : memref<!tpu.dma_semaphore, #tpu.memory_space<semaphore_mem>>)
      %dma_wait3A_117 = arith.constant 0 : i32
      %dma_wait3A_118 = tpu.memref_slice %arg7[%arg0, %add3A_108, %dma_wait3A_117] : memref<2x10240x128xf32, #tpu.memory_space<hbm>> -> memref<1x40x128xf32, #tpu.memory_space<hbm>>
      %dma_wait3A_119 = tpu.memref_squeeze %dma_wait3A_118 : memref<1x40x128xf32, #tpu.memory_space<hbm>> -> memref<40x128xf32, #tpu.memory_space<hbm>>
      %dma_wait3A_120 = arith.constant 0 : i32
      %dma_wait3A_121 = tpu.memref_slice %arg7[%arg0, %add3A_108, %dma_wait3A_120] : memref<2x10240x128xf32, #tpu.memory_space<hbm>> -> memref<1x40x128xf32, #tpu.memory_space<hbm>>
      %dma_wait3A_122 = tpu.memref_squeeze %dma_wait3A_121 : memref<1x40x128xf32, #tpu.memory_space<hbm>> -> memref<40x128xf32, #tpu.memory_space<hbm>>
      tpu.wait_dma2 semaphore(%run_scoped3A : memref<!tpu.dma_semaphore, #tpu.memory_space<semaphore_mem>>) src(%arg12 : memref<40x128xf32, #tpu.memory_space<vmem>>) dst(%dma_wait3A_122 : memref<40x128xf32, #tpu.memory_space<hbm>>)
      tpu.yield
    }) : () -> ()
    %add3A_109 = arith.constant 600 : i32
    %add3A_110 = arith.addi %mul3A_12, %add3A_109 : i32
    "tpu.region"() ({
      %run_scoped3A = tpu.sem_alloc : memref<!tpu.dma_semaphore, #tpu.memory_space<semaphore_mem>>
      %dma_start3A_111 = arith.constant 0 : i32
      %dma_start3A_112 = tpu.memref_slice %arg17[%add3A_110, %dma_start3A_111] : memref<10240x128xf32, #tpu.memory_space<vmem_shared>> -> memref<40x128xf32, #tpu.memory_space<vmem_shared>>
      %dma_start3A_113 = arith.constant 0 : i32
      %dma_start3A_114 = tpu.memref_slice %arg17[%add3A_110, %dma_start3A_113] : memref<10240x128xf32, #tpu.memory_space<vmem_shared>> -> memref<40x128xf32, #tpu.memory_space<vmem_shared>>
      tpu.enqueue_dma source(%dma_start3A_114 : memref<40x128xf32, #tpu.memory_space<vmem_shared>>) target(%arg12 : memref<40x128xf32, #tpu.memory_space<vmem>>) target_semaphore(%run_scoped3A : memref<!tpu.dma_semaphore, #tpu.memory_space<semaphore_mem>>)
      %dma_wait3A_115 = arith.constant 0 : i32
      %dma_wait3A_116 = tpu.memref_slice %arg17[%add3A_110, %dma_wait3A_115] : memref<10240x128xf32, #tpu.memory_space<vmem_shared>> -> memref<40x128xf32, #tpu.memory_space<vmem_shared>>
      %dma_wait3A_117 = arith.constant 0 : i32
      %dma_wait3A_118 = tpu.memref_slice %arg17[%add3A_110, %dma_wait3A_117] : memref<10240x128xf32, #tpu.memory_space<vmem_shared>> -> memref<40x128xf32, #tpu.memory_space<vmem_shared>>
      tpu.wait_dma2 semaphore(%run_scoped3A : memref<!tpu.dma_semaphore, #tpu.memory_space<semaphore_mem>>) src(%dma_wait3A_118 : memref<40x128xf32, #tpu.memory_space<vmem_shared>>) dst(%arg12 : memref<40x128xf32, #tpu.memory_space<vmem>>)
      tpu.yield
    }) : () -> ()
    "tpu.region"() ({
      %run_scoped3A = tpu.sem_alloc : memref<!tpu.dma_semaphore, #tpu.memory_space<semaphore_mem>>
      %dma_start3A_111 = arith.constant 0 : i32
      %dma_start3A_112 = tpu.memref_slice %arg7[%arg0, %add3A_110, %dma_start3A_111] : memref<2x10240x128xf32, #tpu.memory_space<hbm>> -> memref<1x40x128xf32, #tpu.memory_space<hbm>>
      %dma_start3A_113 = tpu.memref_squeeze %dma_start3A_112 : memref<1x40x128xf32, #tpu.memory_space<hbm>> -> memref<40x128xf32, #tpu.memory_space<hbm>>
      %dma_start3A_114 = arith.constant 0 : i32
      %dma_start3A_115 = tpu.memref_slice %arg7[%arg0, %add3A_110, %dma_start3A_114] : memref<2x10240x128xf32, #tpu.memory_space<hbm>> -> memref<1x40x128xf32, #tpu.memory_space<hbm>>
      %dma_start3A_116 = tpu.memref_squeeze %dma_start3A_115 : memref<1x40x128xf32, #tpu.memory_space<hbm>> -> memref<40x128xf32, #tpu.memory_space<hbm>>
      tpu.enqueue_dma source(%arg12 : memref<40x128xf32, #tpu.memory_space<vmem>>) target(%dma_start3A_116 : memref<40x128xf32, #tpu.memory_space<hbm>>) target_semaphore(%run_scoped3A : memref<!tpu.dma_semaphore, #tpu.memory_space<semaphore_mem>>)
      %dma_wait3A_117 = arith.constant 0 : i32
      %dma_wait3A_118 = tpu.memref_slice %arg7[%arg0, %add3A_110, %dma_wait3A_117] : memref<2x10240x128xf32, #tpu.memory_space<hbm>> -> memref<1x40x128xf32, #tpu.memory_space<hbm>>
      %dma_wait3A_119 = tpu.memref_squeeze %dma_wait3A_118 : memref<1x40x128xf32, #tpu.memory_space<hbm>> -> memref<40x128xf32, #tpu.memory_space<hbm>>
      %dma_wait3A_120 = arith.constant 0 : i32
      %dma_wait3A_121 = tpu.memref_slice %arg7[%arg0, %add3A_110, %dma_wait3A_120] : memref<2x10240x128xf32, #tpu.memory_space<hbm>> -> memref<1x40x128xf32, #tpu.memory_space<hbm>>
      %dma_wait3A_122 = tpu.memref_squeeze %dma_wait3A_121 : memref<1x40x128xf32, #tpu.memory_space<hbm>> -> memref<40x128xf32, #tpu.memory_space<hbm>>
      tpu.wait_dma2 semaphore(%run_scoped3A : memref<!tpu.dma_semaphore, #tpu.memory_space<semaphore_mem>>) src(%arg12 : memref<40x128xf32, #tpu.memory_space<vmem>>) dst(%dma_wait3A_122 : memref<40x128xf32, #tpu.memory_space<hbm>>)
      tpu.yield
    }) : () -> ()
    return
  }
}

module attributes {stable_mosaic.version = 14 : i64} {
  func.func @body(%arg0: i32, %arg1: memref<2000x128xf32, #tpu.memory_space<vmem>>, %arg2: memref<2000x128xf32, #tpu.memory_space<vmem>>, %arg3: memref<128x128xf32, #tpu.memory_space<vmem>>, %arg4: memref<1x128xf32, #tpu.memory_space<vmem>>, %arg5: memref<128x128xf32, #tpu.memory_space<vmem>>, %arg6: memref<1x128xf32, #tpu.memory_space<vmem>>, %arg7: memref<2000x128xf32, #tpu.memory_space<vmem>>) attributes {dimension_semantics = [#tpu.dimension_semantics<arbitrary>], iteration_bounds = array<i64: 160>, scalar_prefetch = 0 : i64, scratch_operands = 0 : i64, tpu.core_type = #tpu.core_type<tc>, window_params = [{transform_indices = @transform_0, window_bounds = array<i64: 2000, 128>}, {transform_indices = @transform_1, window_bounds = array<i64: 2000, 128>}, {pipeline_mode = #tpu.pipeline_mode<synchronous>, transform_indices = @transform_2, window_bounds = array<i64: 128, 128>}, {pipeline_mode = #tpu.pipeline_mode<synchronous>, transform_indices = @transform_3, window_bounds = array<i64: 1, 128>}, {pipeline_mode = #tpu.pipeline_mode<synchronous>, transform_indices = @transform_4, window_bounds = array<i64: 128, 128>}, {pipeline_mode = #tpu.pipeline_mode<synchronous>, transform_indices = @transform_5, window_bounds = array<i64: 1, 128>}, {transform_indices = @transform_6, window_bounds = array<i64: 2000, 128>}]} {
    %get3A = arith.constant 0 : index
    %get3A_0 = arith.constant 0 : index
    %get3A_1 = vector.load %arg1[%get3A, %get3A_0] : memref<2000x128xf32, #tpu.memory_space<vmem>>, vector<2000x128xf32>
    %get3A_2 = arith.constant 0 : index
    %get3A_3 = arith.constant 0 : index
    %get3A_4 = vector.load %arg2[%get3A_2, %get3A_3] : memref<2000x128xf32, #tpu.memory_space<vmem>>, vector<2000x128xf32>
    %get3A_5 = arith.constant 0 : index
    %get3A_6 = arith.constant 0 : index
    %get3A_7 = vector.load %arg3[%get3A_5, %get3A_6] : memref<128x128xf32, #tpu.memory_space<vmem>>, vector<128x128xf32>
    %dot_general3A = arith.constant dense<0.000000e+00> : vector<2000x128xf32>
    %dot_general3A_8 = tpu.matmul %get3A_4, %get3A_7, %dot_general3A {dimension_numbers = #tpu.dot_dimension_numbers<[1], [0], [0], [1], [0, 0, 1, 1], [], []>, transpose_lhs_hint = false} : vector<2000x128xf32>, vector<128x128xf32>, vector<2000x128xf32> -> vector<2000x128xf32>
    %add3A = arith.addf %get3A_1, %dot_general3A_8 : vector<2000x128xf32>
    %get3A_9 = arith.constant 0 : index
    %get3A_10 = arith.constant 0 : index
    %get3A_11 = vector.load %arg4[%get3A_9, %get3A_10] : memref<1x128xf32, #tpu.memory_space<vmem>>, vector<1x128xf32>
    %add3A_12 = vector.broadcast %get3A_11 : vector<1x128xf32> to vector<2000x128xf32>
    %add3A_13 = arith.addf %add3A, %add3A_12 : vector<2000x128xf32>
    %logistic3A = arith.negf %add3A_13 : vector<2000x128xf32>
    %logistic3A_14 = math.exp %logistic3A : vector<2000x128xf32>
    %logistic3A_15 = arith.constant 1.000000e+00 : f32
    %logistic3A_16 = vector.broadcast %logistic3A_15 : f32 to vector<2000x128xf32>
    %logistic3A_17 = arith.addf %logistic3A_16, %logistic3A_14 : vector<2000x128xf32>
    %logistic3A_18 = arith.divf %logistic3A_16, %logistic3A_17 : vector<2000x128xf32>
    %mul3A = arith.mulf %add3A_13, %logistic3A_18 : vector<2000x128xf32>
    %get3A_19 = arith.constant 0 : index
    %get3A_20 = arith.constant 0 : index
    %get3A_21 = vector.load %arg5[%get3A_19, %get3A_20] : memref<128x128xf32, #tpu.memory_space<vmem>>, vector<128x128xf32>
    %dot_general3A_22 = arith.constant dense<0.000000e+00> : vector<2000x128xf32>
    %dot_general3A_23 = tpu.matmul %mul3A, %get3A_21, %dot_general3A_22 {dimension_numbers = #tpu.dot_dimension_numbers<[1], [0], [0], [1], [0, 0, 1, 1], [], []>, transpose_lhs_hint = false} : vector<2000x128xf32>, vector<128x128xf32>, vector<2000x128xf32> -> vector<2000x128xf32>
    %get3A_24 = arith.constant 0 : index
    %get3A_25 = arith.constant 0 : index
    %get3A_26 = vector.load %arg6[%get3A_24, %get3A_25] : memref<1x128xf32, #tpu.memory_space<vmem>>, vector<1x128xf32>
    %add3A_27 = vector.broadcast %get3A_26 : vector<1x128xf32> to vector<2000x128xf32>
    %add3A_28 = arith.addf %dot_general3A_23, %add3A_27 : vector<2000x128xf32>
    %logistic3A_29 = arith.negf %add3A_28 : vector<2000x128xf32>
    %logistic3A_30 = math.exp %logistic3A_29 : vector<2000x128xf32>
    %logistic3A_31 = arith.constant 1.000000e+00 : f32
    %logistic3A_32 = vector.broadcast %logistic3A_31 : f32 to vector<2000x128xf32>
    %logistic3A_33 = arith.addf %logistic3A_32, %logistic3A_30 : vector<2000x128xf32>
    %logistic3A_34 = arith.divf %logistic3A_32, %logistic3A_33 : vector<2000x128xf32>
    %mul3A_35 = arith.mulf %add3A_28, %logistic3A_34 : vector<2000x128xf32>
    %swap3A = arith.constant 0 : index
    %swap3A_36 = arith.constant 0 : index
    %swap3A_37 = vector.load %arg7[%swap3A, %swap3A_36] : memref<2000x128xf32, #tpu.memory_space<vmem>>, vector<2000x128xf32>
    tpu.vector_store %arg7[%swap3A, %swap3A_36], %mul3A_35 {strides = array<i32>} : memref<2000x128xf32, #tpu.memory_space<vmem>>, vector<2000x128xf32>,
    return
  }
  func.func @transform_0(%arg0: i32) -> (i32, i32) {
    %c0_i32 = arith.constant 0 : i32
    %c0_i32_0 = arith.constant 0 : i32
    return %arg0, %c0_i32 : i32, i32
  }
  func.func @transform_1(%arg0: i32) -> (i32, i32) {
    %c0_i32 = arith.constant 0 : i32
    %c0_i32_0 = arith.constant 0 : i32
    return %arg0, %c0_i32 : i32, i32
  }
  func.func @transform_2(%arg0: i32) -> (i32, i32) {
    %c0_i32 = arith.constant 0 : i32
    %c0_i32_0 = arith.constant 0 : i32
    %c0_i32_1 = arith.constant 0 : i32
    return %c0_i32, %c0_i32_0 : i32, i32
  }
  func.func @transform_3(%arg0: i32) -> (i32, i32) {
    %c0_i32 = arith.constant 0 : i32
    %c0_i32_0 = arith.constant 0 : i32
    %c0_i32_1 = arith.constant 0 : i32
    return %c0_i32, %c0_i32_0 : i32, i32
  }
  func.func @transform_4(%arg0: i32) -> (i32, i32) {
    %c0_i32 = arith.constant 0 : i32
    %c0_i32_0 = arith.constant 0 : i32
    %c0_i32_1 = arith.constant 0 : i32
    return %c0_i32, %c0_i32_0 : i32, i32
  }
  func.func @transform_5(%arg0: i32) -> (i32, i32) {
    %c0_i32 = arith.constant 0 : i32
    %c0_i32_0 = arith.constant 0 : i32
    %c0_i32_1 = arith.constant 0 : i32
    return %c0_i32, %c0_i32_0 : i32, i32
  }
  func.func @transform_6(%arg0: i32) -> (i32, i32) {
    %c0_i32 = arith.constant 0 : i32
    %c0_i32_0 = arith.constant 0 : i32
    return %arg0, %c0_i32 : i32, i32
  }
}

module attributes {stable_mosaic.version = 14 : i64} {
  func.func @body(%arg0: i32, %arg1: memref<2000x128xf32, #tpu.memory_space<vmem>>, %arg2: memref<128x128xf32, #tpu.memory_space<vmem>>, %arg3: memref<128x128xf32, #tpu.memory_space<vmem>>, %arg4: memref<2000x128xf32, #tpu.memory_space<vmem>>, %arg5: memref<2000x128xf32, #tpu.memory_space<vmem>>) attributes {dimension_semantics = [#tpu.dimension_semantics<arbitrary>], iteration_bounds = array<i64: 5>, scalar_prefetch = 0 : i64, scratch_operands = 0 : i64, tpu.core_type = #tpu.core_type<tc>, window_params = [{transform_indices = @transform_0, window_bounds = array<i64: 2000, 128>}, {pipeline_mode = #tpu.pipeline_mode<synchronous>, transform_indices = @transform_1, window_bounds = array<i64: 128, 128>}, {pipeline_mode = #tpu.pipeline_mode<synchronous>, transform_indices = @transform_2, window_bounds = array<i64: 128, 128>}, {transform_indices = @transform_3, window_bounds = array<i64: 2000, 128>}, {transform_indices = @transform_4, window_bounds = array<i64: 2000, 128>}]} {
    %get3A = arith.constant 0 : index
    %get3A_0 = arith.constant 0 : index
    %get3A_1 = vector.load %arg1[%get3A, %get3A_0] : memref<2000x128xf32, #tpu.memory_space<vmem>>, vector<2000x128xf32>
    %get3A_2 = arith.constant 0 : index
    %get3A_3 = arith.constant 0 : index
    %get3A_4 = vector.load %arg2[%get3A_2, %get3A_3] : memref<128x128xf32, #tpu.memory_space<vmem>>, vector<128x128xf32>
    %dot_general3A = arith.constant dense<0.000000e+00> : vector<2000x128xf32>
    %dot_general3A_5 = tpu.matmul %get3A_1, %get3A_4, %dot_general3A {dimension_numbers = #tpu.dot_dimension_numbers<[1], [0], [0], [1], [0, 0, 1, 1], [], []>, transpose_lhs_hint = false} : vector<2000x128xf32>, vector<128x128xf32>, vector<2000x128xf32> -> vector<2000x128xf32>
    %swap3A = arith.constant 0 : index
    %swap3A_6 = arith.constant 0 : index
    %swap3A_7 = vector.load %arg4[%swap3A, %swap3A_6] : memref<2000x128xf32, #tpu.memory_space<vmem>>, vector<2000x128xf32>
    tpu.vector_store %arg4[%swap3A, %swap3A_6], %dot_general3A_5 {strides = array<i32>} : memref<2000x128xf32, #tpu.memory_space<vmem>>, vector<2000x128xf32>,
    %get3A_8 = arith.constant 0 : index
    %get3A_9 = arith.constant 0 : index
    %get3A_10 = vector.load %arg3[%get3A_8, %get3A_9] : memref<128x128xf32, #tpu.memory_space<vmem>>, vector<128x128xf32>
    %dot_general3A_11 = arith.constant dense<0.000000e+00> : vector<2000x128xf32>
    %dot_general3A_12 = tpu.matmul %get3A_1, %get3A_10, %dot_general3A_11 {dimension_numbers = #tpu.dot_dimension_numbers<[1], [0], [0], [1], [0, 0, 1, 1], [], []>, transpose_lhs_hint = false} : vector<2000x128xf32>, vector<128x128xf32>, vector<2000x128xf32> -> vector<2000x128xf32>
    %swap3A_13 = arith.constant 0 : index
    %swap3A_14 = arith.constant 0 : index
    %swap3A_15 = vector.load %arg5[%swap3A_13, %swap3A_14] : memref<2000x128xf32, #tpu.memory_space<vmem>>, vector<2000x128xf32>
    tpu.vector_store %arg5[%swap3A_13, %swap3A_14], %dot_general3A_12 {strides = array<i32>} : memref<2000x128xf32, #tpu.memory_space<vmem>>, vector<2000x128xf32>,
    return
  }
  func.func @transform_0(%arg0: i32) -> (i32, i32) {
    %c0_i32 = arith.constant 0 : i32
    %c0_i32_0 = arith.constant 0 : i32
    return %arg0, %c0_i32 : i32, i32
  }
  func.func @transform_1(%arg0: i32) -> (i32, i32) {
    %c0_i32 = arith.constant 0 : i32
    %c0_i32_0 = arith.constant 0 : i32
    %c0_i32_1 = arith.constant 0 : i32
    return %c0_i32, %c0_i32_0 : i32, i32
  }
  func.func @transform_2(%arg0: i32) -> (i32, i32) {
    %c0_i32 = arith.constant 0 : i32
    %c0_i32_0 = arith.constant 0 : i32
    %c0_i32_1 = arith.constant 0 : i32
    return %c0_i32, %c0_i32_0 : i32, i32
  }
  func.func @transform_3(%arg0: i32) -> (i32, i32) {
    %c0_i32 = arith.constant 0 : i32
    %c0_i32_0 = arith.constant 0 : i32
    return %arg0, %c0_i32 : i32, i32
  }
  func.func @transform_4(%arg0: i32) -> (i32, i32) {
    %c0_i32 = arith.constant 0 : i32
    %c0_i32_0 = arith.constant 0 : i32
    return %arg0, %c0_i32 : i32, i32
  }
}

module attributes {stable_mosaic.version = 14 : i64} {
  func.func @body(%arg0: i32, %arg1: memref<2000x128xf32, #tpu.memory_space<vmem>>, %arg2: memref<2x2000x128xf32, #tpu.memory_space<vmem>>, %arg3: memref<2x2000x128xf32, #tpu.memory_space<vmem>>, %arg4: memref<128x256xf32, #tpu.memory_space<vmem>>, %arg5: memref<1x256xf32, #tpu.memory_space<vmem>>, %arg6: memref<256x128xf32, #tpu.memory_space<vmem>>, %arg7: memref<1x128xf32, #tpu.memory_space<vmem>>, %arg8: memref<2000x128xf32, #tpu.memory_space<vmem>>) attributes {dimension_semantics = [#tpu.dimension_semantics<arbitrary>], iteration_bounds = array<i64: 5>, scalar_prefetch = 0 : i64, scratch_operands = 0 : i64, tpu.core_type = #tpu.core_type<tc>, window_params = [{transform_indices = @transform_0, window_bounds = array<i64: 2000, 128>}, {transform_indices = @transform_1, window_bounds = array<i64: 2, 2000, 128>}, {transform_indices = @transform_2, window_bounds = array<i64: 2, 2000, 128>}, {pipeline_mode = #tpu.pipeline_mode<synchronous>, transform_indices = @transform_3, window_bounds = array<i64: 128, 256>}, {pipeline_mode = #tpu.pipeline_mode<synchronous>, transform_indices = @transform_4, window_bounds = array<i64: 1, 256>}, {pipeline_mode = #tpu.pipeline_mode<synchronous>, transform_indices = @transform_5, window_bounds = array<i64: 256, 128>}, {pipeline_mode = #tpu.pipeline_mode<synchronous>, transform_indices = @transform_6, window_bounds = array<i64: 1, 128>}, {transform_indices = @transform_7, window_bounds = array<i64: 2000, 128>}]} {
    %get3A = arith.constant 0 : index
    %get3A_0 = arith.constant 0 : index
    %get3A_1 = arith.constant 0 : index
    %get3A_2 = vector.load %arg2[%get3A, %get3A_0, %get3A_1] : memref<2x2000x128xf32, #tpu.memory_space<vmem>>, vector<1x2000x128xf32>
    %get3A_3 = vector.shape_cast %get3A_2 : vector<1x2000x128xf32> to vector<2000x128xf32>
    %get3A_4 = arith.constant 1 : index
    %get3A_5 = arith.constant 0 : index
    %get3A_6 = arith.constant 0 : index
    %get3A_7 = vector.load %arg2[%get3A_4, %get3A_5, %get3A_6] : memref<2x2000x128xf32, #tpu.memory_space<vmem>>, vector<1x2000x128xf32>
    %get3A_8 = vector.shape_cast %get3A_7 : vector<1x2000x128xf32> to vector<2000x128xf32>
    %add3A = arith.addf %get3A_3, %get3A_8 : vector<2000x128xf32>
    %get3A_9 = arith.constant 0 : index
    %get3A_10 = arith.constant 0 : index
    %get3A_11 = arith.constant 0 : index
    %get3A_12 = vector.load %arg3[%get3A_9, %get3A_10, %get3A_11] : memref<2x2000x128xf32, #tpu.memory_space<vmem>>, vector<1x2000x1xf32>
    %get3A_13 = vector.shape_cast %get3A_12 : vector<1x2000x1xf32> to vector<2000x1xf32>
    %get3A_14 = arith.constant 1 : index
    %get3A_15 = arith.constant 0 : index
    %get3A_16 = arith.constant 0 : index
    %get3A_17 = vector.load %arg3[%get3A_14, %get3A_15, %get3A_16] : memref<2x2000x128xf32, #tpu.memory_space<vmem>>, vector<1x2000x1xf32>
    %get3A_18 = vector.shape_cast %get3A_17 : vector<1x2000x1xf32> to vector<2000x1xf32>
    %add3A_19 = arith.addf %get3A_13, %get3A_18 : vector<2000x1xf32>
    %max3A = arith.constant 1.000000e+00 : f32
    %max3A_20 = vector.broadcast %max3A : f32 to vector<2000x1xf32>
    %max3A_21 = arith.maximumf %add3A_19, %max3A_20 : vector<2000x1xf32>
    %div3A = vector.broadcast %max3A_21 : vector<2000x1xf32> to vector<2000x128xf32>
    %div3A_22 = arith.divf %add3A, %div3A : vector<2000x128xf32>
    %get3A_23 = arith.constant 0 : index
    %get3A_24 = arith.constant 0 : index
    %get3A_25 = vector.load %arg1[%get3A_23, %get3A_24] : memref<2000x128xf32, #tpu.memory_space<vmem>>, vector<2000x128xf32>
    %add3A_26 = arith.addf %get3A_25, %div3A_22 : vector<2000x128xf32>
    %get3A_27 = arith.constant 0 : index
    %get3A_28 = arith.constant 0 : index
    %get3A_29 = vector.load %arg4[%get3A_27, %get3A_28] : memref<128x256xf32, #tpu.memory_space<vmem>>, vector<128x256xf32>
    %dot_general3A = arith.constant dense<0.000000e+00> : vector<2000x256xf32>
    %dot_general3A_30 = tpu.matmul %add3A_26, %get3A_29, %dot_general3A {dimension_numbers = #tpu.dot_dimension_numbers<[1], [0], [0], [1], [0, 0, 1, 1], [], []>, transpose_lhs_hint = false} : vector<2000x128xf32>, vector<128x256xf32>, vector<2000x256xf32> -> vector<2000x256xf32>
    %get3A_31 = arith.constant 0 : index
    %get3A_32 = arith.constant 0 : index
    %get3A_33 = vector.load %arg5[%get3A_31, %get3A_32] : memref<1x256xf32, #tpu.memory_space<vmem>>, vector<1x256xf32>
    %add3A_34 = vector.broadcast %get3A_33 : vector<1x256xf32> to vector<2000x256xf32>
    %add3A_35 = arith.addf %dot_general3A_30, %add3A_34 : vector<2000x256xf32>
    %logistic3A = arith.negf %add3A_35 : vector<2000x256xf32>
    %logistic3A_36 = math.exp %logistic3A : vector<2000x256xf32>
    %logistic3A_37 = arith.constant 1.000000e+00 : f32
    %logistic3A_38 = vector.broadcast %logistic3A_37 : f32 to vector<2000x256xf32>
    %logistic3A_39 = arith.addf %logistic3A_38, %logistic3A_36 : vector<2000x256xf32>
    %logistic3A_40 = arith.divf %logistic3A_38, %logistic3A_39 : vector<2000x256xf32>
    %mul3A = arith.mulf %add3A_35, %logistic3A_40 : vector<2000x256xf32>
    %get3A_41 = arith.constant 0 : index
    %get3A_42 = arith.constant 0 : index
    %get3A_43 = vector.load %arg6[%get3A_41, %get3A_42] : memref<256x128xf32, #tpu.memory_space<vmem>>, vector<256x128xf32>
    %dot_general3A_44 = arith.constant dense<0.000000e+00> : vector<2000x128xf32>
    %dot_general3A_45 = tpu.matmul %mul3A, %get3A_43, %dot_general3A_44 {dimension_numbers = #tpu.dot_dimension_numbers<[1], [0], [0], [1], [0, 0, 1, 1], [], []>, transpose_lhs_hint = false} : vector<2000x256xf32>, vector<256x128xf32>, vector<2000x128xf32> -> vector<2000x128xf32>
    %get3A_46 = arith.constant 0 : index
    %get3A_47 = arith.constant 0 : index
    %get3A_48 = vector.load %arg7[%get3A_46, %get3A_47] : memref<1x128xf32, #tpu.memory_space<vmem>>, vector<1x128xf32>
    %add3A_49 = vector.broadcast %get3A_48 : vector<1x128xf32> to vector<2000x128xf32>
    %add3A_50 = arith.addf %dot_general3A_45, %add3A_49 : vector<2000x128xf32>
    %add3A_51 = arith.addf %add3A_26, %add3A_50 : vector<2000x128xf32>
    %swap3A = arith.constant 0 : index
    %swap3A_52 = arith.constant 0 : index
    %swap3A_53 = vector.load %arg8[%swap3A, %swap3A_52] : memref<2000x128xf32, #tpu.memory_space<vmem>>, vector<2000x128xf32>
    tpu.vector_store %arg8[%swap3A, %swap3A_52], %add3A_51 {strides = array<i32>} : memref<2000x128xf32, #tpu.memory_space<vmem>>, vector<2000x128xf32>,
    return
  }
  func.func @transform_0(%arg0: i32) -> (i32, i32) {
    %c0_i32 = arith.constant 0 : i32
    %c0_i32_0 = arith.constant 0 : i32
    return %arg0, %c0_i32 : i32, i32
  }
  func.func @transform_1(%arg0: i32) -> (i32, i32, i32) {
    %c0_i32 = arith.constant 0 : i32
    %c0_i32_0 = arith.constant 0 : i32
    %c0_i32_1 = arith.constant 0 : i32
    return %c0_i32, %arg0, %c0_i32_0 : i32, i32, i32
  }
  func.func @transform_2(%arg0: i32) -> (i32, i32, i32) {
    %c0_i32 = arith.constant 0 : i32
    %c0_i32_0 = arith.constant 0 : i32
    %c0_i32_1 = arith.constant 0 : i32
    return %c0_i32, %arg0, %c0_i32_0 : i32, i32, i32
  }
  func.func @transform_3(%arg0: i32) -> (i32, i32) {
    %c0_i32 = arith.constant 0 : i32
    %c0_i32_0 = arith.constant 0 : i32
    %c0_i32_1 = arith.constant 0 : i32
    return %c0_i32, %c0_i32_0 : i32, i32
  }
  func.func @transform_4(%arg0: i32) -> (i32, i32) {
    %c0_i32 = arith.constant 0 : i32
    %c0_i32_0 = arith.constant 0 : i32
    %c0_i32_1 = arith.constant 0 : i32
    return %c0_i32, %c0_i32_0 : i32, i32
  }
  func.func @transform_5(%arg0: i32) -> (i32, i32) {
    %c0_i32 = arith.constant 0 : i32
    %c0_i32_0 = arith.constant 0 : i32
    %c0_i32_1 = arith.constant 0 : i32
    return %c0_i32, %c0_i32_0 : i32, i32
  }
  func.func @transform_6(%arg0: i32) -> (i32, i32) {
    %c0_i32 = arith.constant 0 : i32
    %c0_i32_0 = arith.constant 0 : i32
    %c0_i32_1 = arith.constant 0 : i32
    return %c0_i32, %c0_i32_0 : i32, i32
  }
  func.func @transform_7(%arg0: i32) -> (i32, i32) {
    %c0_i32 = arith.constant 0 : i32
    %c0_i32_0 = arith.constant 0 : i32
    return %arg0, %c0_i32 : i32, i32
  }
}

</mosaic_0001>

<sc_bundles>
// kernel: kernel.10.cloned.1.call-start
scs
__scs_entry_jumppad:
0x0: {  	(pc) =	sbr.rel $0x88, $3  }
0x1: {  	(tag) =	ssettag $0x0;
	lr =	simm.s32 $0x1  }
0x2: {  	[smem:$0x3F96] =	sst lr;
	_ =	strace $0xD0000000  }
0x3: {  	_ = 	snop  }
0x4: {  	_ = 	snop  }
0x5: {  	_ = 	snop  }
0x6: {  	_ = 	snop  }
0x7: {  	_ = 	snop  }
__scs_overlays_trampoline_lowered:
0x8: {  	[smem:$0x3FA5] =	sst s0  }
0x9: {  	[smem:$0x3FA6] =	sst s1  }
0xa: {  	[smem:$0x3FA7] =	sst s2  }
0xb: {  	[smem:$0x3FA8] =	sst s3  }
0xc: {  	[smem:$0x3FA9] =	sst s4  }
0xd: {  	[smem:$0x3FAA] =	sst s5  }
0xe: {  	[smem:$0x3FAB] =	sst s6  }
0xf: {  	[smem:$0x3FAC] =	sst s7  }
0x10: {  	[smem:$0x3FAD] =	sst s8  }
0x11: {  	[smem:$0x3FAE] =	sst s9;
	s0 =	simm.s32 @!p0 $0x0  }
0x12: {  	s1 =	sld [smem:$0x3F94];
	s0 =	simm.s32 @p0 $0x1  }
0x13: {  	[smem:$0x3FAF] =	sst s0;
	s0 =	simm.s32 @!p1 $0x0  }
0x14: {  	s2 =	sld [smem:$0x3F93];
	s0 =	simm.s32 @p1 $0x1  }
0x15: {  	[smem:$0x3FB0] =	sst s0;
	s0 =	simm.s32 @!p2 $0x0  }
0x16: {  	s3 =	sld [smem:$0x3FDB];
	s0 =	simm.s32 @p2 $0x1  }
0x17: {  	s4 =	simm.s32 $0x1BF5;
	[smem:$0x3FB2] =	sst s0  }
0x18: {  	s0 =	sld [smem:$0x3F95];
	_ =	swait.ge [sflag:s4], $0x0  }
0x19: {  	s7 =	sld [smem:$0x3F96]  }
0x1a: {  	s8 =	sadd.s32 $0xFFFFE003, lr  }
0x1b: {  	s9 =	sadd.s32 $0xFFFFFEF7, lr;
	s5 =	simm.s32 $0xFFFFFFFF;
	p2 =	slt.u32 s8, $0xFFFFF086  }
0x1c: {  	p1 =	slt.u32 s9, $0xF7A;
	s5 =	simm.s32 @!p2 $0x0  }
0x1d: {  	s5 =	simm.s32 @p1 $0x1;
	p0 =	seq.s32 s7, s2  }
0x1e: {  	s7 =	smul.u32 @!p0 $0xF7A, s2;
	p2 =	seq.s32 @!p0 s5, $0x0  }
0x1f: {  	s9 =	smul.u32 $0xF7A, s1;
	s8 =	simm.s32 @!p0 $0x1BF5;
	p2 =	por !p2, p0  }
0x20: {  	[sflag:s8] =	ssyncset.s32 @!p0 $0xFFFFF086;
	s6 =	sadd.s32 @!p0 s3, s7;
	s7 =	simm.s32 @!p0 $0x108  }
0x21: {  	s3 =	sadd.s32 s3, s9;
	s6 =	sadd.s32 @!p0 $0x88, s6;
	s7 =	simm.s32 @p2 $0x1082  }
0x22: {  	[simem:s7], [sflag:s8] =	dma.local @!p0 [hbm:s6], $0xF7A  }
0x23: {  	s9 =	sor.u32 $0xD0000000, s2;
	s6 =	simm.s32 $0x108;
	_ =	swait.ge @!p0 [sflag:s8], $0x0  }
0x24: {  	s3 =	sadd.s32 $0x88, s3;
	s6 =	simm.s32 @!p1 $0x1082;
	[sflag:s4] =	ssyncset.s32 $0xFFFFF086  }
0x25: {  	[simem:s6], [sflag:s4] =	dma.local [hbm:s3], $0xF7A  }
0x26: {  	[smem:$0x3F96] =	sst s1;
	(tag) =	ssettag s2;
	_ =	strace s9  }
0x27: {  	s1 =	sld [smem:$0x3FA6]  }
0x28: {  	s2 =	sld [smem:$0x3FA7]  }
0x29: {  	s4 =	sld [smem:$0x3FA9]  }
0x2a: {  	p0 =	seq.s32 s5, $0x0;
	s5 =	sld [smem:$0x3FAA]  }
0x2b: {  	s6 =	sld [smem:$0x3FAB]  }
0x2c: {  	s7 =	sld [smem:$0x3FAC]  }
0x2d: {  	s3 =	simm.s32 $0x108;
	s8 =	sld [smem:$0x3FAD]  }
0x2e: {  	s3 =	simm.s32 @!p0 $0x1082;
	s9 =	sld [smem:$0x3FAE]  }
0x2f: {  	lr =	sadd.s32 s0, s3;
	s0 =	sld [smem:$0x3FA5]  }
0x30: {  	s3 =	sld [smem:$0x3FA8]  }
0x31: {  	[smem:$0x3FB1] =	sst s10  }
0x32: {  	s10 =	sld [smem:$0x3FAF];
	_ =	sdelay $0x3  }
0x33: {  	p0 =	seq.s32 s10, $0x1;
	s10 =	sld [smem:$0x3FB1];
	_ =	sdelay $0x3  }
0x34: {  	[smem:$0x3FB1] =	sst s10  }
0x35: {  	s10 =	sld [smem:$0x3FB0];
	_ =	sdelay $0x3  }
0x36: {  	p1 =	seq.s32 s10, $0x1;
	s10 =	sld [smem:$0x3FB1];
	_ =	sdelay $0x3  }
0x37: {  	[smem:$0x3FB1] =	sst s10  }
0x38: {  	s10 =	sld [smem:$0x3FB2]  }
0x39: {  	_ = 	snop;
	(pc) =	sbr.ind lr, $3  }
0x3a: {  	_ = 	snop  }
0x3b: {  	_ = 	snop  }
0x3c: {  	p2 =	seq.s32 s10, $0x1;
	s10 =	sld [smem:$0x3FB1]  }
0x3d: {  	_ =	shalt  }
0x3e: {  	_ =	shalt  }
0x3f: {  	_ =	shalt  }
0x40: {  	_ =	shalt  }
0x41: {  	_ =	shalt  }
0x42: {  	_ =	shalt  }
0x43: {  	_ =	shalt  }
0x44: {  	_ =	shalt  }
0x45: {  	_ =	shalt  }
0x46: {  	_ =	shalt  }
0x47: {  	_ =	shalt  }
0x48: {  	_ =	shalt  }
0x49: {  	_ =	shalt  }
0x4a: {  	_ =	shalt  }
0x4b: {  	_ =	shalt  }
0x4c: {  	_ =	shalt  }
0x4d: {  	_ =	shalt  }
0x4e: {  	_ =	shalt  }
0x4f: {  	_ =	shalt  }
0x50: {  	_ =	shalt  }
0x51: {  	_ =	shalt  }
0x52: {  	_ =	shalt  }
0x53: {  	_ =	shalt  }
0x54: {  	_ =	shalt  }
0x55: {  	_ =	shalt  }
0x56: {  	_ =	shalt  }
0x57: {  	_ =	shalt  }
0x58: {  	_ =	shalt  }
0x59: {  	_ =	shalt  }
0x5a: {  	_ =	shalt  }
0x5b: {  	_ =	shalt  }
0x5c: {  	_ =	shalt  }
0x5d: {  	_ =	shalt  }
0x5e: {  	_ =	shalt  }
0x5f: {  	_ =	shalt  }
0x60: {  	_ =	shalt  }
0x61: {  	_ =	shalt  }
0x62: {  	_ =	shalt  }
0x63: {  	_ =	shalt  }
0x64: {  	_ =	shalt  }
0x65: {  	_ =	shalt  }
0x66: {  	_ =	shalt  }
0x67: {  	_ =	shalt  }
0x68: {  	_ =	shalt  }
0x69: {  	_ =	shalt  }
0x6a: {  	_ =	shalt  }
0x6b: {  	_ =	shalt  }
0x6c: {  	_ =	shalt  }
0x6d: {  	_ =	shalt  }
0x6e: {  	_ =	shalt  }
0x6f: {  	_ =	shalt  }
0x70: {  	_ =	shalt  }
0x71: {  	_ =	shalt  }
0x72: {  	_ =	shalt  }
0x73: {  	_ =	shalt  }
0x74: {  	_ =	shalt  }
0x75: {  	_ =	shalt  }
0x76: {  	_ =	shalt  }
0x77: {  	_ =	shalt  }
0x78: {  	_ =	shalt  }
0x79: {  	_ =	shalt  }
0x7a: {  	_ =	shalt  }
0x7b: {  	_ =	shalt  }
0x7c: {  	_ =	shalt  }
0x7d: {  	_ =	shalt  }
0x7e: {  	_ =	shalt  }
0x7f: {  	_ =	shalt  }
0x80: {  	_ =	shalt  }
0x81: {  	_ =	shalt  }
0x82: {  	_ =	shalt  }
0x83: {  	_ =	shalt  }
0x84: {  	_ =	shalt  }
0x85: {  	_ =	shalt  }
0x86: {  	_ =	shalt  }
0x87: {  	_ =	shalt  }
.Lfunc_end0:
.L_simem_size_0:
called_computation.1_lowered:
.L_overlay_start_0:
0x88: {  	s2 =	sld [smem:$0x3FD9]  }
0x89: {  	s3 =	sld [smem:$0x3FFE];
	_ =	sdelay $0x1  }
0x8a: {  	s1 =	srdreg.scid  }
0x8b: {  	s0 =	sand.u32 $0x1, s1  }
0x8c: {  	s14 =	sshll.u32 s0, $0xA;
	s2 =	sadd.s32 s3, s2  }
0x8d: {  	s2 =	sadd.s32 s2, s14  }
0x8e: {  	[smem:$0x3FBD] =	sst s2  }
0x8f: {  	_ = 	snop  }
0x90: {  	s2 =	sld [smem:$0x3FD0];
	_ =	sdelay $0x2  }
0x91: {  	s15 =	simm.s32 $0xA;
	s4 =	simm.s32 $0x10  }
0x92: {  	[smem:s4], [sflag:s15] =	dma.local [hbm:s2], $0x1  }
0x93: {  	_ =	swait.eq [sflag:s15], $0x1  }
0x94: {  	[sflag:s15] =	ssyncset.done $0x0  }
0x95: {  	[sflag:s15] =	ssyncadd.s32 $0xFFFFFFFF  }
0x96: {  	s16 =	sld [smem:$0x11];
	(tm) =	ssettm $0x1  }
0x97: {  	s17 =	sld [smem:$0x3FFB];
	_ =	sdelay $0x3  }
0x98: {  	_ =	strace s17  }
0x99: {  	s3 =	sld [smem:$0x3FFC];
	_ =	sdelay $0x3  }
0x9a: {  	_ =	strace s3  }
0x9b: {  	s3 =	sld [smem:$0x3FFD];
	_ =	sdelay $0x3  }
0x9c: {  	_ =	strace s3  }
0x9d: {  	_ =	strace $0x8FFFFFFF  }
0x9e: {  	s18 =	sld [smem:$0x3FDB];
	_ =	sdelay $0x1  }
0x9f: {  	s19 =	simm.s32 $_scs_section_size  }
0xa0: {  	s5 =	simm.s32 $_size__tile_overlayer_lowered;
	s6 =	simm.s32 $_tile_overlayer_lowered  }
0xa1: {  	s22 =	simm.s32 $0x1BFF;
	s21 =	sshll.u32 s6, $0x1;
	s3 =	sadd.s32 s19, s18  }
0xa2: {  	s7 =	simm.s32 $0x0;
	s20 =	sshll.u32 s5, $0x1;
	s5 =	sadd.s32 s21, s3  }
0xa3: {  	[timem:s7], [sflag:s22] =	dma.local [hbm:s5], s20  }
0xa4: {  	_ =	swait.ge [sflag:s22], s20  }
0xa5: {  	s4 =	ssub.s32 $0x0, s20;
	[sflag:s22] =	ssyncset.done $0x0  }
0xa6: {  	[sflag:s22] =	ssyncadd.s32 s4;
	_ =	sdelay $0x1  }
0xa7: {  	s23 =	simm.s32 $0x1B8B  }
0xa8: {  	_ =	swait.ge [sflag:s23], $0x1  }
0xa9: {  	[sflag:s23] =	ssyncset.done $0x0  }
0xaa: {  	s25 =	simm.s32 $0x1B8E;
	s24 =	sld [smem:$0x3FFE];
	[sflag:s23] =	ssyncadd.s32 $0xFFFFFFFF  }
0xab: {  	s26 =	simm.s32 $execute0_lowered;
	[smem:$0x3FD2] =	sst s25  }
0xac: {  	s5 =	sshll.u32 s26, $0x1;
	_ =	strace $0x80000049;
	[dreg:$0x1] =	wrdreg $0xFFFFFFFF  }
0xad: {  	s28 =	simm.s32 $_size_execute0_lowered;
	s3 =	sadd.s32 s3, s5;
	[dreg:$0x0] =	wrdreg $0x0  }
0xae: {  	s5 =	sshll.u32 s28, $0x1;
	[dreg:$0x2] =	wrdreg s3  }
0xaf: {  	[dreg:$0x3] =	wrdreg s5  }
0xb0: {  	[dreg:$0x4] =	wrdreg $0xC0  }
0xb1: {  	_ =	task [dreg:s7], $0x5FFFF  }
0xb2: {  	[dreg:$0x1] =	wrdreg $0xFFFFFFFF  }
0xb3: {  	[dreg:$0x0] =	wrdreg $0x60  }
0xb4: {  	[dreg:$0x2] =	wrdreg s16  }
0xb5: {  	[dreg:$0x3] =	wrdreg s24  }
0xb6: {  	[dreg:$0x4] =	wrdreg $0x29000  }
0xb7: {  	[dreg:$0x5] =	wrdreg $0x9  }
0xb8: {  	_ =	task.clear_ibuf [dreg:s7], $0x6FFFF;
	_ =	strace $0x90000049  }
0xb9: {  	s29 =	simm.s32 $0x9;
	_ =	strace $0x8000004B  }
0xba: {  	_ =	swait.ge [sflag:s29], $0x1  }
0xbb: {  	[sflag:s29] =	ssyncadd.s32 $0xFFFFFFFF  }
0xbc: {  	_ =	strace $0x9000004B  }
0xbd: {  	_ =	sfence  }
0xbe: {  	s30 =	sld [smem:$0x0];
	_ =	sdelay $0x2  }
0xbf: {  	s31 =	sshll.u32 s1, $0xD;
	s1 =	sshrl.u32 s1, $0x2  }
0xc0: {  	s3 =	sand.u32 $0x4000, s31;
	s1 =	sadd.s32 s1, s30  }
0xc1: {  	s0 =	sor.u32 s3, s0;
	s1 =	sshll.u32 s1, $0x11  }
0xc2: {  	s0 =	sor.u32 s1, s0  }
0xc3: {  	s0 =	sadd.s32 $0x8F2B, s0  }
0xc4: {  	[sflag:s0] =	ssyncadd.remote.s32 $0x1  }
0xc5: {  	_ =	sfence.sel $0xFFFF  }
0xc6: {  	[dreg:$0x0] =	wrdreg $0xFFFFFFFF;
	(pc) =	sbr.abs _section_cstart, $3  }
0xc7: {  	[dreg:$0x1] =	wrdreg $0xFFFFFFFF  }
0xc8: {  	_ =	task.clear_ibuf [dreg:s7], $0x2FFFF;
	_ =	strace $0x9FFFFFFF  }
0xc9: {  	(tm) =	ssettm $0x7FFFFFFF  }
tec
execute0_lowered:
.L_overlay_start_1:
0x0: {  	(tag) =	ssettag $0x1  }
0x1: {  	s0 =	srdreg.scid;
	s30 =	stileid.u32;
	s1 =	simm.s32 $0x0  }
0x2: {  	s19 =	sand.u32 $0x1, s0;
	s0 =	rddreg [dreg:$0x1];
	s17 =	smul.u32 $0x14000, s30  }
0x3: {  	[smem:$0x7FF] =	sst s1;
	s18 =	sshll.u32 s30, $0x1;
	s2 =	ssub.s32 $0x2, s19  }
0x4: {  	s20 =	sadd.s32 $0x15C00, s0;
	s21 =	smul.u32 $0x140000, s19;
	s22 =	sor.u32 s19, s18  }
0x5: {  	s3 =	sshrl.u32 s2, $0x1;
	s4 =	sor.u32 $0x3C00, s17;
	s5 =	sadd.s32 $0x5000, s17  }
0x6: {  	s6 =	sadd.s32 $0x6400, s17;
	s7 =	sadd.s32 $0x7800, s17;
	s8 =	sadd.s32 $0x8C00, s17  }
0x7: {  	s9 =	sadd.s32 $0xA000, s17;
	s11 =	sadd.s32 $0xB400, s17;
	s12 =	sadd.s32 $0xC800, s17  }
0x8: {  	s13 =	sadd.s32 $0xDC00, s17;
	s14 =	sadd.s32 $0xF000, s17;
	s18 =	smul.u32 $0x2710, s22  }
0x9: {  	s15 =	sadd.s32 $0x10400, s17;
	s16 =	sadd.s32 $0x11800, s17;
	s22 =	smul.u32 $0x27100, s22  }
0xa: {  	s10 =	ssub.s32 s2, s3;
	s2 =	sor.u32 $0x1400, s17;
	s23 =	sadd.s32 s17, s21  }
0xb: {  	s3 =	sor.u32 $0x2800, s17;
	s17 =	sadd.s32 $0x12C00, s17;
	s23 =	sshrl.u32 s23, $0x3  }
0xc: {  	s25 =	sadd.s32 s21, s2;
	s24 =	sadd.s32 s21, s3;
	s23 =	sadd.s32 s20, s23  }
0xd: {  	s28 =	sadd.s32 $0x26C0, s18;
	[dreg:$0x4] =	wrdreg s23;
	s23 =	sshrl.u32 s25, $0x3  }
0xe: {  	s26 =	sshrl.u32 s24, $0x3;
	s25 =	sadd.s32 s21, s4;
	s23 =	sadd.s32 s20, s23  }
0xf: {  	s29 =	sshrl.u32 s25, $0x3;
	[dreg:$0x5] =	wrdreg s23;
	s23 =	sadd.s32 s20, s26  }
0x10: {  	s25 =	sadd.s32 s21, s5;
	s24 =	sadd.s32 s20, s29;
	[dreg:$0x6] =	wrdreg s23  }
0x11: {  	s26 =	sadd.s32 s21, s6;
	s29 =	sadd.s32 s21, s7;
	[dreg:$0x7] =	wrdreg s24  }
0x12: {  	s23 =	sshrl.u32 s25, $0x3;
	s26 =	sshrl.u32 s26, $0x3;
	s29 =	sshrl.u32 s29, $0x3  }
0x13: {  	s25 =	sadd.s32 s21, s8;
	s23 =	sadd.s32 s20, s23;
	s24 =	sadd.s32 s20, s29  }
0x14: {  	s29 =	sadd.s32 s21, s11;
	[dreg:$0x8] =	wrdreg s23;
	s23 =	sadd.s32 s20, s26  }
0x15: {  	[dreg:$0xa] =	wrdreg s24;
	s26 =	sadd.s32 s21, s9;
	s29 =	sshrl.u32 s29, $0x3  }
0x16: {  	[dreg:$0x9] =	wrdreg s23;
	s23 =	sshrl.u32 s25, $0x3;
	s26 =	sshrl.u32 s26, $0x3  }
0x17: {  	s24 =	sadd.s32 s20, s29;
	s25 =	sadd.s32 s21, s12;
	s29 =	sadd.s32 s21, s14  }
0x18: {  	s23 =	sadd.s32 s20, s23;
	[dreg:$0xd] =	wrdreg s24;
	s29 =	sshrl.u32 s29, $0x3  }
0x19: {  	[dreg:$0xb] =	wrdreg s23;
	s23 =	sadd.s32 s20, s26;
	s26 =	sadd.s32 s21, s13  }
0x1a: {  	s24 =	sadd.s32 s20, s29;
	[dreg:$0xc] =	wrdreg s23;
	s23 =	sshrl.u32 s25, $0x3  }
0x1b: {  	s26 =	sshrl.u32 s26, $0x3;
	[dreg:$0x10] =	wrdreg s24;
	s23 =	sadd.s32 s20, s23  }
0x1c: {  	s25 =	sadd.s32 s21, s15;
	[dreg:$0xe] =	wrdreg s23;
	s23 =	sadd.s32 s20, s26  }
0x1d: {  	s26 =	sadd.s32 s21, s16;
	[dreg:$0xf] =	wrdreg s23;
	s23 =	sshrl.u32 s25, $0x3  }
0x1e: {  	s21 =	sadd.s32 s21, s17;
	s29 =	sshrl.u32 s26, $0x3;
	s23 =	sadd.s32 s20, s23  }
0x1f: {  	s21 =	sshrl.u32 s21, $0x3;
	s25 =	sadd.s32 $0x26E8, s18;
	[dreg:$0x11] =	wrdreg s23  }
0x20: {  	s23 =	sadd.s32 s20, s29;
	s20 =	sadd.s32 s20, s21;
	s21 =	rddreg [dreg:$0x0]  }
0x21: {  	s26 =	sshll.u32 s25, $0x4;
	s29 =	smul.u32 $0x4E200, s30;
	[dreg:$0x12] =	wrdreg s23  }
0x22: {  	[dreg:$0x13] =	wrdreg s20;
	s23 =	sadd.s32 s21, s22;
	s22 =	sadd.s32 $0x28, s18  }
0x23: {  	[dreg:$0x14] =	wrdreg s23;
	s23 =	smul.u32 $0x27100, s19;
	s24 =	sshll.u32 s22, $0x4  }
0x24: {  	s19 =	smul.u32 $0x2710, s19;
	s20 =	sadd.s32 s21, s24;
	s24 =	sadd.s32 s29, s21  }
0x25: {  	s29 =	sshll.u32 s28, $0x4;
	[dreg:$0x15] =	wrdreg s20;
	s20 =	sadd.s32 s21, s26  }
0x26: {  	s21 =	sadd.s32 s21, s29;
	s29 =	sadd.s32 s23, s24;
	s23 =	rddreg [dreg:$0x2]  }
0x27: {  	[dreg:$0x16] =	wrdreg s21;
	s31 =	sadd.s32 s3, s23;
	s3 =	sadd.s32 s4, s23  }
0x28: {  	s4 =	sadd.s32 s5, s23;
	_ =	strace $0x8000004A;
	[dreg:$0x17] =	wrdreg s3  }
0x29: {  	s26 =	smul.u32 $0x50000, s30;
	s5 =	sadd.s32 s6, s23;
	[dreg:$0x18] =	wrdreg s4  }
0x2a: {  	s30 =	smul.u32 $0x4E20, s30;
	s6 =	sadd.s32 s7, s23;
	[dreg:$0x19] =	wrdreg s5  }
0x2b: {  	s24 =	sadd.s32 $0xBE00, s0;
	s7 =	sadd.s32 s8, s23;
	[dreg:$0x1a] =	wrdreg s6  }
0x2c: {  	s2 =	sadd.s32 s2, s23;
	s8 =	sadd.s32 s9, s23;
	[dreg:$0x1b] =	wrdreg s7  }
0x2d: {  	s9 =	sadd.s32 s11, s23;
	s11 =	sadd.s32 s12, s23;
	[dreg:$0x1c] =	wrdreg s8  }
0x2e: {  	s12 =	sadd.s32 s13, s23;
	s13 =	sshrl.u32 s18, $0x3;
	[dreg:$0x1d] =	wrdreg s9  }
0x2f: {  	s18 =	sshrl.u32 s25, $0x3;
	s21 =	sadd.s32 $0x780, s29;
	[dreg:$0x1e] =	wrdreg s11  }
0x30: {  	s19 =	sadd.s32 s19, s30;
	s26 =	sshrl.u32 s26, $0x2;
	[dreg:$0x1f] =	wrdreg s12  }
0x31: {  	s6 =	sadd.s32 s14, s23;
	s7 =	sadd.s32 s15, s23;
	s8 =	sadd.s32 s16, s23  }
0x32: {  	s9 =	sadd.s32 s17, s23;
	s14 =	sadd.s32 s24, s13;
	s15 =	sshrl.u32 s22, $0x3  }
0x33: {  	s17 =	smax.u32 s10, $0x1;
	s13 =	sadd.s32 s24, s18;
	s22 =	sshrl.u32 s28, $0x3  }
0x34: {  	s18 =	simm.s32 $0x100;
	s10 =	simm.s32 $0x1500;
	s11 =	simm.s32 $0x1  }
0x35: {  	s12 =	simm.s32 $0x28;
	s28 =	simm.s32 $0x0;
	[smem:$0x7FA] =	sst s14  }
0x36: {  	s30 =	sadd.s32 s26, s23;
	s16 =	sadd.s32 s24, s15;
	[smem:$0x7FC] =	sst s17  }
0x37: {  	s25 =	sadd.s32 $0x78, s19;
	s26 =	sadd.s32 s24, s22;
	s17 =	sadd.s32 $0x50, s19  }
0x38: {  	s19 =	simm.s32 $0x5;
	s22 =	simm.s32 $0x80;
	[smem:$0x7FB] =	sst s16  }
0x39: {  	s14 =	simm.s32 $0x3;
	[smem:$0x7FD] =	sst s26;
	s29 =	sshrl.u32 s25, $0x3  }
0x3a: {  	v0 =	vimm.f32 $0.0e+00;
	s25 =	simm.s32 $0x2;
	s26 =	simm.s32 $0x4;
	s16 =	sadd.s32 s29, s24  }
.LBB2_1:
0x3b: {  	s15 =	simm.s32 $0x0;
	s29 =	simm.s32 $0x200  }
.LBB2_2:
0x3c: {  	p0 =	sne.s32 s29, $0x4E00;
	[tilespmem:s15+$0x170] =	vst v0  }
0x3d: {  	[tilespmem:s15+$0x100] =	vst v0  }
0x3e: {  	[tilespmem:s15+$0x110] =	vst v0  }
.Ltmp0:
0x3f: {  	[tilespmem:s15+$0x120] =	vst v0;
	(pc) =	sbr.rel @p0 .LBB2_2-.Ltmp0, $4  }
0x40: {  	[tilespmem:s15+$0x130] =	vst v0  }
0x41: {  	[tilespmem:s15+$0x140] =	vst v0  }
0x42: {  	[tilespmem:s15+$0x150] =	vst v0  }
0x43: {  	[tilespmem:s15+$0x160] =	vst v0;
	s15 =	sshra.s32 s29, $0x2;
	s29 =	sadd.s32 $0x200, s29  }
0x44: {  	[tilespmem:s15+$0x170] =	vst v0  }
0x45: {  	[tilespmem:s15+$0x100] =	vst v0  }
0x46: {  	[tilespmem:s15+$0x110] =	vst v0  }
0x47: {  	[tilespmem:s15+$0x120] =	vst v0  }
0x48: {  	[tilespmem:s15+$0x130] =	vst v0  }
0x49: {  	[tilespmem:s15+$0x140] =	vst v0  }
0x4a: {  	[tilespmem:s15+$0x150] =	vst v0  }
0x4b: {  	[tilespmem:s15+$0x160] =	vst v0  }
0x4c: {  	[spmem:s30] =	stream.linear.scatter [tilespmem:s18], [sflag:$0x5], $0x1400, $0x38;
	[tilespmem:$0x16900] =	vst v63  }
0x4d: {  	_ =	swait.ge [sflag:s19], $0x1400  }
0x4e: {  	[sflag:s19] =	ssyncset.done $0x0  }
0x4f: {  	[sflag:s19] =	ssyncadd.s32 $0xFFFFEC00  }
0x50: {  	[spmem:s2] =	stream.linear.scatter [tilespmem:s18], [sflag:$0x5], $0x1400, $0x38;
	[tilespmem:$0x16900] =	vst v63  }
0x51: {  	_ =	swait.ge [sflag:s19], $0x1400  }
0x52: {  	[sflag:s19] =	ssyncset.done $0x0  }
0x53: {  	[sflag:s19] =	ssyncadd.s32 $0xFFFFEC00  }
0x54: {  	[spmem:s31] =	stream.linear.scatter [tilespmem:s18], [sflag:$0x5], $0x1400, $0x38;
	[tilespmem:$0x16900] =	vst v63  }
0x55: {  	_ =	swait.ge [sflag:s19], $0x1400  }
0x56: {  	[sflag:s19] =	ssyncset.done $0x0  }
0x57: {  	s0 =	rddreg [dreg:$0x17];
	[sflag:s19] =	ssyncadd.s32 $0xFFFFEC00  }
0x58: {  	[spmem:s0] =	stream.linear.scatter [tilespmem:s18], [sflag:$0x5], $0x1400, $0x38;
	[tilespmem:$0x16900] =	vst v63  }
0x59: {  	_ =	swait.ge [sflag:s19], $0x1400  }
0x5a: {  	[sflag:s19] =	ssyncset.done $0x0  }
0x5b: {  	s4 =	smov.u32 s2;
	s2 =	rddreg [dreg:$0x18];
	[sflag:s19] =	ssyncadd.s32 $0xFFFFEC00  }
0x5c: {  	[spmem:s2] =	stream.linear.scatter [tilespmem:s18], [sflag:$0x5], $0x1400, $0x38;
	[tilespmem:$0x16900] =	vst v63  }
0x5d: {  	_ =	swait.ge [sflag:s19], $0x1400  }
0x5e: {  	[sflag:s19] =	ssyncset.done $0x0  }
0x5f: {  	s15 =	rddreg [dreg:$0x19];
	[sflag:s19] =	ssyncadd.s32 $0xFFFFEC00  }
0x60: {  	[spmem:s15] =	stream.linear.scatter [tilespmem:s18], [sflag:$0x5], $0x1400, $0x38;
	[tilespmem:$0x16900] =	vst v63  }
0x61: {  	_ =	swait.ge [sflag:s19], $0x1400  }
0x62: {  	[sflag:s19] =	ssyncset.done $0x0  }
0x63: {  	s2 =	rddreg [dreg:$0x1a];
	[sflag:s19] =	ssyncadd.s32 $0xFFFFEC00  }
0x64: {  	[spmem:s2] =	stream.linear.scatter [tilespmem:s18], [sflag:$0x5], $0x1400, $0x38;
	[tilespmem:$0x16900] =	vst v63  }
0x65: {  	_ =	swait.ge [sflag:s19], $0x1400  }
0x66: {  	[sflag:s19] =	ssyncset.done $0x0  }
0x67: {  	s15 =	rddreg [dreg:$0x1b];
	[sflag:s19] =	ssyncadd.s32 $0xFFFFEC00  }
0x68: {  	[spmem:s15] =	stream.linear.scatter [tilespmem:s18], [sflag:$0x5], $0x1400, $0x38;
	[tilespmem:$0x16900] =	vst v63  }
0x69: {  	_ =	swait.ge [sflag:s19], $0x1400  }
0x6a: {  	[sflag:s19] =	ssyncset.done $0x0  }
0x6b: {  	s2 =	rddreg [dreg:$0x1c];
	[sflag:s19] =	ssyncadd.s32 $0xFFFFEC00  }
0x6c: {  	[spmem:s2] =	stream.linear.scatter [tilespmem:s18], [sflag:$0x5], $0x1400, $0x38;
	[tilespmem:$0x16900] =	vst v63  }
0x6d: {  	_ =	swait.ge [sflag:s19], $0x1400  }
0x6e: {  	[sflag:s19] =	ssyncset.done $0x0  }
0x6f: {  	s15 =	rddreg [dreg:$0x1d];
	[sflag:s19] =	ssyncadd.s32 $0xFFFFEC00  }
0x70: {  	[spmem:s15] =	stream.linear.scatter [tilespmem:s18], [sflag:$0x5], $0x1400, $0x38;
	[tilespmem:$0x16900] =	vst v63  }
0x71: {  	_ =	swait.ge [sflag:s19], $0x1400  }
0x72: {  	[sflag:s19] =	ssyncset.done $0x0  }
0x73: {  	s2 =	rddreg [dreg:$0x1e];
	[sflag:s19] =	ssyncadd.s32 $0xFFFFEC00  }
0x74: {  	[spmem:s2] =	stream.linear.scatter [tilespmem:s18], [sflag:$0x5], $0x1400, $0x38;
	[tilespmem:$0x16900] =	vst v63  }
0x75: {  	_ =	swait.ge [sflag:s19], $0x1400  }
0x76: {  	[sflag:s19] =	ssyncset.done $0x0  }
0x77: {  	s15 =	rddreg [dreg:$0x1f];
	[sflag:s19] =	ssyncadd.s32 $0xFFFFEC00  }
0x78: {  	[spmem:s15] =	stream.linear.scatter [tilespmem:s18], [sflag:$0x5], $0x1400, $0x38;
	[tilespmem:$0x16900] =	vst v63  }
0x79: {  	_ =	swait.ge [sflag:s19], $0x1400  }
0x7a: {  	[sflag:s19] =	ssyncset.done $0x0  }
0x7b: {  	[sflag:s19] =	ssyncadd.s32 $0xFFFFEC00  }
0x7c: {  	[spmem:s6] =	stream.linear.scatter [tilespmem:s18], [sflag:$0x5], $0x1400, $0x38;
	[tilespmem:$0x16900] =	vst v63  }
0x7d: {  	_ =	swait.ge [sflag:s19], $0x1400  }
0x7e: {  	[sflag:s19] =	ssyncset.done $0x0  }
0x7f: {  	[sflag:s19] =	ssyncadd.s32 $0xFFFFEC00  }
0x80: {  	[spmem:s7] =	stream.linear.scatter [tilespmem:s18], [sflag:$0x5], $0x1400, $0x38;
	[tilespmem:$0x16900] =	vst v63  }
0x81: {  	_ =	swait.ge [sflag:s19], $0x1400  }
0x82: {  	[sflag:s19] =	ssyncset.done $0x0  }
0x83: {  	[sflag:s19] =	ssyncadd.s32 $0xFFFFEC00  }
0x84: {  	[spmem:s8] =	stream.linear.scatter [tilespmem:s18], [sflag:$0x5], $0x1400, $0x38;
	[tilespmem:$0x16900] =	vst v63  }
0x85: {  	_ =	swait.ge [sflag:s19], $0x1400  }
0x86: {  	[sflag:s19] =	ssyncset.done $0x0  }
0x87: {  	[sflag:s19] =	ssyncadd.s32 $0xFFFFEC00  }
0x88: {  	[spmem:s9] =	stream.linear.scatter [tilespmem:s18], [sflag:$0x5], $0x1400, $0x38;
	[tilespmem:$0x16900] =	vst v63  }
0x89: {  	_ =	swait.ge [sflag:s19], $0x1400  }
0x8a: {  	s2 =	sld [smem:$0x7FA]  }
0x8b: {  	[sflag:s19] =	ssyncset.done $0x0  }
0x8c: {  	s15 =	simm.s32 $0x0;
	[sflag:s19] =	ssyncadd.s32 $0xFFFFEC00  }
0x8d: {  	[tilespmem:s15], [sflag:$0x5] =	stream.linear.gather [hbm4b:s2+s15], $0x28, $0x38;
	[tilespmem:$0x16900] =	vst v63  }
0x8e: {  	_ =	swait.ge [sflag:s19], $0x28  }
0x8f: {  	[sflag:s19] =	ssyncset.done $0x0  }
0x90: {  	s2 =	rddreg [dreg:$0x14];
	[sflag:s19] =	ssyncadd.s32 $0xFFFFFFD8  }
0x91: {  	[tilespmem:s18], [sflag:$0x1] =	stream.linear.gather [hbm4b:s2+s15], $0x1400, $0x38;
	[tilespmem:$0x16900] =	vst v63  }
0x92: {  	s2 =	sld [smem:$0x7FB];
	_ =	sdelay $0x2  }
0x93: {  	[tilespmem:s22], [sflag:$0x5] =	stream.linear.gather [hbm4b:s2+s15], $0x28, $0x38;
	[tilespmem:$0x16900] =	vst v63  }
0x94: {  	_ =	swait.ge [sflag:s19], $0x28  }
0x95: {  	[sflag:s19] =	ssyncset.done $0x0  }
0x96: {  	s2 =	rddreg [dreg:$0x15];
	[sflag:s19] =	ssyncadd.s32 $0xFFFFFFD8  }
0x97: {  	[tilespmem:s10], [sflag:$0x2] =	stream.linear.gather [hbm4b:s2+s15], $0x1400, $0x38;
	[tilespmem:$0x16900] =	vst v63  }
0x98: {  	[bflag:$0x0] =	sbarrier.arrive $0xFFFF  }
0x99: {  	_ =	swait.ge [sflag:s11], $0x1400  }
0x9a: {  	[sflag:s11] =	ssyncset.done $0x0  }
0x9b: {  	[sflag:s11] =	ssyncadd.s32 $0xFFFFEC00  }
0x9c: {  	[spmem:s23] =	stream.indirect.scatter.add.f32 [tilespmem:s18], [sflag:$0x3], $0x80, s1, s12, $0xb8;
	[tilespmem:$0x16900] =	vst v63  }
0x9d: {  	_ =	swait.ge [sflag:s14], $0x1400  }
0x9e: {  	s2 =	sshrl.u32 s17, $0x3;
	[sflag:s14] =	ssyncset.done $0x0  }
0x9f: {  	s15 =	sadd.s32 s24, s2;
	[sflag:s14] =	ssyncadd.s32 $0xFFFFEC00  }
0xa0: {  	[tilespmem:s1], [sflag:$0x5] =	stream.linear.gather [hbm4b:s15+s1], $0x28, $0x38;
	[tilespmem:$0x16900] =	vst v63  }
0xa1: {  	_ =	swait.ge [sflag:s19], $0x28  }
0xa2: {  	[sflag:s19] =	ssyncset.done $0x0  }
0xa3: {  	s0 =	sadd.s32 $0xFFFFFD80, s21;
	[sflag:s19] =	ssyncadd.s32 $0xFFFFFFD8  }
0xa4: {  	[tilespmem:s18], [sflag:$0x1] =	stream.linear.gather [hbm4b:s0+s1], $0x1400, $0x38;
	[tilespmem:$0x16900] =	vst v63  }
0xa5: {  	_ =	swait.ge [sflag:s25], $0x1400  }
0xa6: {  	[sflag:s25] =	ssyncset.done $0x0  }
0xa7: {  	[sflag:s25] =	ssyncadd.s32 $0xFFFFEC00  }
0xa8: {  	[spmem:s23] =	stream.indirect.scatter.add.f32 [tilespmem:s10], [sflag:$0x4], $0x80, s22, s12, $0xb8;
	[tilespmem:$0x16900] =	vst v63  }
0xa9: {  	_ =	swait.ge [sflag:s26], $0x1400  }
0xaa: {  	[sflag:s26] =	ssyncset.done $0x0  }
0xab: {  	s2 =	sadd.s32 $0x0, s16;
	[sflag:s26] =	ssyncadd.s32 $0xFFFFEC00  }
0xac: {  	[tilespmem:s22], [sflag:$0x5] =	stream.linear.gather [hbm4b:s2+s1], $0x28, $0x38;
	[tilespmem:$0x16900] =	vst v63  }
0xad: {  	s3 =	smov.u32 s30;
	s5 =	smov.u32 s31;
	_ =	swait.ge [sflag:s19], $0x28  }
0xae: {  	s29 =	simm.s32 $0xA;
	s30 =	sadd.s32 $0x500, s21;
	[sflag:s19] =	ssyncset.done $0x0  }
0xaf: {  	s31 =	sadd.s32 $0x50, s17;
	s15 =	smov.u32 s21;
	[sflag:s19] =	ssyncadd.s32 $0xFFFFFFD8  }
.LBB2_4:
0xb0: {  	[tilespmem:s10], [sflag:$0x2] =	stream.linear.gather [hbm4b:s15+s1], $0x1400, $0x38;
	[tilespmem:$0x16900] =	vst v63  }
0xb1: {  	s0 =	smov.u32 s29;
	s15 =	smov.u32 s30  }
0xb2: {  	p0 =	sne.s32 s29, $0x4C4;
	s29 =	sadd.s32 $0xA, s29;
	_ =	swait.ge [sflag:s11], $0x1400  }
0xb3: {  	[sflag:s11] =	ssyncset.done $0x0  }
0xb4: {  	[sflag:s11] =	ssyncadd.s32 $0xFFFFEC00  }
0xb5: {  	[spmem:s23] =	stream.indirect.scatter.add.f32 [tilespmem:s18], [sflag:$0x3], $0x80, s1, s12, $0xb8;
	[tilespmem:$0x16900] =	vst v63  }
0xb6: {  	_ =	swait.ge [sflag:s14], $0x1400  }
0xb7: {  	s2 =	sshrl.u32 s31, $0x3;
	[sflag:s14] =	ssyncset.done $0x0  }
0xb8: {  	s2 =	sadd.s32 s24, s2;
	[sflag:s14] =	ssyncadd.s32 $0xFFFFEC00  }
0xb9: {  	[tilespmem:s1], [sflag:$0x5] =	stream.linear.gather [hbm4b:s2+s1], $0x28, $0x38;
	[tilespmem:$0x16900] =	vst v63  }
0xba: {  	_ =	swait.ge [sflag:s19], $0x28  }
0xbb: {  	[sflag:s19] =	ssyncset.done $0x0  }
0xbc: {  	s2 =	sadd.s32 $0xFFFFFD80, s30;
	[sflag:s19] =	ssyncadd.s32 $0xFFFFFFD8  }
0xbd: {  	[tilespmem:s18], [sflag:$0x1] =	stream.linear.gather [hbm4b:s2+s1], $0x1400, $0x38;
	[tilespmem:$0x16900] =	vst v63  }
0xbe: {  	_ =	swait.ge [sflag:s25], $0x1400  }
0xbf: {  	[sflag:s25] =	ssyncset.done $0x0  }
0xc0: {  	[sflag:s25] =	ssyncadd.s32 $0xFFFFEC00  }
0xc1: {  	[spmem:s23] =	stream.indirect.scatter.add.f32 [tilespmem:s10], [sflag:$0x4], $0x80, s22, s12, $0xb8;
	[tilespmem:$0x16900] =	vst v63  }
0xc2: {  	_ =	swait.ge [sflag:s26], $0x1400  }
0xc3: {  	[sflag:s26] =	ssyncset.done $0x0  }
.Ltmp1:
0xc4: {  	s0 =	sadd.s32 s0, s16;
	[sflag:s26] =	ssyncadd.s32 $0xFFFFEC00;
	(pc) =	sbr.rel @p0 .LBB2_4-.Ltmp1, $4  }
0xc5: {  	[tilespmem:s22], [sflag:$0x5] =	stream.linear.gather [hbm4b:s0+s1], $0x28, $0x38;
	[tilespmem:$0x16900] =	vst v63  }
0xc6: {  	_ =	swait.ge [sflag:s19], $0x28  }
0xc7: {  	[sflag:s19] =	ssyncset.done $0x0  }
0xc8: {  	s31 =	sadd.s32 $0x50, s31;
	s30 =	sadd.s32 $0x500, s30;
	[sflag:s19] =	ssyncadd.s32 $0xFFFFFFD8  }
0xc9: {  	[tilespmem:s10], [sflag:$0x2] =	stream.linear.gather [hbm4b:s15+s1], $0x1400, $0x38;
	[tilespmem:$0x16900] =	vst v63  }
0xca: {  	_ =	swait.ge [sflag:s11], $0x1400  }
0xcb: {  	[sflag:s11] =	ssyncset.done $0x0  }
0xcc: {  	[sflag:s11] =	ssyncadd.s32 $0xFFFFEC00  }
0xcd: {  	[spmem:s23] =	stream.indirect.scatter.add.f32 [tilespmem:s18], [sflag:$0x3], $0x80, s1, s12, $0xb8;
	[tilespmem:$0x16900] =	vst v63  }
0xce: {  	_ =	swait.ge [sflag:s14], $0x1400  }
0xcf: {  	s0 =	sld [smem:$0x7FD]  }
0xd0: {  	[sflag:s14] =	ssyncset.done $0x0  }
0xd1: {  	[sflag:s14] =	ssyncadd.s32 $0xFFFFEC00  }
0xd2: {  	[tilespmem:s1], [sflag:$0x5] =	stream.linear.gather [hbm4b:s0+s1], $0x28, $0x38;
	[tilespmem:$0x16900] =	vst v63  }
0xd3: {  	_ =	swait.ge [sflag:s19], $0x28  }
0xd4: {  	[sflag:s19] =	ssyncset.done $0x0  }
0xd5: {  	s29 =	rddreg [dreg:$0x16];
	[sflag:s19] =	ssyncadd.s32 $0xFFFFFFD8  }
0xd6: {  	[tilespmem:s18], [sflag:$0x1] =	stream.linear.gather [hbm4b:s29+s1], $0x1400, $0x38;
	[tilespmem:$0x16900] =	vst v63  }
0xd7: {  	_ =	swait.ge [sflag:s25], $0x1400  }
0xd8: {  	[sflag:s25] =	ssyncset.done $0x0  }
0xd9: {  	[sflag:s25] =	ssyncadd.s32 $0xFFFFEC00  }
0xda: {  	[spmem:s23] =	stream.indirect.scatter.add.f32 [tilespmem:s10], [sflag:$0x4], $0x80, s22, s12, $0xb8;
	[tilespmem:$0x16900] =	vst v63  }
0xdb: {  	_ =	swait.ge [sflag:s26], $0x1400  }
0xdc: {  	[sflag:s26] =	ssyncset.done $0x0  }
0xdd: {  	[sflag:s26] =	ssyncadd.s32 $0xFFFFEC00  }
0xde: {  	[tilespmem:s22], [sflag:$0x5] =	stream.linear.gather [hbm4b:s13+s1], $0x28, $0x38;
	[tilespmem:$0x16900] =	vst v63  }
0xdf: {  	_ =	swait.ge [sflag:s19], $0x28  }
0xe0: {  	[sflag:s19] =	ssyncset.done $0x0  }
0xe1: {  	[sflag:s19] =	ssyncadd.s32 $0xFFFFFFD8  }
0xe2: {  	[tilespmem:s10], [sflag:$0x2] =	stream.linear.gather [hbm4b:s20+s1], $0x1400, $0x38;
	[tilespmem:$0x16900] =	vst v63  }
0xe3: {  	_ =	swait.ge [sflag:s11], $0x1400  }
0xe4: {  	[sflag:s11] =	ssyncset.done $0x0  }
0xe5: {  	[sflag:s11] =	ssyncadd.s32 $0xFFFFEC00  }
0xe6: {  	[spmem:s23] =	stream.indirect.scatter.add.f32 [tilespmem:s18], [sflag:$0x3], $0x80, s1, s12, $0xb8;
	[tilespmem:$0x16900] =	vst v63  }
0xe7: {  	_ =	swait.ge [sflag:s14], $0x1400  }
0xe8: {  	[sflag:s14] =	ssyncset.done $0x0  }
0xe9: {  	[sflag:s14] =	ssyncadd.s32 $0xFFFFEC00  }
0xea: {  	[tilespmem:s1], [sflag:$0x5] =	stream.linear.gather [hbm4b:s13+s1], $0x28, $0x38;
	[tilespmem:$0x16900] =	vst v63  }
0xeb: {  	_ =	swait.ge [sflag:s19], $0x28  }
0xec: {  	[sflag:s19] =	ssyncset.done $0x0  }
0xed: {  	[sflag:s19] =	ssyncadd.s32 $0xFFFFFFD8  }
0xee: {  	[tilespmem:s18], [sflag:$0x1] =	stream.linear.gather [hbm4b:s20+s1], $0x1400, $0x38;
	[tilespmem:$0x16900] =	vst v63  }
0xef: {  	_ =	swait.ge [sflag:s25], $0x1400  }
0xf0: {  	[sflag:s25] =	ssyncset.done $0x0  }
0xf1: {  	[sflag:s25] =	ssyncadd.s32 $0xFFFFEC00  }
0xf2: {  	[spmem:s23] =	stream.indirect.scatter.add.f32 [tilespmem:s10], [sflag:$0x4], $0x80, s22, s12, $0xb8;
	[tilespmem:$0x16900] =	vst v63  }
0xf3: {  	_ =	swait.ge [sflag:s26], $0x1400  }
0xf4: {  	[sflag:s26] =	ssyncset.done $0x0  }
0xf5: {  	[sflag:s26] =	ssyncadd.s32 $0xFFFFEC00  }
0xf6: {  	[tilespmem:s22], [sflag:$0x5] =	stream.linear.gather [hbm4b:s13+s1], $0x28, $0x38;
	[tilespmem:$0x16900] =	vst v63  }
0xf7: {  	_ =	swait.ge [sflag:s19], $0x28  }
0xf8: {  	[sflag:s19] =	ssyncset.done $0x0  }
0xf9: {  	[sflag:s19] =	ssyncadd.s32 $0xFFFFFFD8  }
0xfa: {  	[tilespmem:s10], [sflag:$0x2] =	stream.linear.gather [hbm4b:s20+s1], $0x1400, $0x38;
	[tilespmem:$0x16900] =	vst v63  }
0xfb: {  	_ =	swait.ge [sflag:s11], $0x1400  }
0xfc: {  	[sflag:s11] =	ssyncset.done $0x0  }
0xfd: {  	[sflag:s11] =	ssyncadd.s32 $0xFFFFEC00  }
0xfe: {  	_ =	swait.ge [sflag:s25], $0x1400  }
0xff: {  	[sflag:s25] =	ssyncset.done $0x0  }
0x100: {  	[sflag:s25] =	ssyncadd.s32 $0xFFFFEC00  }
0x101: {  	[bflag:$0x0] =	sbarrier.arrive $0xFFFF  }
0x102: {  	[tilespmem:s18], [sflag:$0x5] =	stream.linear.gather [spmem:s3], $0x1400, $0x38;
	[tilespmem:$0x16900] =	vst v63  }
0x103: {  	_ =	swait.ge [sflag:s19], $0x1400  }
0x104: {  	[sflag:s19] =	ssyncset.done $0x0  }
0x105: {  	s2 =	rddreg [dreg:$0x4];
	[sflag:s19] =	ssyncadd.s32 $0xFFFFEC00  }
0x106: {  	[hbm4b:s2+s1] =	stream.linear.scatter [tilespmem:s18], [sflag:$0x5], $0x1400, $0x38;
	[tilespmem:$0x16900] =	vst v63  }
0x107: {  	_ =	swait.ge [sflag:s19], $0x1400  }
0x108: {  	[sflag:s19] =	ssyncset.done $0x0  }
0x109: {  	[sflag:s19] =	ssyncadd.s32 $0xFFFFEC00  }
0x10a: {  	[tilespmem:s18], [sflag:$0x5] =	stream.linear.gather [spmem:s4], $0x1400, $0x38;
	[tilespmem:$0x16900] =	vst v63  }
0x10b: {  	_ =	swait.ge [sflag:s19], $0x1400  }
0x10c: {  	[sflag:s19] =	ssyncset.done $0x0  }
0x10d: {  	s30 =	smov.u32 s3;
	s3 =	rddreg [dreg:$0x5];
	[sflag:s19] =	ssyncadd.s32 $0xFFFFEC00  }
0x10e: {  	[hbm4b:s3+s1] =	stream.linear.scatter [tilespmem:s18], [sflag:$0x5], $0x1400, $0x38;
	[tilespmem:$0x16900] =	vst v63  }
0x10f: {  	_ =	swait.ge [sflag:s19], $0x1400  }
0x110: {  	[sflag:s19] =	ssyncset.done $0x0  }
0x111: {  	[sflag:s19] =	ssyncadd.s32 $0xFFFFEC00  }
0x112: {  	[tilespmem:s18], [sflag:$0x5] =	stream.linear.gather [spmem:s5], $0x1400, $0x38;
	[tilespmem:$0x16900] =	vst v63  }
0x113: {  	_ =	swait.ge [sflag:s19], $0x1400  }
0x114: {  	[sflag:s19] =	ssyncset.done $0x0  }
0x115: {  	s2 =	smov.u32 s4;
	s4 =	rddreg [dreg:$0x6];
	[sflag:s19] =	ssyncadd.s32 $0xFFFFEC00  }
0x116: {  	[hbm4b:s4+s1] =	stream.linear.scatter [tilespmem:s18], [sflag:$0x5], $0x1400, $0x38;
	[tilespmem:$0x16900] =	vst v63  }
0x117: {  	_ =	swait.ge [sflag:s19], $0x1400  }
0x118: {  	[sflag:s19] =	ssyncset.done $0x0  }
0x119: {  	s31 =	smov.u32 s5;
	s5 =	rddreg [dreg:$0x17];
	[sflag:s19] =	ssyncadd.s32 $0xFFFFEC00  }
0x11a: {  	[tilespmem:s18], [sflag:$0x5] =	stream.linear.gather [spmem:s5], $0x1400, $0x38;
	[tilespmem:$0x16900] =	vst v63  }
0x11b: {  	_ =	swait.ge [sflag:s19], $0x1400  }
0x11c: {  	[sflag:s19] =	ssyncset.done $0x0  }
0x11d: {  	s15 =	rddreg [dreg:$0x7];
	[sflag:s19] =	ssyncadd.s32 $0xFFFFEC00  }
0x11e: {  	[hbm4b:s15+s1] =	stream.linear.scatter [tilespmem:s18], [sflag:$0x5], $0x1400, $0x38;
	[tilespmem:$0x16900] =	vst v63  }
0x11f: {  	_ =	swait.ge [sflag:s19], $0x1400  }
0x120: {  	[sflag:s19] =	ssyncset.done $0x0  }
0x121: {  	s29 =	rddreg [dreg:$0x18];
	[sflag:s19] =	ssyncadd.s32 $0xFFFFEC00  }
0x122: {  	[tilespmem:s18], [sflag:$0x5] =	stream.linear.gather [spmem:s29], $0x1400, $0x38;
	[tilespmem:$0x16900] =	vst v63  }
0x123: {  	_ =	swait.ge [sflag:s19], $0x1400  }
0x124: {  	[sflag:s19] =	ssyncset.done $0x0  }
0x125: {  	s3 =	rddreg [dreg:$0x8];
	[sflag:s19] =	ssyncadd.s32 $0xFFFFEC00  }
0x126: {  	[hbm4b:s3+s1] =	stream.linear.scatter [tilespmem:s18], [sflag:$0x5], $0x1400, $0x38;
	[tilespmem:$0x16900] =	vst v63  }
0x127: {  	_ =	swait.ge [sflag:s19], $0x1400  }
0x128: {  	[sflag:s19] =	ssyncset.done $0x0  }
0x129: {  	s4 =	rddreg [dreg:$0x19];
	[sflag:s19] =	ssyncadd.s32 $0xFFFFEC00  }
0x12a: {  	[tilespmem:s18], [sflag:$0x5] =	stream.linear.gather [spmem:s4], $0x1400, $0x38;
	[tilespmem:$0x16900] =	vst v63  }
0x12b: {  	_ =	swait.ge [sflag:s19], $0x1400  }
0x12c: {  	[sflag:s19] =	ssyncset.done $0x0  }
0x12d: {  	s5 =	rddreg [dreg:$0x9];
	[sflag:s19] =	ssyncadd.s32 $0xFFFFEC00  }
0x12e: {  	[hbm4b:s5+s1] =	stream.linear.scatter [tilespmem:s18], [sflag:$0x5], $0x1400, $0x38;
	[tilespmem:$0x16900] =	vst v63  }
0x12f: {  	_ =	swait.ge [sflag:s19], $0x1400  }
0x130: {  	[sflag:s19] =	ssyncset.done $0x0  }
0x131: {  	s15 =	rddreg [dreg:$0x1a];
	[sflag:s19] =	ssyncadd.s32 $0xFFFFEC00  }
0x132: {  	[tilespmem:s18], [sflag:$0x5] =	stream.linear.gather [spmem:s15], $0x1400, $0x38;
	[tilespmem:$0x16900] =	vst v63  }
0x133: {  	_ =	swait.ge [sflag:s19], $0x1400  }
0x134: {  	[sflag:s19] =	ssyncset.done $0x0  }
0x135: {  	s29 =	rddreg [dreg:$0xa];
	[sflag:s19] =	ssyncadd.s32 $0xFFFFEC00  }
0x136: {  	[hbm4b:s29+s1] =	stream.linear.scatter [tilespmem:s18], [sflag:$0x5], $0x1400, $0x38;
	[tilespmem:$0x16900] =	vst v63  }
0x137: {  	_ =	swait.ge [sflag:s19], $0x1400  }
0x138: {  	[sflag:s19] =	ssyncset.done $0x0  }
0x139: {  	s3 =	rddreg [dreg:$0x1b];
	[sflag:s19] =	ssyncadd.s32 $0xFFFFEC00  }
0x13a: {  	[tilespmem:s18], [sflag:$0x5] =	stream.linear.gather [spmem:s3], $0x1400, $0x38;
	[tilespmem:$0x16900] =	vst v63  }
0x13b: {  	_ =	swait.ge [sflag:s19], $0x1400  }
0x13c: {  	[sflag:s19] =	ssyncset.done $0x0  }
0x13d: {  	s4 =	rddreg [dreg:$0xb];
	[sflag:s19] =	ssyncadd.s32 $0xFFFFEC00  }
0x13e: {  	[hbm4b:s4+s1] =	stream.linear.scatter [tilespmem:s18], [sflag:$0x5], $0x1400, $0x38;
	[tilespmem:$0x16900] =	vst v63  }
0x13f: {  	_ =	swait.ge [sflag:s19], $0x1400  }
0x140: {  	[sflag:s19] =	ssyncset.done $0x0  }
0x141: {  	s5 =	rddreg [dreg:$0x1c];
	[sflag:s19] =	ssyncadd.s32 $0xFFFFEC00  }
0x142: {  	[tilespmem:s18], [sflag:$0x5] =	stream.linear.gather [spmem:s5], $0x1400, $0x38;
	[tilespmem:$0x16900] =	vst v63  }
0x143: {  	_ =	swait.ge [sflag:s19], $0x1400  }
0x144: {  	[sflag:s19] =	ssyncset.done $0x0  }
0x145: {  	s15 =	rddreg [dreg:$0xc];
	[sflag:s19] =	ssyncadd.s32 $0xFFFFEC00  }
0x146: {  	[hbm4b:s15+s1] =	stream.linear.scatter [tilespmem:s18], [sflag:$0x5], $0x1400, $0x38;
	[tilespmem:$0x16900] =	vst v63  }
0x147: {  	_ =	swait.ge [sflag:s19], $0x1400  }
0x148: {  	[sflag:s19] =	ssyncset.done $0x0  }
0x149: {  	s29 =	rddreg [dreg:$0x1d];
	[sflag:s19] =	ssyncadd.s32 $0xFFFFEC00  }
0x14a: {  	[tilespmem:s18], [sflag:$0x5] =	stream.linear.gather [spmem:s29], $0x1400, $0x38;
	[tilespmem:$0x16900] =	vst v63  }
0x14b: {  	_ =	swait.ge [sflag:s19], $0x1400  }
0x14c: {  	[sflag:s19] =	ssyncset.done $0x0  }
0x14d: {  	s3 =	rddreg [dreg:$0xd];
	[sflag:s19] =	ssyncadd.s32 $0xFFFFEC00  }
0x14e: {  	[hbm4b:s3+s1] =	stream.linear.scatter [tilespmem:s18], [sflag:$0x5], $0x1400, $0x38;
	[tilespmem:$0x16900] =	vst v63  }
0x14f: {  	_ =	swait.ge [sflag:s19], $0x1400  }
0x150: {  	[sflag:s19] =	ssyncset.done $0x0  }
0x151: {  	s4 =	rddreg [dreg:$0x1e];
	[sflag:s19] =	ssyncadd.s32 $0xFFFFEC00  }
0x152: {  	[tilespmem:s18], [sflag:$0x5] =	stream.linear.gather [spmem:s4], $0x1400, $0x38;
	[tilespmem:$0x16900] =	vst v63  }
0x153: {  	_ =	swait.ge [sflag:s19], $0x1400  }
0x154: {  	[sflag:s19] =	ssyncset.done $0x0  }
0x155: {  	s5 =	rddreg [dreg:$0xe];
	[sflag:s19] =	ssyncadd.s32 $0xFFFFEC00  }
0x156: {  	[hbm4b:s5+s1] =	stream.linear.scatter [tilespmem:s18], [sflag:$0x5], $0x1400, $0x38;
	[tilespmem:$0x16900] =	vst v63  }
0x157: {  	_ =	swait.ge [sflag:s19], $0x1400  }
0x158: {  	[sflag:s19] =	ssyncset.done $0x0  }
0x159: {  	s15 =	rddreg [dreg:$0x1f];
	[sflag:s19] =	ssyncadd.s32 $0xFFFFEC00  }
0x15a: {  	[tilespmem:s18], [sflag:$0x5] =	stream.linear.gather [spmem:s15], $0x1400, $0x38;
	[tilespmem:$0x16900] =	vst v63  }
0x15b: {  	_ =	swait.ge [sflag:s19], $0x1400  }
0x15c: {  	[sflag:s19] =	ssyncset.done $0x0  }
0x15d: {  	s29 =	rddreg [dreg:$0xf];
	[sflag:s19] =	ssyncadd.s32 $0xFFFFEC00  }
0x15e: {  	[hbm4b:s29+s1] =	stream.linear.scatter [tilespmem:s18], [sflag:$0x5], $0x1400, $0x38;
	[tilespmem:$0x16900] =	vst v63  }
0x15f: {  	_ =	swait.ge [sflag:s19], $0x1400  }
0x160: {  	[sflag:s19] =	ssyncset.done $0x0  }
0x161: {  	[sflag:s19] =	ssyncadd.s32 $0xFFFFEC00  }
0x162: {  	[tilespmem:s18], [sflag:$0x5] =	stream.linear.gather [spmem:s6], $0x1400, $0x38;
	[tilespmem:$0x16900] =	vst v63  }
0x163: {  	_ =	swait.ge [sflag:s19], $0x1400  }
0x164: {  	[sflag:s19] =	ssyncset.done $0x0  }
0x165: {  	s3 =	rddreg [dreg:$0x10];
	[sflag:s19] =	ssyncadd.s32 $0xFFFFEC00  }
0x166: {  	[hbm4b:s3+s1] =	stream.linear.scatter [tilespmem:s18], [sflag:$0x5], $0x1400, $0x38;
	[tilespmem:$0x16900] =	vst v63  }
0x167: {  	_ =	swait.ge [sflag:s19], $0x1400  }
0x168: {  	[sflag:s19] =	ssyncset.done $0x0  }
0x169: {  	[sflag:s19] =	ssyncadd.s32 $0xFFFFEC00  }
0x16a: {  	[tilespmem:s18], [sflag:$0x5] =	stream.linear.gather [spmem:s7], $0x1400, $0x38;
	[tilespmem:$0x16900] =	vst v63  }
0x16b: {  	_ =	swait.ge [sflag:s19], $0x1400  }
0x16c: {  	[sflag:s19] =	ssyncset.done $0x0  }
0x16d: {  	s4 =	rddreg [dreg:$0x11];
	[sflag:s19] =	ssyncadd.s32 $0xFFFFEC00  }
0x16e: {  	[hbm4b:s4+s1] =	stream.linear.scatter [tilespmem:s18], [sflag:$0x5], $0x1400, $0x38;
	[tilespmem:$0x16900] =	vst v63  }
0x16f: {  	_ =	swait.ge [sflag:s19], $0x1400  }
0x170: {  	[sflag:s19] =	ssyncset.done $0x0  }
0x171: {  	[sflag:s19] =	ssyncadd.s32 $0xFFFFEC00  }
0x172: {  	[tilespmem:s18], [sflag:$0x5] =	stream.linear.gather [spmem:s8], $0x1400, $0x38;
	[tilespmem:$0x16900] =	vst v63  }
0x173: {  	_ =	swait.ge [sflag:s19], $0x1400  }
0x174: {  	[sflag:s19] =	ssyncset.done $0x0  }
0x175: {  	s5 =	rddreg [dreg:$0x12];
	[sflag:s19] =	ssyncadd.s32 $0xFFFFEC00  }
0x176: {  	[hbm4b:s5+s1] =	stream.linear.scatter [tilespmem:s18], [sflag:$0x5], $0x1400, $0x38;
	[tilespmem:$0x16900] =	vst v63  }
0x177: {  	_ =	swait.ge [sflag:s19], $0x1400  }
0x178: {  	[sflag:s19] =	ssyncset.done $0x0  }
0x179: {  	[sflag:s19] =	ssyncadd.s32 $0xFFFFEC00  }
0x17a: {  	[tilespmem:s18], [sflag:$0x5] =	stream.linear.gather [spmem:s9], $0x1400, $0x38;
	[tilespmem:$0x16900] =	vst v63  }
0x17b: {  	_ =	swait.ge [sflag:s19], $0x1400  }
0x17c: {  	[sflag:s19] =	ssyncset.done $0x0  }
0x17d: {  	s15 =	rddreg [dreg:$0x13];
	[sflag:s19] =	ssyncadd.s32 $0xFFFFEC00  }
0x17e: {  	[hbm4b:s15+s1] =	stream.linear.scatter [tilespmem:s18], [sflag:$0x5], $0x1400, $0x38;
	[tilespmem:$0x16900] =	vst v63  }
0x17f: {  	_ =	swait.ge [sflag:s19], $0x1400  }
0x180: {  	s29 =	sld [smem:$0x7FC];
	_ =	sdelay $0x1  }
0x181: {  	s28 =	sadd.s32 $0x1, s28  }
0x182: {  	p0 =	sne.s32 s28, s29  }
.Ltmp2:
0x183: {  	_ = 	snop;
	(pc) =	sbr.rel @p0 .LBB2_1-.Ltmp2, $3  }
0x184: {  	_ =	sdelay $0x1  }
0x185: {  	[sflag:s19] =	ssyncset.done $0x0  }
0x186: {  	[sflag:s19] =	ssyncadd.s32 $0xFFFFEC00  }
0x187: {  	_ =	sfence.sel $0x180000  }
0x188: {  	[bflag:$0x0] =	sbarrier.arrive $0xFFFF  }
0x189: {  	_ =	strace $0x9000004A  }
0x18a: {  	s0 =	stileid.u32;
	[bflag:$0x2] =	sbarrier.arrive $0xFFFF  }
0x18b: {  	p0 =	sne.s32 s0, $0x0;
	s0 =	rddreg [dreg:$0x3]  }
0x18c: {  	s0 =	sadd.s32 @!p0 $0x100000, s0  }
0x18d: {  	[sflag:s0] =	ssyncadd.tile.s32 @!p0 $0x1;
	_ =	shalt  }
.Lfunc_end2:
_tile_overlayer_lowered:
.L_overlay_start_2:
0x18e: {  	(tag) =	ssettag $0x2  }
0x18f: {  	s0 =	rddreg [dreg:$0x0];
	s2 =	stileid.u32  }
0x190: {  	s1 =	rddreg [dreg:$0x1];
	p0 =	sne.s32 s2, $0x0  }
0x191: {  	s3 =	rddreg [dreg:$0x2];
	[bflag:$0x3] =	sbarrier.arrive $0xFFFF;
	s2 =	simm.s32 @!p0 $0x1C05  }
0x192: {  	[timem:s3], [sflag:s2] =	dma.local @!p0 [hbm:s0], s1  }
0x193: {  	s0 =	simm.s32 @!p0 $0x5  }
0x194: {  	_ =	swait.ge @!p0 [sflag:s0], s1  }
0x195: {  	s1 =	ssub.s32 @!p0 $0x0, s1;
	[sflag:s0] =	ssyncset.done @!p0 $0x0  }
0x196: {  	[sflag:s0] =	ssyncadd.s32 @!p0 s1  }
0x197: {  	[bflag:$0x3] =	sbarrier.arrive $0xFFFF  }
0x198: {  	_ =	shalt  }

// kernel: kernel.7.cloned.1.call-start
scs
__scs_entry_jumppad:
0x0: {  	(pc) =	sbr.rel $0x88, $3  }
0x1: {  	(tag) =	ssettag $0x0;
	lr =	simm.s32 $0x1  }
0x2: {  	[smem:$0x3F96] =	sst lr;
	_ =	strace $0xD0000000  }
0x3: {  	_ = 	snop  }
0x4: {  	_ = 	snop  }
0x5: {  	_ = 	snop  }
0x6: {  	_ = 	snop  }
0x7: {  	_ = 	snop  }
__scs_overlays_trampoline_lowered:
0x8: {  	[smem:$0x3FA5] =	sst s0  }
0x9: {  	[smem:$0x3FA6] =	sst s1  }
0xa: {  	[smem:$0x3FA7] =	sst s2  }
0xb: {  	[smem:$0x3FA8] =	sst s3  }
0xc: {  	[smem:$0x3FA9] =	sst s4  }
0xd: {  	[smem:$0x3FAA] =	sst s5  }
0xe: {  	[smem:$0x3FAB] =	sst s6  }
0xf: {  	[smem:$0x3FAC] =	sst s7  }
0x10: {  	[smem:$0x3FAD] =	sst s8  }
0x11: {  	[smem:$0x3FAE] =	sst s9;
	s0 =	simm.s32 @!p0 $0x0  }
0x12: {  	s1 =	sld [smem:$0x3F94];
	s0 =	simm.s32 @p0 $0x1  }
0x13: {  	[smem:$0x3FAF] =	sst s0;
	s0 =	simm.s32 @!p1 $0x0  }
0x14: {  	s2 =	sld [smem:$0x3F93];
	s0 =	simm.s32 @p1 $0x1  }
0x15: {  	[smem:$0x3FB0] =	sst s0;
	s0 =	simm.s32 @!p2 $0x0  }
0x16: {  	s3 =	sld [smem:$0x3FDB];
	s0 =	simm.s32 @p2 $0x1  }
0x17: {  	s4 =	simm.s32 $0x1BF5;
	[smem:$0x3FB2] =	sst s0  }
0x18: {  	s0 =	sld [smem:$0x3F95];
	_ =	swait.ge [sflag:s4], $0x0  }
0x19: {  	s7 =	sld [smem:$0x3F96]  }
0x1a: {  	s8 =	sadd.s32 $0xFFFFE003, lr  }
0x1b: {  	s9 =	sadd.s32 $0xFFFFFEF7, lr;
	s5 =	simm.s32 $0xFFFFFFFF;
	p2 =	slt.u32 s8, $0xFFFFF086  }
0x1c: {  	p1 =	slt.u32 s9, $0xF7A;
	s5 =	simm.s32 @!p2 $0x0  }
0x1d: {  	s5 =	simm.s32 @p1 $0x1;
	p0 =	seq.s32 s7, s2  }
0x1e: {  	s7 =	smul.u32 @!p0 $0xF7A, s2;
	p2 =	seq.s32 @!p0 s5, $0x0  }
0x1f: {  	s9 =	smul.u32 $0xF7A, s1;
	s8 =	simm.s32 @!p0 $0x1BF5;
	p2 =	por !p2, p0  }
0x20: {  	[sflag:s8] =	ssyncset.s32 @!p0 $0xFFFFF086;
	s6 =	sadd.s32 @!p0 s3, s7;
	s7 =	simm.s32 @!p0 $0x108  }
0x21: {  	s3 =	sadd.s32 s3, s9;
	s6 =	sadd.s32 @!p0 $0x88, s6;
	s7 =	simm.s32 @p2 $0x1082  }
0x22: {  	[simem:s7], [sflag:s8] =	dma.local @!p0 [hbm:s6], $0xF7A  }
0x23: {  	s9 =	sor.u32 $0xD0000000, s2;
	s6 =	simm.s32 $0x108;
	_ =	swait.ge @!p0 [sflag:s8], $0x0  }
0x24: {  	s3 =	sadd.s32 $0x88, s3;
	s6 =	simm.s32 @!p1 $0x1082;
	[sflag:s4] =	ssyncset.s32 $0xFFFFF086  }
0x25: {  	[simem:s6], [sflag:s4] =	dma.local [hbm:s3], $0xF7A  }
0x26: {  	[smem:$0x3F96] =	sst s1;
	(tag) =	ssettag s2;
	_ =	strace s9  }
0x27: {  	s1 =	sld [smem:$0x3FA6]  }
0x28: {  	s2 =	sld [smem:$0x3FA7]  }
0x29: {  	s4 =	sld [smem:$0x3FA9]  }
0x2a: {  	p0 =	seq.s32 s5, $0x0;
	s5 =	sld [smem:$0x3FAA]  }
0x2b: {  	s6 =	sld [smem:$0x3FAB]  }
0x2c: {  	s7 =	sld [smem:$0x3FAC]  }
0x2d: {  	s3 =	simm.s32 $0x108;
	s8 =	sld [smem:$0x3FAD]  }
0x2e: {  	s3 =	simm.s32 @!p0 $0x1082;
	s9 =	sld [smem:$0x3FAE]  }
0x2f: {  	lr =	sadd.s32 s0, s3;
	s0 =	sld [smem:$0x3FA5]  }
0x30: {  	s3 =	sld [smem:$0x3FA8]  }
0x31: {  	[smem:$0x3FB1] =	sst s10  }
0x32: {  	s10 =	sld [smem:$0x3FAF];
	_ =	sdelay $0x3  }
0x33: {  	p0 =	seq.s32 s10, $0x1;
	s10 =	sld [smem:$0x3FB1];
	_ =	sdelay $0x3  }
0x34: {  	[smem:$0x3FB1] =	sst s10  }
0x35: {  	s10 =	sld [smem:$0x3FB0];
	_ =	sdelay $0x3  }
0x36: {  	p1 =	seq.s32 s10, $0x1;
	s10 =	sld [smem:$0x3FB1];
	_ =	sdelay $0x3  }
0x37: {  	[smem:$0x3FB1] =	sst s10  }
0x38: {  	s10 =	sld [smem:$0x3FB2]  }
0x39: {  	_ = 	snop;
	(pc) =	sbr.ind lr, $3  }
0x3a: {  	_ = 	snop  }
0x3b: {  	_ = 	snop  }
0x3c: {  	p2 =	seq.s32 s10, $0x1;
	s10 =	sld [smem:$0x3FB1]  }
0x3d: {  	_ =	shalt  }
0x3e: {  	_ =	shalt  }
0x3f: {  	_ =	shalt  }
0x40: {  	_ =	shalt  }
0x41: {  	_ =	shalt  }
0x42: {  	_ =	shalt  }
0x43: {  	_ =	shalt  }
0x44: {  	_ =	shalt  }
0x45: {  	_ =	shalt  }
0x46: {  	_ =	shalt  }
0x47: {  	_ =	shalt  }
0x48: {  	_ =	shalt  }
0x49: {  	_ =	shalt  }
0x4a: {  	_ =	shalt  }
0x4b: {  	_ =	shalt  }
0x4c: {  	_ =	shalt  }
0x4d: {  	_ =	shalt  }
0x4e: {  	_ =	shalt  }
0x4f: {  	_ =	shalt  }
0x50: {  	_ =	shalt  }
0x51: {  	_ =	shalt  }
0x52: {  	_ =	shalt  }
0x53: {  	_ =	shalt  }
0x54: {  	_ =	shalt  }
0x55: {  	_ =	shalt  }
0x56: {  	_ =	shalt  }
0x57: {  	_ =	shalt  }
0x58: {  	_ =	shalt  }
0x59: {  	_ =	shalt  }
0x5a: {  	_ =	shalt  }
0x5b: {  	_ =	shalt  }
0x5c: {  	_ =	shalt  }
0x5d: {  	_ =	shalt  }
0x5e: {  	_ =	shalt  }
0x5f: {  	_ =	shalt  }
0x60: {  	_ =	shalt  }
0x61: {  	_ =	shalt  }
0x62: {  	_ =	shalt  }
0x63: {  	_ =	shalt  }
0x64: {  	_ =	shalt  }
0x65: {  	_ =	shalt  }
0x66: {  	_ =	shalt  }
0x67: {  	_ =	shalt  }
0x68: {  	_ =	shalt  }
0x69: {  	_ =	shalt  }
0x6a: {  	_ =	shalt  }
0x6b: {  	_ =	shalt  }
0x6c: {  	_ =	shalt  }
0x6d: {  	_ =	shalt  }
0x6e: {  	_ =	shalt  }
0x6f: {  	_ =	shalt  }
0x70: {  	_ =	shalt  }
0x71: {  	_ =	shalt  }
0x72: {  	_ =	shalt  }
0x73: {  	_ =	shalt  }
0x74: {  	_ =	shalt  }
0x75: {  	_ =	shalt  }
0x76: {  	_ =	shalt  }
0x77: {  	_ =	shalt  }
0x78: {  	_ =	shalt  }
0x79: {  	_ =	shalt  }
0x7a: {  	_ =	shalt  }
0x7b: {  	_ =	shalt  }
0x7c: {  	_ =	shalt  }
0x7d: {  	_ =	shalt  }
0x7e: {  	_ =	shalt  }
0x7f: {  	_ =	shalt  }
0x80: {  	_ =	shalt  }
0x81: {  	_ =	shalt  }
0x82: {  	_ =	shalt  }
0x83: {  	_ =	shalt  }
0x84: {  	_ =	shalt  }
0x85: {  	_ =	shalt  }
0x86: {  	_ =	shalt  }
0x87: {  	_ =	shalt  }
.Lfunc_end0:
.L_simem_size_0:
called_computation_lowered:
.L_overlay_start_0:
0x88: {  	s2 =	sld [smem:$0x3FD9]  }
0x89: {  	s3 =	sld [smem:$0x3FFE];
	_ =	sdelay $0x1  }
0x8a: {  	s1 =	srdreg.scid  }
0x8b: {  	s0 =	sand.u32 $0x1, s1  }
0x8c: {  	s14 =	sshll.u32 s0, $0xA;
	s2 =	sadd.s32 s3, s2  }
0x8d: {  	s2 =	sadd.s32 s2, s14  }
0x8e: {  	[smem:$0x3FBD] =	sst s2  }
0x8f: {  	_ = 	snop  }
0x90: {  	s2 =	sld [smem:$0x3FD0];
	_ =	sdelay $0x2  }
0x91: {  	s15 =	simm.s32 $0xA;
	s4 =	simm.s32 $0x10  }
0x92: {  	[smem:s4], [sflag:s15] =	dma.local [hbm:s2], $0x1  }
0x93: {  	_ =	swait.eq [sflag:s15], $0x1  }
0x94: {  	[sflag:s15] =	ssyncset.done $0x0  }
0x95: {  	s16 =	sld [smem:$0x10];
	[sflag:s15] =	ssyncadd.s32 $0xFFFFFFFF  }
0x96: {  	s17 =	sld [smem:$0x11];
	(tm) =	ssettm $0x1  }
0x97: {  	s18 =	sld [smem:$0x3FFB];
	_ =	sdelay $0x3  }
0x98: {  	_ =	strace s18  }
0x99: {  	s4 =	sld [smem:$0x3FFC];
	_ =	sdelay $0x3  }
0x9a: {  	_ =	strace s4  }
0x9b: {  	s4 =	sld [smem:$0x3FFD];
	_ =	sdelay $0x3  }
0x9c: {  	_ =	strace s4  }
0x9d: {  	_ =	strace $0x8FFFFFFF  }
0x9e: {  	s19 =	sld [smem:$0x3FDB];
	_ =	sdelay $0x1  }
0x9f: {  	s5 =	simm.s32 $_scs_section_size  }
0xa0: {  	s6 =	simm.s32 $_size__tile_overlayer_lowered;
	s7 =	simm.s32 $_tile_overlayer_lowered  }
0xa1: {  	s22 =	simm.s32 $0x1BFF;
	s21 =	sshll.u32 s7, $0x1;
	s4 =	sadd.s32 s5, s19  }
0xa2: {  	s8 =	simm.s32 $0x0;
	s20 =	sshll.u32 s6, $0x1;
	s6 =	sadd.s32 s21, s4  }
0xa3: {  	[timem:s8], [sflag:s22] =	dma.local [hbm:s6], s20  }
0xa4: {  	_ =	swait.ge [sflag:s22], s20  }
0xa5: {  	s5 =	ssub.s32 $0x0, s20;
	[sflag:s22] =	ssyncset.done $0x0  }
0xa6: {  	[sflag:s22] =	ssyncadd.s32 s5;
	_ =	sdelay $0x1  }
0xa7: {  	s23 =	simm.s32 $0x1B8B  }
0xa8: {  	_ =	swait.ge [sflag:s23], $0x1  }
0xa9: {  	[sflag:s23] =	ssyncset.done $0x0  }
0xaa: {  	s25 =	simm.s32 $0x1B8E;
	s24 =	sld [smem:$0x3FFE];
	[sflag:s23] =	ssyncadd.s32 $0xFFFFFFFF  }
0xab: {  	s26 =	simm.s32 $execute0_lowered;
	[smem:$0x3FD2] =	sst s25  }
0xac: {  	s6 =	sshll.u32 s26, $0x1;
	_ =	strace $0x80000046;
	[dreg:$0x1] =	wrdreg $0xFFFFFFFF  }
0xad: {  	s28 =	simm.s32 $_size_execute0_lowered;
	s4 =	sadd.s32 s4, s6;
	[dreg:$0x0] =	wrdreg $0x0  }
0xae: {  	s6 =	sshll.u32 s28, $0x1;
	[dreg:$0x2] =	wrdreg s4  }
0xaf: {  	[dreg:$0x3] =	wrdreg s6  }
0xb0: {  	[dreg:$0x4] =	wrdreg $0xC0  }
0xb1: {  	_ =	task [dreg:s8], $0x5FFFF  }
0xb2: {  	[dreg:$0x1] =	wrdreg $0xFFFFFFFF  }
0xb3: {  	[dreg:$0x0] =	wrdreg $0x60  }
0xb4: {  	[dreg:$0x2] =	wrdreg s16  }
0xb5: {  	[dreg:$0x3] =	wrdreg s17  }
0xb6: {  	[dreg:$0x4] =	wrdreg s24  }
0xb7: {  	[dreg:$0x5] =	wrdreg $0x66000  }
0xb8: {  	[dreg:$0x6] =	wrdreg $0x9  }
0xb9: {  	_ =	task.clear_ibuf [dreg:s8], $0x7FFFF;
	_ =	strace $0x90000046  }
0xba: {  	s29 =	simm.s32 $0x9;
	_ =	strace $0x80000048  }
0xbb: {  	_ =	swait.ge [sflag:s29], $0x1  }
0xbc: {  	[sflag:s29] =	ssyncadd.s32 $0xFFFFFFFF  }
0xbd: {  	_ =	strace $0x90000048  }
0xbe: {  	_ =	sfence  }
0xbf: {  	s30 =	sld [smem:$0x0];
	_ =	sdelay $0x2  }
0xc0: {  	s31 =	sshll.u32 s1, $0xD;
	s1 =	sshrl.u32 s1, $0x2  }
0xc1: {  	s3 =	sand.u32 $0x4000, s31;
	s1 =	sadd.s32 s1, s30  }
0xc2: {  	s0 =	sor.u32 s3, s0;
	s1 =	sshll.u32 s1, $0x11  }
0xc3: {  	s0 =	sor.u32 s1, s0  }
0xc4: {  	s0 =	sadd.s32 $0x8F2B, s0  }
0xc5: {  	[sflag:s0] =	ssyncadd.remote.s32 $0x1  }
0xc6: {  	_ =	sfence.sel $0xFFFF  }
0xc7: {  	[dreg:$0x0] =	wrdreg $0xFFFFFFFF;
	(pc) =	sbr.abs _section_cstart, $3  }
0xc8: {  	[dreg:$0x1] =	wrdreg $0xFFFFFFFF  }
0xc9: {  	_ =	task.clear_ibuf [dreg:s8], $0x2FFFF;
	_ =	strace $0x9FFFFFFF  }
0xca: {  	(tm) =	ssettm $0x7FFFFFFF  }
0xcb: {  	_ =	shalt  }
tec
execute0_lowered:
.L_overlay_start_1:
0x0: {  	(tag) =	ssettag $0x1  }
0x1: {  	s0 =	srdreg.scid;
	s2 =	rddreg [dreg:$0x2]  }
0x2: {  	s1 =	simm.s32 $0x0;
	s24 =	stileid.u32;
	s28 =	simm.s32 $0x80  }
0x3: {  	s29 =	simm.s32 $0x180;
	s30 =	simm.s32 $0x1600;
	s11 =	sand.u32 $0x1, s0  }
0x4: {  	[smem:$0x7FF] =	sst s1;
	s4 =	sshll.u32 s24, $0x1;
	s16 =	smul.u32 $0x14000, s24  }
0x5: {  	s22 =	sadd.s32 $0x4F7C00, s2;
	s0 =	ssub.s32 $0x2, s11;
	s17 =	sor.u32 s11, s4  }
0x6: {  	s18 =	smul.u32 $0x140000, s11;
	s3 =	sshrl.u32 s0, $0x1;
	s4 =	sor.u32 $0x2800, s16  }
0x7: {  	s5 =	sor.u32 $0x3C00, s16;
	s6 =	sadd.s32 $0x5000, s16;
	s7 =	sadd.s32 $0x6400, s16  }
0x8: {  	s8 =	sadd.s32 $0x7800, s16;
	s9 =	sadd.s32 $0x8C00, s16;
	s10 =	sadd.s32 $0xA000, s16  }
0x9: {  	s11 =	sadd.s32 $0xB400, s16;
	s12 =	sadd.s32 $0xC800, s16;
	s13 =	sadd.s32 $0xDC00, s16  }
0xa: {  	s14 =	sadd.s32 $0xF000, s16;
	s15 =	sadd.s32 $0x10400, s16;
	s19 =	sadd.s32 $0x11800, s16  }
0xb: {  	s0 =	ssub.s32 s0, s3;
	s3 =	sor.u32 $0x1400, s16;
	s20 =	sadd.s32 s16, s18  }
0xc: {  	s21 =	sadd.s32 $0x12C00, s16;
	s20 =	sshrl.u32 s20, $0x3;
	s23 =	sadd.s32 s18, s3  }
0xd: {  	s17 =	smul.u32 $0x2710, s17;
	s25 =	sadd.s32 s22, s20;
	s26 =	sshrl.u32 s23, $0x3  }
0xe: {  	s20 =	sadd.s32 s18, s4;
	[dreg:$0x5] =	wrdreg s25;
	s16 =	sadd.s32 s22, s26  }
0xf: {  	s23 =	sadd.s32 s18, s5;
	[dreg:$0x6] =	wrdreg s16;
	s16 =	sshrl.u32 s20, $0x3  }
0x10: {  	s25 =	sadd.s32 s18, s6;
	s20 =	sshrl.u32 s23, $0x3;
	s16 =	sadd.s32 s22, s16  }
0x11: {  	s23 =	sadd.s32 s18, s7;
	s26 =	sadd.s32 s22, s20;
	[dreg:$0x7] =	wrdreg s16  }
0x12: {  	s20 =	sshrl.u32 s25, $0x3;
	s25 =	sadd.s32 s18, s8;
	[dreg:$0x8] =	wrdreg s26  }
0x13: {  	s16 =	sadd.s32 s22, s20;
	s20 =	sshrl.u32 s25, $0x3;
	s26 =	sadd.s32 s18, s9  }
0x14: {  	[dreg:$0x9] =	wrdreg s16;
	s16 =	sshrl.u32 s23, $0x3;
	s25 =	sadd.s32 s22, s20  }
0x15: {  	s26 =	sshrl.u32 s26, $0x3;
	s16 =	sadd.s32 s22, s16;
	[dreg:$0xb] =	wrdreg s25  }
0x16: {  	s20 =	sadd.s32 s18, s10;
	[dreg:$0xa] =	wrdreg s16;
	s16 =	sadd.s32 s22, s26  }
0x17: {  	s23 =	sadd.s32 s18, s11;
	[dreg:$0xc] =	wrdreg s16;
	s16 =	sshrl.u32 s20, $0x3  }
0x18: {  	s25 =	sadd.s32 s18, s12;
	s20 =	sshrl.u32 s23, $0x3;
	s16 =	sadd.s32 s22, s16  }
0x19: {  	s26 =	sadd.s32 s22, s20;
	s20 =	sshrl.u32 s25, $0x3;
	[dreg:$0xd] =	wrdreg s16  }
0x1a: {  	s23 =	sadd.s32 s18, s13;
	[dreg:$0xe] =	wrdreg s26;
	s16 =	sadd.s32 s22, s20  }
0x1b: {  	s26 =	sadd.s32 s18, s15;
	[dreg:$0xf] =	wrdreg s16;
	s16 =	sshrl.u32 s23, $0x3  }
0x1c: {  	s25 =	sadd.s32 s18, s14;
	s26 =	sshrl.u32 s26, $0x3;
	s16 =	sadd.s32 s22, s16  }
0x1d: {  	s20 =	sshrl.u32 s25, $0x3;
	[dreg:$0x10] =	wrdreg s16;
	s16 =	sadd.s32 s22, s26  }
0x1e: {  	s25 =	sadd.s32 s22, s20;
	[dreg:$0x12] =	wrdreg s16;
	s16 =	sadd.s32 s18, s19  }
0x1f: {  	[dreg:$0x11] =	wrdreg s25;
	s18 =	sadd.s32 s18, s21;
	s20 =	sshrl.u32 s16, $0x3  }
0x20: {  	s25 =	rddreg [dreg:$0x3];
	s23 =	sshrl.u32 s18, $0x3;
	s20 =	sadd.s32 s22, s20  }
0x21: {  	s0 =	smax.u32 s0, $0x1;
	s26 =	sadd.s32 s22, s23;
	[dreg:$0x13] =	wrdreg s20  }
0x22: {  	s31 =	sadd.s32 s4, s25;
	s4 =	sadd.s32 s6, s25;
	[dreg:$0x14] =	wrdreg s26  }
0x23: {  	s6 =	sadd.s32 s8, s25;
	_ =	strace $0x80000047;
	[dreg:$0x19] =	wrdreg s4  }
0x24: {  	s8 =	sadd.s32 s10, s25;
	s10 =	sadd.s32 s12, s25;
	[dreg:$0x1b] =	wrdreg s6  }
0x25: {  	s12 =	sadd.s32 s14, s25;
	s14 =	sadd.s32 s19, s25;
	[dreg:$0x1d] =	wrdreg s8  }
0x26: {  	s18 =	smul.u32 $0x50000, s24;
	s24 =	sadd.s32 $0x15C00, s2;
	[dreg:$0x1f] =	wrdreg s10  }
0x27: {  	s16 =	smov.u32 s25;
	s22 =	sadd.s32 $0x2000, s2;
	[smem:$0x7F5] =	sst s12  }
0x28: {  	s23 =	sadd.s32 $0xBE00, s2;
	s26 =	sshrl.u32 s18, $0x2;
	[smem:$0x7F7] =	sst s14  }
0x29: {  	s20 =	sadd.s32 s26, s25;
	s26 =	sadd.s32 s3, s25;
	[smem:$0x7FC] =	sst s0  }
0x2a: {  	s3 =	sadd.s32 s5, s25;
	s5 =	sadd.s32 s7, s25;
	[dreg:$0x17] =	wrdreg s31  }
0x2b: {  	s7 =	sadd.s32 s9, s25;
	s9 =	sadd.s32 s11, s25;
	[dreg:$0x18] =	wrdreg s3  }
0x2c: {  	s11 =	sadd.s32 s13, s25;
	s13 =	sadd.s32 s15, s25;
	[dreg:$0x1a] =	wrdreg s5  }
0x2d: {  	s25 =	sadd.s32 s21, s25;
	s15 =	sshrl.u32 s17, $0x3;
	[dreg:$0x1c] =	wrdreg s7  }
0x2e: {  	s12 =	sadd.s32 $0x78, s17;
	s14 =	simm.s32 $0x9;
	[dreg:$0x1e] =	wrdreg s9  }
0x2f: {  	s0 =	simm.s32 $0x3;
	s4 =	simm.s32 $0x7;
	[smem:$0x7F4] =	sst s11  }
0x30: {  	s6 =	simm.s32 $0x4;
	s8 =	simm.s32 $0x8;
	[smem:$0x7F6] =	sst s13  }
0x31: {  	s10 =	simm.s32 $0x0;
	s11 =	sadd.s32 $0x28, s17;
	[dreg:$0x15] =	wrdreg s20  }
0x32: {  	s18 =	sadd.s32 s22, s15;
	s2 =	sadd.s32 s23, s15;
	[dreg:$0x16] =	wrdreg s26  }
0x33: {  	s13 =	simm.s32 $0x200;
	s15 =	simm.s32 $0x100;
	[smem:$0x7FD] =	sst s25  }
0x34: {  	s3 =	simm.s32 $0x5;
	[smem:$0x7F8] =	sst s18;
	s19 =	sshrl.u32 s11, $0x3  }
0x35: {  	s5 =	simm.s32 $0x2;
	[smem:$0x7F9] =	sst s2;
	s21 =	sadd.s32 s22, s19  }
0x36: {  	s7 =	simm.s32 $0x6;
	s2 =	sadd.s32 s23, s19;
	[smem:$0x7FA] =	sst s21  }
0x37: {  	s18 =	smov.u32 s17;
	s19 =	simm.s32 $0x28;
	[smem:$0x7FB] =	sst s2  }
0x38: {  	v0 =	vimm.f32 $0.0e+00;
	v1 =	vimm.f32 $1.000000000e+00;
	s21 =	sadd.s32 $0x50, s17;
	s17 =	simm.s32 $0x1;
	s2 =	simm.s32 $0x5200  }
.LBB2_1:
0x39: {  	[smem:$0x7F3] =	sst s10;
	s9 =	simm.s32 $0x0;
	s10 =	simm.s32 $0x200  }
.LBB2_2:
0x3a: {  	p0 =	sne.s32 s10, $0x4E00;
	[tilespmem:s9+$0x5270] =	vst v1  }
0x3b: {  	[tilespmem:s9+$0x200] =	vst v0  }
0x3c: {  	[tilespmem:s9+$0x5200] =	vst v1  }
0x3d: {  	[tilespmem:s9+$0x210] =	vst v0  }
0x3e: {  	[tilespmem:s9+$0x5210] =	vst v1  }
0x3f: {  	[tilespmem:s9+$0x220] =	vst v0  }
0x40: {  	[tilespmem:s9+$0x5220] =	vst v1  }
0x41: {  	[tilespmem:s9+$0x230] =	vst v0  }
0x42: {  	[tilespmem:s9+$0x5230] =	vst v1  }
0x43: {  	[tilespmem:s9+$0x240] =	vst v0  }
0x44: {  	[tilespmem:s9+$0x5240] =	vst v1  }
.Ltmp0:
0x45: {  	[tilespmem:s9+$0x250] =	vst v0;
	(pc) =	sbr.rel @p0 .LBB2_2-.Ltmp0, $4  }
0x46: {  	[tilespmem:s9+$0x5250] =	vst v1  }
0x47: {  	[tilespmem:s9+$0x260] =	vst v0  }
0x48: {  	[tilespmem:s9+$0x5260] =	vst v1  }
0x49: {  	[tilespmem:s9+$0x270] =	vst v0;
	s9 =	sshra.s32 s10, $0x2;
	s10 =	sadd.s32 $0x200, s10  }
0x4a: {  	[tilespmem:s9+$0x5270] =	vst v1  }
0x4b: {  	[tilespmem:s9+$0x200] =	vst v0  }
0x4c: {  	[tilespmem:s9+$0x5200] =	vst v1  }
0x4d: {  	[tilespmem:s9+$0x210] =	vst v0  }
0x4e: {  	[tilespmem:s9+$0x5210] =	vst v1  }
0x4f: {  	[tilespmem:s9+$0x220] =	vst v0  }
0x50: {  	[tilespmem:s9+$0x5220] =	vst v1  }
0x51: {  	[tilespmem:s9+$0x230] =	vst v0  }
0x52: {  	[tilespmem:s9+$0x5230] =	vst v1  }
0x53: {  	[tilespmem:s9+$0x240] =	vst v0  }
0x54: {  	[tilespmem:s9+$0x5240] =	vst v1  }
0x55: {  	[tilespmem:s9+$0x250] =	vst v0  }
0x56: {  	[tilespmem:s9+$0x5250] =	vst v1  }
0x57: {  	[tilespmem:s9+$0x260] =	vst v0  }
0x58: {  	[tilespmem:s9+$0x5260] =	vst v1  }
0x59: {  	[tilespmem:s9+$0x270] =	vst v0  }
0x5a: {  	[spmem:s20] =	stream.linear.scatter [tilespmem:s13], [sflag:$0x9], $0x1400, $0x38;
	[tilespmem:$0x1A600] =	vst v63  }
0x5b: {  	_ =	swait.ge [sflag:s14], $0x1400  }
0x5c: {  	[sflag:s14] =	ssyncset.done $0x0  }
0x5d: {  	[sflag:s14] =	ssyncadd.s32 $0xFFFFEC00  }
0x5e: {  	[spmem:s26] =	stream.linear.scatter [tilespmem:s13], [sflag:$0x9], $0x1400, $0x38;
	[tilespmem:$0x1A600] =	vst v63  }
0x5f: {  	_ =	swait.ge [sflag:s14], $0x1400  }
0x60: {  	[sflag:s14] =	ssyncset.done $0x0  }
0x61: {  	[sflag:s14] =	ssyncadd.s32 $0xFFFFEC00  }
0x62: {  	[spmem:s31] =	stream.linear.scatter [tilespmem:s13], [sflag:$0x9], $0x1400, $0x38;
	[tilespmem:$0x1A600] =	vst v63  }
0x63: {  	_ =	swait.ge [sflag:s14], $0x1400  }
0x64: {  	[sflag:s14] =	ssyncset.done $0x0  }
0x65: {  	s20 =	rddreg [dreg:$0x18];
	[sflag:s14] =	ssyncadd.s32 $0xFFFFEC00  }
0x66: {  	[spmem:s20] =	stream.linear.scatter [tilespmem:s13], [sflag:$0x9], $0x1400, $0x38;
	[tilespmem:$0x1A600] =	vst v63  }
0x67: {  	_ =	swait.ge [sflag:s14], $0x1400  }
0x68: {  	[sflag:s14] =	ssyncset.done $0x0  }
0x69: {  	s26 =	rddreg [dreg:$0x19];
	[sflag:s14] =	ssyncadd.s32 $0xFFFFEC00  }
0x6a: {  	[spmem:s26] =	stream.linear.scatter [tilespmem:s13], [sflag:$0x9], $0x1400, $0x38;
	[tilespmem:$0x1A600] =	vst v63  }
0x6b: {  	_ =	swait.ge [sflag:s14], $0x1400  }
0x6c: {  	[sflag:s14] =	ssyncset.done $0x0  }
0x6d: {  	s31 =	rddreg [dreg:$0x1a];
	[sflag:s14] =	ssyncadd.s32 $0xFFFFEC00  }
0x6e: {  	[spmem:s31] =	stream.linear.scatter [tilespmem:s13], [sflag:$0x9], $0x1400, $0x38;
	[tilespmem:$0x1A600] =	vst v63  }
0x6f: {  	_ =	swait.ge [sflag:s14], $0x1400  }
0x70: {  	[sflag:s14] =	ssyncset.done $0x0  }
0x71: {  	s10 =	rddreg [dreg:$0x1b];
	[sflag:s14] =	ssyncadd.s32 $0xFFFFEC00  }
0x72: {  	[spmem:s10] =	stream.linear.scatter [tilespmem:s13], [sflag:$0x9], $0x1400, $0x38;
	[tilespmem:$0x1A600] =	vst v63  }
0x73: {  	_ =	swait.ge [sflag:s14], $0x1400  }
0x74: {  	[sflag:s14] =	ssyncset.done $0x0  }
0x75: {  	s20 =	rddreg [dreg:$0x1c];
	[sflag:s14] =	ssyncadd.s32 $0xFFFFEC00  }
0x76: {  	[spmem:s20] =	stream.linear.scatter [tilespmem:s13], [sflag:$0x9], $0x1400, $0x38;
	[tilespmem:$0x1A600] =	vst v63  }
0x77: {  	_ =	swait.ge [sflag:s14], $0x1400  }
0x78: {  	[sflag:s14] =	ssyncset.done $0x0  }
0x79: {  	s26 =	rddreg [dreg:$0x1d];
	[sflag:s14] =	ssyncadd.s32 $0xFFFFEC00  }
0x7a: {  	[spmem:s26] =	stream.linear.scatter [tilespmem:s13], [sflag:$0x9], $0x1400, $0x38;
	[tilespmem:$0x1A600] =	vst v63  }
0x7b: {  	_ =	swait.ge [sflag:s14], $0x1400  }
0x7c: {  	[sflag:s14] =	ssyncset.done $0x0  }
0x7d: {  	s31 =	rddreg [dreg:$0x1e];
	[sflag:s14] =	ssyncadd.s32 $0xFFFFEC00  }
0x7e: {  	[spmem:s31] =	stream.linear.scatter [tilespmem:s13], [sflag:$0x9], $0x1400, $0x38;
	[tilespmem:$0x1A600] =	vst v63  }
0x7f: {  	_ =	swait.ge [sflag:s14], $0x1400  }
0x80: {  	[sflag:s14] =	ssyncset.done $0x0  }
0x81: {  	s10 =	rddreg [dreg:$0x1f];
	[sflag:s14] =	ssyncadd.s32 $0xFFFFEC00  }
0x82: {  	[spmem:s10] =	stream.linear.scatter [tilespmem:s13], [sflag:$0x9], $0x1400, $0x38;
	[tilespmem:$0x1A600] =	vst v63  }
0x83: {  	_ =	swait.ge [sflag:s14], $0x1400  }
0x84: {  	s20 =	sld [smem:$0x7F4]  }
0x85: {  	[sflag:s14] =	ssyncset.done $0x0  }
0x86: {  	[sflag:s14] =	ssyncadd.s32 $0xFFFFEC00  }
0x87: {  	[spmem:s20] =	stream.linear.scatter [tilespmem:s13], [sflag:$0x9], $0x1400, $0x38;
	[tilespmem:$0x1A600] =	vst v63  }
0x88: {  	_ =	swait.ge [sflag:s14], $0x1400  }
0x89: {  	s26 =	sld [smem:$0x7F5]  }
0x8a: {  	[sflag:s14] =	ssyncset.done $0x0  }
0x8b: {  	[sflag:s14] =	ssyncadd.s32 $0xFFFFEC00  }
0x8c: {  	[spmem:s26] =	stream.linear.scatter [tilespmem:s13], [sflag:$0x9], $0x1400, $0x38;
	[tilespmem:$0x1A600] =	vst v63  }
0x8d: {  	_ =	swait.ge [sflag:s14], $0x1400  }
0x8e: {  	s31 =	sld [smem:$0x7F6]  }
0x8f: {  	[sflag:s14] =	ssyncset.done $0x0  }
0x90: {  	[sflag:s14] =	ssyncadd.s32 $0xFFFFEC00  }
0x91: {  	[spmem:s31] =	stream.linear.scatter [tilespmem:s13], [sflag:$0x9], $0x1400, $0x38;
	[tilespmem:$0x1A600] =	vst v63  }
0x92: {  	_ =	swait.ge [sflag:s14], $0x1400  }
0x93: {  	s10 =	sld [smem:$0x7F7]  }
0x94: {  	[sflag:s14] =	ssyncset.done $0x0  }
0x95: {  	[sflag:s14] =	ssyncadd.s32 $0xFFFFEC00  }
0x96: {  	[spmem:s10] =	stream.linear.scatter [tilespmem:s13], [sflag:$0x9], $0x1400, $0x38;
	[tilespmem:$0x1A600] =	vst v63  }
0x97: {  	_ =	swait.ge [sflag:s14], $0x1400  }
0x98: {  	[sflag:s14] =	ssyncset.done $0x0  }
0x99: {  	[sflag:s14] =	ssyncadd.s32 $0xFFFFEC00  }
0x9a: {  	[spmem:s25] =	stream.linear.scatter [tilespmem:s13], [sflag:$0x9], $0x1400, $0x38;
	[tilespmem:$0x1A600] =	vst v63  }
0x9b: {  	_ =	swait.ge [sflag:s14], $0x1400  }
0x9c: {  	s20 =	sld [smem:$0x7F8]  }
0x9d: {  	[sflag:s14] =	ssyncset.done $0x0  }
0x9e: {  	s10 =	simm.s32 $0x0;
	[sflag:s14] =	ssyncadd.s32 $0xFFFFEC00  }
0x9f: {  	[tilespmem:s10], [sflag:$0x9] =	stream.linear.gather [hbm4b:s20+s10], $0x28, $0x38;
	[tilespmem:$0x1A600] =	vst v63  }
0xa0: {  	_ =	swait.ge [sflag:s14], $0x28  }
0xa1: {  	s25 =	sld [smem:$0x7F9]  }
0xa2: {  	[sflag:s14] =	ssyncset.done $0x0  }
0xa3: {  	[sflag:s14] =	ssyncadd.s32 $0xFFFFFFD8  }
0xa4: {  	[tilespmem:s15], [sflag:$0x9] =	stream.linear.gather [hbm4b:s25+s10], $0x28, $0x38;
	[tilespmem:$0x1A600] =	vst v63  }
0xa5: {  	_ =	swait.ge [sflag:s14], $0x28  }
0xa6: {  	[sflag:s14] =	ssyncset.done $0x0  }
0xa7: {  	s31 =	sld [smem:$0x7FA];
	[sflag:s14] =	ssyncadd.s32 $0xFFFFFFD8  }
0xa8: {  	s9 =	rddreg [dreg:$0x0]  }
0xa9: {  	[tilespmem:s13], [sflag:$0x1] =	stream.indirect.gather [hbm4b:s9+s19], $0x80, s10, s19, $0xb8;
	[tilespmem:$0x1A600] =	vst v63  }
0xaa: {  	s26 =	simm.s32 $0x2A00;
	s20 =	rddreg [dreg:$0x1]  }
0xab: {  	[tilespmem:s26], [sflag:$0x3] =	stream.indirect.gather [hbm4b:s20+s19], $0x80, s15, s19, $0xb8;
	[tilespmem:$0x1A600] =	vst v63  }
0xac: {  	_ = 	snop  }
0xad: {  	[tilespmem:s28], [sflag:$0x9] =	stream.linear.gather [hbm4b:s31+s10], $0x28, $0x38;
	[tilespmem:$0x1A600] =	vst v63  }
0xae: {  	_ =	swait.ge [sflag:s14], $0x28  }
0xaf: {  	s26 =	sld [smem:$0x7FB]  }
0xb0: {  	[sflag:s14] =	ssyncset.done $0x0  }
0xb1: {  	[sflag:s14] =	ssyncadd.s32 $0xFFFFFFD8  }
0xb2: {  	[tilespmem:s29], [sflag:$0x9] =	stream.linear.gather [hbm4b:s26+s10], $0x28, $0x38;
	[tilespmem:$0x1A600] =	vst v63  }
0xb3: {  	_ =	swait.ge [sflag:s14], $0x28  }
0xb4: {  	[sflag:s14] =	ssyncset.done $0x0  }
0xb5: {  	[sflag:s14] =	ssyncadd.s32 $0xFFFFFFD8  }
0xb6: {  	[tilespmem:s30], [sflag:$0x2] =	stream.indirect.gather [hbm4b:s9+s19], $0x80, s28, s19, $0xb8;
	[tilespmem:$0x1A600] =	vst v63  }
0xb7: {  	s31 =	simm.s32 $0x3E00  }
0xb8: {  	[tilespmem:s31], [sflag:$0x4] =	stream.indirect.gather [hbm4b:s20+s19], $0x80, s29, s19, $0xb8;
	[tilespmem:$0x1A600] =	vst v63  }
0xb9: {  	[bflag:$0x0] =	sbarrier.arrive $0xFFFF  }
.LBB2_4:
0xba: {  	_ =	swait.ge [sflag:s17], $0x1400  }
0xbb: {  	[sflag:s17] =	ssyncset.done $0x0  }
0xbc: {  	[sflag:s17] =	ssyncadd.s32 $0xFFFFEC00  }
0xbd: {  	_ =	swait.ge [sflag:s0], $0x1400  }
0xbe: {  	[sflag:s0] =	ssyncset.done $0x0  }
0xbf: {  	s26 =	simm.s32 $0x0;
	[sflag:s0] =	ssyncadd.s32 $0xFFFFEC00  }
0xc0: {  	[spmem:s16] =	stream.indirect.scatter.add.f32 [tilespmem:s2], [sflag:$0x5], $0x80, s15, s19, $0xb8;
	[tilespmem:$0x1A600] =	vst v63  }
0xc1: {  	v8 =	vld [tilespmem:s26+$0x2A00]  }
0xc2: {  	v13 =	vld [tilespmem:s26+$0x2A10]  }
0xc3: {  	v7 =	vld [tilespmem:s26+$0x2A20]  }
0xc4: {  	v6 =	vld [tilespmem:s26+$0x2A30]  }
0xc5: {  	v5 =	vld [tilespmem:s26+$0x2A40]  }
0xc6: {  	v4 =	vld [tilespmem:s26+$0x2A50]  }
0xc7: {  	v3 =	vld [tilespmem:s26+$0x2A60]  }
0xc8: {  	v2 =	vld [tilespmem:s26+$0x2A70]  }
0xc9: {  	v14 =	vld [tilespmem:s26+$0x200]  }
0xca: {  	v15 =	vld [tilespmem:s26+$0x210]  }
0xcb: {  	v12 =	vld [tilespmem:s26+$0x220]  }
0xcc: {  	v11 =	vld [tilespmem:s26+$0x230]  }
0xcd: {  	v10 =	vld [tilespmem:s26+$0x240]  }
0xce: {  	v9 =	vld [tilespmem:s26+$0x250];
	v14 =	vadd.f32 v8, v14  }
0xcf: {  	s9 =	simm.s32 $0x200;
	v13 =	vadd.f32 v13, v15;
	v8 =	vld [tilespmem:s26+$0x260]  }
.LBB2_5:
0xd0: {  	s20 =	sshra.s32 s9, $0x2;
	p0 =	sne.s32 s9, $0x4E00;
	[tilespmem:s26+$0x200] =	vst v14;
	v7 =	vadd.f32 v7, v12;
	v12 =	vld [tilespmem:s26+$0x270]  }
0xd1: {  	v14 =	vld [tilespmem:s20+$0x2A00];
	[tilespmem:s26+$0x210] =	vst v13;
	v6 =	vadd.f32 v6, v11  }
0xd2: {  	v13 =	vld [tilespmem:s20+$0x2A10];
	[tilespmem:s26+$0x220] =	vst v7;
	v5 =	vadd.f32 v5, v10  }
0xd3: {  	v7 =	vld [tilespmem:s20+$0x2A20];
	[tilespmem:s26+$0x230] =	vst v6;
	v4 =	vadd.f32 v4, v9  }
0xd4: {  	v6 =	vld [tilespmem:s20+$0x2A30];
	[tilespmem:s26+$0x240] =	vst v5;
	v3 =	vadd.f32 v3, v8  }
0xd5: {  	v5 =	vld [tilespmem:s20+$0x2A40];
	[tilespmem:s26+$0x250] =	vst v4;
	v2 =	vadd.f32 v2, v12  }
0xd6: {  	v4 =	vld [tilespmem:s20+$0x2A50];
	[tilespmem:s26+$0x260] =	vst v3  }
0xd7: {  	v3 =	vld [tilespmem:s20+$0x2A60];
	[tilespmem:s26+$0x270] =	vst v2;
	s26 =	smov.u32 s20  }
0xd8: {  	v2 =	vld [tilespmem:s26+$0x2A70]  }
0xd9: {  	v8 =	vld [tilespmem:s26+$0x200]  }
0xda: {  	v15 =	vld [tilespmem:s26+$0x210]  }
.Ltmp1:
0xdb: {  	v12 =	vld [tilespmem:s26+$0x220];
	(pc) =	sbr.rel @p0 .LBB2_5-.Ltmp1, $4  }
0xdc: {  	v11 =	vld [tilespmem:s26+$0x230]  }
0xdd: {  	v10 =	vld [tilespmem:s26+$0x240]  }
0xde: {  	v14 =	vadd.f32 v14, v8;
	v9 =	vld [tilespmem:s26+$0x250]  }
0xdf: {  	s9 =	sadd.s32 $0x200, s9;
	v13 =	vadd.f32 v13, v15;
	v8 =	vld [tilespmem:s26+$0x260]  }
0xe0: {  	[tilespmem:s26+$0x200] =	vst v14;
	v7 =	vadd.f32 v7, v12;
	v12 =	vld [tilespmem:s26+$0x270]  }
0xe1: {  	[tilespmem:s26+$0x210] =	vst v13;
	v6 =	vadd.f32 v6, v11  }
0xe2: {  	[tilespmem:s26+$0x220] =	vst v7;
	v5 =	vadd.f32 v5, v10  }
0xe3: {  	s9 =	smul.u32 $0x50, s10;
	[tilespmem:s26+$0x230] =	vst v6;
	v4 =	vadd.f32 v4, v9  }
0xe4: {  	[tilespmem:s26+$0x240] =	vst v5;
	v3 =	vadd.f32 v3, v8  }
0xe5: {  	s20 =	sadd.s32 s18, s9;
	[tilespmem:s26+$0x250] =	vst v4;
	v2 =	vadd.f32 v2, v12  }
0xe6: {  	s20 =	sshll.u32 s20, $0x4;
	[tilespmem:s26+$0x260] =	vst v3  }
0xe7: {  	s31 =	simm.s32 $0x0;
	s20 =	sadd.s32 s24, s20;
	[tilespmem:s26+$0x270] =	vst v2;
	s26 =	sshll.u32 s10, $0x1  }
0xe8: {  	[hbm4b:s20+s31] =	stream.linear.scatter [tilespmem:s13], [sflag:$0x7], $0x1400, $0x38;
	[tilespmem:$0x1A600] =	vst v63  }
0xe9: {  	s25 =	smin.u32 s26, $0xF7;
	_ =	swait.ge [sflag:s3], $0x1400  }
0xea: {  	s20 =	smul.u32 $0x28, s25;
	[sflag:s3] =	ssyncset.done $0x0  }
0xeb: {  	[sflag:s3] =	ssyncadd.s32 $0xFFFFEC00  }
0xec: {  	s20 =	sadd.s32 s20, s21;
	_ =	swait.ge [sflag:s4], $0x1400  }
0xed: {  	s20 =	sshrl.u32 s20, $0x3;
	[sflag:s4] =	ssyncset.done $0x0  }
0xee: {  	s25 =	sadd.s32 s22, s20;
	[sflag:s4] =	ssyncadd.s32 $0xFFFFEC00  }
0xef: {  	[tilespmem:s31], [sflag:$0x9] =	stream.linear.gather [hbm4b:s25+s31], $0x28, $0x38;
	[tilespmem:$0x1A600] =	vst v63  }
0xf0: {  	_ =	swait.ge [sflag:s14], $0x28  }
0xf1: {  	[sflag:s14] =	ssyncset.done $0x0  }
0xf2: {  	s20 =	sadd.s32 s23, s20;
	[sflag:s14] =	ssyncadd.s32 $0xFFFFFFD8  }
0xf3: {  	[tilespmem:s15], [sflag:$0x9] =	stream.linear.gather [hbm4b:s20+s31], $0x28, $0x38;
	[tilespmem:$0x1A600] =	vst v63  }
0xf4: {  	_ =	swait.ge [sflag:s14], $0x28  }
0xf5: {  	[sflag:s14] =	ssyncset.done $0x0  }
0xf6: {  	[sflag:s14] =	ssyncadd.s32 $0xFFFFFFD8  }
0xf7: {  	s25 =	rddreg [dreg:$0x0]  }
0xf8: {  	[tilespmem:s13], [sflag:$0x1] =	stream.indirect.gather [hbm4b:s25+s19], $0x80, s31, s19, $0xb8;
	[tilespmem:$0x1A600] =	vst v63  }
0xf9: {  	s20 =	rddreg [dreg:$0x1];
	s25 =	simm.s32 $0x2A00  }
0xfa: {  	[tilespmem:s25], [sflag:$0x3] =	stream.indirect.gather [hbm4b:s20+s19], $0x80, s15, s19, $0xb8;
	[tilespmem:$0x1A600] =	vst v63  }
0xfb: {  	_ =	swait.ge [sflag:s5], $0x1400  }
0xfc: {  	[sflag:s5] =	ssyncset.done $0x0  }
0xfd: {  	[sflag:s5] =	ssyncadd.s32 $0xFFFFEC00  }
0xfe: {  	_ =	swait.ge [sflag:s6], $0x1400  }
0xff: {  	[sflag:s6] =	ssyncset.done $0x0  }
0x100: {  	s31 =	simm.s32 $0x0;
	[sflag:s6] =	ssyncadd.s32 $0xFFFFEC00  }
0x101: {  	[spmem:s16] =	stream.indirect.scatter.add.f32 [tilespmem:s2], [sflag:$0x6], $0x80, s29, s19, $0xb8;
	[tilespmem:$0x1A600] =	vst v63  }
0x102: {  	v9 =	vld [tilespmem:s31+$0x3E00]  }
0x103: {  	v13 =	vld [tilespmem:s31+$0x3E10]  }
0x104: {  	v7 =	vld [tilespmem:s31+$0x3E20]  }
0x105: {  	v6 =	vld [tilespmem:s31+$0x3E30]  }
0x106: {  	v5 =	vld [tilespmem:s31+$0x3E40]  }
0x107: {  	v4 =	vld [tilespmem:s31+$0x3E50]  }
0x108: {  	v3 =	vld [tilespmem:s31+$0x3E60]  }
0x109: {  	v2 =	vld [tilespmem:s31+$0x3E70]  }
0x10a: {  	v14 =	vld [tilespmem:s31+$0x1600]  }
0x10b: {  	v15 =	vld [tilespmem:s31+$0x1610]  }
0x10c: {  	v12 =	vld [tilespmem:s31+$0x1620]  }
0x10d: {  	v11 =	vld [tilespmem:s31+$0x1630]  }
0x10e: {  	v10 =	vld [tilespmem:s31+$0x1640]  }
0x10f: {  	v8 =	vld [tilespmem:s31+$0x1650];
	v14 =	vadd.f32 v9, v14  }
0x110: {  	s20 =	simm.s32 $0x200;
	v13 =	vadd.f32 v13, v15;
	v9 =	vld [tilespmem:s31+$0x1660]  }
.LBB2_7:
0x111: {  	s25 =	sshra.s32 s20, $0x2;
	p0 =	sne.s32 s20, $0x4E00;
	[tilespmem:s31+$0x1600] =	vst v14;
	v7 =	vadd.f32 v7, v12;
	v12 =	vld [tilespmem:s31+$0x1670]  }
0x112: {  	v14 =	vld [tilespmem:s25+$0x3E00];
	[tilespmem:s31+$0x1610] =	vst v13;
	v6 =	vadd.f32 v6, v11  }
0x113: {  	v13 =	vld [tilespmem:s25+$0x3E10];
	[tilespmem:s31+$0x1620] =	vst v7;
	v5 =	vadd.f32 v5, v10  }
0x114: {  	v7 =	vld [tilespmem:s25+$0x3E20];
	[tilespmem:s31+$0x1630] =	vst v6;
	v4 =	vadd.f32 v4, v8  }
0x115: {  	v6 =	vld [tilespmem:s25+$0x3E30];
	[tilespmem:s31+$0x1640] =	vst v5;
	v3 =	vadd.f32 v3, v9  }
0x116: {  	v5 =	vld [tilespmem:s25+$0x3E40];
	[tilespmem:s31+$0x1650] =	vst v4;
	v2 =	vadd.f32 v2, v12  }
0x117: {  	v4 =	vld [tilespmem:s25+$0x3E50];
	[tilespmem:s31+$0x1660] =	vst v3  }
0x118: {  	v3 =	vld [tilespmem:s25+$0x3E60];
	[tilespmem:s31+$0x1670] =	vst v2;
	s31 =	smov.u32 s25  }
0x119: {  	v2 =	vld [tilespmem:s31+$0x3E70]  }
0x11a: {  	v8 =	vld [tilespmem:s31+$0x1600]  }
0x11b: {  	v9 =	vld [tilespmem:s31+$0x1610]  }
.Ltmp2:
0x11c: {  	v12 =	vld [tilespmem:s31+$0x1620];
	(pc) =	sbr.rel @p0 .LBB2_7-.Ltmp2, $4  }
0x11d: {  	v11 =	vld [tilespmem:s31+$0x1630]  }
0x11e: {  	v10 =	vld [tilespmem:s31+$0x1640]  }
0x11f: {  	v14 =	vadd.f32 v14, v8;
	v8 =	vld [tilespmem:s31+$0x1650]  }
0x120: {  	s20 =	sadd.s32 $0x200, s20;
	v13 =	vadd.f32 v13, v9;
	v9 =	vld [tilespmem:s31+$0x1660]  }
0x121: {  	[tilespmem:s31+$0x1600] =	vst v14;
	v7 =	vadd.f32 v7, v12;
	v63 =	vld [tilespmem:s31+$0x1670]  }
0x122: {  	[tilespmem:s31+$0x1610] =	vst v13;
	v6 =	vadd.f32 v6, v11  }
0x123: {  	[tilespmem:s31+$0x1620] =	vst v7;
	v5 =	vadd.f32 v5, v10  }
0x124: {  	[tilespmem:s31+$0x1630] =	vst v6;
	v4 =	vadd.f32 v4, v8  }
0x125: {  	[tilespmem:s31+$0x1640] =	vst v5;
	v3 =	vadd.f32 v3, v9  }
0x126: {  	s9 =	sadd.s32 s9, s11;
	[tilespmem:s31+$0x1650] =	vst v4;
	v2 =	vadd.f32 v2, v63  }
0x127: {  	s9 =	sshll.u32 s9, $0x4;
	[tilespmem:s31+$0x1660] =	vst v3  }
0x128: {  	s9 =	sadd.s32 s24, s9;
	[tilespmem:s31+$0x1670] =	vst v2  }
0x129: {  	[hbm4b:s9+s1] =	stream.linear.scatter [tilespmem:s30], [sflag:$0x8], $0x1400, $0x38;
	[tilespmem:$0x1A600] =	vst v63  }
0x12a: {  	s20 =	smin.u32 s26, $0xF6;
	_ =	swait.ge [sflag:s7], $0x1400  }
0x12b: {  	s9 =	smul.u32 $0x28, s20;
	[sflag:s7] =	ssyncset.done $0x0  }
0x12c: {  	[sflag:s7] =	ssyncadd.s32 $0xFFFFEC00  }
0x12d: {  	s9 =	sadd.s32 s9, s12;
	_ =	swait.ge [sflag:s8], $0x1400  }
0x12e: {  	s9 =	sshrl.u32 s9, $0x3;
	[sflag:s8] =	ssyncset.done $0x0  }
0x12f: {  	s20 =	sadd.s32 s22, s9;
	[sflag:s8] =	ssyncadd.s32 $0xFFFFEC00  }
0x130: {  	[tilespmem:s28], [sflag:$0x9] =	stream.linear.gather [hbm4b:s20+s1], $0x28, $0x38;
	[tilespmem:$0x1A600] =	vst v63  }
0x131: {  	_ =	swait.ge [sflag:s14], $0x28  }
0x132: {  	[sflag:s14] =	ssyncset.done $0x0  }
0x133: {  	s9 =	sadd.s32 s23, s9;
	[sflag:s14] =	ssyncadd.s32 $0xFFFFFFD8  }
0x134: {  	[tilespmem:s29], [sflag:$0x9] =	stream.linear.gather [hbm4b:s9+s1], $0x28, $0x38;
	[tilespmem:$0x1A600] =	vst v63  }
0x135: {  	s10 =	sadd.s32 $0x1, s10;
	_ =	swait.ge [sflag:s14], $0x28  }
0x136: {  	p0 =	sne.s32 s10, $0x7D;
	[sflag:s14] =	ssyncset.done $0x0  }
.Ltmp3:
0x137: {  	[sflag:s14] =	ssyncadd.s32 $0xFFFFFFD8;
	(pc) =	sbr.rel @p0 .LBB2_4-.Ltmp3, $4  }
0x138: {  	s25 =	rddreg [dreg:$0x0]  }
0x139: {  	[tilespmem:s30], [sflag:$0x2] =	stream.indirect.gather [hbm4b:s25+s19], $0x80, s28, s19, $0xb8;
	[tilespmem:$0x1A600] =	vst v63  }
0x13a: {  	s31 =	simm.s32 $0x3E00;
	s26 =	rddreg [dreg:$0x1]  }
0x13b: {  	[tilespmem:s31], [sflag:$0x4] =	stream.indirect.gather [hbm4b:s26+s19], $0x80, s29, s19, $0xb8;
	[tilespmem:$0x1A600] =	vst v63  }
0x13c: {  	_ =	swait.ge [sflag:s17], $0x1400  }
0x13d: {  	[sflag:s17] =	ssyncset.done $0x0  }
0x13e: {  	[sflag:s17] =	ssyncadd.s32 $0xFFFFEC00  }
0x13f: {  	_ =	swait.ge [sflag:s0], $0x1400  }
0x140: {  	[sflag:s0] =	ssyncset.done $0x0  }
0x141: {  	[sflag:s0] =	ssyncadd.s32 $0xFFFFEC00  }
0x142: {  	_ =	swait.ge [sflag:s5], $0x1400  }
0x143: {  	[sflag:s5] =	ssyncset.done $0x0  }
0x144: {  	[sflag:s5] =	ssyncadd.s32 $0xFFFFEC00  }
0x145: {  	_ =	swait.ge [sflag:s6], $0x1400  }
0x146: {  	[sflag:s6] =	ssyncset.done $0x0  }
0x147: {  	[sflag:s6] =	ssyncadd.s32 $0xFFFFEC00  }
0x148: {  	[bflag:$0x0] =	sbarrier.arrive $0xFFFF  }
0x149: {  	s20 =	rddreg [dreg:$0x15]  }
0x14a: {  	[tilespmem:s13], [sflag:$0x9] =	stream.linear.gather [spmem:s20], $0x1400, $0x38;
	[tilespmem:$0x1A600] =	vst v63  }
0x14b: {  	_ =	swait.ge [sflag:s14], $0x1400  }
0x14c: {  	[sflag:s14] =	ssyncset.done $0x0  }
0x14d: {  	s9 =	rddreg [dreg:$0x5];
	[sflag:s14] =	ssyncadd.s32 $0xFFFFEC00  }
0x14e: {  	[hbm4b:s9+s1] =	stream.linear.scatter [tilespmem:s13], [sflag:$0x9], $0x1400, $0x38;
	[tilespmem:$0x1A600] =	vst v63  }
0x14f: {  	_ =	swait.ge [sflag:s14], $0x1400  }
0x150: {  	[sflag:s14] =	ssyncset.done $0x0  }
0x151: {  	s26 =	rddreg [dreg:$0x16];
	[sflag:s14] =	ssyncadd.s32 $0xFFFFEC00  }
0x152: {  	[tilespmem:s13], [sflag:$0x9] =	stream.linear.gather [spmem:s26], $0x1400, $0x38;
	[tilespmem:$0x1A600] =	vst v63  }
0x153: {  	_ =	swait.ge [sflag:s14], $0x1400  }
0x154: {  	[sflag:s14] =	ssyncset.done $0x0  }
0x155: {  	s10 =	rddreg [dreg:$0x6];
	[sflag:s14] =	ssyncadd.s32 $0xFFFFEC00  }
0x156: {  	[hbm4b:s10+s1] =	stream.linear.scatter [tilespmem:s13], [sflag:$0x9], $0x1400, $0x38;
	[tilespmem:$0x1A600] =	vst v63  }
0x157: {  	_ =	swait.ge [sflag:s14], $0x1400  }
0x158: {  	[sflag:s14] =	ssyncset.done $0x0  }
0x159: {  	s31 =	rddreg [dreg:$0x17];
	[sflag:s14] =	ssyncadd.s32 $0xFFFFEC00  }
0x15a: {  	[tilespmem:s13], [sflag:$0x9] =	stream.linear.gather [spmem:s31], $0x1400, $0x38;
	[tilespmem:$0x1A600] =	vst v63  }
0x15b: {  	_ =	swait.ge [sflag:s14], $0x1400  }
0x15c: {  	[sflag:s14] =	ssyncset.done $0x0  }
0x15d: {  	s25 =	rddreg [dreg:$0x7];
	[sflag:s14] =	ssyncadd.s32 $0xFFFFEC00  }
0x15e: {  	[hbm4b:s25+s1] =	stream.linear.scatter [tilespmem:s13], [sflag:$0x9], $0x1400, $0x38;
	[tilespmem:$0x1A600] =	vst v63  }
0x15f: {  	_ =	swait.ge [sflag:s14], $0x1400  }
0x160: {  	[sflag:s14] =	ssyncset.done $0x0  }
0x161: {  	s10 =	rddreg [dreg:$0x18];
	[sflag:s14] =	ssyncadd.s32 $0xFFFFEC00  }
0x162: {  	[tilespmem:s13], [sflag:$0x9] =	stream.linear.gather [spmem:s10], $0x1400, $0x38;
	[tilespmem:$0x1A600] =	vst v63  }
0x163: {  	_ =	swait.ge [sflag:s14], $0x1400  }
0x164: {  	[sflag:s14] =	ssyncset.done $0x0  }
0x165: {  	s25 =	rddreg [dreg:$0x8];
	[sflag:s14] =	ssyncadd.s32 $0xFFFFEC00  }
0x166: {  	[hbm4b:s25+s1] =	stream.linear.scatter [tilespmem:s13], [sflag:$0x9], $0x1400, $0x38;
	[tilespmem:$0x1A600] =	vst v63  }
0x167: {  	_ =	swait.ge [sflag:s14], $0x1400  }
0x168: {  	[sflag:s14] =	ssyncset.done $0x0  }
0x169: {  	s10 =	rddreg [dreg:$0x19];
	[sflag:s14] =	ssyncadd.s32 $0xFFFFEC00  }
0x16a: {  	[tilespmem:s13], [sflag:$0x9] =	stream.linear.gather [spmem:s10], $0x1400, $0x38;
	[tilespmem:$0x1A600] =	vst v63  }
0x16b: {  	_ =	swait.ge [sflag:s14], $0x1400  }
0x16c: {  	[sflag:s14] =	ssyncset.done $0x0  }
0x16d: {  	s25 =	rddreg [dreg:$0x9];
	[sflag:s14] =	ssyncadd.s32 $0xFFFFEC00  }
0x16e: {  	[hbm4b:s25+s1] =	stream.linear.scatter [tilespmem:s13], [sflag:$0x9], $0x1400, $0x38;
	[tilespmem:$0x1A600] =	vst v63  }
0x16f: {  	_ =	swait.ge [sflag:s14], $0x1400  }
0x170: {  	[sflag:s14] =	ssyncset.done $0x0  }
0x171: {  	s10 =	rddreg [dreg:$0x1a];
	[sflag:s14] =	ssyncadd.s32 $0xFFFFEC00  }
0x172: {  	[tilespmem:s13], [sflag:$0x9] =	stream.linear.gather [spmem:s10], $0x1400, $0x38;
	[tilespmem:$0x1A600] =	vst v63  }
0x173: {  	_ =	swait.ge [sflag:s14], $0x1400  }
0x174: {  	[sflag:s14] =	ssyncset.done $0x0  }
0x175: {  	s25 =	rddreg [dreg:$0xa];
	[sflag:s14] =	ssyncadd.s32 $0xFFFFEC00  }
0x176: {  	[hbm4b:s25+s1] =	stream.linear.scatter [tilespmem:s13], [sflag:$0x9], $0x1400, $0x38;
	[tilespmem:$0x1A600] =	vst v63  }
0x177: {  	_ =	swait.ge [sflag:s14], $0x1400  }
0x178: {  	[sflag:s14] =	ssyncset.done $0x0  }
0x179: {  	s10 =	rddreg [dreg:$0x1b];
	[sflag:s14] =	ssyncadd.s32 $0xFFFFEC00  }
0x17a: {  	[tilespmem:s13], [sflag:$0x9] =	stream.linear.gather [spmem:s10], $0x1400, $0x38;
	[tilespmem:$0x1A600] =	vst v63  }
0x17b: {  	_ =	swait.ge [sflag:s14], $0x1400  }
0x17c: {  	[sflag:s14] =	ssyncset.done $0x0  }
0x17d: {  	s25 =	rddreg [dreg:$0xb];
	[sflag:s14] =	ssyncadd.s32 $0xFFFFEC00  }
0x17e: {  	[hbm4b:s25+s1] =	stream.linear.scatter [tilespmem:s13], [sflag:$0x9], $0x1400, $0x38;
	[tilespmem:$0x1A600] =	vst v63  }
0x17f: {  	_ =	swait.ge [sflag:s14], $0x1400  }
0x180: {  	[sflag:s14] =	ssyncset.done $0x0  }
0x181: {  	s10 =	rddreg [dreg:$0x1c];
	[sflag:s14] =	ssyncadd.s32 $0xFFFFEC00  }
0x182: {  	[tilespmem:s13], [sflag:$0x9] =	stream.linear.gather [spmem:s10], $0x1400, $0x38;
	[tilespmem:$0x1A600] =	vst v63  }
0x183: {  	_ =	swait.ge [sflag:s14], $0x1400  }
0x184: {  	[sflag:s14] =	ssyncset.done $0x0  }
0x185: {  	s25 =	rddreg [dreg:$0xc];
	[sflag:s14] =	ssyncadd.s32 $0xFFFFEC00  }
0x186: {  	[hbm4b:s25+s1] =	stream.linear.scatter [tilespmem:s13], [sflag:$0x9], $0x1400, $0x38;
	[tilespmem:$0x1A600] =	vst v63  }
0x187: {  	_ =	swait.ge [sflag:s14], $0x1400  }
0x188: {  	[sflag:s14] =	ssyncset.done $0x0  }
0x189: {  	s10 =	rddreg [dreg:$0x1d];
	[sflag:s14] =	ssyncadd.s32 $0xFFFFEC00  }
0x18a: {  	[tilespmem:s13], [sflag:$0x9] =	stream.linear.gather [spmem:s10], $0x1400, $0x38;
	[tilespmem:$0x1A600] =	vst v63  }
0x18b: {  	_ =	swait.ge [sflag:s14], $0x1400  }
0x18c: {  	[sflag:s14] =	ssyncset.done $0x0  }
0x18d: {  	s25 =	rddreg [dreg:$0xd];
	[sflag:s14] =	ssyncadd.s32 $0xFFFFEC00  }
0x18e: {  	[hbm4b:s25+s1] =	stream.linear.scatter [tilespmem:s13], [sflag:$0x9], $0x1400, $0x38;
	[tilespmem:$0x1A600] =	vst v63  }
0x18f: {  	_ =	swait.ge [sflag:s14], $0x1400  }
0x190: {  	[sflag:s14] =	ssyncset.done $0x0  }
0x191: {  	s10 =	rddreg [dreg:$0x1e];
	[sflag:s14] =	ssyncadd.s32 $0xFFFFEC00  }
0x192: {  	[tilespmem:s13], [sflag:$0x9] =	stream.linear.gather [spmem:s10], $0x1400, $0x38;
	[tilespmem:$0x1A600] =	vst v63  }
0x193: {  	_ =	swait.ge [sflag:s14], $0x1400  }
0x194: {  	[sflag:s14] =	ssyncset.done $0x0  }
0x195: {  	s25 =	rddreg [dreg:$0xe];
	[sflag:s14] =	ssyncadd.s32 $0xFFFFEC00  }
0x196: {  	[hbm4b:s25+s1] =	stream.linear.scatter [tilespmem:s13], [sflag:$0x9], $0x1400, $0x38;
	[tilespmem:$0x1A600] =	vst v63  }
0x197: {  	_ =	swait.ge [sflag:s14], $0x1400  }
0x198: {  	[sflag:s14] =	ssyncset.done $0x0  }
0x199: {  	s10 =	rddreg [dreg:$0x1f];
	[sflag:s14] =	ssyncadd.s32 $0xFFFFEC00  }
0x19a: {  	[tilespmem:s13], [sflag:$0x9] =	stream.linear.gather [spmem:s10], $0x1400, $0x38;
	[tilespmem:$0x1A600] =	vst v63  }
0x19b: {  	_ =	swait.ge [sflag:s14], $0x1400  }
0x19c: {  	[sflag:s14] =	ssyncset.done $0x0  }
0x19d: {  	s25 =	rddreg [dreg:$0xf];
	[sflag:s14] =	ssyncadd.s32 $0xFFFFEC00  }
0x19e: {  	[hbm4b:s25+s1] =	stream.linear.scatter [tilespmem:s13], [sflag:$0x9], $0x1400, $0x38;
	[tilespmem:$0x1A600] =	vst v63  }
0x19f: {  	_ =	swait.ge [sflag:s14], $0x1400  }
0x1a0: {  	s10 =	sld [smem:$0x7F4]  }
0x1a1: {  	[sflag:s14] =	ssyncset.done $0x0  }
0x1a2: {  	[sflag:s14] =	ssyncadd.s32 $0xFFFFEC00  }
0x1a3: {  	[tilespmem:s13], [sflag:$0x9] =	stream.linear.gather [spmem:s10], $0x1400, $0x38;
	[tilespmem:$0x1A600] =	vst v63  }
0x1a4: {  	_ =	swait.ge [sflag:s14], $0x1400  }
0x1a5: {  	[sflag:s14] =	ssyncset.done $0x0  }
0x1a6: {  	s25 =	rddreg [dreg:$0x10];
	[sflag:s14] =	ssyncadd.s32 $0xFFFFEC00  }
0x1a7: {  	[hbm4b:s25+s1] =	stream.linear.scatter [tilespmem:s13], [sflag:$0x9], $0x1400, $0x38;
	[tilespmem:$0x1A600] =	vst v63  }
0x1a8: {  	_ =	swait.ge [sflag:s14], $0x1400  }
0x1a9: {  	s10 =	sld [smem:$0x7F5]  }
0x1aa: {  	[sflag:s14] =	ssyncset.done $0x0  }
0x1ab: {  	[sflag:s14] =	ssyncadd.s32 $0xFFFFEC00  }
0x1ac: {  	[tilespmem:s13], [sflag:$0x9] =	stream.linear.gather [spmem:s10], $0x1400, $0x38;
	[tilespmem:$0x1A600] =	vst v63  }
0x1ad: {  	_ =	swait.ge [sflag:s14], $0x1400  }
0x1ae: {  	[sflag:s14] =	ssyncset.done $0x0  }
0x1af: {  	s25 =	rddreg [dreg:$0x11];
	[sflag:s14] =	ssyncadd.s32 $0xFFFFEC00  }
0x1b0: {  	[hbm4b:s25+s1] =	stream.linear.scatter [tilespmem:s13], [sflag:$0x9], $0x1400, $0x38;
	[tilespmem:$0x1A600] =	vst v63  }
0x1b1: {  	_ =	swait.ge [sflag:s14], $0x1400  }
0x1b2: {  	s10 =	sld [smem:$0x7F6]  }
0x1b3: {  	[sflag:s14] =	ssyncset.done $0x0  }
0x1b4: {  	[sflag:s14] =	ssyncadd.s32 $0xFFFFEC00  }
0x1b5: {  	[tilespmem:s13], [sflag:$0x9] =	stream.linear.gather [spmem:s10], $0x1400, $0x38;
	[tilespmem:$0x1A600] =	vst v63  }
0x1b6: {  	_ =	swait.ge [sflag:s14], $0x1400  }
0x1b7: {  	[sflag:s14] =	ssyncset.done $0x0  }
0x1b8: {  	s25 =	rddreg [dreg:$0x12];
	[sflag:s14] =	ssyncadd.s32 $0xFFFFEC00  }
0x1b9: {  	[hbm4b:s25+s1] =	stream.linear.scatter [tilespmem:s13], [sflag:$0x9], $0x1400, $0x38;
	[tilespmem:$0x1A600] =	vst v63  }
0x1ba: {  	_ =	swait.ge [sflag:s14], $0x1400  }
0x1bb: {  	s10 =	sld [smem:$0x7F7]  }
0x1bc: {  	[sflag:s14] =	ssyncset.done $0x0  }
0x1bd: {  	[sflag:s14] =	ssyncadd.s32 $0xFFFFEC00  }
0x1be: {  	[tilespmem:s13], [sflag:$0x9] =	stream.linear.gather [spmem:s10], $0x1400, $0x38;
	[tilespmem:$0x1A600] =	vst v63  }
0x1bf: {  	_ =	swait.ge [sflag:s14], $0x1400  }
0x1c0: {  	[sflag:s14] =	ssyncset.done $0x0  }
0x1c1: {  	s25 =	rddreg [dreg:$0x13];
	[sflag:s14] =	ssyncadd.s32 $0xFFFFEC00  }
0x1c2: {  	[hbm4b:s25+s1] =	stream.linear.scatter [tilespmem:s13], [sflag:$0x9], $0x1400, $0x38;
	[tilespmem:$0x1A600] =	vst v63  }
0x1c3: {  	_ =	swait.ge [sflag:s14], $0x1400  }
0x1c4: {  	s25 =	sld [smem:$0x7FD]  }
0x1c5: {  	[sflag:s14] =	ssyncset.done $0x0  }
0x1c6: {  	[sflag:s14] =	ssyncadd.s32 $0xFFFFEC00  }
0x1c7: {  	[tilespmem:s13], [sflag:$0x9] =	stream.linear.gather [spmem:s25], $0x1400, $0x38;
	[tilespmem:$0x1A600] =	vst v63  }
0x1c8: {  	_ =	swait.ge [sflag:s14], $0x1400  }
0x1c9: {  	[sflag:s14] =	ssyncset.done $0x0  }
0x1ca: {  	s10 =	rddreg [dreg:$0x14];
	[sflag:s14] =	ssyncadd.s32 $0xFFFFEC00  }
0x1cb: {  	[hbm4b:s10+s1] =	stream.linear.scatter [tilespmem:s13], [sflag:$0x9], $0x1400, $0x38;
	[tilespmem:$0x1A600] =	vst v63  }
0x1cc: {  	_ =	swait.ge [sflag:s14], $0x1400  }
0x1cd: {  	s10 =	sld [smem:$0x7F3]  }
0x1ce: {  	s9 =	sld [smem:$0x7FC];
	_ =	sdelay $0x1  }
0x1cf: {  	s10 =	sadd.s32 $0x1, s10  }
0x1d0: {  	p0 =	sne.s32 s10, s9  }
.Ltmp4:
0x1d1: {  	_ = 	snop;
	(pc) =	sbr.rel @p0 .LBB2_1-.Ltmp4, $3  }
0x1d2: {  	_ =	sdelay $0x1  }
0x1d3: {  	[sflag:s14] =	ssyncset.done $0x0  }
0x1d4: {  	[sflag:s14] =	ssyncadd.s32 $0xFFFFEC00  }
0x1d5: {  	_ =	sfence.sel $0x180000  }
0x1d6: {  	[bflag:$0x0] =	sbarrier.arrive $0xFFFF  }
0x1d7: {  	_ =	strace $0x90000047  }
0x1d8: {  	s0 =	stileid.u32;
	[bflag:$0x2] =	sbarrier.arrive $0xFFFF  }
0x1d9: {  	p0 =	sne.s32 s0, $0x0;
	s0 =	rddreg [dreg:$0x4]  }
0x1da: {  	s0 =	sadd.s32 @!p0 $0x100000, s0  }
0x1db: {  	[sflag:s0] =	ssyncadd.tile.s32 @!p0 $0x1;
	_ =	shalt  }
.Lfunc_end2:
_tile_overlayer_lowered:
.L_overlay_start_2:
0x1dc: {  	(tag) =	ssettag $0x2  }
0x1dd: {  	s0 =	rddreg [dreg:$0x0];
	s2 =	stileid.u32  }
0x1de: {  	s1 =	rddreg [dreg:$0x1];
	p0 =	sne.s32 s2, $0x0  }
0x1df: {  	s3 =	rddreg [dreg:$0x2];
	[bflag:$0x3] =	sbarrier.arrive $0xFFFF;
	s2 =	simm.s32 @!p0 $0x1C09  }
0x1e0: {  	[timem:s3], [sflag:s2] =	dma.local @!p0 [hbm:s0], s1  }
0x1e1: {  	s0 =	simm.s32 @!p0 $0x9  }
0x1e2: {  	_ =	swait.ge @!p0 [sflag:s0], s1  }
0x1e3: {  	s1 =	ssub.s32 @!p0 $0x0, s1;
	[sflag:s0] =	ssyncset.done @!p0 $0x0  }
0x1e4: {  	[sflag:s0] =	ssyncadd.s32 @!p0 s1  }
0x1e5: {  	[bflag:$0x3] =	sbarrier.arrive $0xFFFF  }
0x1e6: {  	_ =	shalt  }

</sc_bundles>
